<compile_context>
chip_gen: v7x
topology: tpu7x:2x2x1
jax: 0.10.2.dev20260603
libtpu: 0.0.44.dev20260713+nightly
codegen_flags: <defaults>
</compile_context>

<pallas_src>
import functools

import jax
import jax.numpy as jnp
from jax import lax
from jax.experimental import pallas as pl
from jax.experimental.pallas import tpu as pltpu
from jax.experimental.pallas import tpu_sc as plsc

NC = 2
NS = 16
NW = NC * NS
CH = 128


GRP = 8


def _sc_aggregate(node_embedding, edge3, rid3):
    N = node_embedding.shape[0]
    NP = ((N + NS * 8 - 1) // (NS * 8)) * (NS * 8)
    TOT = edge3.shape[1]
    RCH = rid3.shape[0]
    R = RCH * CH
    NG = TOT // GRP
    GPW = pl.cdiv(NG, NW)
    ROWS_PT = NP // NS
    TPG = RCH // (NS * GRP)

    f32 = jnp.float32
    ne_pad = jnp.pad(node_embedding, ((0, NP - N), (0, 0)))
    zeros8 = jnp.zeros((ROWS_PT, 8), f32)
    ones8 = jnp.ones((CH, 8), f32)

    mesh = plsc.VectorSubcoreMesh(
        core_axis_name="c", subcore_axis_name="s",
        num_cores=NC, num_subcores=NS)

    @functools.partial(
        pl.kernel,
        out_type=[
            jax.ShapeDtypeStruct((NC, R, 8), f32),
            jax.ShapeDtypeStruct((NC, R, 8), f32),
            jax.ShapeDtypeStruct((R, 8), f32),
        ],
        mesh=mesh,
        compiler_params=pltpu.CompilerParams(use_tc_tiling_on_sc=False),
        scratch_types=[
            pltpu.VMEM_SHARED((NP, 8), f32),
            pltpu.VMEM((2, GRP, CH), jnp.int32),
            pltpu.VMEM((CH, 8), f32),
            pltpu.VMEM((CH, 8), f32),
            pltpu.SemaphoreType.DMA,
            pltpu.SemaphoreType.DMA,
            pltpu.SemaphoreType.DMA,
            pltpu.SemaphoreType.DMA,
        ],
    )
    def k(ne_hbm, edge_hbm, rid_hbm, z_hbm, o_hbm,
          aggsel, acc2sel, nselo,
          acc_sh, ibuf, rows0, rows1, sg0, sg1, ss0, ss1):
        cid = lax.axis_index("c")
        sid = lax.axis_index("s")
        w = sid * NC + cid
        rows = (rows0, rows1)
        semg = (sg0, sg1)
        sems = (ss0, ss1)

        r0 = sid * ROWS_PT
        pltpu.sync_copy(z_hbm, acc_sh.at[pl.ds(r0, ROWS_PT)])
        plsc.subcore_barrier()

        g_lo = w * GPW
        g_hi = jnp.minimum(g_lo + GPW, NG)

        def bodyA(g, carry):
            pltpu.sync_copy(edge_hbm.at[:, pl.ds(g * GRP, GRP)], ibuf)
            gd = [None] * GRP
            sd = [None] * GRP
            gd[0] = pltpu.async_copy(ne_hbm.at[ibuf.at[0, 0]], rows0, sg0)
            for j in range(GRP):
                gd[j].wait()
                sd[j] = pltpu.async_copy(
                    rows[j % 2], acc_sh.at[ibuf.at[1, j]], sems[j % 2], add=True)
                if j + 1 < GRP:
                    if j >= 1:
                        sd[j - 1].wait()
                    gd[j + 1] = pltpu.async_copy(
                        ne_hbm.at[ibuf.at[0, j + 1]], rows[(j + 1) % 2],
                        semg[(j + 1) % 2])
            sd[GRP - 2].wait()
            sd[GRP - 1].wait()
            return carry

        lax.fori_loop(g_lo, g_hi, bodyA, 0)
        plsc.subcore_barrier()

        def select(out_ref, src_table, also_nsel):
            for t in range(TPG):
                g = sid * TPG + t
                pltpu.sync_copy(rid_hbm.at[pl.ds(g * GRP, GRP)], ibuf.at[0])
                for j in range(GRP):
                    base = (g * GRP + j) * CH
                    pltpu.async_copy(src_table.at[ibuf.at[0, j]], rows0, sg0).wait()
                    pltpu.sync_copy(rows0, out_ref.at[cid, pl.ds(base, CH)])
                    if also_nsel:
                        @pl.when(cid == (t % NC))
                        def _():
                            pltpu.async_copy(
                                ne_hbm.at[ibuf.at[0, j]], rows1, sg1).wait()
                            pltpu.sync_copy(rows1, nselo.at[pl.ds(base, CH)])

        select(aggsel, acc_sh, True)
        plsc.subcore_barrier()

        pltpu.sync_copy(o_hbm, rows0)

        def bodyB(g, carry):
            pltpu.sync_copy(edge_hbm.at[1, pl.ds(g * GRP, GRP)], ibuf.at[1])
            sd = [pltpu.async_copy(
                      rows0, acc_sh.at[ibuf.at[1, j]], sems[j % 2], add=True)
                  for j in range(GRP)]
            for d in sd:
                d.wait()
            return carry

        lax.fori_loop(g_lo, g_hi, bodyB, 0)
        plsc.subcore_barrier()

        select(acc2sel, acc_sh, False)

    return k(ne_pad, edge3, rid3, zeros8, ones8)


def _tc_bert(bert, W1t, b1r):
    Bn = bert.shape[0]
    BLK = 1024

    def body(bert_ref, W1t_ref, b1_ref, out_ref):
        x1 = jnp.dot(bert_ref[...], W1t_ref[...],
                     preferred_element_type=jnp.float32)
        out_ref[...] = jnp.maximum(x1 + b1_ref[...], 0.0)

    return pl.pallas_call(
        body,
        grid=(Bn // BLK,),
        in_specs=[
            pl.BlockSpec((BLK, 768), lambda i: (i, 0)),
            pl.BlockSpec((768, 128), lambda i: (0, 0)),
            pl.BlockSpec((1, 128), lambda i: (0, 0)),
        ],
        out_specs=pl.BlockSpec((BLK, 128), lambda i: (i, 0)),
        out_shape=jax.ShapeDtypeStruct((Bn, 128), jnp.float32),
    )(bert, W1t, b1r)


def _tc_head(x1, aggsel, acc2sel, nsel,
             Wst, Wnt, bsr, W2a, W2b, W2c, b2r, W3p, b3p):
    Bn = x1.shape[0]
    BLK = 1024
    H = Bn // BLK

    def body(x1_ref, ah_ref, at_ref, ch_ref, ct_ref,
             nh_ref, nt_ref, Wst_ref, Wnt_ref, bs_ref,
             W2a_ref, W2b_ref, W2c_ref, b2_ref, W3p_ref, b3_ref, out_ref):
        f32 = jnp.float32
        ah = ah_ref[0] + ah_ref[1]
        at = at_ref[0] + at_ref[1]
        dh = (ch_ref[0, :, 0:1] + ch_ref[1, :, 0:1]) - ah[:, 0:1]
        dt = (ct_ref[0, :, 0:1] + ct_ref[1, :, 0:1]) - at[:, 0:1]
        hh = ah / jnp.maximum(dh, 1.0)
        ht = at / jnp.maximum(dt, 1.0)
        rel_h = (jnp.dot(nh_ref[...], Wst_ref[...], preferred_element_type=f32)
                 + jnp.dot(hh, Wnt_ref[...], preferred_element_type=f32)
                 + bs_ref[...])
        rel_t = (jnp.dot(nt_ref[...], Wst_ref[...], preferred_element_type=f32)
                 + jnp.dot(ht, Wnt_ref[...], preferred_element_type=f32)
                 + bs_ref[...])
        y = (jnp.dot(x1_ref[...], W2a_ref[...], preferred_element_type=f32)
             + jnp.dot(rel_h, W2b_ref[...], preferred_element_type=f32)
             + jnp.dot(rel_t, W2c_ref[...], preferred_element_type=f32)
             + b2_ref[...])
        y = jnp.maximum(y, 0.0)
        out_ref[...] = jnp.dot(y, W3p_ref[...], preferred_element_type=f32) + b3_ref[...]

    return pl.pallas_call(
        body,
        grid=(Bn // BLK,),
        in_specs=[
            pl.BlockSpec((BLK, 128), lambda i: (i, 0)),
            pl.BlockSpec((2, BLK, 8), lambda i: (0, i, 0)),
            pl.BlockSpec((2, BLK, 8), lambda i: (0, H + i, 0)),
            pl.BlockSpec((2, BLK, 8), lambda i: (0, i, 0)),
            pl.BlockSpec((2, BLK, 8), lambda i: (0, H + i, 0)),
            pl.BlockSpec((BLK, 8), lambda i: (i, 0)),
            pl.BlockSpec((BLK, 8), lambda i: (H + i, 0)),
            pl.BlockSpec((8, 8), lambda i: (0, 0)),
            pl.BlockSpec((8, 8), lambda i: (0, 0)),
            pl.BlockSpec((1, 8), lambda i: (0, 0)),
            pl.BlockSpec((128, 16), lambda i: (0, 0)),
            pl.BlockSpec((8, 16), lambda i: (0, 0)),
            pl.BlockSpec((8, 16), lambda i: (0, 0)),
            pl.BlockSpec((1, 16), lambda i: (0, 0)),
            pl.BlockSpec((16, 8), lambda i: (0, 0)),
            pl.BlockSpec((1, 8), lambda i: (0, 0)),
        ],
        out_specs=pl.BlockSpec((BLK, 8), lambda i: (i, 0)),
        out_shape=jax.ShapeDtypeStruct((Bn, 8), jnp.float32),
    )(x1, aggsel, aggsel, acc2sel, acc2sel, nsel, nsel,
      Wst, Wnt, bsr, W2a, W2b, W2c, b2r, W3p, b3p)


def kernel(bert_embedding, features, row_ids, node_embedding, edge_index,
           W_self, W_neigh, b_sage, W1, b1, W2, b2, W3, b3):
    del features
    E = edge_index.shape[1]
    Bn = bert_embedding.shape[0]

    edge3 = edge_index.astype(jnp.int32).reshape(2, E // CH, CH)
    rid = row_ids.astype(jnp.int32).reshape(-1)
    rid3 = rid.reshape(rid.shape[0] // CH, CH)

    aggsel, acc2sel, nsel = _sc_aggregate(node_embedding, edge3, rid3)
    x1 = _tc_bert(bert_embedding, W1.T, b1.reshape(1, 128))

    Wst = W_self.T
    Wnt = W_neigh.T
    bsr = b_sage.reshape(1, 8)
    W2a = W2[:, :128].T
    W2b = W2[:, 128:136].T
    W2c = W2[:, 136:144].T
    b2r = b2.reshape(1, 16)
    W3p = jnp.pad(W3.T, ((0, 0), (0, 5)))
    b3p = jnp.pad(b3, (0, 5)).reshape(1, 8)

    out8 = _tc_head(x1, aggsel, acc2sel, nsel,
                    Wst, Wnt, bsr, W2a, W2b, W2c, b2r, W3p, b3p)
    return out8[:, :3]

# --- scband reference (transcript-rebuilt; emitter-appended) ---
"""Pipeline reference for scband-sci-bert-graph-90993177133266 (READ-ONLY COPY).

The authoritative reference and input builder live on the scoring server;
editing this copy changes nothing except your own understanding.
"""

import jax, jax.numpy as jnp
import numpy as np

N = 100000
E = 6400000
B = 16384


def setup_inputs(seed: int = 0) -> dict:
    key = jax.random.key(seed)
    ks = jax.random.split(key, 16)
    bert_embedding = jax.random.normal(ks[0], (B, 768), dtype=jnp.float32)
    features = jax.random.normal(ks[1], (B, 16), dtype=jnp.float32)
    row_ids = jax.random.randint(ks[2], (2, B), 0, N, dtype=jnp.int64) if jax.config.jax_enable_x64 else jax.random.randint(ks[2], (2, B), 0, N, dtype=jnp.int32)
    node_embedding = jax.random.normal(ks[3], (N, 8), dtype=jnp.float32)
    edge_index = jax.random.randint(ks[4], (2, E), 0, N, dtype=jnp.int32)
    # SAGEConv(8, 8, 'mean') params (DGL style: fc_self, fc_neigh without bias + shared bias)
    W_self = jax.random.normal(ks[5], (8, 8), dtype=jnp.float32) * 0.05
    W_neigh = jax.random.normal(ks[6], (8, 8), dtype=jnp.float32) * 0.05
    b_sage = jnp.zeros((8,), dtype=jnp.float32)
    # W1: Linear(768, 128)
    W1 = jax.random.normal(ks[7], (128, 768), dtype=jnp.float32) * 0.02
    b1 = jnp.zeros((128,), dtype=jnp.float32)
    # W2: Linear(144, 16)
    W2 = jax.random.normal(ks[8], (16, 144), dtype=jnp.float32) * 0.05
    b2 = jnp.zeros((16,), dtype=jnp.float32)
    # W3: Linear(16, 3)
    W3 = jax.random.normal(ks[9], (3, 16), dtype=jnp.float32) * 0.05
    b3 = jnp.zeros((3,), dtype=jnp.float32)
    return {
        'bert_embedding': bert_embedding,
        'features': features,
        'row_ids': row_ids,
        'node_embedding': node_embedding,
        'edge_index': edge_index,
        'W_self': W_self,
        'W_neigh': W_neigh,
        'b_sage': b_sage,
        'W1': W1,
        'b1': b1,
        'W2': W2,
        'b2': b2,
        'W3': W3,
        'b3': b3,
    }


def reference(bert_embedding, features, row_ids, node_embedding, edge_index,
              W_self, W_neigh, b_sage, W1, b1, W2, b2, W3, b3):
    n_nodes = node_embedding.shape[0]
    src = edge_index[0]
    dst = edge_index[1]
    # SAGEConv 'mean': mean over in-neighbors (messages from src aggregated at dst)
    msg = jnp.take(node_embedding, src, axis=0)
    agg = jax.ops.segment_sum(msg, dst, num_segments=n_nodes)
    deg = jax.ops.segment_sum(jnp.ones((src.shape[0],), dtype=jnp.float32), dst, num_segments=n_nodes)
    h_neigh = agg / jnp.maximum(deg, 1.0)[:, None]
    relearned = node_embedding @ W_self.T + h_neigh @ W_neigh.T + b_sage
    # dropout(p=0.0) is identity
    x = bert_embedding @ W1.T + b1
    x = jax.nn.relu(x)
    head = jnp.take(relearned, row_ids[0], axis=0)
    tail = jnp.take(relearned, row_ids[1], axis=0)
    x = jnp.concatenate([x, head, tail], axis=1)
    x = x @ W2.T + b2
    x = jax.nn.relu(x)
    x = x @ W3.T + b3
    return x

if __name__ == "__main__":
    import jax
    _d = setup_inputs()
    print(jax.jit(kernel)(*tuple(_d.values())))

</pallas_src>

<mosaic_0001>
#map = affine_map<(d0, d1) -> (0, 0)>
#map1 = affine_map<(d0, d1) -> (0, 0, 0)>
module attributes {stable_mosaic.version = 14 : i64} {
  func.func @k(%arg0: i32, %arg1: i32, %arg2: memref<100096x8xf32, #tpu.memory_space<hbm>>, %arg3: memref<2x50000x128xi32, #tpu.memory_space<hbm>>, %arg4: memref<256x128xi32, #tpu.memory_space<hbm>>, %arg5: memref<6256x8xf32, #tpu.memory_space<hbm>>, %arg6: memref<128x8xf32, #tpu.memory_space<hbm>>, %arg7: memref<2x32768x8xf32, #tpu.memory_space<hbm>>, %arg8: memref<2x32768x8xf32, #tpu.memory_space<hbm>>, %arg9: memref<32768x8xf32, #tpu.memory_space<hbm>>, %arg10: memref<100096x8xf32, #tpu.memory_space<vmem_shared>>, %arg11: memref<2x8x128xi32, #tpu.memory_space<vmem>>, %arg12: memref<128x8xf32, #tpu.memory_space<vmem>>, %arg13: memref<128x8xf32, #tpu.memory_space<vmem>>, %arg14: memref<!tpu.dma_semaphore, #tpu.memory_space<semaphore_mem>>, %arg15: memref<!tpu.dma_semaphore, #tpu.memory_space<semaphore_mem>>, %arg16: memref<!tpu.dma_semaphore, #tpu.memory_space<semaphore_mem>>, %arg17: memref<!tpu.dma_semaphore, #tpu.memory_space<semaphore_mem>>) attributes {dimension_semantics = [#tpu.dimension_semantics<core_parallel>, #tpu.dimension_semantics<subcore_parallel>], iteration_bounds = array<i64: 2, 16>, scalar_prefetch = 0 : i64, scratch_operands = 8 : i64, tpu.core_type = #tpu.core_type<sc_vector_subcore>, window_params = [{transform_indices = #map}, {transform_indices = #map1}, {transform_indices = #map}, {transform_indices = #map}, {transform_indices = #map}, {transform_indices = #map1}, {transform_indices = #map1}, {transform_indices = #map}]} {
    %mul3A = arith.constant 2 : i32
    %mul3A_0 = arith.muli %arg1, %mul3A : i32
    %add3A = arith.addi %mul3A_0, %arg0 : i32
    %mul3A_1 = arith.constant 6256 : i32
    %mul3A_2 = arith.muli %arg1, %mul3A_1 : i32
    "tpu.region"() ({
      %run_scoped3A_834 = tpu.sem_alloc : memref<!tpu.dma_semaphore, #tpu.memory_space<semaphore_mem>>
      %dma_start3A_835 = arith.constant 0 : i32
      %dma_start3A_836 = tpu.memref_slice %arg10[%mul3A_2, %dma_start3A_835] : memref<100096x8xf32, #tpu.memory_space<vmem_shared>> -> memref<6256x8xf32, #tpu.memory_space<vmem_shared>>
      tpu.enqueue_dma source(%arg5 : memref<6256x8xf32, #tpu.memory_space<hbm>>) target(%dma_start3A_836 : memref<6256x8xf32, #tpu.memory_space<vmem_shared>>) target_semaphore(%run_scoped3A_834 : memref<!tpu.dma_semaphore, #tpu.memory_space<semaphore_mem>>)
      %dma_wait3A_837 = arith.constant 0 : i32
      %dma_wait3A_838 = tpu.memref_slice %arg10[%mul3A_2, %dma_wait3A_837] : memref<100096x8xf32, #tpu.memory_space<vmem_shared>> -> memref<6256x8xf32, #tpu.memory_space<vmem_shared>>
      tpu.wait_dma2 semaphore(%run_scoped3A_834 : memref<!tpu.dma_semaphore, #tpu.memory_space<semaphore_mem>>) src(%arg5 : memref<6256x8xf32, #tpu.memory_space<hbm>>) dst(%dma_wait3A_838 : memref<6256x8xf32, #tpu.memory_space<vmem_shared>>)
      tpu.yield
    }) : () -> ()
    %barrier3A = arith.constant 0 : index
    tpu.barrier barrier_id(%barrier3A)
    %mul3A_3 = arith.constant 196 : i32
    %mul3A_4 = arith.muli %add3A, %mul3A_3 : i32
    %add3A_5 = arith.constant 196 : i32
    %add3A_6 = arith.addi %mul3A_4, %add3A_5 : i32
    %min3A = arith.constant 6250 : i32
    %min3A_7 = arith.minsi %add3A_6, %min3A : i32
    %while3A = arith.constant 0 : i32
    %while3A_8 = arith.subi %min3A_7, %mul3A_4 : i32
    %while3A_9 = arith.addi %mul3A_4, %while3A_8 : i32
    %while3A_10 = arith.constant 1 : i32
    %while3A_11 = arith.divsi %while3A_8, %while3A_10 : i32
    %while3A_12 = arith.muli %while3A_11, %while3A_10 : i32
    %while3A_13 = arith.addi %mul3A_4, %while3A_12 : i32
    %while3A_14 = arith.constant 1 : i32
    scf.for %while3A_834 = %mul3A_4 to %while3A_13 step %while3A_14  : i32 {
      %mul3A_835 = arith.constant 8 : i32
      %mul3A_836 = arith.muli %while3A_834, %mul3A_835 : i32
      "tpu.region"() ({
        %run_scoped3A_1093 = tpu.sem_alloc : memref<!tpu.dma_semaphore, #tpu.memory_space<semaphore_mem>>
        %dma_start3A_1094 = arith.constant 0 : i32
        %dma_start3A_1095 = arith.constant 0 : i32
        %dma_start3A_1096 = tpu.memref_slice %arg3[%dma_start3A_1094, %mul3A_836, %dma_start3A_1095] : memref<2x50000x128xi32, #tpu.memory_space<hbm>> -> memref<2x8x128xi32, #tpu.memory_space<hbm>>
        %dma_start3A_1097 = arith.constant 0 : i32
        %dma_start3A_1098 = arith.constant 0 : i32
        %dma_start3A_1099 = tpu.memref_slice %arg3[%dma_start3A_1097, %mul3A_836, %dma_start3A_1098] : memref<2x50000x128xi32, #tpu.memory_space<hbm>> -> memref<2x8x128xi32, #tpu.memory_space<hbm>>
        tpu.enqueue_dma source(%dma_start3A_1099 : memref<2x8x128xi32, #tpu.memory_space<hbm>>) target(%arg11 : memref<2x8x128xi32, #tpu.memory_space<vmem>>) target_semaphore(%run_scoped3A_1093 : memref<!tpu.dma_semaphore, #tpu.memory_space<semaphore_mem>>)
        %dma_wait3A_1100 = arith.constant 0 : i32
        %dma_wait3A_1101 = arith.constant 0 : i32
        %dma_wait3A_1102 = tpu.memref_slice %arg3[%dma_wait3A_1100, %mul3A_836, %dma_wait3A_1101] : memref<2x50000x128xi32, #tpu.memory_space<hbm>> -> memref<2x8x128xi32, #tpu.memory_space<hbm>>
        %dma_wait3A_1103 = arith.constant 0 : i32
        %dma_wait3A_1104 = arith.constant 0 : i32
        %dma_wait3A_1105 = tpu.memref_slice %arg3[%dma_wait3A_1103, %mul3A_836, %dma_wait3A_1104] : memref<2x50000x128xi32, #tpu.memory_space<hbm>> -> memref<2x8x128xi32, #tpu.memory_space<hbm>>
        tpu.wait_dma2 semaphore(%run_scoped3A_1093 : memref<!tpu.dma_semaphore, #tpu.memory_space<semaphore_mem>>) src(%dma_wait3A_1105 : memref<2x8x128xi32, #tpu.memory_space<hbm>>) dst(%arg11 : memref<2x8x128xi32, #tpu.memory_space<vmem>>)
        tpu.yield
      }) : () -> ()
      %dma_start3A_837 = arith.constant 0 : i32
      %dma_start3A_838 = arith.constant 0 : i32
      %dma_start3A_839 = arith.constant 0 : i32
      %dma_start3A_840 = tpu.memref_slice %arg11[%dma_start3A_837, %dma_start3A_838, %dma_start3A_839] : memref<2x8x128xi32, #tpu.memory_space<vmem>> -> memref<1x1x128xi32, #tpu.memory_space<vmem>>
      %dma_start3A_841 = tpu.memref_squeeze %dma_start3A_840 : memref<1x1x128xi32, #tpu.memory_space<vmem>> -> memref<128xi32, #tpu.memory_space<vmem>>
      %dma_start3A_842 = arith.constant 0 : i32
      %dma_start3A_843 = arith.constant 0 : i32
      %dma_start3A_844 = tpu.memref_slice %arg2[%dma_start3A_842, %dma_start3A_843] : memref<100096x8xf32, #tpu.memory_space<hbm>> -> memref<100096x8xf32, #tpu.memory_space<hbm>>
      tpu.enqueue_indirect_dma source(%dma_start3A_844 : memref<100096x8xf32, #tpu.memory_space<hbm>>) target(%arg12 : memref<128x8xf32, #tpu.memory_space<vmem>>) offsets(%dma_start3A_841 : memref<128xi32, #tpu.memory_space<vmem>>) semaphore(%arg14 : memref<!tpu.dma_semaphore, #tpu.memory_space<semaphore_mem>>)
      %dma_wait3A_845 = arith.constant 0 : i32
      %dma_wait3A_846 = arith.constant 0 : i32
      %dma_wait3A_847 = arith.constant 0 : i32
      %dma_wait3A_848 = tpu.memref_slice %arg11[%dma_wait3A_845, %dma_wait3A_846, %dma_wait3A_847] : memref<2x8x128xi32, #tpu.memory_space<vmem>> -> memref<1x1x128xi32, #tpu.memory_space<vmem>>
      %dma_wait3A_849 = tpu.memref_squeeze %dma_wait3A_848 : memref<1x1x128xi32, #tpu.memory_space<vmem>> -> memref<128xi32, #tpu.memory_space<vmem>>
      %dma_wait3A_850 = arith.constant 0 : i32
      %dma_wait3A_851 = arith.constant 0 : i32
      %dma_wait3A_852 = tpu.memref_slice %arg2[%dma_wait3A_850, %dma_wait3A_851] : memref<100096x8xf32, #tpu.memory_space<hbm>> -> memref<100096x8xf32, #tpu.memory_space<hbm>>
      tpu.wait_indirect_dma semaphore(%arg14 : memref<!tpu.dma_semaphore, #tpu.memory_space<semaphore_mem>>) src(%dma_wait3A_852 : memref<100096x8xf32, #tpu.memory_space<hbm>>) dst(%arg12 : memref<128x8xf32, #tpu.memory_space<vmem>>)
      %dma_start3A_853 = arith.constant 1 : i32
      %dma_start3A_854 = arith.constant 0 : i32
      %dma_start3A_855 = arith.constant 0 : i32
      %dma_start3A_856 = tpu.memref_slice %arg11[%dma_start3A_853, %dma_start3A_854, %dma_start3A_855] : memref<2x8x128xi32, #tpu.memory_space<vmem>> -> memref<1x1x128xi32, #tpu.memory_space<vmem>>
      %dma_start3A_857 = tpu.memref_squeeze %dma_start3A_856 : memref<1x1x128xi32, #tpu.memory_space<vmem>> -> memref<128xi32, #tpu.memory_space<vmem>>
      %dma_start3A_858 = arith.constant 0 : i32
      %dma_start3A_859 = arith.constant 0 : i32
      %dma_start3A_860 = tpu.memref_slice %arg10[%dma_start3A_858, %dma_start3A_859] : memref<100096x8xf32, #tpu.memory_space<vmem_shared>> -> memref<100096x8xf32, #tpu.memory_space<vmem_shared>>
      tpu.enqueue_indirect_dma source(%arg12 : memref<128x8xf32, #tpu.memory_space<vmem>>) target(%dma_start3A_860 : memref<100096x8xf32, #tpu.memory_space<vmem_shared>>) offsets(%dma_start3A_857 : memref<128xi32, #tpu.memory_space<vmem>>) semaphore(%arg16 : memref<!tpu.dma_semaphore, #tpu.memory_space<semaphore_mem>>) {add = true}
      %dma_start3A_861 = arith.constant 0 : i32
      %dma_start3A_862 = arith.constant 1 : i32
      %dma_start3A_863 = arith.constant 0 : i32
      %dma_start3A_864 = tpu.memref_slice %arg11[%dma_start3A_861, %dma_start3A_862, %dma_start3A_863] : memref<2x8x128xi32, #tpu.memory_space<vmem>> -> memref<1x1x128xi32, #tpu.memory_space<vmem>>
      %dma_start3A_865 = tpu.memref_squeeze %dma_start3A_864 : memref<1x1x128xi32, #tpu.memory_space<vmem>> -> memref<128xi32, #tpu.memory_space<vmem>>
      %dma_start3A_866 = arith.constant 0 : i32
      %dma_start3A_867 = arith.constant 0 : i32
      %dma_start3A_868 = tpu.memref_slice %arg2[%dma_start3A_866, %dma_start3A_867] : memref<100096x8xf32, #tpu.memory_space<hbm>> -> memref<100096x8xf32, #tpu.memory_space<hbm>>
      tpu.enqueue_indirect_dma source(%dma_start3A_868 : memref<100096x8xf32, #tpu.memory_space<hbm>>) target(%arg13 : memref<128x8xf32, #tpu.memory_space<vmem>>) offsets(%dma_start3A_865 : memref<128xi32, #tpu.memory_space<vmem>>) semaphore(%arg15 : memref<!tpu.dma_semaphore, #tpu.memory_space<semaphore_mem>>)
      %dma_wait3A_869 = arith.constant 0 : i32
      %dma_wait3A_870 = arith.constant 1 : i32
      %dma_wait3A_871 = arith.constant 0 : i32
      %dma_wait3A_872 = tpu.memref_slice %arg11[%dma_wait3A_869, %dma_wait3A_870, %dma_wait3A_871] : memref<2x8x128xi32, #tpu.memory_space<vmem>> -> memref<1x1x128xi32, #tpu.memory_space<vmem>>
      %dma_wait3A_873 = tpu.memref_squeeze %dma_wait3A_872 : memref<1x1x128xi32, #tpu.memory_space<vmem>> -> memref<128xi32, #tpu.memory_space<vmem>>
      %dma_wait3A_874 = arith.constant 0 : i32
      %dma_wait3A_875 = arith.constant 0 : i32
      %dma_wait3A_876 = tpu.memref_slice %arg2[%dma_wait3A_874, %dma_wait3A_875] : memref<100096x8xf32, #tpu.memory_space<hbm>> -> memref<100096x8xf32, #tpu.memory_space<hbm>>
      tpu.wait_indirect_dma semaphore(%arg15 : memref<!tpu.dma_semaphore, #tpu.memory_space<semaphore_mem>>) src(%dma_wait3A_876 : memref<100096x8xf32, #tpu.memory_space<hbm>>) dst(%arg13 : memref<128x8xf32, #tpu.memory_space<vmem>>)
      %dma_start3A_877 = arith.constant 1 : i32
      %dma_start3A_878 = arith.constant 1 : i32
      %dma_start3A_879 = arith.constant 0 : i32
      %dma_start3A_880 = tpu.memref_slice %arg11[%dma_start3A_877, %dma_start3A_878, %dma_start3A_879] : memref<2x8x128xi32, #tpu.memory_space<vmem>> -> memref<1x1x128xi32, #tpu.memory_space<vmem>>
      %dma_start3A_881 = tpu.memref_squeeze %dma_start3A_880 : memref<1x1x128xi32, #tpu.memory_space<vmem>> -> memref<128xi32, #tpu.memory_space<vmem>>
      %dma_start3A_882 = arith.constant 0 : i32
      %dma_start3A_883 = arith.constant 0 : i32
      %dma_start3A_884 = tpu.memref_slice %arg10[%dma_start3A_882, %dma_start3A_883] : memref<100096x8xf32, #tpu.memory_space<vmem_shared>> -> memref<100096x8xf32, #tpu.memory_space<vmem_shared>>
      tpu.enqueue_indirect_dma source(%arg13 : memref<128x8xf32, #tpu.memory_space<vmem>>) target(%dma_start3A_884 : memref<100096x8xf32, #tpu.memory_space<vmem_shared>>) offsets(%dma_start3A_881 : memref<128xi32, #tpu.memory_space<vmem>>) semaphore(%arg17 : memref<!tpu.dma_semaphore, #tpu.memory_space<semaphore_mem>>) {add = true}
      %dma_wait3A_885 = arith.constant 1 : i32
      %dma_wait3A_886 = arith.constant 0 : i32
      %dma_wait3A_887 = arith.constant 0 : i32
      %dma_wait3A_888 = tpu.memref_slice %arg11[%dma_wait3A_885, %dma_wait3A_886, %dma_wait3A_887] : memref<2x8x128xi32, #tpu.memory_space<vmem>> -> memref<1x1x128xi32, #tpu.memory_space<vmem>>
      %dma_wait3A_889 = tpu.memref_squeeze %dma_wait3A_888 : memref<1x1x128xi32, #tpu.memory_space<vmem>> -> memref<128xi32, #tpu.memory_space<vmem>>
      %dma_wait3A_890 = arith.constant 0 : i32
      %dma_wait3A_891 = arith.constant 0 : i32
      %dma_wait3A_892 = tpu.memref_slice %arg10[%dma_wait3A_890, %dma_wait3A_891] : memref<100096x8xf32, #tpu.memory_space<vmem_shared>> -> memref<100096x8xf32, #tpu.memory_space<vmem_shared>>
      tpu.wait_indirect_dma semaphore(%arg16 : memref<!tpu.dma_semaphore, #tpu.memory_space<semaphore_mem>>) src(%arg12 : memref<128x8xf32, #tpu.memory_space<vmem>>) dst(%dma_wait3A_892 : memref<100096x8xf32, #tpu.memory_space<vmem_shared>>)
      %dma_start3A_893 = arith.constant 0 : i32
      %dma_start3A_894 = arith.constant 2 : i32
      %dma_start3A_895 = arith.constant 0 : i32
      %dma_start3A_896 = tpu.memref_slice %arg11[%dma_start3A_893, %dma_start3A_894, %dma_start3A_895] : memref<2x8x128xi32, #tpu.memory_space<vmem>> -> memref<1x1x128xi32, #tpu.memory_space<vmem>>
      %dma_start3A_897 = tpu.memref_squeeze %dma_start3A_896 : memref<1x1x128xi32, #tpu.memory_space<vmem>> -> memref<128xi32, #tpu.memory_space<vmem>>
      %dma_start3A_898 = arith.constant 0 : i32
      %dma_start3A_899 = arith.constant 0 : i32
      %dma_start3A_900 = tpu.memref_slice %arg2[%dma_start3A_898, %dma_start3A_899] : memref<100096x8xf32, #tpu.memory_space<hbm>> -> memref<100096x8xf32, #tpu.memory_space<hbm>>
      tpu.enqueue_indirect_dma source(%dma_start3A_900 : memref<100096x8xf32, #tpu.memory_space<hbm>>) target(%arg12 : memref<128x8xf32, #tpu.memory_space<vmem>>) offsets(%dma_start3A_897 : memref<128xi32, #tpu.memory_space<vmem>>) semaphore(%arg14 : memref<!tpu.dma_semaphore, #tpu.memory_space<semaphore_mem>>)
      %dma_wait3A_901 = arith.constant 0 : i32
      %dma_wait3A_902 = arith.constant 2 : i32
      %dma_wait3A_903 = arith.constant 0 : i32
      %dma_wait3A_904 = tpu.memref_slice %arg11[%dma_wait3A_901, %dma_wait3A_902, %dma_wait3A_903] : memref<2x8x128xi32, #tpu.memory_space<vmem>> -> memref<1x1x128xi32, #tpu.memory_space<vmem>>
      %dma_wait3A_905 = tpu.memref_squeeze %dma_wait3A_904 : memref<1x1x128xi32, #tpu.memory_space<vmem>> -> memref<128xi32, #tpu.memory_space<vmem>>
      %dma_wait3A_906 = arith.constant 0 : i32
      %dma_wait3A_907 = arith.constant 0 : i32
      %dma_wait3A_908 = tpu.memref_slice %arg2[%dma_wait3A_906, %dma_wait3A_907] : memref<100096x8xf32, #tpu.memory_space<hbm>> -> memref<100096x8xf32, #tpu.memory_space<hbm>>
      tpu.wait_indirect_dma semaphore(%arg14 : memref<!tpu.dma_semaphore, #tpu.memory_space<semaphore_mem>>) src(%dma_wait3A_908 : memref<100096x8xf32, #tpu.memory_space<hbm>>) dst(%arg12 : memref<128x8xf32, #tpu.memory_space<vmem>>)
      %dma_start3A_909 = arith.constant 1 : i32
      %dma_start3A_910 = arith.constant 2 : i32
      %dma_start3A_911 = arith.constant 0 : i32
      %dma_start3A_912 = tpu.memref_slice %arg11[%dma_start3A_909, %dma_start3A_910, %dma_start3A_911] : memref<2x8x128xi32, #tpu.memory_space<vmem>> -> memref<1x1x128xi32, #tpu.memory_space<vmem>>
      %dma_start3A_913 = tpu.memref_squeeze %dma_start3A_912 : memref<1x1x128xi32, #tpu.memory_space<vmem>> -> memref<128xi32, #tpu.memory_space<vmem>>
      %dma_start3A_914 = arith.constant 0 : i32
      %dma_start3A_915 = arith.constant 0 : i32
      %dma_start3A_916 = tpu.memref_slice %arg10[%dma_start3A_914, %dma_start3A_915] : memref<100096x8xf32, #tpu.memory_space<vmem_shared>> -> memref<100096x8xf32, #tpu.memory_space<vmem_shared>>
      tpu.enqueue_indirect_dma source(%arg12 : memref<128x8xf32, #tpu.memory_space<vmem>>) target(%dma_start3A_916 : memref<100096x8xf32, #tpu.memory_space<vmem_shared>>) offsets(%dma_start3A_913 : memref<128xi32, #tpu.memory_space<vmem>>) semaphore(%arg16 : memref<!tpu.dma_semaphore, #tpu.memory_space<semaphore_mem>>) {add = true}
      %dma_wait3A_917 = arith.constant 1 : i32
      %dma_wait3A_918 = arith.constant 1 : i32
      %dma_wait3A_919 = arith.constant 0 : i32
      %dma_wait3A_920 = tpu.memref_slice %arg11[%dma_wait3A_917, %dma_wait3A_918, %dma_wait3A_919] : memref<2x8x128xi32, #tpu.memory_space<vmem>> -> memref<1x1x128xi32, #tpu.memory_space<vmem>>
      %dma_wait3A_921 = tpu.memref_squeeze %dma_wait3A_920 : memref<1x1x128xi32, #tpu.memory_space<vmem>> -> memref<128xi32, #tpu.memory_space<vmem>>
      %dma_wait3A_922 = arith.constant 0 : i32
      %dma_wait3A_923 = arith.constant 0 : i32
      %dma_wait3A_924 = tpu.memref_slice %arg10[%dma_wait3A_922, %dma_wait3A_923] : memref<100096x8xf32, #tpu.memory_space<vmem_shared>> -> memref<100096x8xf32, #tpu.memory_space<vmem_shared>>
      tpu.wait_indirect_dma semaphore(%arg17 : memref<!tpu.dma_semaphore, #tpu.memory_space<semaphore_mem>>) src(%arg13 : memref<128x8xf32, #tpu.memory_space<vmem>>) dst(%dma_wait3A_924 : memref<100096x8xf32, #tpu.memory_space<vmem_shared>>)
      %dma_start3A_925 = arith.constant 0 : i32
      %dma_start3A_926 = arith.constant 3 : i32
      %dma_start3A_927 = arith.constant 0 : i32
      %dma_start3A_928 = tpu.memref_slice %arg11[%dma_start3A_925, %dma_start3A_926, %dma_start3A_927] : memref<2x8x128xi32, #tpu.memory_space<vmem>> -> memref<1x1x128xi32, #tpu.memory_space<vmem>>
      %dma_start3A_929 = tpu.memref_squeeze %dma_start3A_928 : memref<1x1x128xi32, #tpu.memory_space<vmem>> -> memref<128xi32, #tpu.memory_space<vmem>>
      %dma_start3A_930 = arith.constant 0 : i32
      %dma_start3A_931 = arith.constant 0 : i32
      %dma_start3A_932 = tpu.memref_slice %arg2[%dma_start3A_930, %dma_start3A_931] : memref<100096x8xf32, #tpu.memory_space<hbm>> -> memref<100096x8xf32, #tpu.memory_space<hbm>>
      tpu.enqueue_indirect_dma source(%dma_start3A_932 : memref<100096x8xf32, #tpu.memory_space<hbm>>) target(%arg13 : memref<128x8xf32, #tpu.memory_space<vmem>>) offsets(%dma_start3A_929 : memref<128xi32, #tpu.memory_space<vmem>>) semaphore(%arg15 : memref<!tpu.dma_semaphore, #tpu.memory_space<semaphore_mem>>)
      %dma_wait3A_933 = arith.constant 0 : i32
      %dma_wait3A_934 = arith.constant 3 : i32
      %dma_wait3A_935 = arith.constant 0 : i32
      %dma_wait3A_936 = tpu.memref_slice %arg11[%dma_wait3A_933, %dma_wait3A_934, %dma_wait3A_935] : memref<2x8x128xi32, #tpu.memory_space<vmem>> -> memref<1x1x128xi32, #tpu.memory_space<vmem>>
      %dma_wait3A_937 = tpu.memref_squeeze %dma_wait3A_936 : memref<1x1x128xi32, #tpu.memory_space<vmem>> -> memref<128xi32, #tpu.memory_space<vmem>>
      %dma_wait3A_938 = arith.constant 0 : i32
      %dma_wait3A_939 = arith.constant 0 : i32
      %dma_wait3A_940 = tpu.memref_slice %arg2[%dma_wait3A_938, %dma_wait3A_939] : memref<100096x8xf32, #tpu.memory_space<hbm>> -> memref<100096x8xf32, #tpu.memory_space<hbm>>
      tpu.wait_indirect_dma semaphore(%arg15 : memref<!tpu.dma_semaphore, #tpu.memory_space<semaphore_mem>>) src(%dma_wait3A_940 : memref<100096x8xf32, #tpu.memory_space<hbm>>) dst(%arg13 : memref<128x8xf32, #tpu.memory_space<vmem>>)
      %dma_start3A_941 = arith.constant 1 : i32
      %dma_start3A_942 = arith.constant 3 : i32
      %dma_start3A_943 = arith.constant 0 : i32
      %dma_start3A_944 = tpu.memref_slice %arg11[%dma_start3A_941, %dma_start3A_942, %dma_start3A_943] : memref<2x8x128xi32, #tpu.memory_space<vmem>> -> memref<1x1x128xi32, #tpu.memory_space<vmem>>
      %dma_start3A_945 = tpu.memref_squeeze %dma_start3A_944 : memref<1x1x128xi32, #tpu.memory_space<vmem>> -> memref<128xi32, #tpu.memory_space<vmem>>
      %dma_start3A_946 = arith.constant 0 : i32
      %dma_start3A_947 = arith.constant 0 : i32
      %dma_start3A_948 = tpu.memref_slice %arg10[%dma_start3A_946, %dma_start3A_947] : memref<100096x8xf32, #tpu.memory_space<vmem_shared>> -> memref<100096x8xf32, #tpu.memory_space<vmem_shared>>
      tpu.enqueue_indirect_dma source(%arg13 : memref<128x8xf32, #tpu.memory_space<vmem>>) target(%dma_start3A_948 : memref<100096x8xf32, #tpu.memory_space<vmem_shared>>) offsets(%dma_start3A_945 : memref<128xi32, #tpu.memory_space<vmem>>) semaphore(%arg17 : memref<!tpu.dma_semaphore, #tpu.memory_space<semaphore_mem>>) {add = true}
      %dma_wait3A_949 = arith.constant 1 : i32
      %dma_wait3A_950 = arith.constant 2 : i32
      %dma_wait3A_951 = arith.constant 0 : i32
      %dma_wait3A_952 = tpu.memref_slice %arg11[%dma_wait3A_949, %dma_wait3A_950, %dma_wait3A_951] : memref<2x8x128xi32, #tpu.memory_space<vmem>> -> memref<1x1x128xi32, #tpu.memory_space<vmem>>
      %dma_wait3A_953 = tpu.memref_squeeze %dma_wait3A_952 : memref<1x1x128xi32, #tpu.memory_space<vmem>> -> memref<128xi32, #tpu.memory_space<vmem>>
      %dma_wait3A_954 = arith.constant 0 : i32
      %dma_wait3A_955 = arith.constant 0 : i32
      %dma_wait3A_956 = tpu.memref_slice %arg10[%dma_wait3A_954, %dma_wait3A_955] : memref<100096x8xf32, #tpu.memory_space<vmem_shared>> -> memref<100096x8xf32, #tpu.memory_space<vmem_shared>>
      tpu.wait_indirect_dma semaphore(%arg16 : memref<!tpu.dma_semaphore, #tpu.memory_space<semaphore_mem>>) src(%arg12 : memref<128x8xf32, #tpu.memory_space<vmem>>) dst(%dma_wait3A_956 : memref<100096x8xf32, #tpu.memory_space<vmem_shared>>)
      %dma_start3A_957 = arith.constant 0 : i32
      %dma_start3A_958 = arith.constant 4 : i32
      %dma_start3A_959 = arith.constant 0 : i32
      %dma_start3A_960 = tpu.memref_slice %arg11[%dma_start3A_957, %dma_start3A_958, %dma_start3A_959] : memref<2x8x128xi32, #tpu.memory_space<vmem>> -> memref<1x1x128xi32, #tpu.memory_space<vmem>>
      %dma_start3A_961 = tpu.memref_squeeze %dma_start3A_960 : memref<1x1x128xi32, #tpu.memory_space<vmem>> -> memref<128xi32, #tpu.memory_space<vmem>>
      %dma_start3A_962 = arith.constant 0 : i32
      %dma_start3A_963 = arith.constant 0 : i32
      %dma_start3A_964 = tpu.memref_slice %arg2[%dma_start3A_962, %dma_start3A_963] : memref<100096x8xf32, #tpu.memory_space<hbm>> -> memref<100096x8xf32, #tpu.memory_space<hbm>>
      tpu.enqueue_indirect_dma source(%dma_start3A_964 : memref<100096x8xf32, #tpu.memory_space<hbm>>) target(%arg12 : memref<128x8xf32, #tpu.memory_space<vmem>>) offsets(%dma_start3A_961 : memref<128xi32, #tpu.memory_space<vmem>>) semaphore(%arg14 : memref<!tpu.dma_semaphore, #tpu.memory_space<semaphore_mem>>)
      %dma_wait3A_965 = arith.constant 0 : i32
      %dma_wait3A_966 = arith.constant 4 : i32
      %dma_wait3A_967 = arith.constant 0 : i32
      %dma_wait3A_968 = tpu.memref_slice %arg11[%dma_wait3A_965, %dma_wait3A_966, %dma_wait3A_967] : memref<2x8x128xi32, #tpu.memory_space<vmem>> -> memref<1x1x128xi32, #tpu.memory_space<vmem>>
      %dma_wait3A_969 = tpu.memref_squeeze %dma_wait3A_968 : memref<1x1x128xi32, #tpu.memory_space<vmem>> -> memref<128xi32, #tpu.memory_space<vmem>>
      %dma_wait3A_970 = arith.constant 0 : i32
      %dma_wait3A_971 = arith.constant 0 : i32
      %dma_wait3A_972 = tpu.memref_slice %arg2[%dma_wait3A_970, %dma_wait3A_971] : memref<100096x8xf32, #tpu.memory_space<hbm>> -> memref<100096x8xf32, #tpu.memory_space<hbm>>
      tpu.wait_indirect_dma semaphore(%arg14 : memref<!tpu.dma_semaphore, #tpu.memory_space<semaphore_mem>>) src(%dma_wait3A_972 : memref<100096x8xf32, #tpu.memory_space<hbm>>) dst(%arg12 : memref<128x8xf32, #tpu.memory_space<vmem>>)
      %dma_start3A_973 = arith.constant 1 : i32
      %dma_start3A_974 = arith.constant 4 : i32
      %dma_start3A_975 = arith.constant 0 : i32
      %dma_start3A_976 = tpu.memref_slice %arg11[%dma_start3A_973, %dma_start3A_974, %dma_start3A_975] : memref<2x8x128xi32, #tpu.memory_space<vmem>> -> memref<1x1x128xi32, #tpu.memory_space<vmem>>
      %dma_start3A_977 = tpu.memref_squeeze %dma_start3A_976 : memref<1x1x128xi32, #tpu.memory_space<vmem>> -> memref<128xi32, #tpu.memory_space<vmem>>
      %dma_start3A_978 = arith.constant 0 : i32
      %dma_start3A_979 = arith.constant 0 : i32
      %dma_start3A_980 = tpu.memref_slice %arg10[%dma_start3A_978, %dma_start3A_979] : memref<100096x8xf32, #tpu.memory_space<vmem_shared>> -> memref<100096x8xf32, #tpu.memory_space<vmem_shared>>
      tpu.enqueue_indirect_dma source(%arg12 : memref<128x8xf32, #tpu.memory_space<vmem>>) target(%dma_start3A_980 : memref<100096x8xf32, #tpu.memory_space<vmem_shared>>) offsets(%dma_start3A_977 : memref<128xi32, #tpu.memory_space<vmem>>) semaphore(%arg16 : memref<!tpu.dma_semaphore, #tpu.memory_space<semaphore_mem>>) {add = true}
      %dma_wait3A_981 = arith.constant 1 : i32
      %dma_wait3A_982 = arith.constant 3 : i32
      %dma_wait3A_983 = arith.constant 0 : i32
      %dma_wait3A_984 = tpu.memref_slice %arg11[%dma_wait3A_981, %dma_wait3A_982, %dma_wait3A_983] : memref<2x8x128xi32, #tpu.memory_space<vmem>> -> memref<1x1x128xi32, #tpu.memory_space<vmem>>
      %dma_wait3A_985 = tpu.memref_squeeze %dma_wait3A_984 : memref<1x1x128xi32, #tpu.memory_space<vmem>> -> memref<128xi32, #tpu.memory_space<vmem>>
      %dma_wait3A_986 = arith.constant 0 : i32
      %dma_wait3A_987 = arith.constant 0 : i32
      %dma_wait3A_988 = tpu.memref_slice %arg10[%dma_wait3A_986, %dma_wait3A_987] : memref<100096x8xf32, #tpu.memory_space<vmem_shared>> -> memref<100096x8xf32, #tpu.memory_space<vmem_shared>>
      tpu.wait_indirect_dma semaphore(%arg17 : memref<!tpu.dma_semaphore, #tpu.memory_space<semaphore_mem>>) src(%arg13 : memref<128x8xf32, #tpu.memory_space<vmem>>) dst(%dma_wait3A_988 : memref<100096x8xf32, #tpu.memory_space<vmem_shared>>)
      %dma_start3A_989 = arith.constant 0 : i32
      %dma_start3A_990 = arith.constant 5 : i32
      %dma_start3A_991 = arith.constant 0 : i32
      %dma_start3A_992 = tpu.memref_slice %arg11[%dma_start3A_989, %dma_start3A_990, %dma_start3A_991] : memref<2x8x128xi32, #tpu.memory_space<vmem>> -> memref<1x1x128xi32, #tpu.memory_space<vmem>>
      %dma_start3A_993 = tpu.memref_squeeze %dma_start3A_992 : memref<1x1x128xi32, #tpu.memory_space<vmem>> -> memref<128xi32, #tpu.memory_space<vmem>>
      %dma_start3A_994 = arith.constant 0 : i32
      %dma_start3A_995 = arith.constant 0 : i32
      %dma_start3A_996 = tpu.memref_slice %arg2[%dma_start3A_994, %dma_start3A_995] : memref<100096x8xf32, #tpu.memory_space<hbm>> -> memref<100096x8xf32, #tpu.memory_space<hbm>>
      tpu.enqueue_indirect_dma source(%dma_start3A_996 : memref<100096x8xf32, #tpu.memory_space<hbm>>) target(%arg13 : memref<128x8xf32, #tpu.memory_space<vmem>>) offsets(%dma_start3A_993 : memref<128xi32, #tpu.memory_space<vmem>>) semaphore(%arg15 : memref<!tpu.dma_semaphore, #tpu.memory_space<semaphore_mem>>)
      %dma_wait3A_997 = arith.constant 0 : i32
      %dma_wait3A_998 = arith.constant 5 : i32
      %dma_wait3A_999 = arith.constant 0 : i32
      %dma_wait3A_1000 = tpu.memref_slice %arg11[%dma_wait3A_997, %dma_wait3A_998, %dma_wait3A_999] : memref<2x8x128xi32, #tpu.memory_space<vmem>> -> memref<1x1x128xi32, #tpu.memory_space<vmem>>
      %dma_wait3A_1001 = tpu.memref_squeeze %dma_wait3A_1000 : memref<1x1x128xi32, #tpu.memory_space<vmem>> -> memref<128xi32, #tpu.memory_space<vmem>>
      %dma_wait3A_1002 = arith.constant 0 : i32
      %dma_wait3A_1003 = arith.constant 0 : i32
      %dma_wait3A_1004 = tpu.memref_slice %arg2[%dma_wait3A_1002, %dma_wait3A_1003] : memref<100096x8xf32, #tpu.memory_space<hbm>> -> memref<100096x8xf32, #tpu.memory_space<hbm>>
      tpu.wait_indirect_dma semaphore(%arg15 : memref<!tpu.dma_semaphore, #tpu.memory_space<semaphore_mem>>) src(%dma_wait3A_1004 : memref<100096x8xf32, #tpu.memory_space<hbm>>) dst(%arg13 : memref<128x8xf32, #tpu.memory_space<vmem>>)
      %dma_start3A_1005 = arith.constant 1 : i32
      %dma_start3A_1006 = arith.constant 5 : i32
      %dma_start3A_1007 = arith.constant 0 : i32
      %dma_start3A_1008 = tpu.memref_slice %arg11[%dma_start3A_1005, %dma_start3A_1006, %dma_start3A_1007] : memref<2x8x128xi32, #tpu.memory_space<vmem>> -> memref<1x1x128xi32, #tpu.memory_space<vmem>>
      %dma_start3A_1009 = tpu.memref_squeeze %dma_start3A_1008 : memref<1x1x128xi32, #tpu.memory_space<vmem>> -> memref<128xi32, #tpu.memory_space<vmem>>
      %dma_start3A_1010 = arith.constant 0 : i32
      %dma_start3A_1011 = arith.constant 0 : i32
      %dma_start3A_1012 = tpu.memref_slice %arg10[%dma_start3A_1010, %dma_start3A_1011] : memref<100096x8xf32, #tpu.memory_space<vmem_shared>> -> memref<100096x8xf32, #tpu.memory_space<vmem_shared>>
      tpu.enqueue_indirect_dma source(%arg13 : memref<128x8xf32, #tpu.memory_space<vmem>>) target(%dma_start3A_1012 : memref<100096x8xf32, #tpu.memory_space<vmem_shared>>) offsets(%dma_start3A_1009 : memref<128xi32, #tpu.memory_space<vmem>>) semaphore(%arg17 : memref<!tpu.dma_semaphore, #tpu.memory_space<semaphore_mem>>) {add = true}
      %dma_wait3A_1013 = arith.constant 1 : i32
      %dma_wait3A_1014 = arith.constant 4 : i32
      %dma_wait3A_1015 = arith.constant 0 : i32
      %dma_wait3A_1016 = tpu.memref_slice %arg11[%dma_wait3A_1013, %dma_wait3A_1014, %dma_wait3A_1015] : memref<2x8x128xi32, #tpu.memory_space<vmem>> -> memref<1x1x128xi32, #tpu.memory_space<vmem>>
      %dma_wait3A_1017 = tpu.memref_squeeze %dma_wait3A_1016 : memref<1x1x128xi32, #tpu.memory_space<vmem>> -> memref<128xi32, #tpu.memory_space<vmem>>
      %dma_wait3A_1018 = arith.constant 0 : i32
      %dma_wait3A_1019 = arith.constant 0 : i32
      %dma_wait3A_1020 = tpu.memref_slice %arg10[%dma_wait3A_1018, %dma_wait3A_1019] : memref<100096x8xf32, #tpu.memory_space<vmem_shared>> -> memref<100096x8xf32, #tpu.memory_space<vmem_shared>>
      tpu.wait_indirect_dma semaphore(%arg16 : memref<!tpu.dma_semaphore, #tpu.memory_space<semaphore_mem>>) src(%arg12 : memref<128x8xf32, #tpu.memory_space<vmem>>) dst(%dma_wait3A_1020 : memref<100096x8xf32, #tpu.memory_space<vmem_shared>>)
      %dma_start3A_1021 = arith.constant 0 : i32
      %dma_start3A_1022 = arith.constant 6 : i32
      %dma_start3A_1023 = arith.constant 0 : i32
      %dma_start3A_1024 = tpu.memref_slice %arg11[%dma_start3A_1021, %dma_start3A_1022, %dma_start3A_1023] : memref<2x8x128xi32, #tpu.memory_space<vmem>> -> memref<1x1x128xi32, #tpu.memory_space<vmem>>
      %dma_start3A_1025 = tpu.memref_squeeze %dma_start3A_1024 : memref<1x1x128xi32, #tpu.memory_space<vmem>> -> memref<128xi32, #tpu.memory_space<vmem>>
      %dma_start3A_1026 = arith.constant 0 : i32
      %dma_start3A_1027 = arith.constant 0 : i32
      %dma_start3A_1028 = tpu.memref_slice %arg2[%dma_start3A_1026, %dma_start3A_1027] : memref<100096x8xf32, #tpu.memory_space<hbm>> -> memref<100096x8xf32, #tpu.memory_space<hbm>>
      tpu.enqueue_indirect_dma source(%dma_start3A_1028 : memref<100096x8xf32, #tpu.memory_space<hbm>>) target(%arg12 : memref<128x8xf32, #tpu.memory_space<vmem>>) offsets(%dma_start3A_1025 : memref<128xi32, #tpu.memory_space<vmem>>) semaphore(%arg14 : memref<!tpu.dma_semaphore, #tpu.memory_space<semaphore_mem>>)
      %dma_wait3A_1029 = arith.constant 0 : i32
      %dma_wait3A_1030 = arith.constant 6 : i32
      %dma_wait3A_1031 = arith.constant 0 : i32
      %dma_wait3A_1032 = tpu.memref_slice %arg11[%dma_wait3A_1029, %dma_wait3A_1030, %dma_wait3A_1031] : memref<2x8x128xi32, #tpu.memory_space<vmem>> -> memref<1x1x128xi32, #tpu.memory_space<vmem>>
      %dma_wait3A_1033 = tpu.memref_squeeze %dma_wait3A_1032 : memref<1x1x128xi32, #tpu.memory_space<vmem>> -> memref<128xi32, #tpu.memory_space<vmem>>
      %dma_wait3A_1034 = arith.constant 0 : i32
      %dma_wait3A_1035 = arith.constant 0 : i32
      %dma_wait3A_1036 = tpu.memref_slice %arg2[%dma_wait3A_1034, %dma_wait3A_1035] : memref<100096x8xf32, #tpu.memory_space<hbm>> -> memref<100096x8xf32, #tpu.memory_space<hbm>>
      tpu.wait_indirect_dma semaphore(%arg14 : memref<!tpu.dma_semaphore, #tpu.memory_space<semaphore_mem>>) src(%dma_wait3A_1036 : memref<100096x8xf32, #tpu.memory_space<hbm>>) dst(%arg12 : memref<128x8xf32, #tpu.memory_space<vmem>>)
      %dma_start3A_1037 = arith.constant 1 : i32
      %dma_start3A_1038 = arith.constant 6 : i32
      %dma_start3A_1039 = arith.constant 0 : i32
      %dma_start3A_1040 = tpu.memref_slice %arg11[%dma_start3A_1037, %dma_start3A_1038, %dma_start3A_1039] : memref<2x8x128xi32, #tpu.memory_space<vmem>> -> memref<1x1x128xi32, #tpu.memory_space<vmem>>
      %dma_start3A_1041 = tpu.memref_squeeze %dma_start3A_1040 : memref<1x1x128xi32, #tpu.memory_space<vmem>> -> memref<128xi32, #tpu.memory_space<vmem>>
      %dma_start3A_1042 = arith.constant 0 : i32
      %dma_start3A_1043 = arith.constant 0 : i32
      %dma_start3A_1044 = tpu.memref_slice %arg10[%dma_start3A_1042, %dma_start3A_1043] : memref<100096x8xf32, #tpu.memory_space<vmem_shared>> -> memref<100096x8xf32, #tpu.memory_space<vmem_shared>>
      tpu.enqueue_indirect_dma source(%arg12 : memref<128x8xf32, #tpu.memory_space<vmem>>) target(%dma_start3A_1044 : memref<100096x8xf32, #tpu.memory_space<vmem_shared>>) offsets(%dma_start3A_1041 : memref<128xi32, #tpu.memory_space<vmem>>) semaphore(%arg16 : memref<!tpu.dma_semaphore, #tpu.memory_space<semaphore_mem>>) {add = true}
      %dma_wait3A_1045 = arith.constant 1 : i32
      %dma_wait3A_1046 = arith.constant 5 : i32
      %dma_wait3A_1047 = arith.constant 0 : i32
      %dma_wait3A_1048 = tpu.memref_slice %arg11[%dma_wait3A_1045, %dma_wait3A_1046, %dma_wait3A_1047] : memref<2x8x128xi32, #tpu.memory_space<vmem>> -> memref<1x1x128xi32, #tpu.memory_space<vmem>>
      %dma_wait3A_1049 = tpu.memref_squeeze %dma_wait3A_1048 : memref<1x1x128xi32, #tpu.memory_space<vmem>> -> memref<128xi32, #tpu.memory_space<vmem>>
      %dma_wait3A_1050 = arith.constant 0 : i32
      %dma_wait3A_1051 = arith.constant 0 : i32
      %dma_wait3A_1052 = tpu.memref_slice %arg10[%dma_wait3A_1050, %dma_wait3A_1051] : memref<100096x8xf32, #tpu.memory_space<vmem_shared>> -> memref<100096x8xf32, #tpu.memory_space<vmem_shared>>
      tpu.wait_indirect_dma semaphore(%arg17 : memref<!tpu.dma_semaphore, #tpu.memory_space<semaphore_mem>>) src(%arg13 : memref<128x8xf32, #tpu.memory_space<vmem>>) dst(%dma_wait3A_1052 : memref<100096x8xf32, #tpu.memory_space<vmem_shared>>)
      %dma_start3A_1053 = arith.constant 0 : i32
      %dma_start3A_1054 = arith.constant 7 : i32
      %dma_start3A_1055 = arith.constant 0 : i32
      %dma_start3A_1056 = tpu.memref_slice %arg11[%dma_start3A_1053, %dma_start3A_1054, %dma_start3A_1055] : memref<2x8x128xi32, #tpu.memory_space<vmem>> -> memref<1x1x128xi32, #tpu.memory_space<vmem>>
      %dma_start3A_1057 = tpu.memref_squeeze %dma_start3A_1056 : memref<1x1x128xi32, #tpu.memory_space<vmem>> -> memref<128xi32, #tpu.memory_space<vmem>>
      %dma_start3A_1058 = arith.constant 0 : i32
      %dma_start3A_1059 = arith.constant 0 : i32
      %dma_start3A_1060 = tpu.memref_slice %arg2[%dma_start3A_1058, %dma_start3A_1059] : memref<100096x8xf32, #tpu.memory_space<hbm>> -> memref<100096x8xf32, #tpu.memory_space<hbm>>
      tpu.enqueue_indirect_dma source(%dma_start3A_1060 : memref<100096x8xf32, #tpu.memory_space<hbm>>) target(%arg13 : memref<128x8xf32, #tpu.memory_space<vmem>>) offsets(%dma_start3A_1057 : memref<128xi32, #tpu.memory_space<vmem>>) semaphore(%arg15 : memref<!tpu.dma_semaphore, #tpu.memory_space<semaphore_mem>>)
      %dma_wait3A_1061 = arith.constant 0 : i32
      %dma_wait3A_1062 = arith.constant 7 : i32
      %dma_wait3A_1063 = arith.constant 0 : i32
      %dma_wait3A_1064 = tpu.memref_slice %arg11[%dma_wait3A_1061, %dma_wait3A_1062, %dma_wait3A_1063] : memref<2x8x128xi32, #tpu.memory_space<vmem>> -> memref<1x1x128xi32, #tpu.memory_space<vmem>>
      %dma_wait3A_1065 = tpu.memref_squeeze %dma_wait3A_1064 : memref<1x1x128xi32, #tpu.memory_space<vmem>> -> memref<128xi32, #tpu.memory_space<vmem>>
      %dma_wait3A_1066 = arith.constant 0 : i32
      %dma_wait3A_1067 = arith.constant 0 : i32
      %dma_wait3A_1068 = tpu.memref_slice %arg2[%dma_wait3A_1066, %dma_wait3A_1067] : memref<100096x8xf32, #tpu.memory_space<hbm>> -> memref<100096x8xf32, #tpu.memory_space<hbm>>
      tpu.wait_indirect_dma semaphore(%arg15 : memref<!tpu.dma_semaphore, #tpu.memory_space<semaphore_mem>>) src(%dma_wait3A_1068 : memref<100096x8xf32, #tpu.memory_space<hbm>>) dst(%arg13 : memref<128x8xf32, #tpu.memory_space<vmem>>)
      %dma_start3A_1069 = arith.constant 1 : i32
      %dma_start3A_1070 = arith.constant 7 : i32
      %dma_start3A_1071 = arith.constant 0 : i32
      %dma_start3A_1072 = tpu.memref_slice %arg11[%dma_start3A_1069, %dma_start3A_1070, %dma_start3A_1071] : memref<2x8x128xi32, #tpu.memory_space<vmem>> -> memref<1x1x128xi32, #tpu.memory_space<vmem>>
      %dma_start3A_1073 = tpu.memref_squeeze %dma_start3A_1072 : memref<1x1x128xi32, #tpu.memory_space<vmem>> -> memref<128xi32, #tpu.memory_space<vmem>>
      %dma_start3A_1074 = arith.constant 0 : i32
      %dma_start3A_1075 = arith.constant 0 : i32
      %dma_start3A_1076 = tpu.memref_slice %arg10[%dma_start3A_1074, %dma_start3A_1075] : memref<100096x8xf32, #tpu.memory_space<vmem_shared>> -> memref<100096x8xf32, #tpu.memory_space<vmem_shared>>
      tpu.enqueue_indirect_dma source(%arg13 : memref<128x8xf32, #tpu.memory_space<vmem>>) target(%dma_start3A_1076 : memref<100096x8xf32, #tpu.memory_space<vmem_shared>>) offsets(%dma_start3A_1073 : memref<128xi32, #tpu.memory_space<vmem>>) semaphore(%arg17 : memref<!tpu.dma_semaphore, #tpu.memory_space<semaphore_mem>>) {add = true}
      %dma_wait3A_1077 = arith.constant 1 : i32
      %dma_wait3A_1078 = arith.constant 6 : i32
      %dma_wait3A_1079 = arith.constant 0 : i32
      %dma_wait3A_1080 = tpu.memref_slice %arg11[%dma_wait3A_1077, %dma_wait3A_1078, %dma_wait3A_1079] : memref<2x8x128xi32, #tpu.memory_space<vmem>> -> memref<1x1x128xi32, #tpu.memory_space<vmem>>
      %dma_wait3A_1081 = tpu.memref_squeeze %dma_wait3A_1080 : memref<1x1x128xi32, #tpu.memory_space<vmem>> -> memref<128xi32, #tpu.memory_space<vmem>>
      %dma_wait3A_1082 = arith.constant 0 : i32
      %dma_wait3A_1083 = arith.constant 0 : i32
      %dma_wait3A_1084 = tpu.memref_slice %arg10[%dma_wait3A_1082, %dma_wait3A_1083] : memref<100096x8xf32, #tpu.memory_space<vmem_shared>> -> memref<100096x8xf32, #tpu.memory_space<vmem_shared>>
      tpu.wait_indirect_dma semaphore(%arg16 : memref<!tpu.dma_semaphore, #tpu.memory_space<semaphore_mem>>) src(%arg12 : memref<128x8xf32, #tpu.memory_space<vmem>>) dst(%dma_wait3A_1084 : memref<100096x8xf32, #tpu.memory_space<vmem_shared>>)
      %dma_wait3A_1085 = arith.constant 1 : i32
      %dma_wait3A_1086 = arith.constant 7 : i32
      %dma_wait3A_1087 = arith.constant 0 : i32
      %dma_wait3A_1088 = tpu.memref_slice %arg11[%dma_wait3A_1085, %dma_wait3A_1086, %dma_wait3A_1087] : memref<2x8x128xi32, #tpu.memory_space<vmem>> -> memref<1x1x128xi32, #tpu.memory_space<vmem>>
      %dma_wait3A_1089 = tpu.memref_squeeze %dma_wait3A_1088 : memref<1x1x128xi32, #tpu.memory_space<vmem>> -> memref<128xi32, #tpu.memory_space<vmem>>
      %dma_wait3A_1090 = arith.constant 0 : i32
      %dma_wait3A_1091 = arith.constant 0 : i32
      %dma_wait3A_1092 = tpu.memref_slice %arg10[%dma_wait3A_1090, %dma_wait3A_1091] : memref<100096x8xf32, #tpu.memory_space<vmem_shared>> -> memref<100096x8xf32, #tpu.memory_space<vmem_shared>>
      tpu.wait_indirect_dma semaphore(%arg17 : memref<!tpu.dma_semaphore, #tpu.memory_space<semaphore_mem>>) src(%arg13 : memref<128x8xf32, #tpu.memory_space<vmem>>) dst(%dma_wait3A_1092 : memref<100096x8xf32, #tpu.memory_space<vmem_shared>>)
    }
    %while3A_15 = arith.constant 1 : i32
    scf.for %while3A_834 = %while3A_13 to %while3A_9 step %while3A_15  : i32 {
      %mul3A_835 = arith.constant 8 : i32
      %mul3A_836 = arith.muli %while3A_834, %mul3A_835 : i32
      "tpu.region"() ({
        %run_scoped3A_1093 = tpu.sem_alloc : memref<!tpu.dma_semaphore, #tpu.memory_space<semaphore_mem>>
        %dma_start3A_1094 = arith.constant 0 : i32
        %dma_start3A_1095 = arith.constant 0 : i32
        %dma_start3A_1096 = tpu.memref_slice %arg3[%dma_start3A_1094, %mul3A_836, %dma_start3A_1095] : memref<2x50000x128xi32, #tpu.memory_space<hbm>> -> memref<2x8x128xi32, #tpu.memory_space<hbm>>
        %dma_start3A_1097 = arith.constant 0 : i32
        %dma_start3A_1098 = arith.constant 0 : i32
        %dma_start3A_1099 = tpu.memref_slice %arg3[%dma_start3A_1097, %mul3A_836, %dma_start3A_1098] : memref<2x50000x128xi32, #tpu.memory_space<hbm>> -> memref<2x8x128xi32, #tpu.memory_space<hbm>>
        tpu.enqueue_dma source(%dma_start3A_1099 : memref<2x8x128xi32, #tpu.memory_space<hbm>>) target(%arg11 : memref<2x8x128xi32, #tpu.memory_space<vmem>>) target_semaphore(%run_scoped3A_1093 : memref<!tpu.dma_semaphore, #tpu.memory_space<semaphore_mem>>)
        %dma_wait3A_1100 = arith.constant 0 : i32
        %dma_wait3A_1101 = arith.constant 0 : i32
        %dma_wait3A_1102 = tpu.memref_slice %arg3[%dma_wait3A_1100, %mul3A_836, %dma_wait3A_1101] : memref<2x50000x128xi32, #tpu.memory_space<hbm>> -> memref<2x8x128xi32, #tpu.memory_space<hbm>>
        %dma_wait3A_1103 = arith.constant 0 : i32
        %dma_wait3A_1104 = arith.constant 0 : i32
        %dma_wait3A_1105 = tpu.memref_slice %arg3[%dma_wait3A_1103, %mul3A_836, %dma_wait3A_1104] : memref<2x50000x128xi32, #tpu.memory_space<hbm>> -> memref<2x8x128xi32, #tpu.memory_space<hbm>>
        tpu.wait_dma2 semaphore(%run_scoped3A_1093 : memref<!tpu.dma_semaphore, #tpu.memory_space<semaphore_mem>>) src(%dma_wait3A_1105 : memref<2x8x128xi32, #tpu.memory_space<hbm>>) dst(%arg11 : memref<2x8x128xi32, #tpu.memory_space<vmem>>)
        tpu.yield
      }) : () -> ()
      %dma_start3A_837 = arith.constant 0 : i32
      %dma_start3A_838 = arith.constant 0 : i32
      %dma_start3A_839 = arith.constant 0 : i32
      %dma_start3A_840 = tpu.memref_slice %arg11[%dma_start3A_837, %dma_start3A_838, %dma_start3A_839] : memref<2x8x128xi32, #tpu.memory_space<vmem>> -> memref<1x1x128xi32, #tpu.memory_space<vmem>>
      %dma_start3A_841 = tpu.memref_squeeze %dma_start3A_840 : memref<1x1x128xi32, #tpu.memory_space<vmem>> -> memref<128xi32, #tpu.memory_space<vmem>>
      %dma_start3A_842 = arith.constant 0 : i32
      %dma_start3A_843 = arith.constant 0 : i32
      %dma_start3A_844 = tpu.memref_slice %arg2[%dma_start3A_842, %dma_start3A_843] : memref<100096x8xf32, #tpu.memory_space<hbm>> -> memref<100096x8xf32, #tpu.memory_space<hbm>>
      tpu.enqueue_indirect_dma source(%dma_start3A_844 : memref<100096x8xf32, #tpu.memory_space<hbm>>) target(%arg12 : memref<128x8xf32, #tpu.memory_space<vmem>>) offsets(%dma_start3A_841 : memref<128xi32, #tpu.memory_space<vmem>>) semaphore(%arg14 : memref<!tpu.dma_semaphore, #tpu.memory_space<semaphore_mem>>)
      %dma_wait3A_845 = arith.constant 0 : i32
      %dma_wait3A_846 = arith.constant 0 : i32
      %dma_wait3A_847 = arith.constant 0 : i32
      %dma_wait3A_848 = tpu.memref_slice %arg11[%dma_wait3A_845, %dma_wait3A_846, %dma_wait3A_847] : memref<2x8x128xi32, #tpu.memory_space<vmem>> -> memref<1x1x128xi32, #tpu.memory_space<vmem>>
      %dma_wait3A_849 = tpu.memref_squeeze %dma_wait3A_848 : memref<1x1x128xi32, #tpu.memory_space<vmem>> -> memref<128xi32, #tpu.memory_space<vmem>>
      %dma_wait3A_850 = arith.constant 0 : i32
      %dma_wait3A_851 = arith.constant 0 : i32
      %dma_wait3A_852 = tpu.memref_slice %arg2[%dma_wait3A_850, %dma_wait3A_851] : memref<100096x8xf32, #tpu.memory_space<hbm>> -> memref<100096x8xf32, #tpu.memory_space<hbm>>
      tpu.wait_indirect_dma semaphore(%arg14 : memref<!tpu.dma_semaphore, #tpu.memory_space<semaphore_mem>>) src(%dma_wait3A_852 : memref<100096x8xf32, #tpu.memory_space<hbm>>) dst(%arg12 : memref<128x8xf32, #tpu.memory_space<vmem>>)
      %dma_start3A_853 = arith.constant 1 : i32
      %dma_start3A_854 = arith.constant 0 : i32
      %dma_start3A_855 = arith.constant 0 : i32
      %dma_start3A_856 = tpu.memref_slice %arg11[%dma_start3A_853, %dma_start3A_854, %dma_start3A_855] : memref<2x8x128xi32, #tpu.memory_space<vmem>> -> memref<1x1x128xi32, #tpu.memory_space<vmem>>
      %dma_start3A_857 = tpu.memref_squeeze %dma_start3A_856 : memref<1x1x128xi32, #tpu.memory_space<vmem>> -> memref<128xi32, #tpu.memory_space<vmem>>
      %dma_start3A_858 = arith.constant 0 : i32
      %dma_start3A_859 = arith.constant 0 : i32
      %dma_start3A_860 = tpu.memref_slice %arg10[%dma_start3A_858, %dma_start3A_859] : memref<100096x8xf32, #tpu.memory_space<vmem_shared>> -> memref<100096x8xf32, #tpu.memory_space<vmem_shared>>
      tpu.enqueue_indirect_dma source(%arg12 : memref<128x8xf32, #tpu.memory_space<vmem>>) target(%dma_start3A_860 : memref<100096x8xf32, #tpu.memory_space<vmem_shared>>) offsets(%dma_start3A_857 : memref<128xi32, #tpu.memory_space<vmem>>) semaphore(%arg16 : memref<!tpu.dma_semaphore, #tpu.memory_space<semaphore_mem>>) {add = true}
      %dma_start3A_861 = arith.constant 0 : i32
      %dma_start3A_862 = arith.constant 1 : i32
      %dma_start3A_863 = arith.constant 0 : i32
      %dma_start3A_864 = tpu.memref_slice %arg11[%dma_start3A_861, %dma_start3A_862, %dma_start3A_863] : memref<2x8x128xi32, #tpu.memory_space<vmem>> -> memref<1x1x128xi32, #tpu.memory_space<vmem>>
      %dma_start3A_865 = tpu.memref_squeeze %dma_start3A_864 : memref<1x1x128xi32, #tpu.memory_space<vmem>> -> memref<128xi32, #tpu.memory_space<vmem>>
      %dma_start3A_866 = arith.constant 0 : i32
      %dma_start3A_867 = arith.constant 0 : i32
      %dma_start3A_868 = tpu.memref_slice %arg2[%dma_start3A_866, %dma_start3A_867] : memref<100096x8xf32, #tpu.memory_space<hbm>> -> memref<100096x8xf32, #tpu.memory_space<hbm>>
      tpu.enqueue_indirect_dma source(%dma_start3A_868 : memref<100096x8xf32, #tpu.memory_space<hbm>>) target(%arg13 : memref<128x8xf32, #tpu.memory_space<vmem>>) offsets(%dma_start3A_865 : memref<128xi32, #tpu.memory_space<vmem>>) semaphore(%arg15 : memref<!tpu.dma_semaphore, #tpu.memory_space<semaphore_mem>>)
      %dma_wait3A_869 = arith.constant 0 : i32
      %dma_wait3A_870 = arith.constant 1 : i32
      %dma_wait3A_871 = arith.constant 0 : i32
      %dma_wait3A_872 = tpu.memref_slice %arg11[%dma_wait3A_869, %dma_wait3A_870, %dma_wait3A_871] : memref<2x8x128xi32, #tpu.memory_space<vmem>> -> memref<1x1x128xi32, #tpu.memory_space<vmem>>
      %dma_wait3A_873 = tpu.memref_squeeze %dma_wait3A_872 : memref<1x1x128xi32, #tpu.memory_space<vmem>> -> memref<128xi32, #tpu.memory_space<vmem>>
      %dma_wait3A_874 = arith.constant 0 : i32
      %dma_wait3A_875 = arith.constant 0 : i32
      %dma_wait3A_876 = tpu.memref_slice %arg2[%dma_wait3A_874, %dma_wait3A_875] : memref<100096x8xf32, #tpu.memory_space<hbm>> -> memref<100096x8xf32, #tpu.memory_space<hbm>>
      tpu.wait_indirect_dma semaphore(%arg15 : memref<!tpu.dma_semaphore, #tpu.memory_space<semaphore_mem>>) src(%dma_wait3A_876 : memref<100096x8xf32, #tpu.memory_space<hbm>>) dst(%arg13 : memref<128x8xf32, #tpu.memory_space<vmem>>)
      %dma_start3A_877 = arith.constant 1 : i32
      %dma_start3A_878 = arith.constant 1 : i32
      %dma_start3A_879 = arith.constant 0 : i32
      %dma_start3A_880 = tpu.memref_slice %arg11[%dma_start3A_877, %dma_start3A_878, %dma_start3A_879] : memref<2x8x128xi32, #tpu.memory_space<vmem>> -> memref<1x1x128xi32, #tpu.memory_space<vmem>>
      %dma_start3A_881 = tpu.memref_squeeze %dma_start3A_880 : memref<1x1x128xi32, #tpu.memory_space<vmem>> -> memref<128xi32, #tpu.memory_space<vmem>>
      %dma_start3A_882 = arith.constant 0 : i32
      %dma_start3A_883 = arith.constant 0 : i32
      %dma_start3A_884 = tpu.memref_slice %arg10[%dma_start3A_882, %dma_start3A_883] : memref<100096x8xf32, #tpu.memory_space<vmem_shared>> -> memref<100096x8xf32, #tpu.memory_space<vmem_shared>>
      tpu.enqueue_indirect_dma source(%arg13 : memref<128x8xf32, #tpu.memory_space<vmem>>) target(%dma_start3A_884 : memref<100096x8xf32, #tpu.memory_space<vmem_shared>>) offsets(%dma_start3A_881 : memref<128xi32, #tpu.memory_space<vmem>>) semaphore(%arg17 : memref<!tpu.dma_semaphore, #tpu.memory_space<semaphore_mem>>) {add = true}
      %dma_wait3A_885 = arith.constant 1 : i32
      %dma_wait3A_886 = arith.constant 0 : i32
      %dma_wait3A_887 = arith.constant 0 : i32
      %dma_wait3A_888 = tpu.memref_slice %arg11[%dma_wait3A_885, %dma_wait3A_886, %dma_wait3A_887] : memref<2x8x128xi32, #tpu.memory_space<vmem>> -> memref<1x1x128xi32, #tpu.memory_space<vmem>>
      %dma_wait3A_889 = tpu.memref_squeeze %dma_wait3A_888 : memref<1x1x128xi32, #tpu.memory_space<vmem>> -> memref<128xi32, #tpu.memory_space<vmem>>
      %dma_wait3A_890 = arith.constant 0 : i32
      %dma_wait3A_891 = arith.constant 0 : i32
      %dma_wait3A_892 = tpu.memref_slice %arg10[%dma_wait3A_890, %dma_wait3A_891] : memref<100096x8xf32, #tpu.memory_space<vmem_shared>> -> memref<100096x8xf32, #tpu.memory_space<vmem_shared>>
      tpu.wait_indirect_dma semaphore(%arg16 : memref<!tpu.dma_semaphore, #tpu.memory_space<semaphore_mem>>) src(%arg12 : memref<128x8xf32, #tpu.memory_space<vmem>>) dst(%dma_wait3A_892 : memref<100096x8xf32, #tpu.memory_space<vmem_shared>>)
      %dma_start3A_893 = arith.constant 0 : i32
      %dma_start3A_894 = arith.constant 2 : i32
      %dma_start3A_895 = arith.constant 0 : i32
      %dma_start3A_896 = tpu.memref_slice %arg11[%dma_start3A_893, %dma_start3A_894, %dma_start3A_895] : memref<2x8x128xi32, #tpu.memory_space<vmem>> -> memref<1x1x128xi32, #tpu.memory_space<vmem>>
      %dma_start3A_897 = tpu.memref_squeeze %dma_start3A_896 : memref<1x1x128xi32, #tpu.memory_space<vmem>> -> memref<128xi32, #tpu.memory_space<vmem>>
      %dma_start3A_898 = arith.constant 0 : i32
      %dma_start3A_899 = arith.constant 0 : i32
      %dma_start3A_900 = tpu.memref_slice %arg2[%dma_start3A_898, %dma_start3A_899] : memref<100096x8xf32, #tpu.memory_space<hbm>> -> memref<100096x8xf32, #tpu.memory_space<hbm>>
      tpu.enqueue_indirect_dma source(%dma_start3A_900 : memref<100096x8xf32, #tpu.memory_space<hbm>>) target(%arg12 : memref<128x8xf32, #tpu.memory_space<vmem>>) offsets(%dma_start3A_897 : memref<128xi32, #tpu.memory_space<vmem>>) semaphore(%arg14 : memref<!tpu.dma_semaphore, #tpu.memory_space<semaphore_mem>>)
      %dma_wait3A_901 = arith.constant 0 : i32
      %dma_wait3A_902 = arith.constant 2 : i32
      %dma_wait3A_903 = arith.constant 0 : i32
      %dma_wait3A_904 = tpu.memref_slice %arg11[%dma_wait3A_901, %dma_wait3A_902, %dma_wait3A_903] : memref<2x8x128xi32, #tpu.memory_space<vmem>> -> memref<1x1x128xi32, #tpu.memory_space<vmem>>
      %dma_wait3A_905 = tpu.memref_squeeze %dma_wait3A_904 : memref<1x1x128xi32, #tpu.memory_space<vmem>> -> memref<128xi32, #tpu.memory_space<vmem>>
      %dma_wait3A_906 = arith.constant 0 : i32
      %dma_wait3A_907 = arith.constant 0 : i32
      %dma_wait3A_908 = tpu.memref_slice %arg2[%dma_wait3A_906, %dma_wait3A_907] : memref<100096x8xf32, #tpu.memory_space<hbm>> -> memref<100096x8xf32, #tpu.memory_space<hbm>>
      tpu.wait_indirect_dma semaphore(%arg14 : memref<!tpu.dma_semaphore, #tpu.memory_space<semaphore_mem>>) src(%dma_wait3A_908 : memref<100096x8xf32, #tpu.memory_space<hbm>>) dst(%arg12 : memref<128x8xf32, #tpu.memory_space<vmem>>)
      %dma_start3A_909 = arith.constant 1 : i32
      %dma_start3A_910 = arith.constant 2 : i32
      %dma_start3A_911 = arith.constant 0 : i32
      %dma_start3A_912 = tpu.memref_slice %arg11[%dma_start3A_909, %dma_start3A_910, %dma_start3A_911] : memref<2x8x128xi32, #tpu.memory_space<vmem>> -> memref<1x1x128xi32, #tpu.memory_space<vmem>>
      %dma_start3A_913 = tpu.memref_squeeze %dma_start3A_912 : memref<1x1x128xi32, #tpu.memory_space<vmem>> -> memref<128xi32, #tpu.memory_space<vmem>>
      %dma_start3A_914 = arith.constant 0 : i32
      %dma_start3A_915 = arith.constant 0 : i32
      %dma_start3A_916 = tpu.memref_slice %arg10[%dma_start3A_914, %dma_start3A_915] : memref<100096x8xf32, #tpu.memory_space<vmem_shared>> -> memref<100096x8xf32, #tpu.memory_space<vmem_shared>>
      tpu.enqueue_indirect_dma source(%arg12 : memref<128x8xf32, #tpu.memory_space<vmem>>) target(%dma_start3A_916 : memref<100096x8xf32, #tpu.memory_space<vmem_shared>>) offsets(%dma_start3A_913 : memref<128xi32, #tpu.memory_space<vmem>>) semaphore(%arg16 : memref<!tpu.dma_semaphore, #tpu.memory_space<semaphore_mem>>) {add = true}
      %dma_wait3A_917 = arith.constant 1 : i32
      %dma_wait3A_918 = arith.constant 1 : i32
      %dma_wait3A_919 = arith.constant 0 : i32
      %dma_wait3A_920 = tpu.memref_slice %arg11[%dma_wait3A_917, %dma_wait3A_918, %dma_wait3A_919] : memref<2x8x128xi32, #tpu.memory_space<vmem>> -> memref<1x1x128xi32, #tpu.memory_space<vmem>>
      %dma_wait3A_921 = tpu.memref_squeeze %dma_wait3A_920 : memref<1x1x128xi32, #tpu.memory_space<vmem>> -> memref<128xi32, #tpu.memory_space<vmem>>
      %dma_wait3A_922 = arith.constant 0 : i32
      %dma_wait3A_923 = arith.constant 0 : i32
      %dma_wait3A_924 = tpu.memref_slice %arg10[%dma_wait3A_922, %dma_wait3A_923] : memref<100096x8xf32, #tpu.memory_space<vmem_shared>> -> memref<100096x8xf32, #tpu.memory_space<vmem_shared>>
      tpu.wait_indirect_dma semaphore(%arg17 : memref<!tpu.dma_semaphore, #tpu.memory_space<semaphore_mem>>) src(%arg13 : memref<128x8xf32, #tpu.memory_space<vmem>>) dst(%dma_wait3A_924 : memref<100096x8xf32, #tpu.memory_space<vmem_shared>>)
      %dma_start3A_925 = arith.constant 0 : i32
      %dma_start3A_926 = arith.constant 3 : i32
      %dma_start3A_927 = arith.constant 0 : i32
      %dma_start3A_928 = tpu.memref_slice %arg11[%dma_start3A_925, %dma_start3A_926, %dma_start3A_927] : memref<2x8x128xi32, #tpu.memory_space<vmem>> -> memref<1x1x128xi32, #tpu.memory_space<vmem>>
      %dma_start3A_929 = tpu.memref_squeeze %dma_start3A_928 : memref<1x1x128xi32, #tpu.memory_space<vmem>> -> memref<128xi32, #tpu.memory_space<vmem>>
      %dma_start3A_930 = arith.constant 0 : i32
      %dma_start3A_931 = arith.constant 0 : i32
      %dma_start3A_932 = tpu.memref_slice %arg2[%dma_start3A_930, %dma_start3A_931] : memref<100096x8xf32, #tpu.memory_space<hbm>> -> memref<100096x8xf32, #tpu.memory_space<hbm>>
      tpu.enqueue_indirect_dma source(%dma_start3A_932 : memref<100096x8xf32, #tpu.memory_space<hbm>>) target(%arg13 : memref<128x8xf32, #tpu.memory_space<vmem>>) offsets(%dma_start3A_929 : memref<128xi32, #tpu.memory_space<vmem>>) semaphore(%arg15 : memref<!tpu.dma_semaphore, #tpu.memory_space<semaphore_mem>>)
      %dma_wait3A_933 = arith.constant 0 : i32
      %dma_wait3A_934 = arith.constant 3 : i32
      %dma_wait3A_935 = arith.constant 0 : i32
      %dma_wait3A_936 = tpu.memref_slice %arg11[%dma_wait3A_933, %dma_wait3A_934, %dma_wait3A_935] : memref<2x8x128xi32, #tpu.memory_space<vmem>> -> memref<1x1x128xi32, #tpu.memory_space<vmem>>
      %dma_wait3A_937 = tpu.memref_squeeze %dma_wait3A_936 : memref<1x1x128xi32, #tpu.memory_space<vmem>> -> memref<128xi32, #tpu.memory_space<vmem>>
      %dma_wait3A_938 = arith.constant 0 : i32
      %dma_wait3A_939 = arith.constant 0 : i32
      %dma_wait3A_940 = tpu.memref_slice %arg2[%dma_wait3A_938, %dma_wait3A_939] : memref<100096x8xf32, #tpu.memory_space<hbm>> -> memref<100096x8xf32, #tpu.memory_space<hbm>>
      tpu.wait_indirect_dma semaphore(%arg15 : memref<!tpu.dma_semaphore, #tpu.memory_space<semaphore_mem>>) src(%dma_wait3A_940 : memref<100096x8xf32, #tpu.memory_space<hbm>>) dst(%arg13 : memref<128x8xf32, #tpu.memory_space<vmem>>)
      %dma_start3A_941 = arith.constant 1 : i32
      %dma_start3A_942 = arith.constant 3 : i32
      %dma_start3A_943 = arith.constant 0 : i32
      %dma_start3A_944 = tpu.memref_slice %arg11[%dma_start3A_941, %dma_start3A_942, %dma_start3A_943] : memref<2x8x128xi32, #tpu.memory_space<vmem>> -> memref<1x1x128xi32, #tpu.memory_space<vmem>>
      %dma_start3A_945 = tpu.memref_squeeze %dma_start3A_944 : memref<1x1x128xi32, #tpu.memory_space<vmem>> -> memref<128xi32, #tpu.memory_space<vmem>>
      %dma_start3A_946 = arith.constant 0 : i32
      %dma_start3A_947 = arith.constant 0 : i32
      %dma_start3A_948 = tpu.memref_slice %arg10[%dma_start3A_946, %dma_start3A_947] : memref<100096x8xf32, #tpu.memory_space<vmem_shared>> -> memref<100096x8xf32, #tpu.memory_space<vmem_shared>>
      tpu.enqueue_indirect_dma source(%arg13 : memref<128x8xf32, #tpu.memory_space<vmem>>) target(%dma_start3A_948 : memref<100096x8xf32, #tpu.memory_space<vmem_shared>>) offsets(%dma_start3A_945 : memref<128xi32, #tpu.memory_space<vmem>>) semaphore(%arg17 : memref<!tpu.dma_semaphore, #tpu.memory_space<semaphore_mem>>) {add = true}
      %dma_wait3A_949 = arith.constant 1 : i32
      %dma_wait3A_950 = arith.constant 2 : i32
      %dma_wait3A_951 = arith.constant 0 : i32
      %dma_wait3A_952 = tpu.memref_slice %arg11[%dma_wait3A_949, %dma_wait3A_950, %dma_wait3A_951] : memref<2x8x128xi32, #tpu.memory_space<vmem>> -> memref<1x1x128xi32, #tpu.memory_space<vmem>>
      %dma_wait3A_953 = tpu.memref_squeeze %dma_wait3A_952 : memref<1x1x128xi32, #tpu.memory_space<vmem>> -> memref<128xi32, #tpu.memory_space<vmem>>
      %dma_wait3A_954 = arith.constant 0 : i32
      %dma_wait3A_955 = arith.constant 0 : i32
      %dma_wait3A_956 = tpu.memref_slice %arg10[%dma_wait3A_954, %dma_wait3A_955] : memref<100096x8xf32, #tpu.memory_space<vmem_shared>> -> memref<100096x8xf32, #tpu.memory_space<vmem_shared>>
      tpu.wait_indirect_dma semaphore(%arg16 : memref<!tpu.dma_semaphore, #tpu.memory_space<semaphore_mem>>) src(%arg12 : memref<128x8xf32, #tpu.memory_space<vmem>>) dst(%dma_wait3A_956 : memref<100096x8xf32, #tpu.memory_space<vmem_shared>>)
      %dma_start3A_957 = arith.constant 0 : i32
      %dma_start3A_958 = arith.constant 4 : i32
      %dma_start3A_959 = arith.constant 0 : i32
      %dma_start3A_960 = tpu.memref_slice %arg11[%dma_start3A_957, %dma_start3A_958, %dma_start3A_959] : memref<2x8x128xi32, #tpu.memory_space<vmem>> -> memref<1x1x128xi32, #tpu.memory_space<vmem>>
      %dma_start3A_961 = tpu.memref_squeeze %dma_start3A_960 : memref<1x1x128xi32, #tpu.memory_space<vmem>> -> memref<128xi32, #tpu.memory_space<vmem>>
      %dma_start3A_962 = arith.constant 0 : i32
      %dma_start3A_963 = arith.constant 0 : i32
      %dma_start3A_964 = tpu.memref_slice %arg2[%dma_start3A_962, %dma_start3A_963] : memref<100096x8xf32, #tpu.memory_space<hbm>> -> memref<100096x8xf32, #tpu.memory_space<hbm>>
      tpu.enqueue_indirect_dma source(%dma_start3A_964 : memref<100096x8xf32, #tpu.memory_space<hbm>>) target(%arg12 : memref<128x8xf32, #tpu.memory_space<vmem>>) offsets(%dma_start3A_961 : memref<128xi32, #tpu.memory_space<vmem>>) semaphore(%arg14 : memref<!tpu.dma_semaphore, #tpu.memory_space<semaphore_mem>>)
      %dma_wait3A_965 = arith.constant 0 : i32
      %dma_wait3A_966 = arith.constant 4 : i32
      %dma_wait3A_967 = arith.constant 0 : i32
      %dma_wait3A_968 = tpu.memref_slice %arg11[%dma_wait3A_965, %dma_wait3A_966, %dma_wait3A_967] : memref<2x8x128xi32, #tpu.memory_space<vmem>> -> memref<1x1x128xi32, #tpu.memory_space<vmem>>
      %dma_wait3A_969 = tpu.memref_squeeze %dma_wait3A_968 : memref<1x1x128xi32, #tpu.memory_space<vmem>> -> memref<128xi32, #tpu.memory_space<vmem>>
      %dma_wait3A_970 = arith.constant 0 : i32
      %dma_wait3A_971 = arith.constant 0 : i32
      %dma_wait3A_972 = tpu.memref_slice %arg2[%dma_wait3A_970, %dma_wait3A_971] : memref<100096x8xf32, #tpu.memory_space<hbm>> -> memref<100096x8xf32, #tpu.memory_space<hbm>>
      tpu.wait_indirect_dma semaphore(%arg14 : memref<!tpu.dma_semaphore, #tpu.memory_space<semaphore_mem>>) src(%dma_wait3A_972 : memref<100096x8xf32, #tpu.memory_space<hbm>>) dst(%arg12 : memref<128x8xf32, #tpu.memory_space<vmem>>)
      %dma_start3A_973 = arith.constant 1 : i32
      %dma_start3A_974 = arith.constant 4 : i32
      %dma_start3A_975 = arith.constant 0 : i32
      %dma_start3A_976 = tpu.memref_slice %arg11[%dma_start3A_973, %dma_start3A_974, %dma_start3A_975] : memref<2x8x128xi32, #tpu.memory_space<vmem>> -> memref<1x1x128xi32, #tpu.memory_space<vmem>>
      %dma_start3A_977 = tpu.memref_squeeze %dma_start3A_976 : memref<1x1x128xi32, #tpu.memory_space<vmem>> -> memref<128xi32, #tpu.memory_space<vmem>>
      %dma_start3A_978 = arith.constant 0 : i32
      %dma_start3A_979 = arith.constant 0 : i32
      %dma_start3A_980 = tpu.memref_slice %arg10[%dma_start3A_978, %dma_start3A_979] : memref<100096x8xf32, #tpu.memory_space<vmem_shared>> -> memref<100096x8xf32, #tpu.memory_space<vmem_shared>>
      tpu.enqueue_indirect_dma source(%arg12 : memref<128x8xf32, #tpu.memory_space<vmem>>) target(%dma_start3A_980 : memref<100096x8xf32, #tpu.memory_space<vmem_shared>>) offsets(%dma_start3A_977 : memref<128xi32, #tpu.memory_space<vmem>>) semaphore(%arg16 : memref<!tpu.dma_semaphore, #tpu.memory_space<semaphore_mem>>) {add = true}
      %dma_wait3A_981 = arith.constant 1 : i32
      %dma_wait3A_982 = arith.constant 3 : i32
      %dma_wait3A_983 = arith.constant 0 : i32
      %dma_wait3A_984 = tpu.memref_slice %arg11[%dma_wait3A_981, %dma_wait3A_982, %dma_wait3A_983] : memref<2x8x128xi32, #tpu.memory_space<vmem>> -> memref<1x1x128xi32, #tpu.memory_space<vmem>>
      %dma_wait3A_985 = tpu.memref_squeeze %dma_wait3A_984 : memref<1x1x128xi32, #tpu.memory_space<vmem>> -> memref<128xi32, #tpu.memory_space<vmem>>
      %dma_wait3A_986 = arith.constant 0 : i32
      %dma_wait3A_987 = arith.constant 0 : i32
      %dma_wait3A_988 = tpu.memref_slice %arg10[%dma_wait3A_986, %dma_wait3A_987] : memref<100096x8xf32, #tpu.memory_space<vmem_shared>> -> memref<100096x8xf32, #tpu.memory_space<vmem_shared>>
      tpu.wait_indirect_dma semaphore(%arg17 : memref<!tpu.dma_semaphore, #tpu.memory_space<semaphore_mem>>) src(%arg13 : memref<128x8xf32, #tpu.memory_space<vmem>>) dst(%dma_wait3A_988 : memref<100096x8xf32, #tpu.memory_space<vmem_shared>>)
      %dma_start3A_989 = arith.constant 0 : i32
      %dma_start3A_990 = arith.constant 5 : i32
      %dma_start3A_991 = arith.constant 0 : i32
      %dma_start3A_992 = tpu.memref_slice %arg11[%dma_start3A_989, %dma_start3A_990, %dma_start3A_991] : memref<2x8x128xi32, #tpu.memory_space<vmem>> -> memref<1x1x128xi32, #tpu.memory_space<vmem>>
      %dma_start3A_993 = tpu.memref_squeeze %dma_start3A_992 : memref<1x1x128xi32, #tpu.memory_space<vmem>> -> memref<128xi32, #tpu.memory_space<vmem>>
      %dma_start3A_994 = arith.constant 0 : i32
      %dma_start3A_995 = arith.constant 0 : i32
      %dma_start3A_996 = tpu.memref_slice %arg2[%dma_start3A_994, %dma_start3A_995] : memref<100096x8xf32, #tpu.memory_space<hbm>> -> memref<100096x8xf32, #tpu.memory_space<hbm>>
      tpu.enqueue_indirect_dma source(%dma_start3A_996 : memref<100096x8xf32, #tpu.memory_space<hbm>>) target(%arg13 : memref<128x8xf32, #tpu.memory_space<vmem>>) offsets(%dma_start3A_993 : memref<128xi32, #tpu.memory_space<vmem>>) semaphore(%arg15 : memref<!tpu.dma_semaphore, #tpu.memory_space<semaphore_mem>>)
      %dma_wait3A_997 = arith.constant 0 : i32
      %dma_wait3A_998 = arith.constant 5 : i32
      %dma_wait3A_999 = arith.constant 0 : i32
      %dma_wait3A_1000 = tpu.memref_slice %arg11[%dma_wait3A_997, %dma_wait3A_998, %dma_wait3A_999] : memref<2x8x128xi32, #tpu.memory_space<vmem>> -> memref<1x1x128xi32, #tpu.memory_space<vmem>>
      %dma_wait3A_1001 = tpu.memref_squeeze %dma_wait3A_1000 : memref<1x1x128xi32, #tpu.memory_space<vmem>> -> memref<128xi32, #tpu.memory_space<vmem>>
      %dma_wait3A_1002 = arith.constant 0 : i32
      %dma_wait3A_1003 = arith.constant 0 : i32
      %dma_wait3A_1004 = tpu.memref_slice %arg2[%dma_wait3A_1002, %dma_wait3A_1003] : memref<100096x8xf32, #tpu.memory_space<hbm>> -> memref<100096x8xf32, #tpu.memory_space<hbm>>
      tpu.wait_indirect_dma semaphore(%arg15 : memref<!tpu.dma_semaphore, #tpu.memory_space<semaphore_mem>>) src(%dma_wait3A_1004 : memref<100096x8xf32, #tpu.memory_space<hbm>>) dst(%arg13 : memref<128x8xf32, #tpu.memory_space<vmem>>)
      %dma_start3A_1005 = arith.constant 1 : i32
      %dma_start3A_1006 = arith.constant 5 : i32
      %dma_start3A_1007 = arith.constant 0 : i32
      %dma_start3A_1008 = tpu.memref_slice %arg11[%dma_start3A_1005, %dma_start3A_1006, %dma_start3A_1007] : memref<2x8x128xi32, #tpu.memory_space<vmem>> -> memref<1x1x128xi32, #tpu.memory_space<vmem>>
      %dma_start3A_1009 = tpu.memref_squeeze %dma_start3A_1008 : memref<1x1x128xi32, #tpu.memory_space<vmem>> -> memref<128xi32, #tpu.memory_space<vmem>>
      %dma_start3A_1010 = arith.constant 0 : i32
      %dma_start3A_1011 = arith.constant 0 : i32
      %dma_start3A_1012 = tpu.memref_slice %arg10[%dma_start3A_1010, %dma_start3A_1011] : memref<100096x8xf32, #tpu.memory_space<vmem_shared>> -> memref<100096x8xf32, #tpu.memory_space<vmem_shared>>
      tpu.enqueue_indirect_dma source(%arg13 : memref<128x8xf32, #tpu.memory_space<vmem>>) target(%dma_start3A_1012 : memref<100096x8xf32, #tpu.memory_space<vmem_shared>>) offsets(%dma_start3A_1009 : memref<128xi32, #tpu.memory_space<vmem>>) semaphore(%arg17 : memref<!tpu.dma_semaphore, #tpu.memory_space<semaphore_mem>>) {add = true}
      %dma_wait3A_1013 = arith.constant 1 : i32
      %dma_wait3A_1014 = arith.constant 4 : i32
      %dma_wait3A_1015 = arith.constant 0 : i32
      %dma_wait3A_1016 = tpu.memref_slice %arg11[%dma_wait3A_1013, %dma_wait3A_1014, %dma_wait3A_1015] : memref<2x8x128xi32, #tpu.memory_space<vmem>> -> memref<1x1x128xi32, #tpu.memory_space<vmem>>
      %dma_wait3A_1017 = tpu.memref_squeeze %dma_wait3A_1016 : memref<1x1x128xi32, #tpu.memory_space<vmem>> -> memref<128xi32, #tpu.memory_space<vmem>>
      %dma_wait3A_1018 = arith.constant 0 : i32
      %dma_wait3A_1019 = arith.constant 0 : i32
      %dma_wait3A_1020 = tpu.memref_slice %arg10[%dma_wait3A_1018, %dma_wait3A_1019] : memref<100096x8xf32, #tpu.memory_space<vmem_shared>> -> memref<100096x8xf32, #tpu.memory_space<vmem_shared>>
      tpu.wait_indirect_dma semaphore(%arg16 : memref<!tpu.dma_semaphore, #tpu.memory_space<semaphore_mem>>) src(%arg12 : memref<128x8xf32, #tpu.memory_space<vmem>>) dst(%dma_wait3A_1020 : memref<100096x8xf32, #tpu.memory_space<vmem_shared>>)
      %dma_start3A_1021 = arith.constant 0 : i32
      %dma_start3A_1022 = arith.constant 6 : i32
      %dma_start3A_1023 = arith.constant 0 : i32
      %dma_start3A_1024 = tpu.memref_slice %arg11[%dma_start3A_1021, %dma_start3A_1022, %dma_start3A_1023] : memref<2x8x128xi32, #tpu.memory_space<vmem>> -> memref<1x1x128xi32, #tpu.memory_space<vmem>>
      %dma_start3A_1025 = tpu.memref_squeeze %dma_start3A_1024 : memref<1x1x128xi32, #tpu.memory_space<vmem>> -> memref<128xi32, #tpu.memory_space<vmem>>
      %dma_start3A_1026 = arith.constant 0 : i32
      %dma_start3A_1027 = arith.constant 0 : i32
      %dma_start3A_1028 = tpu.memref_slice %arg2[%dma_start3A_1026, %dma_start3A_1027] : memref<100096x8xf32, #tpu.memory_space<hbm>> -> memref<100096x8xf32, #tpu.memory_space<hbm>>
      tpu.enqueue_indirect_dma source(%dma_start3A_1028 : memref<100096x8xf32, #tpu.memory_space<hbm>>) target(%arg12 : memref<128x8xf32, #tpu.memory_space<vmem>>) offsets(%dma_start3A_1025 : memref<128xi32, #tpu.memory_space<vmem>>) semaphore(%arg14 : memref<!tpu.dma_semaphore, #tpu.memory_space<semaphore_mem>>)
      %dma_wait3A_1029 = arith.constant 0 : i32
      %dma_wait3A_1030 = arith.constant 6 : i32
      %dma_wait3A_1031 = arith.constant 0 : i32
      %dma_wait3A_1032 = tpu.memref_slice %arg11[%dma_wait3A_1029, %dma_wait3A_1030, %dma_wait3A_1031] : memref<2x8x128xi32, #tpu.memory_space<vmem>> -> memref<1x1x128xi32, #tpu.memory_space<vmem>>
      %dma_wait3A_1033 = tpu.memref_squeeze %dma_wait3A_1032 : memref<1x1x128xi32, #tpu.memory_space<vmem>> -> memref<128xi32, #tpu.memory_space<vmem>>
      %dma_wait3A_1034 = arith.constant 0 : i32
      %dma_wait3A_1035 = arith.constant 0 : i32
      %dma_wait3A_1036 = tpu.memref_slice %arg2[%dma_wait3A_1034, %dma_wait3A_1035] : memref<100096x8xf32, #tpu.memory_space<hbm>> -> memref<100096x8xf32, #tpu.memory_space<hbm>>
      tpu.wait_indirect_dma semaphore(%arg14 : memref<!tpu.dma_semaphore, #tpu.memory_space<semaphore_mem>>) src(%dma_wait3A_1036 : memref<100096x8xf32, #tpu.memory_space<hbm>>) dst(%arg12 : memref<128x8xf32, #tpu.memory_space<vmem>>)
      %dma_start3A_1037 = arith.constant 1 : i32
      %dma_start3A_1038 = arith.constant 6 : i32
      %dma_start3A_1039 = arith.constant 0 : i32
      %dma_start3A_1040 = tpu.memref_slice %arg11[%dma_start3A_1037, %dma_start3A_1038, %dma_start3A_1039] : memref<2x8x128xi32, #tpu.memory_space<vmem>> -> memref<1x1x128xi32, #tpu.memory_space<vmem>>
      %dma_start3A_1041 = tpu.memref_squeeze %dma_start3A_1040 : memref<1x1x128xi32, #tpu.memory_space<vmem>> -> memref<128xi32, #tpu.memory_space<vmem>>
      %dma_start3A_1042 = arith.constant 0 : i32
      %dma_start3A_1043 = arith.constant 0 : i32
      %dma_start3A_1044 = tpu.memref_slice %arg10[%dma_start3A_1042, %dma_start3A_1043] : memref<100096x8xf32, #tpu.memory_space<vmem_shared>> -> memref<100096x8xf32, #tpu.memory_space<vmem_shared>>
      tpu.enqueue_indirect_dma source(%arg12 : memref<128x8xf32, #tpu.memory_space<vmem>>) target(%dma_start3A_1044 : memref<100096x8xf32, #tpu.memory_space<vmem_shared>>) offsets(%dma_start3A_1041 : memref<128xi32, #tpu.memory_space<vmem>>) semaphore(%arg16 : memref<!tpu.dma_semaphore, #tpu.memory_space<semaphore_mem>>) {add = true}
      %dma_wait3A_1045 = arith.constant 1 : i32
      %dma_wait3A_1046 = arith.constant 5 : i32
      %dma_wait3A_1047 = arith.constant 0 : i32
      %dma_wait3A_1048 = tpu.memref_slice %arg11[%dma_wait3A_1045, %dma_wait3A_1046, %dma_wait3A_1047] : memref<2x8x128xi32, #tpu.memory_space<vmem>> -> memref<1x1x128xi32, #tpu.memory_space<vmem>>
      %dma_wait3A_1049 = tpu.memref_squeeze %dma_wait3A_1048 : memref<1x1x128xi32, #tpu.memory_space<vmem>> -> memref<128xi32, #tpu.memory_space<vmem>>
      %dma_wait3A_1050 = arith.constant 0 : i32
      %dma_wait3A_1051 = arith.constant 0 : i32
      %dma_wait3A_1052 = tpu.memref_slice %arg10[%dma_wait3A_1050, %dma_wait3A_1051] : memref<100096x8xf32, #tpu.memory_space<vmem_shared>> -> memref<100096x8xf32, #tpu.memory_space<vmem_shared>>
      tpu.wait_indirect_dma semaphore(%arg17 : memref<!tpu.dma_semaphore, #tpu.memory_space<semaphore_mem>>) src(%arg13 : memref<128x8xf32, #tpu.memory_space<vmem>>) dst(%dma_wait3A_1052 : memref<100096x8xf32, #tpu.memory_space<vmem_shared>>)
      %dma_start3A_1053 = arith.constant 0 : i32
      %dma_start3A_1054 = arith.constant 7 : i32
      %dma_start3A_1055 = arith.constant 0 : i32
      %dma_start3A_1056 = tpu.memref_slice %arg11[%dma_start3A_1053, %dma_start3A_1054, %dma_start3A_1055] : memref<2x8x128xi32, #tpu.memory_space<vmem>> -> memref<1x1x128xi32, #tpu.memory_space<vmem>>
      %dma_start3A_1057 = tpu.memref_squeeze %dma_start3A_1056 : memref<1x1x128xi32, #tpu.memory_space<vmem>> -> memref<128xi32, #tpu.memory_space<vmem>>
      %dma_start3A_1058 = arith.constant 0 : i32
      %dma_start3A_1059 = arith.constant 0 : i32
      %dma_start3A_1060 = tpu.memref_slice %arg2[%dma_start3A_1058, %dma_start3A_1059] : memref<100096x8xf32, #tpu.memory_space<hbm>> -> memref<100096x8xf32, #tpu.memory_space<hbm>>
      tpu.enqueue_indirect_dma source(%dma_start3A_1060 : memref<100096x8xf32, #tpu.memory_space<hbm>>) target(%arg13 : memref<128x8xf32, #tpu.memory_space<vmem>>) offsets(%dma_start3A_1057 : memref<128xi32, #tpu.memory_space<vmem>>) semaphore(%arg15 : memref<!tpu.dma_semaphore, #tpu.memory_space<semaphore_mem>>)
      %dma_wait3A_1061 = arith.constant 0 : i32
      %dma_wait3A_1062 = arith.constant 7 : i32
      %dma_wait3A_1063 = arith.constant 0 : i32
      %dma_wait3A_1064 = tpu.memref_slice %arg11[%dma_wait3A_1061, %dma_wait3A_1062, %dma_wait3A_1063] : memref<2x8x128xi32, #tpu.memory_space<vmem>> -> memref<1x1x128xi32, #tpu.memory_space<vmem>>
      %dma_wait3A_1065 = tpu.memref_squeeze %dma_wait3A_1064 : memref<1x1x128xi32, #tpu.memory_space<vmem>> -> memref<128xi32, #tpu.memory_space<vmem>>
      %dma_wait3A_1066 = arith.constant 0 : i32
      %dma_wait3A_1067 = arith.constant 0 : i32
      %dma_wait3A_1068 = tpu.memref_slice %arg2[%dma_wait3A_1066, %dma_wait3A_1067] : memref<100096x8xf32, #tpu.memory_space<hbm>> -> memref<100096x8xf32, #tpu.memory_space<hbm>>
      tpu.wait_indirect_dma semaphore(%arg15 : memref<!tpu.dma_semaphore, #tpu.memory_space<semaphore_mem>>) src(%dma_wait3A_1068 : memref<100096x8xf32, #tpu.memory_space<hbm>>) dst(%arg13 : memref<128x8xf32, #tpu.memory_space<vmem>>)
      %dma_start3A_1069 = arith.constant 1 : i32
      %dma_start3A_1070 = arith.constant 7 : i32
      %dma_start3A_1071 = arith.constant 0 : i32
      %dma_start3A_1072 = tpu.memref_slice %arg11[%dma_start3A_1069, %dma_start3A_1070, %dma_start3A_1071] : memref<2x8x128xi32, #tpu.memory_space<vmem>> -> memref<1x1x128xi32, #tpu.memory_space<vmem>>
      %dma_start3A_1073 = tpu.memref_squeeze %dma_start3A_1072 : memref<1x1x128xi32, #tpu.memory_space<vmem>> -> memref<128xi32, #tpu.memory_space<vmem>>
      %dma_start3A_1074 = arith.constant 0 : i32
      %dma_start3A_1075 = arith.constant 0 : i32
      %dma_start3A_1076 = tpu.memref_slice %arg10[%dma_start3A_1074, %dma_start3A_1075] : memref<100096x8xf32, #tpu.memory_space<vmem_shared>> -> memref<100096x8xf32, #tpu.memory_space<vmem_shared>>
      tpu.enqueue_indirect_dma source(%arg13 : memref<128x8xf32, #tpu.memory_space<vmem>>) target(%dma_start3A_1076 : memref<100096x8xf32, #tpu.memory_space<vmem_shared>>) offsets(%dma_start3A_1073 : memref<128xi32, #tpu.memory_space<vmem>>) semaphore(%arg17 : memref<!tpu.dma_semaphore, #tpu.memory_space<semaphore_mem>>) {add = true}
      %dma_wait3A_1077 = arith.constant 1 : i32
      %dma_wait3A_1078 = arith.constant 6 : i32
      %dma_wait3A_1079 = arith.constant 0 : i32
      %dma_wait3A_1080 = tpu.memref_slice %arg11[%dma_wait3A_1077, %dma_wait3A_1078, %dma_wait3A_1079] : memref<2x8x128xi32, #tpu.memory_space<vmem>> -> memref<1x1x128xi32, #tpu.memory_space<vmem>>
      %dma_wait3A_1081 = tpu.memref_squeeze %dma_wait3A_1080 : memref<1x1x128xi32, #tpu.memory_space<vmem>> -> memref<128xi32, #tpu.memory_space<vmem>>
      %dma_wait3A_1082 = arith.constant 0 : i32
      %dma_wait3A_1083 = arith.constant 0 : i32
      %dma_wait3A_1084 = tpu.memref_slice %arg10[%dma_wait3A_1082, %dma_wait3A_1083] : memref<100096x8xf32, #tpu.memory_space<vmem_shared>> -> memref<100096x8xf32, #tpu.memory_space<vmem_shared>>
      tpu.wait_indirect_dma semaphore(%arg16 : memref<!tpu.dma_semaphore, #tpu.memory_space<semaphore_mem>>) src(%arg12 : memref<128x8xf32, #tpu.memory_space<vmem>>) dst(%dma_wait3A_1084 : memref<100096x8xf32, #tpu.memory_space<vmem_shared>>)
      %dma_wait3A_1085 = arith.constant 1 : i32
      %dma_wait3A_1086 = arith.constant 7 : i32
      %dma_wait3A_1087 = arith.constant 0 : i32
      %dma_wait3A_1088 = tpu.memref_slice %arg11[%dma_wait3A_1085, %dma_wait3A_1086, %dma_wait3A_1087] : memref<2x8x128xi32, #tpu.memory_space<vmem>> -> memref<1x1x128xi32, #tpu.memory_space<vmem>>
      %dma_wait3A_1089 = tpu.memref_squeeze %dma_wait3A_1088 : memref<1x1x128xi32, #tpu.memory_space<vmem>> -> memref<128xi32, #tpu.memory_space<vmem>>
      %dma_wait3A_1090 = arith.constant 0 : i32
      %dma_wait3A_1091 = arith.constant 0 : i32
      %dma_wait3A_1092 = tpu.memref_slice %arg10[%dma_wait3A_1090, %dma_wait3A_1091] : memref<100096x8xf32, #tpu.memory_space<vmem_shared>> -> memref<100096x8xf32, #tpu.memory_space<vmem_shared>>
      tpu.wait_indirect_dma semaphore(%arg17 : memref<!tpu.dma_semaphore, #tpu.memory_space<semaphore_mem>>) src(%arg13 : memref<128x8xf32, #tpu.memory_space<vmem>>) dst(%dma_wait3A_1092 : memref<100096x8xf32, #tpu.memory_space<vmem_shared>>)
    }
    %barrier3A_16 = arith.constant 0 : index
    tpu.barrier barrier_id(%barrier3A_16)
    %mul3A_17 = arith.constant 2 : i32
    %mul3A_18 = arith.muli %arg1, %mul3A_17 : i32
    %add3A_19 = arith.constant 0 : i32
    %add3A_20 = arith.addi %mul3A_18, %add3A_19 : i32
    %mul3A_21 = arith.constant 8 : i32
    %mul3A_22 = arith.muli %add3A_20, %mul3A_21 : i32
    %run_scoped3A = arith.constant 0 : i32
    "tpu.region"() ({
      %run_scoped3A_834 = tpu.sem_alloc : memref<!tpu.dma_semaphore, #tpu.memory_space<semaphore_mem>>
      %dma_start3A_835 = arith.constant 0 : i32
      %dma_start3A_836 = arith.constant 0 : i32
      %dma_start3A_837 = tpu.memref_slice %arg11[%run_scoped3A, %dma_start3A_835, %dma_start3A_836] : memref<2x8x128xi32, #tpu.memory_space<vmem>> -> memref<1x8x128xi32, #tpu.memory_space<vmem>>
      %dma_start3A_838 = tpu.memref_squeeze %dma_start3A_837 : memref<1x8x128xi32, #tpu.memory_space<vmem>> -> memref<8x128xi32, #tpu.memory_space<vmem>>
      %dma_start3A_839 = arith.constant 0 : i32
      %dma_start3A_840 = tpu.memref_slice %arg4[%mul3A_22, %dma_start3A_839] : memref<256x128xi32, #tpu.memory_space<hbm>> -> memref<8x128xi32, #tpu.memory_space<hbm>>
      %dma_start3A_841 = arith.constant 0 : i32
      %dma_start3A_842 = arith.constant 0 : i32
      %dma_start3A_843 = tpu.memref_slice %arg11[%run_scoped3A, %dma_start3A_841, %dma_start3A_842] : memref<2x8x128xi32, #tpu.memory_space<vmem>> -> memref<1x8x128xi32, #tpu.memory_space<vmem>>
      %dma_start3A_844 = tpu.memref_squeeze %dma_start3A_843 : memref<1x8x128xi32, #tpu.memory_space<vmem>> -> memref<8x128xi32, #tpu.memory_space<vmem>>
      %dma_start3A_845 = arith.constant 0 : i32
      %dma_start3A_846 = tpu.memref_slice %arg4[%mul3A_22, %dma_start3A_845] : memref<256x128xi32, #tpu.memory_space<hbm>> -> memref<8x128xi32, #tpu.memory_space<hbm>>
      tpu.enqueue_dma source(%dma_start3A_846 : memref<8x128xi32, #tpu.memory_space<hbm>>) target(%dma_start3A_844 : memref<8x128xi32, #tpu.memory_space<vmem>>) target_semaphore(%run_scoped3A_834 : memref<!tpu.dma_semaphore, #tpu.memory_space<semaphore_mem>>)
      %dma_wait3A_847 = arith.constant 0 : i32
      %dma_wait3A_848 = arith.constant 0 : i32
      %dma_wait3A_849 = tpu.memref_slice %arg11[%run_scoped3A, %dma_wait3A_847, %dma_wait3A_848] : memref<2x8x128xi32, #tpu.memory_space<vmem>> -> memref<1x8x128xi32, #tpu.memory_space<vmem>>
      %dma_wait3A_850 = tpu.memref_squeeze %dma_wait3A_849 : memref<1x8x128xi32, #tpu.memory_space<vmem>> -> memref<8x128xi32, #tpu.memory_space<vmem>>
      %dma_wait3A_851 = arith.constant 0 : i32
      %dma_wait3A_852 = tpu.memref_slice %arg4[%mul3A_22, %dma_wait3A_851] : memref<256x128xi32, #tpu.memory_space<hbm>> -> memref<8x128xi32, #tpu.memory_space<hbm>>
      %dma_wait3A_853 = arith.constant 0 : i32
      %dma_wait3A_854 = arith.constant 0 : i32
      %dma_wait3A_855 = tpu.memref_slice %arg11[%run_scoped3A, %dma_wait3A_853, %dma_wait3A_854] : memref<2x8x128xi32, #tpu.memory_space<vmem>> -> memref<1x8x128xi32, #tpu.memory_space<vmem>>
      %dma_wait3A_856 = tpu.memref_squeeze %dma_wait3A_855 : memref<1x8x128xi32, #tpu.memory_space<vmem>> -> memref<8x128xi32, #tpu.memory_space<vmem>>
      %dma_wait3A_857 = arith.constant 0 : i32
      %dma_wait3A_858 = tpu.memref_slice %arg4[%mul3A_22, %dma_wait3A_857] : memref<256x128xi32, #tpu.memory_space<hbm>> -> memref<8x128xi32, #tpu.memory_space<hbm>>
      tpu.wait_dma2 semaphore(%run_scoped3A_834 : memref<!tpu.dma_semaphore, #tpu.memory_space<semaphore_mem>>) src(%dma_wait3A_858 : memref<8x128xi32, #tpu.memory_space<hbm>>) dst(%dma_wait3A_856 : memref<8x128xi32, #tpu.memory_space<vmem>>)
      tpu.yield
    }) : () -> ()
    %mul3A_23 = arith.constant 8 : i32
    %mul3A_24 = arith.muli %add3A_20, %mul3A_23 : i32
    %add3A_25 = arith.constant 0 : i32
    %add3A_26 = arith.addi %mul3A_24, %add3A_25 : i32
    %mul3A_27 = arith.constant 128 : i32
    %mul3A_28 = arith.muli %add3A_26, %mul3A_27 : i32
    %dma_start3A = arith.constant 0 : i32
    %dma_start3A_29 = arith.constant 0 : i32
    %dma_start3A_30 = arith.constant 0 : i32
    %dma_start3A_31 = tpu.memref_slice %arg11[%dma_start3A, %dma_start3A_29, %dma_start3A_30] : memref<2x8x128xi32, #tpu.memory_space<vmem>> -> memref<1x1x128xi32, #tpu.memory_space<vmem>>
    %dma_start3A_32 = tpu.memref_squeeze %dma_start3A_31 : memref<1x1x128xi32, #tpu.memory_space<vmem>> -> memref<128xi32, #tpu.memory_space<vmem>>
    %dma_start3A_33 = arith.constant 0 : i32
    %dma_start3A_34 = arith.constant 0 : i32
    %dma_start3A_35 = tpu.memref_slice %arg10[%dma_start3A_33, %dma_start3A_34] : memref<100096x8xf32, #tpu.memory_space<vmem_shared>> -> memref<100096x8xf32, #tpu.memory_space<vmem_shared>>
    tpu.enqueue_indirect_dma source(%dma_start3A_35 : memref<100096x8xf32, #tpu.memory_space<vmem_shared>>) target(%arg12 : memref<128x8xf32, #tpu.memory_space<vmem>>) offsets(%dma_start3A_32 : memref<128xi32, #tpu.memory_space<vmem>>) semaphore(%arg14 : memref<!tpu.dma_semaphore, #tpu.memory_space<semaphore_mem>>)
    %dma_wait3A = arith.constant 0 : i32
    %dma_wait3A_36 = arith.constant 0 : i32
    %dma_wait3A_37 = arith.constant 0 : i32
    %dma_wait3A_38 = tpu.memref_slice %arg11[%dma_wait3A, %dma_wait3A_36, %dma_wait3A_37] : memref<2x8x128xi32, #tpu.memory_space<vmem>> -> memref<1x1x128xi32, #tpu.memory_space<vmem>>
    %dma_wait3A_39 = tpu.memref_squeeze %dma_wait3A_38 : memref<1x1x128xi32, #tpu.memory_space<vmem>> -> memref<128xi32, #tpu.memory_space<vmem>>
    %dma_wait3A_40 = arith.constant 0 : i32
    %dma_wait3A_41 = arith.constant 0 : i32
    %dma_wait3A_42 = tpu.memref_slice %arg10[%dma_wait3A_40, %dma_wait3A_41] : memref<100096x8xf32, #tpu.memory_space<vmem_shared>> -> memref<100096x8xf32, #tpu.memory_space<vmem_shared>>
    tpu.wait_indirect_dma semaphore(%arg14 : memref<!tpu.dma_semaphore, #tpu.memory_space<semaphore_mem>>) src(%dma_wait3A_42 : memref<100096x8xf32, #tpu.memory_space<vmem_shared>>) dst(%arg12 : memref<128x8xf32, #tpu.memory_space<vmem>>)
    "tpu.region"() ({
      %run_scoped3A_834 = tpu.sem_alloc : memref<!tpu.dma_semaphore, #tpu.memory_space<semaphore_mem>>
      %dma_start3A_835 = arith.constant 0 : i32
      %dma_start3A_836 = tpu.memref_slice %arg7[%arg0, %mul3A_28, %dma_start3A_835] : memref<2x32768x8xf32, #tpu.memory_space<hbm>> -> memref<1x128x8xf32, #tpu.memory_space<hbm>>
      %dma_start3A_837 = tpu.memref_squeeze %dma_start3A_836 : memref<1x128x8xf32, #tpu.memory_space<hbm>> -> memref<128x8xf32, #tpu.memory_space<hbm>>
      %dma_start3A_838 = arith.constant 0 : i32
      %dma_start3A_839 = tpu.memref_slice %arg7[%arg0, %mul3A_28, %dma_start3A_838] : memref<2x32768x8xf32, #tpu.memory_space<hbm>> -> memref<1x128x8xf32, #tpu.memory_space<hbm>>
      %dma_start3A_840 = tpu.memref_squeeze %dma_start3A_839 : memref<1x128x8xf32, #tpu.memory_space<hbm>> -> memref<128x8xf32, #tpu.memory_space<hbm>>
      tpu.enqueue_dma source(%arg12 : memref<128x8xf32, #tpu.memory_space<vmem>>) target(%dma_start3A_840 : memref<128x8xf32, #tpu.memory_space<hbm>>) target_semaphore(%run_scoped3A_834 : memref<!tpu.dma_semaphore, #tpu.memory_space<semaphore_mem>>)
      %dma_wait3A_841 = arith.constant 0 : i32
      %dma_wait3A_842 = tpu.memref_slice %arg7[%arg0, %mul3A_28, %dma_wait3A_841] : memref<2x32768x8xf32, #tpu.memory_space<hbm>> -> memref<1x128x8xf32, #tpu.memory_space<hbm>>
      %dma_wait3A_843 = tpu.memref_squeeze %dma_wait3A_842 : memref<1x128x8xf32, #tpu.memory_space<hbm>> -> memref<128x8xf32, #tpu.memory_space<hbm>>
      %dma_wait3A_844 = arith.constant 0 : i32
      %dma_wait3A_845 = tpu.memref_slice %arg7[%arg0, %mul3A_28, %dma_wait3A_844] : memref<2x32768x8xf32, #tpu.memory_space<hbm>> -> memref<1x128x8xf32, #tpu.memory_space<hbm>>
      %dma_wait3A_846 = tpu.memref_squeeze %dma_wait3A_845 : memref<1x128x8xf32, #tpu.memory_space<hbm>> -> memref<128x8xf32, #tpu.memory_space<hbm>>
      tpu.wait_dma2 semaphore(%run_scoped3A_834 : memref<!tpu.dma_semaphore, #tpu.memory_space<semaphore_mem>>) src(%arg12 : memref<128x8xf32, #tpu.memory_space<vmem>>) dst(%dma_wait3A_846 : memref<128x8xf32, #tpu.memory_space<hbm>>)
      tpu.yield
    }) : () -> ()
    %eq3A = arith.constant 0 : i32
    %eq3A_43 = arith.cmpi eq, %arg0, %eq3A : i32
    %convert_element_type3A = arith.extui %eq3A_43 : i1 to i32
    %cond3A = arith.constant 0 : i32
    %cond3A_44 = arith.cmpi ne, %convert_element_type3A, %cond3A : i32
    scf.if %cond3A_44 {
      %dma_start3A_834 = arith.constant 0 : i32
      %dma_start3A_835 = arith.constant 0 : i32
      %dma_start3A_836 = arith.constant 0 : i32
      %dma_start3A_837 = tpu.memref_slice %arg11[%dma_start3A_834, %dma_start3A_835, %dma_start3A_836] : memref<2x8x128xi32, #tpu.memory_space<vmem>> -> memref<1x1x128xi32, #tpu.memory_space<vmem>>
      %dma_start3A_838 = tpu.memref_squeeze %dma_start3A_837 : memref<1x1x128xi32, #tpu.memory_space<vmem>> -> memref<128xi32, #tpu.memory_space<vmem>>
      %dma_start3A_839 = arith.constant 0 : i32
      %dma_start3A_840 = arith.constant 0 : i32
      %dma_start3A_841 = tpu.memref_slice %arg2[%dma_start3A_839, %dma_start3A_840] : memref<100096x8xf32, #tpu.memory_space<hbm>> -> memref<100096x8xf32, #tpu.memory_space<hbm>>
      tpu.enqueue_indirect_dma source(%dma_start3A_841 : memref<100096x8xf32, #tpu.memory_space<hbm>>) target(%arg13 : memref<128x8xf32, #tpu.memory_space<vmem>>) offsets(%dma_start3A_838 : memref<128xi32, #tpu.memory_space<vmem>>) semaphore(%arg15 : memref<!tpu.dma_semaphore, #tpu.memory_space<semaphore_mem>>)
      %dma_wait3A_842 = arith.constant 0 : i32
      %dma_wait3A_843 = arith.constant 0 : i32
      %dma_wait3A_844 = arith.constant 0 : i32
      %dma_wait3A_845 = tpu.memref_slice %arg11[%dma_wait3A_842, %dma_wait3A_843, %dma_wait3A_844] : memref<2x8x128xi32, #tpu.memory_space<vmem>> -> memref<1x1x128xi32, #tpu.memory_space<vmem>>
      %dma_wait3A_846 = tpu.memref_squeeze %dma_wait3A_845 : memref<1x1x128xi32, #tpu.memory_space<vmem>> -> memref<128xi32, #tpu.memory_space<vmem>>
      %dma_wait3A_847 = arith.constant 0 : i32
      %dma_wait3A_848 = arith.constant 0 : i32
      %dma_wait3A_849 = tpu.memref_slice %arg2[%dma_wait3A_847, %dma_wait3A_848] : memref<100096x8xf32, #tpu.memory_space<hbm>> -> memref<100096x8xf32, #tpu.memory_space<hbm>>
      tpu.wait_indirect_dma semaphore(%arg15 : memref<!tpu.dma_semaphore, #tpu.memory_space<semaphore_mem>>) src(%dma_wait3A_849 : memref<100096x8xf32, #tpu.memory_space<hbm>>) dst(%arg13 : memref<128x8xf32, #tpu.memory_space<vmem>>)
      "tpu.region"() ({
        %run_scoped3A_850 = tpu.sem_alloc : memref<!tpu.dma_semaphore, #tpu.memory_space<semaphore_mem>>
        %dma_start3A_851 = arith.constant 0 : i32
        %dma_start3A_852 = tpu.memref_slice %arg9[%mul3A_28, %dma_start3A_851] : memref<32768x8xf32, #tpu.memory_space<hbm>> -> memref<128x8xf32, #tpu.memory_space<hbm>>
        %dma_start3A_853 = arith.constant 0 : i32
        %dma_start3A_854 = tpu.memref_slice %arg9[%mul3A_28, %dma_start3A_853] : memref<32768x8xf32, #tpu.memory_space<hbm>> -> memref<128x8xf32, #tpu.memory_space<hbm>>
        tpu.enqueue_dma source(%arg13 : memref<128x8xf32, #tpu.memory_space<vmem>>) target(%dma_start3A_854 : memref<128x8xf32, #tpu.memory_space<hbm>>) target_semaphore(%run_scoped3A_850 : memref<!tpu.dma_semaphore, #tpu.memory_space<semaphore_mem>>)
        %dma_wait3A_855 = arith.constant 0 : i32
        %dma_wait3A_856 = tpu.memref_slice %arg9[%mul3A_28, %dma_wait3A_855] : memref<32768x8xf32, #tpu.memory_space<hbm>> -> memref<128x8xf32, #tpu.memory_space<hbm>>
        %dma_wait3A_857 = arith.constant 0 : i32
        %dma_wait3A_858 = tpu.memref_slice %arg9[%mul3A_28, %dma_wait3A_857] : memref<32768x8xf32, #tpu.memory_space<hbm>> -> memref<128x8xf32, #tpu.memory_space<hbm>>
        tpu.wait_dma2 semaphore(%run_scoped3A_850 : memref<!tpu.dma_semaphore, #tpu.memory_space<semaphore_mem>>) src(%arg13 : memref<128x8xf32, #tpu.memory_space<vmem>>) dst(%dma_wait3A_858 : memref<128x8xf32, #tpu.memory_space<hbm>>)
        tpu.yield
      }) : () -> ()
    } else {
    }
    %mul3A_45 = arith.constant 8 : i32
    %mul3A_46 = arith.muli %add3A_20, %mul3A_45 : i32
    %add3A_47 = arith.constant 1 : i32
    %add3A_48 = arith.addi %mul3A_46, %add3A_47 : i32
    %mul3A_49 = arith.constant 128 : i32
    %mul3A_50 = arith.muli %add3A_48, %mul3A_49 : i32
    %dma_start3A_51 = arith.constant 0 : i32
    %dma_start3A_52 = arith.constant 1 : i32
    %dma_start3A_53 = arith.constant 0 : i32
    %dma_start3A_54 = tpu.memref_slice %arg11[%dma_start3A_51, %dma_start3A_52, %dma_start3A_53] : memref<2x8x128xi32, #tpu.memory_space<vmem>> -> memref<1x1x128xi32, #tpu.memory_space<vmem>>
    %dma_start3A_55 = tpu.memref_squeeze %dma_start3A_54 : memref<1x1x128xi32, #tpu.memory_space<vmem>> -> memref<128xi32, #tpu.memory_space<vmem>>
    %dma_start3A_56 = arith.constant 0 : i32
    %dma_start3A_57 = arith.constant 0 : i32
    %dma_start3A_58 = tpu.memref_slice %arg10[%dma_start3A_56, %dma_start3A_57] : memref<100096x8xf32, #tpu.memory_space<vmem_shared>> -> memref<100096x8xf32, #tpu.memory_space<vmem_shared>>
    tpu.enqueue_indirect_dma source(%dma_start3A_58 : memref<100096x8xf32, #tpu.memory_space<vmem_shared>>) target(%arg12 : memref<128x8xf32, #tpu.memory_space<vmem>>) offsets(%dma_start3A_55 : memref<128xi32, #tpu.memory_space<vmem>>) semaphore(%arg14 : memref<!tpu.dma_semaphore, #tpu.memory_space<semaphore_mem>>)
    %dma_wait3A_59 = arith.constant 0 : i32
    %dma_wait3A_60 = arith.constant 1 : i32
    %dma_wait3A_61 = arith.constant 0 : i32
    %dma_wait3A_62 = tpu.memref_slice %arg11[%dma_wait3A_59, %dma_wait3A_60, %dma_wait3A_61] : memref<2x8x128xi32, #tpu.memory_space<vmem>> -> memref<1x1x128xi32, #tpu.memory_space<vmem>>
    %dma_wait3A_63 = tpu.memref_squeeze %dma_wait3A_62 : memref<1x1x128xi32, #tpu.memory_space<vmem>> -> memref<128xi32, #tpu.memory_space<vmem>>
    %dma_wait3A_64 = arith.constant 0 : i32
    %dma_wait3A_65 = arith.constant 0 : i32
    %dma_wait3A_66 = tpu.memref_slice %arg10[%dma_wait3A_64, %dma_wait3A_65] : memref<100096x8xf32, #tpu.memory_space<vmem_shared>> -> memref<100096x8xf32, #tpu.memory_space<vmem_shared>>
    tpu.wait_indirect_dma semaphore(%arg14 : memref<!tpu.dma_semaphore, #tpu.memory_space<semaphore_mem>>) src(%dma_wait3A_66 : memref<100096x8xf32, #tpu.memory_space<vmem_shared>>) dst(%arg12 : memref<128x8xf32, #tpu.memory_space<vmem>>)
    "tpu.region"() ({
      %run_scoped3A_834 = tpu.sem_alloc : memref<!tpu.dma_semaphore, #tpu.memory_space<semaphore_mem>>
      %dma_start3A_835 = arith.constant 0 : i32
      %dma_start3A_836 = tpu.memref_slice %arg7[%arg0, %mul3A_50, %dma_start3A_835] : memref<2x32768x8xf32, #tpu.memory_space<hbm>> -> memref<1x128x8xf32, #tpu.memory_space<hbm>>
      %dma_start3A_837 = tpu.memref_squeeze %dma_start3A_836 : memref<1x128x8xf32, #tpu.memory_space<hbm>> -> memref<128x8xf32, #tpu.memory_space<hbm>>
      %dma_start3A_838 = arith.constant 0 : i32
      %dma_start3A_839 = tpu.memref_slice %arg7[%arg0, %mul3A_50, %dma_start3A_838] : memref<2x32768x8xf32, #tpu.memory_space<hbm>> -> memref<1x128x8xf32, #tpu.memory_space<hbm>>
      %dma_start3A_840 = tpu.memref_squeeze %dma_start3A_839 : memref<1x128x8xf32, #tpu.memory_space<hbm>> -> memref<128x8xf32, #tpu.memory_space<hbm>>
      tpu.enqueue_dma source(%arg12 : memref<128x8xf32, #tpu.memory_space<vmem>>) target(%dma_start3A_840 : memref<128x8xf32, #tpu.memory_space<hbm>>) target_semaphore(%run_scoped3A_834 : memref<!tpu.dma_semaphore, #tpu.memory_space<semaphore_mem>>)
      %dma_wait3A_841 = arith.constant 0 : i32
      %dma_wait3A_842 = tpu.memref_slice %arg7[%arg0, %mul3A_50, %dma_wait3A_841] : memref<2x32768x8xf32, #tpu.memory_space<hbm>> -> memref<1x128x8xf32, #tpu.memory_space<hbm>>
      %dma_wait3A_843 = tpu.memref_squeeze %dma_wait3A_842 : memref<1x128x8xf32, #tpu.memory_space<hbm>> -> memref<128x8xf32, #tpu.memory_space<hbm>>
      %dma_wait3A_844 = arith.constant 0 : i32
      %dma_wait3A_845 = tpu.memref_slice %arg7[%arg0, %mul3A_50, %dma_wait3A_844] : memref<2x32768x8xf32, #tpu.memory_space<hbm>> -> memref<1x128x8xf32, #tpu.memory_space<hbm>>
      %dma_wait3A_846 = tpu.memref_squeeze %dma_wait3A_845 : memref<1x128x8xf32, #tpu.memory_space<hbm>> -> memref<128x8xf32, #tpu.memory_space<hbm>>
      tpu.wait_dma2 semaphore(%run_scoped3A_834 : memref<!tpu.dma_semaphore, #tpu.memory_space<semaphore_mem>>) src(%arg12 : memref<128x8xf32, #tpu.memory_space<vmem>>) dst(%dma_wait3A_846 : memref<128x8xf32, #tpu.memory_space<hbm>>)
      tpu.yield
    }) : () -> ()
    %eq3A_67 = arith.constant 0 : i32
    %eq3A_68 = arith.cmpi eq, %arg0, %eq3A_67 : i32
    %convert_element_type3A_69 = arith.extui %eq3A_68 : i1 to i32
    %cond3A_70 = arith.constant 0 : i32
    %cond3A_71 = arith.cmpi ne, %convert_element_type3A_69, %cond3A_70 : i32
    scf.if %cond3A_71 {
      %dma_start3A_834 = arith.constant 0 : i32
      %dma_start3A_835 = arith.constant 1 : i32
      %dma_start3A_836 = arith.constant 0 : i32
      %dma_start3A_837 = tpu.memref_slice %arg11[%dma_start3A_834, %dma_start3A_835, %dma_start3A_836] : memref<2x8x128xi32, #tpu.memory_space<vmem>> -> memref<1x1x128xi32, #tpu.memory_space<vmem>>
      %dma_start3A_838 = tpu.memref_squeeze %dma_start3A_837 : memref<1x1x128xi32, #tpu.memory_space<vmem>> -> memref<128xi32, #tpu.memory_space<vmem>>
      %dma_start3A_839 = arith.constant 0 : i32
      %dma_start3A_840 = arith.constant 0 : i32
      %dma_start3A_841 = tpu.memref_slice %arg2[%dma_start3A_839, %dma_start3A_840] : memref<100096x8xf32, #tpu.memory_space<hbm>> -> memref<100096x8xf32, #tpu.memory_space<hbm>>
      tpu.enqueue_indirect_dma source(%dma_start3A_841 : memref<100096x8xf32, #tpu.memory_space<hbm>>) target(%arg13 : memref<128x8xf32, #tpu.memory_space<vmem>>) offsets(%dma_start3A_838 : memref<128xi32, #tpu.memory_space<vmem>>) semaphore(%arg15 : memref<!tpu.dma_semaphore, #tpu.memory_space<semaphore_mem>>)
      %dma_wait3A_842 = arith.constant 0 : i32
      %dma_wait3A_843 = arith.constant 1 : i32
      %dma_wait3A_844 = arith.constant 0 : i32
      %dma_wait3A_845 = tpu.memref_slice %arg11[%dma_wait3A_842, %dma_wait3A_843, %dma_wait3A_844] : memref<2x8x128xi32, #tpu.memory_space<vmem>> -> memref<1x1x128xi32, #tpu.memory_space<vmem>>
      %dma_wait3A_846 = tpu.memref_squeeze %dma_wait3A_845 : memref<1x1x128xi32, #tpu.memory_space<vmem>> -> memref<128xi32, #tpu.memory_space<vmem>>
      %dma_wait3A_847 = arith.constant 0 : i32
      %dma_wait3A_848 = arith.constant 0 : i32
      %dma_wait3A_849 = tpu.memref_slice %arg2[%dma_wait3A_847, %dma_wait3A_848] : memref<100096x8xf32, #tpu.memory_space<hbm>> -> memref<100096x8xf32, #tpu.memory_space<hbm>>
      tpu.wait_indirect_dma semaphore(%arg15 : memref<!tpu.dma_semaphore, #tpu.memory_space<semaphore_mem>>) src(%dma_wait3A_849 : memref<100096x8xf32, #tpu.memory_space<hbm>>) dst(%arg13 : memref<128x8xf32, #tpu.memory_space<vmem>>)
      "tpu.region"() ({
        %run_scoped3A_850 = tpu.sem_alloc : memref<!tpu.dma_semaphore, #tpu.memory_space<semaphore_mem>>
        %dma_start3A_851 = arith.constant 0 : i32
        %dma_start3A_852 = tpu.memref_slice %arg9[%mul3A_50, %dma_start3A_851] : memref<32768x8xf32, #tpu.memory_space<hbm>> -> memref<128x8xf32, #tpu.memory_space<hbm>>
        %dma_start3A_853 = arith.constant 0 : i32
        %dma_start3A_854 = tpu.memref_slice %arg9[%mul3A_50, %dma_start3A_853] : memref<32768x8xf32, #tpu.memory_space<hbm>> -> memref<128x8xf32, #tpu.memory_space<hbm>>
        tpu.enqueue_dma source(%arg13 : memref<128x8xf32, #tpu.memory_space<vmem>>) target(%dma_start3A_854 : memref<128x8xf32, #tpu.memory_space<hbm>>) target_semaphore(%run_scoped3A_850 : memref<!tpu.dma_semaphore, #tpu.memory_space<semaphore_mem>>)
        %dma_wait3A_855 = arith.constant 0 : i32
        %dma_wait3A_856 = tpu.memref_slice %arg9[%mul3A_50, %dma_wait3A_855] : memref<32768x8xf32, #tpu.memory_space<hbm>> -> memref<128x8xf32, #tpu.memory_space<hbm>>
        %dma_wait3A_857 = arith.constant 0 : i32
        %dma_wait3A_858 = tpu.memref_slice %arg9[%mul3A_50, %dma_wait3A_857] : memref<32768x8xf32, #tpu.memory_space<hbm>> -> memref<128x8xf32, #tpu.memory_space<hbm>>
        tpu.wait_dma2 semaphore(%run_scoped3A_850 : memref<!tpu.dma_semaphore, #tpu.memory_space<semaphore_mem>>) src(%arg13 : memref<128x8xf32, #tpu.memory_space<vmem>>) dst(%dma_wait3A_858 : memref<128x8xf32, #tpu.memory_space<hbm>>)
        tpu.yield
      }) : () -> ()
    } else {
    }
    %mul3A_72 = arith.constant 8 : i32
    %mul3A_73 = arith.muli %add3A_20, %mul3A_72 : i32
    %add3A_74 = arith.constant 2 : i32
    %add3A_75 = arith.addi %mul3A_73, %add3A_74 : i32
    %mul3A_76 = arith.constant 128 : i32
    %mul3A_77 = arith.muli %add3A_75, %mul3A_76 : i32
    %dma_start3A_78 = arith.constant 0 : i32
    %dma_start3A_79 = arith.constant 2 : i32
    %dma_start3A_80 = arith.constant 0 : i32
    %dma_start3A_81 = tpu.memref_slice %arg11[%dma_start3A_78, %dma_start3A_79, %dma_start3A_80] : memref<2x8x128xi32, #tpu.memory_space<vmem>> -> memref<1x1x128xi32, #tpu.memory_space<vmem>>
    %dma_start3A_82 = tpu.memref_squeeze %dma_start3A_81 : memref<1x1x128xi32, #tpu.memory_space<vmem>> -> memref<128xi32, #tpu.memory_space<vmem>>
    %dma_start3A_83 = arith.constant 0 : i32
    %dma_start3A_84 = arith.constant 0 : i32
    %dma_start3A_85 = tpu.memref_slice %arg10[%dma_start3A_83, %dma_start3A_84] : memref<100096x8xf32, #tpu.memory_space<vmem_shared>> -> memref<100096x8xf32, #tpu.memory_space<vmem_shared>>
    tpu.enqueue_indirect_dma source(%dma_start3A_85 : memref<100096x8xf32, #tpu.memory_space<vmem_shared>>) target(%arg12 : memref<128x8xf32, #tpu.memory_space<vmem>>) offsets(%dma_start3A_82 : memref<128xi32, #tpu.memory_space<vmem>>) semaphore(%arg14 : memref<!tpu.dma_semaphore, #tpu.memory_space<semaphore_mem>>)
    %dma_wait3A_86 = arith.constant 0 : i32
    %dma_wait3A_87 = arith.constant 2 : i32
    %dma_wait3A_88 = arith.constant 0 : i32
    %dma_wait3A_89 = tpu.memref_slice %arg11[%dma_wait3A_86, %dma_wait3A_87, %dma_wait3A_88] : memref<2x8x128xi32, #tpu.memory_space<vmem>> -> memref<1x1x128xi32, #tpu.memory_space<vmem>>
    %dma_wait3A_90 = tpu.memref_squeeze %dma_wait3A_89 : memref<1x1x128xi32, #tpu.memory_space<vmem>> -> memref<128xi32, #tpu.memory_space<vmem>>
    %dma_wait3A_91 = arith.constant 0 : i32
    %dma_wait3A_92 = arith.constant 0 : i32
    %dma_wait3A_93 = tpu.memref_slice %arg10[%dma_wait3A_91, %dma_wait3A_92] : memref<100096x8xf32, #tpu.memory_space<vmem_shared>> -> memref<100096x8xf32, #tpu.memory_space<vmem_shared>>
    tpu.wait_indirect_dma semaphore(%arg14 : memref<!tpu.dma_semaphore, #tpu.memory_space<semaphore_mem>>) src(%dma_wait3A_93 : memref<100096x8xf32, #tpu.memory_space<vmem_shared>>) dst(%arg12 : memref<128x8xf32, #tpu.memory_space<vmem>>)
    "tpu.region"() ({
      %run_scoped3A_834 = tpu.sem_alloc : memref<!tpu.dma_semaphore, #tpu.memory_space<semaphore_mem>>
      %dma_start3A_835 = arith.constant 0 : i32
      %dma_start3A_836 = tpu.memref_slice %arg7[%arg0, %mul3A_77, %dma_start3A_835] : memref<2x32768x8xf32, #tpu.memory_space<hbm>> -> memref<1x128x8xf32, #tpu.memory_space<hbm>>
      %dma_start3A_837 = tpu.memref_squeeze %dma_start3A_836 : memref<1x128x8xf32, #tpu.memory_space<hbm>> -> memref<128x8xf32, #tpu.memory_space<hbm>>
      %dma_start3A_838 = arith.constant 0 : i32
      %dma_start3A_839 = tpu.memref_slice %arg7[%arg0, %mul3A_77, %dma_start3A_838] : memref<2x32768x8xf32, #tpu.memory_space<hbm>> -> memref<1x128x8xf32, #tpu.memory_space<hbm>>
      %dma_start3A_840 = tpu.memref_squeeze %dma_start3A_839 : memref<1x128x8xf32, #tpu.memory_space<hbm>> -> memref<128x8xf32, #tpu.memory_space<hbm>>
      tpu.enqueue_dma source(%arg12 : memref<128x8xf32, #tpu.memory_space<vmem>>) target(%dma_start3A_840 : memref<128x8xf32, #tpu.memory_space<hbm>>) target_semaphore(%run_scoped3A_834 : memref<!tpu.dma_semaphore, #tpu.memory_space<semaphore_mem>>)
      %dma_wait3A_841 = arith.constant 0 : i32
      %dma_wait3A_842 = tpu.memref_slice %arg7[%arg0, %mul3A_77, %dma_wait3A_841] : memref<2x32768x8xf32, #tpu.memory_space<hbm>> -> memref<1x128x8xf32, #tpu.memory_space<hbm>>
      %dma_wait3A_843 = tpu.memref_squeeze %dma_wait3A_842 : memref<1x128x8xf32, #tpu.memory_space<hbm>> -> memref<128x8xf32, #tpu.memory_space<hbm>>
      %dma_wait3A_844 = arith.constant 0 : i32
      %dma_wait3A_845 = tpu.memref_slice %arg7[%arg0, %mul3A_77, %dma_wait3A_844] : memref<2x32768x8xf32, #tpu.memory_space<hbm>> -> memref<1x128x8xf32, #tpu.memory_space<hbm>>
      %dma_wait3A_846 = tpu.memref_squeeze %dma_wait3A_845 : memref<1x128x8xf32, #tpu.memory_space<hbm>> -> memref<128x8xf32, #tpu.memory_space<hbm>>
      tpu.wait_dma2 semaphore(%run_scoped3A_834 : memref<!tpu.dma_semaphore, #tpu.memory_space<semaphore_mem>>) src(%arg12 : memref<128x8xf32, #tpu.memory_space<vmem>>) dst(%dma_wait3A_846 : memref<128x8xf32, #tpu.memory_space<hbm>>)
      tpu.yield
    }) : () -> ()
    %eq3A_94 = arith.constant 0 : i32
    %eq3A_95 = arith.cmpi eq, %arg0, %eq3A_94 : i32
    %convert_element_type3A_96 = arith.extui %eq3A_95 : i1 to i32
    %cond3A_97 = arith.constant 0 : i32
    %cond3A_98 = arith.cmpi ne, %convert_element_type3A_96, %cond3A_97 : i32
    scf.if %cond3A_98 {
      %dma_start3A_834 = arith.constant 0 : i32
      %dma_start3A_835 = arith.constant 2 : i32
      %dma_start3A_836 = arith.constant 0 : i32
      %dma_start3A_837 = tpu.memref_slice %arg11[%dma_start3A_834, %dma_start3A_835, %dma_start3A_836] : memref<2x8x128xi32, #tpu.memory_space<vmem>> -> memref<1x1x128xi32, #tpu.memory_space<vmem>>
      %dma_start3A_838 = tpu.memref_squeeze %dma_start3A_837 : memref<1x1x128xi32, #tpu.memory_space<vmem>> -> memref<128xi32, #tpu.memory_space<vmem>>
      %dma_start3A_839 = arith.constant 0 : i32
      %dma_start3A_840 = arith.constant 0 : i32
      %dma_start3A_841 = tpu.memref_slice %arg2[%dma_start3A_839, %dma_start3A_840] : memref<100096x8xf32, #tpu.memory_space<hbm>> -> memref<100096x8xf32, #tpu.memory_space<hbm>>
      tpu.enqueue_indirect_dma source(%dma_start3A_841 : memref<100096x8xf32, #tpu.memory_space<hbm>>) target(%arg13 : memref<128x8xf32, #tpu.memory_space<vmem>>) offsets(%dma_start3A_838 : memref<128xi32, #tpu.memory_space<vmem>>) semaphore(%arg15 : memref<!tpu.dma_semaphore, #tpu.memory_space<semaphore_mem>>)
      %dma_wait3A_842 = arith.constant 0 : i32
      %dma_wait3A_843 = arith.constant 2 : i32
      %dma_wait3A_844 = arith.constant 0 : i32
      %dma_wait3A_845 = tpu.memref_slice %arg11[%dma_wait3A_842, %dma_wait3A_843, %dma_wait3A_844] : memref<2x8x128xi32, #tpu.memory_space<vmem>> -> memref<1x1x128xi32, #tpu.memory_space<vmem>>
      %dma_wait3A_846 = tpu.memref_squeeze %dma_wait3A_845 : memref<1x1x128xi32, #tpu.memory_space<vmem>> -> memref<128xi32, #tpu.memory_space<vmem>>
      %dma_wait3A_847 = arith.constant 0 : i32
      %dma_wait3A_848 = arith.constant 0 : i32
      %dma_wait3A_849 = tpu.memref_slice %arg2[%dma_wait3A_847, %dma_wait3A_848] : memref<100096x8xf32, #tpu.memory_space<hbm>> -> memref<100096x8xf32, #tpu.memory_space<hbm>>
      tpu.wait_indirect_dma semaphore(%arg15 : memref<!tpu.dma_semaphore, #tpu.memory_space<semaphore_mem>>) src(%dma_wait3A_849 : memref<100096x8xf32, #tpu.memory_space<hbm>>) dst(%arg13 : memref<128x8xf32, #tpu.memory_space<vmem>>)
      "tpu.region"() ({
        %run_scoped3A_850 = tpu.sem_alloc : memref<!tpu.dma_semaphore, #tpu.memory_space<semaphore_mem>>
        %dma_start3A_851 = arith.constant 0 : i32
        %dma_start3A_852 = tpu.memref_slice %arg9[%mul3A_77, %dma_start3A_851] : memref<32768x8xf32, #tpu.memory_space<hbm>> -> memref<128x8xf32, #tpu.memory_space<hbm>>
        %dma_start3A_853 = arith.constant 0 : i32
        %dma_start3A_854 = tpu.memref_slice %arg9[%mul3A_77, %dma_start3A_853] : memref<32768x8xf32, #tpu.memory_space<hbm>> -> memref<128x8xf32, #tpu.memory_space<hbm>>
        tpu.enqueue_dma source(%arg13 : memref<128x8xf32, #tpu.memory_space<vmem>>) target(%dma_start3A_854 : memref<128x8xf32, #tpu.memory_space<hbm>>) target_semaphore(%run_scoped3A_850 : memref<!tpu.dma_semaphore, #tpu.memory_space<semaphore_mem>>)
        %dma_wait3A_855 = arith.constant 0 : i32
        %dma_wait3A_856 = tpu.memref_slice %arg9[%mul3A_77, %dma_wait3A_855] : memref<32768x8xf32, #tpu.memory_space<hbm>> -> memref<128x8xf32, #tpu.memory_space<hbm>>
        %dma_wait3A_857 = arith.constant 0 : i32
        %dma_wait3A_858 = tpu.memref_slice %arg9[%mul3A_77, %dma_wait3A_857] : memref<32768x8xf32, #tpu.memory_space<hbm>> -> memref<128x8xf32, #tpu.memory_space<hbm>>
        tpu.wait_dma2 semaphore(%run_scoped3A_850 : memref<!tpu.dma_semaphore, #tpu.memory_space<semaphore_mem>>) src(%arg13 : memref<128x8xf32, #tpu.memory_space<vmem>>) dst(%dma_wait3A_858 : memref<128x8xf32, #tpu.memory_space<hbm>>)
        tpu.yield
      }) : () -> ()
    } else {
    }
    %mul3A_99 = arith.constant 8 : i32
    %mul3A_100 = arith.muli %add3A_20, %mul3A_99 : i32
    %add3A_101 = arith.constant 3 : i32
    %add3A_102 = arith.addi %mul3A_100, %add3A_101 : i32
    %mul3A_103 = arith.constant 128 : i32
    %mul3A_104 = arith.muli %add3A_102, %mul3A_103 : i32
    %dma_start3A_105 = arith.constant 0 : i32
    %dma_start3A_106 = arith.constant 3 : i32
    %dma_start3A_107 = arith.constant 0 : i32
    %dma_start3A_108 = tpu.memref_slice %arg11[%dma_start3A_105, %dma_start3A_106, %dma_start3A_107] : memref<2x8x128xi32, #tpu.memory_space<vmem>> -> memref<1x1x128xi32, #tpu.memory_space<vmem>>
    %dma_start3A_109 = tpu.memref_squeeze %dma_start3A_108 : memref<1x1x128xi32, #tpu.memory_space<vmem>> -> memref<128xi32, #tpu.memory_space<vmem>>
    %dma_start3A_110 = arith.constant 0 : i32
    %dma_start3A_111 = arith.constant 0 : i32
    %dma_start3A_112 = tpu.memref_slice %arg10[%dma_start3A_110, %dma_start3A_111] : memref<100096x8xf32, #tpu.memory_space<vmem_shared>> -> memref<100096x8xf32, #tpu.memory_space<vmem_shared>>
    tpu.enqueue_indirect_dma source(%dma_start3A_112 : memref<100096x8xf32, #tpu.memory_space<vmem_shared>>) target(%arg12 : memref<128x8xf32, #tpu.memory_space<vmem>>) offsets(%dma_start3A_109 : memref<128xi32, #tpu.memory_space<vmem>>) semaphore(%arg14 : memref<!tpu.dma_semaphore, #tpu.memory_space<semaphore_mem>>)
    %dma_wait3A_113 = arith.constant 0 : i32
    %dma_wait3A_114 = arith.constant 3 : i32
    %dma_wait3A_115 = arith.constant 0 : i32
    %dma_wait3A_116 = tpu.memref_slice %arg11[%dma_wait3A_113, %dma_wait3A_114, %dma_wait3A_115] : memref<2x8x128xi32, #tpu.memory_space<vmem>> -> memref<1x1x128xi32, #tpu.memory_space<vmem>>
    %dma_wait3A_117 = tpu.memref_squeeze %dma_wait3A_116 : memref<1x1x128xi32, #tpu.memory_space<vmem>> -> memref<128xi32, #tpu.memory_space<vmem>>
    %dma_wait3A_118 = arith.constant 0 : i32
    %dma_wait3A_119 = arith.constant 0 : i32
    %dma_wait3A_120 = tpu.memref_slice %arg10[%dma_wait3A_118, %dma_wait3A_119] : memref<100096x8xf32, #tpu.memory_space<vmem_shared>> -> memref<100096x8xf32, #tpu.memory_space<vmem_shared>>
    tpu.wait_indirect_dma semaphore(%arg14 : memref<!tpu.dma_semaphore, #tpu.memory_space<semaphore_mem>>) src(%dma_wait3A_120 : memref<100096x8xf32, #tpu.memory_space<vmem_shared>>) dst(%arg12 : memref<128x8xf32, #tpu.memory_space<vmem>>)
    "tpu.region"() ({
      %run_scoped3A_834 = tpu.sem_alloc : memref<!tpu.dma_semaphore, #tpu.memory_space<semaphore_mem>>
      %dma_start3A_835 = arith.constant 0 : i32
      %dma_start3A_836 = tpu.memref_slice %arg7[%arg0, %mul3A_104, %dma_start3A_835] : memref<2x32768x8xf32, #tpu.memory_space<hbm>> -> memref<1x128x8xf32, #tpu.memory_space<hbm>>
      %dma_start3A_837 = tpu.memref_squeeze %dma_start3A_836 : memref<1x128x8xf32, #tpu.memory_space<hbm>> -> memref<128x8xf32, #tpu.memory_space<hbm>>
      %dma_start3A_838 = arith.constant 0 : i32
      %dma_start3A_839 = tpu.memref_slice %arg7[%arg0, %mul3A_104, %dma_start3A_838] : memref<2x32768x8xf32, #tpu.memory_space<hbm>> -> memref<1x128x8xf32, #tpu.memory_space<hbm>>
      %dma_start3A_840 = tpu.memref_squeeze %dma_start3A_839 : memref<1x128x8xf32, #tpu.memory_space<hbm>> -> memref<128x8xf32, #tpu.memory_space<hbm>>
      tpu.enqueue_dma source(%arg12 : memref<128x8xf32, #tpu.memory_space<vmem>>) target(%dma_start3A_840 : memref<128x8xf32, #tpu.memory_space<hbm>>) target_semaphore(%run_scoped3A_834 : memref<!tpu.dma_semaphore, #tpu.memory_space<semaphore_mem>>)
      %dma_wait3A_841 = arith.constant 0 : i32
      %dma_wait3A_842 = tpu.memref_slice %arg7[%arg0, %mul3A_104, %dma_wait3A_841] : memref<2x32768x8xf32, #tpu.memory_space<hbm>> -> memref<1x128x8xf32, #tpu.memory_space<hbm>>
      %dma_wait3A_843 = tpu.memref_squeeze %dma_wait3A_842 : memref<1x128x8xf32, #tpu.memory_space<hbm>> -> memref<128x8xf32, #tpu.memory_space<hbm>>
      %dma_wait3A_844 = arith.constant 0 : i32
      %dma_wait3A_845 = tpu.memref_slice %arg7[%arg0, %mul3A_104, %dma_wait3A_844] : memref<2x32768x8xf32, #tpu.memory_space<hbm>> -> memref<1x128x8xf32, #tpu.memory_space<hbm>>
      %dma_wait3A_846 = tpu.memref_squeeze %dma_wait3A_845 : memref<1x128x8xf32, #tpu.memory_space<hbm>> -> memref<128x8xf32, #tpu.memory_space<hbm>>
      tpu.wait_dma2 semaphore(%run_scoped3A_834 : memref<!tpu.dma_semaphore, #tpu.memory_space<semaphore_mem>>) src(%arg12 : memref<128x8xf32, #tpu.memory_space<vmem>>) dst(%dma_wait3A_846 : memref<128x8xf32, #tpu.memory_space<hbm>>)
      tpu.yield
    }) : () -> ()
    %eq3A_121 = arith.constant 0 : i32
    %eq3A_122 = arith.cmpi eq, %arg0, %eq3A_121 : i32
    %convert_element_type3A_123 = arith.extui %eq3A_122 : i1 to i32
    %cond3A_124 = arith.constant 0 : i32
    %cond3A_125 = arith.cmpi ne, %convert_element_type3A_123, %cond3A_124 : i32
    scf.if %cond3A_125 {
      %dma_start3A_834 = arith.constant 0 : i32
      %dma_start3A_835 = arith.constant 3 : i32
      %dma_start3A_836 = arith.constant 0 : i32
      %dma_start3A_837 = tpu.memref_slice %arg11[%dma_start3A_834, %dma_start3A_835, %dma_start3A_836] : memref<2x8x128xi32, #tpu.memory_space<vmem>> -> memref<1x1x128xi32, #tpu.memory_space<vmem>>
      %dma_start3A_838 = tpu.memref_squeeze %dma_start3A_837 : memref<1x1x128xi32, #tpu.memory_space<vmem>> -> memref<128xi32, #tpu.memory_space<vmem>>
      %dma_start3A_839 = arith.constant 0 : i32
      %dma_start3A_840 = arith.constant 0 : i32
      %dma_start3A_841 = tpu.memref_slice %arg2[%dma_start3A_839, %dma_start3A_840] : memref<100096x8xf32, #tpu.memory_space<hbm>> -> memref<100096x8xf32, #tpu.memory_space<hbm>>
      tpu.enqueue_indirect_dma source(%dma_start3A_841 : memref<100096x8xf32, #tpu.memory_space<hbm>>) target(%arg13 : memref<128x8xf32, #tpu.memory_space<vmem>>) offsets(%dma_start3A_838 : memref<128xi32, #tpu.memory_space<vmem>>) semaphore(%arg15 : memref<!tpu.dma_semaphore, #tpu.memory_space<semaphore_mem>>)
      %dma_wait3A_842 = arith.constant 0 : i32
      %dma_wait3A_843 = arith.constant 3 : i32
      %dma_wait3A_844 = arith.constant 0 : i32
      %dma_wait3A_845 = tpu.memref_slice %arg11[%dma_wait3A_842, %dma_wait3A_843, %dma_wait3A_844] : memref<2x8x128xi32, #tpu.memory_space<vmem>> -> memref<1x1x128xi32, #tpu.memory_space<vmem>>
      %dma_wait3A_846 = tpu.memref_squeeze %dma_wait3A_845 : memref<1x1x128xi32, #tpu.memory_space<vmem>> -> memref<128xi32, #tpu.memory_space<vmem>>
      %dma_wait3A_847 = arith.constant 0 : i32
      %dma_wait3A_848 = arith.constant 0 : i32
      %dma_wait3A_849 = tpu.memref_slice %arg2[%dma_wait3A_847, %dma_wait3A_848] : memref<100096x8xf32, #tpu.memory_space<hbm>> -> memref<100096x8xf32, #tpu.memory_space<hbm>>
      tpu.wait_indirect_dma semaphore(%arg15 : memref<!tpu.dma_semaphore, #tpu.memory_space<semaphore_mem>>) src(%dma_wait3A_849 : memref<100096x8xf32, #tpu.memory_space<hbm>>) dst(%arg13 : memref<128x8xf32, #tpu.memory_space<vmem>>)
      "tpu.region"() ({
        %run_scoped3A_850 = tpu.sem_alloc : memref<!tpu.dma_semaphore, #tpu.memory_space<semaphore_mem>>
        %dma_start3A_851 = arith.constant 0 : i32
        %dma_start3A_852 = tpu.memref_slice %arg9[%mul3A_104, %dma_start3A_851] : memref<32768x8xf32, #tpu.memory_space<hbm>> -> memref<128x8xf32, #tpu.memory_space<hbm>>
        %dma_start3A_853 = arith.constant 0 : i32
        %dma_start3A_854 = tpu.memref_slice %arg9[%mul3A_104, %dma_start3A_853] : memref<32768x8xf32, #tpu.memory_space<hbm>> -> memref<128x8xf32, #tpu.memory_space<hbm>>
        tpu.enqueue_dma source(%arg13 : memref<128x8xf32, #tpu.memory_space<vmem>>) target(%dma_start3A_854 : memref<128x8xf32, #tpu.memory_space<hbm>>) target_semaphore(%run_scoped3A_850 : memref<!tpu.dma_semaphore, #tpu.memory_space<semaphore_mem>>)
        %dma_wait3A_855 = arith.constant 0 : i32
        %dma_wait3A_856 = tpu.memref_slice %arg9[%mul3A_104, %dma_wait3A_855] : memref<32768x8xf32, #tpu.memory_space<hbm>> -> memref<128x8xf32, #tpu.memory_space<hbm>>
        %dma_wait3A_857 = arith.constant 0 : i32
        %dma_wait3A_858 = tpu.memref_slice %arg9[%mul3A_104, %dma_wait3A_857] : memref<32768x8xf32, #tpu.memory_space<hbm>> -> memref<128x8xf32, #tpu.memory_space<hbm>>
        tpu.wait_dma2 semaphore(%run_scoped3A_850 : memref<!tpu.dma_semaphore, #tpu.memory_space<semaphore_mem>>) src(%arg13 : memref<128x8xf32, #tpu.memory_space<vmem>>) dst(%dma_wait3A_858 : memref<128x8xf32, #tpu.memory_space<hbm>>)
        tpu.yield
      }) : () -> ()
    } else {
    }
    %mul3A_126 = arith.constant 8 : i32
    %mul3A_127 = arith.muli %add3A_20, %mul3A_126 : i32
    %add3A_128 = arith.constant 4 : i32
    %add3A_129 = arith.addi %mul3A_127, %add3A_128 : i32
    %mul3A_130 = arith.constant 128 : i32
    %mul3A_131 = arith.muli %add3A_129, %mul3A_130 : i32
    %dma_start3A_132 = arith.constant 0 : i32
    %dma_start3A_133 = arith.constant 4 : i32
    %dma_start3A_134 = arith.constant 0 : i32
    %dma_start3A_135 = tpu.memref_slice %arg11[%dma_start3A_132, %dma_start3A_133, %dma_start3A_134] : memref<2x8x128xi32, #tpu.memory_space<vmem>> -> memref<1x1x128xi32, #tpu.memory_space<vmem>>
    %dma_start3A_136 = tpu.memref_squeeze %dma_start3A_135 : memref<1x1x128xi32, #tpu.memory_space<vmem>> -> memref<128xi32, #tpu.memory_space<vmem>>
    %dma_start3A_137 = arith.constant 0 : i32
    %dma_start3A_138 = arith.constant 0 : i32
    %dma_start3A_139 = tpu.memref_slice %arg10[%dma_start3A_137, %dma_start3A_138] : memref<100096x8xf32, #tpu.memory_space<vmem_shared>> -> memref<100096x8xf32, #tpu.memory_space<vmem_shared>>
    tpu.enqueue_indirect_dma source(%dma_start3A_139 : memref<100096x8xf32, #tpu.memory_space<vmem_shared>>) target(%arg12 : memref<128x8xf32, #tpu.memory_space<vmem>>) offsets(%dma_start3A_136 : memref<128xi32, #tpu.memory_space<vmem>>) semaphore(%arg14 : memref<!tpu.dma_semaphore, #tpu.memory_space<semaphore_mem>>)
    %dma_wait3A_140 = arith.constant 0 : i32
    %dma_wait3A_141 = arith.constant 4 : i32
    %dma_wait3A_142 = arith.constant 0 : i32
    %dma_wait3A_143 = tpu.memref_slice %arg11[%dma_wait3A_140, %dma_wait3A_141, %dma_wait3A_142] : memref<2x8x128xi32, #tpu.memory_space<vmem>> -> memref<1x1x128xi32, #tpu.memory_space<vmem>>
    %dma_wait3A_144 = tpu.memref_squeeze %dma_wait3A_143 : memref<1x1x128xi32, #tpu.memory_space<vmem>> -> memref<128xi32, #tpu.memory_space<vmem>>
    %dma_wait3A_145 = arith.constant 0 : i32
    %dma_wait3A_146 = arith.constant 0 : i32
    %dma_wait3A_147 = tpu.memref_slice %arg10[%dma_wait3A_145, %dma_wait3A_146] : memref<100096x8xf32, #tpu.memory_space<vmem_shared>> -> memref<100096x8xf32, #tpu.memory_space<vmem_shared>>
    tpu.wait_indirect_dma semaphore(%arg14 : memref<!tpu.dma_semaphore, #tpu.memory_space<semaphore_mem>>) src(%dma_wait3A_147 : memref<100096x8xf32, #tpu.memory_space<vmem_shared>>) dst(%arg12 : memref<128x8xf32, #tpu.memory_space<vmem>>)
    "tpu.region"() ({
      %run_scoped3A_834 = tpu.sem_alloc : memref<!tpu.dma_semaphore, #tpu.memory_space<semaphore_mem>>
      %dma_start3A_835 = arith.constant 0 : i32
      %dma_start3A_836 = tpu.memref_slice %arg7[%arg0, %mul3A_131, %dma_start3A_835] : memref<2x32768x8xf32, #tpu.memory_space<hbm>> -> memref<1x128x8xf32, #tpu.memory_space<hbm>>
      %dma_start3A_837 = tpu.memref_squeeze %dma_start3A_836 : memref<1x128x8xf32, #tpu.memory_space<hbm>> -> memref<128x8xf32, #tpu.memory_space<hbm>>
      %dma_start3A_838 = arith.constant 0 : i32
      %dma_start3A_839 = tpu.memref_slice %arg7[%arg0, %mul3A_131, %dma_start3A_838] : memref<2x32768x8xf32, #tpu.memory_space<hbm>> -> memref<1x128x8xf32, #tpu.memory_space<hbm>>
      %dma_start3A_840 = tpu.memref_squeeze %dma_start3A_839 : memref<1x128x8xf32, #tpu.memory_space<hbm>> -> memref<128x8xf32, #tpu.memory_space<hbm>>
      tpu.enqueue_dma source(%arg12 : memref<128x8xf32, #tpu.memory_space<vmem>>) target(%dma_start3A_840 : memref<128x8xf32, #tpu.memory_space<hbm>>) target_semaphore(%run_scoped3A_834 : memref<!tpu.dma_semaphore, #tpu.memory_space<semaphore_mem>>)
      %dma_wait3A_841 = arith.constant 0 : i32
      %dma_wait3A_842 = tpu.memref_slice %arg7[%arg0, %mul3A_131, %dma_wait3A_841] : memref<2x32768x8xf32, #tpu.memory_space<hbm>> -> memref<1x128x8xf32, #tpu.memory_space<hbm>>
      %dma_wait3A_843 = tpu.memref_squeeze %dma_wait3A_842 : memref<1x128x8xf32, #tpu.memory_space<hbm>> -> memref<128x8xf32, #tpu.memory_space<hbm>>
      %dma_wait3A_844 = arith.constant 0 : i32
      %dma_wait3A_845 = tpu.memref_slice %arg7[%arg0, %mul3A_131, %dma_wait3A_844] : memref<2x32768x8xf32, #tpu.memory_space<hbm>> -> memref<1x128x8xf32, #tpu.memory_space<hbm>>
      %dma_wait3A_846 = tpu.memref_squeeze %dma_wait3A_845 : memref<1x128x8xf32, #tpu.memory_space<hbm>> -> memref<128x8xf32, #tpu.memory_space<hbm>>
      tpu.wait_dma2 semaphore(%run_scoped3A_834 : memref<!tpu.dma_semaphore, #tpu.memory_space<semaphore_mem>>) src(%arg12 : memref<128x8xf32, #tpu.memory_space<vmem>>) dst(%dma_wait3A_846 : memref<128x8xf32, #tpu.memory_space<hbm>>)
      tpu.yield
    }) : () -> ()
    %eq3A_148 = arith.constant 0 : i32
    %eq3A_149 = arith.cmpi eq, %arg0, %eq3A_148 : i32
    %convert_element_type3A_150 = arith.extui %eq3A_149 : i1 to i32
    %cond3A_151 = arith.constant 0 : i32
    %cond3A_152 = arith.cmpi ne, %convert_element_type3A_150, %cond3A_151 : i32
    scf.if %cond3A_152 {
      %dma_start3A_834 = arith.constant 0 : i32
      %dma_start3A_835 = arith.constant 4 : i32
      %dma_start3A_836 = arith.constant 0 : i32
      %dma_start3A_837 = tpu.memref_slice %arg11[%dma_start3A_834, %dma_start3A_835, %dma_start3A_836] : memref<2x8x128xi32, #tpu.memory_space<vmem>> -> memref<1x1x128xi32, #tpu.memory_space<vmem>>
      %dma_start3A_838 = tpu.memref_squeeze %dma_start3A_837 : memref<1x1x128xi32, #tpu.memory_space<vmem>> -> memref<128xi32, #tpu.memory_space<vmem>>
      %dma_start3A_839 = arith.constant 0 : i32
      %dma_start3A_840 = arith.constant 0 : i32
      %dma_start3A_841 = tpu.memref_slice %arg2[%dma_start3A_839, %dma_start3A_840] : memref<100096x8xf32, #tpu.memory_space<hbm>> -> memref<100096x8xf32, #tpu.memory_space<hbm>>
      tpu.enqueue_indirect_dma source(%dma_start3A_841 : memref<100096x8xf32, #tpu.memory_space<hbm>>) target(%arg13 : memref<128x8xf32, #tpu.memory_space<vmem>>) offsets(%dma_start3A_838 : memref<128xi32, #tpu.memory_space<vmem>>) semaphore(%arg15 : memref<!tpu.dma_semaphore, #tpu.memory_space<semaphore_mem>>)
      %dma_wait3A_842 = arith.constant 0 : i32
      %dma_wait3A_843 = arith.constant 4 : i32
      %dma_wait3A_844 = arith.constant 0 : i32
      %dma_wait3A_845 = tpu.memref_slice %arg11[%dma_wait3A_842, %dma_wait3A_843, %dma_wait3A_844] : memref<2x8x128xi32, #tpu.memory_space<vmem>> -> memref<1x1x128xi32, #tpu.memory_space<vmem>>
      %dma_wait3A_846 = tpu.memref_squeeze %dma_wait3A_845 : memref<1x1x128xi32, #tpu.memory_space<vmem>> -> memref<128xi32, #tpu.memory_space<vmem>>
      %dma_wait3A_847 = arith.constant 0 : i32
      %dma_wait3A_848 = arith.constant 0 : i32
      %dma_wait3A_849 = tpu.memref_slice %arg2[%dma_wait3A_847, %dma_wait3A_848] : memref<100096x8xf32, #tpu.memory_space<hbm>> -> memref<100096x8xf32, #tpu.memory_space<hbm>>
      tpu.wait_indirect_dma semaphore(%arg15 : memref<!tpu.dma_semaphore, #tpu.memory_space<semaphore_mem>>) src(%dma_wait3A_849 : memref<100096x8xf32, #tpu.memory_space<hbm>>) dst(%arg13 : memref<128x8xf32, #tpu.memory_space<vmem>>)
      "tpu.region"() ({
        %run_scoped3A_850 = tpu.sem_alloc : memref<!tpu.dma_semaphore, #tpu.memory_space<semaphore_mem>>
        %dma_start3A_851 = arith.constant 0 : i32
        %dma_start3A_852 = tpu.memref_slice %arg9[%mul3A_131, %dma_start3A_851] : memref<32768x8xf32, #tpu.memory_space<hbm>> -> memref<128x8xf32, #tpu.memory_space<hbm>>
        %dma_start3A_853 = arith.constant 0 : i32
        %dma_start3A_854 = tpu.memref_slice %arg9[%mul3A_131, %dma_start3A_853] : memref<32768x8xf32, #tpu.memory_space<hbm>> -> memref<128x8xf32, #tpu.memory_space<hbm>>
        tpu.enqueue_dma source(%arg13 : memref<128x8xf32, #tpu.memory_space<vmem>>) target(%dma_start3A_854 : memref<128x8xf32, #tpu.memory_space<hbm>>) target_semaphore(%run_scoped3A_850 : memref<!tpu.dma_semaphore, #tpu.memory_space<semaphore_mem>>)
        %dma_wait3A_855 = arith.constant 0 : i32
        %dma_wait3A_856 = tpu.memref_slice %arg9[%mul3A_131, %dma_wait3A_855] : memref<32768x8xf32, #tpu.memory_space<hbm>> -> memref<128x8xf32, #tpu.memory_space<hbm>>
        %dma_wait3A_857 = arith.constant 0 : i32
        %dma_wait3A_858 = tpu.memref_slice %arg9[%mul3A_131, %dma_wait3A_857] : memref<32768x8xf32, #tpu.memory_space<hbm>> -> memref<128x8xf32, #tpu.memory_space<hbm>>
        tpu.wait_dma2 semaphore(%run_scoped3A_850 : memref<!tpu.dma_semaphore, #tpu.memory_space<semaphore_mem>>) src(%arg13 : memref<128x8xf32, #tpu.memory_space<vmem>>) dst(%dma_wait3A_858 : memref<128x8xf32, #tpu.memory_space<hbm>>)
        tpu.yield
      }) : () -> ()
    } else {
    }
    %mul3A_153 = arith.constant 8 : i32
    %mul3A_154 = arith.muli %add3A_20, %mul3A_153 : i32
    %add3A_155 = arith.constant 5 : i32
    %add3A_156 = arith.addi %mul3A_154, %add3A_155 : i32
    %mul3A_157 = arith.constant 128 : i32
    %mul3A_158 = arith.muli %add3A_156, %mul3A_157 : i32
    %dma_start3A_159 = arith.constant 0 : i32
    %dma_start3A_160 = arith.constant 5 : i32
    %dma_start3A_161 = arith.constant 0 : i32
    %dma_start3A_162 = tpu.memref_slice %arg11[%dma_start3A_159, %dma_start3A_160, %dma_start3A_161] : memref<2x8x128xi32, #tpu.memory_space<vmem>> -> memref<1x1x128xi32, #tpu.memory_space<vmem>>
    %dma_start3A_163 = tpu.memref_squeeze %dma_start3A_162 : memref<1x1x128xi32, #tpu.memory_space<vmem>> -> memref<128xi32, #tpu.memory_space<vmem>>
    %dma_start3A_164 = arith.constant 0 : i32
    %dma_start3A_165 = arith.constant 0 : i32
    %dma_start3A_166 = tpu.memref_slice %arg10[%dma_start3A_164, %dma_start3A_165] : memref<100096x8xf32, #tpu.memory_space<vmem_shared>> -> memref<100096x8xf32, #tpu.memory_space<vmem_shared>>
    tpu.enqueue_indirect_dma source(%dma_start3A_166 : memref<100096x8xf32, #tpu.memory_space<vmem_shared>>) target(%arg12 : memref<128x8xf32, #tpu.memory_space<vmem>>) offsets(%dma_start3A_163 : memref<128xi32, #tpu.memory_space<vmem>>) semaphore(%arg14 : memref<!tpu.dma_semaphore, #tpu.memory_space<semaphore_mem>>)
    %dma_wait3A_167 = arith.constant 0 : i32
    %dma_wait3A_168 = arith.constant 5 : i32
    %dma_wait3A_169 = arith.constant 0 : i32
    %dma_wait3A_170 = tpu.memref_slice %arg11[%dma_wait3A_167, %dma_wait3A_168, %dma_wait3A_169] : memref<2x8x128xi32, #tpu.memory_space<vmem>> -> memref<1x1x128xi32, #tpu.memory_space<vmem>>
    %dma_wait3A_171 = tpu.memref_squeeze %dma_wait3A_170 : memref<1x1x128xi32, #tpu.memory_space<vmem>> -> memref<128xi32, #tpu.memory_space<vmem>>
    %dma_wait3A_172 = arith.constant 0 : i32
    %dma_wait3A_173 = arith.constant 0 : i32
    %dma_wait3A_174 = tpu.memref_slice %arg10[%dma_wait3A_172, %dma_wait3A_173] : memref<100096x8xf32, #tpu.memory_space<vmem_shared>> -> memref<100096x8xf32, #tpu.memory_space<vmem_shared>>
    tpu.wait_indirect_dma semaphore(%arg14 : memref<!tpu.dma_semaphore, #tpu.memory_space<semaphore_mem>>) src(%dma_wait3A_174 : memref<100096x8xf32, #tpu.memory_space<vmem_shared>>) dst(%arg12 : memref<128x8xf32, #tpu.memory_space<vmem>>)
    "tpu.region"() ({
      %run_scoped3A_834 = tpu.sem_alloc : memref<!tpu.dma_semaphore, #tpu.memory_space<semaphore_mem>>
      %dma_start3A_835 = arith.constant 0 : i32
      %dma_start3A_836 = tpu.memref_slice %arg7[%arg0, %mul3A_158, %dma_start3A_835] : memref<2x32768x8xf32, #tpu.memory_space<hbm>> -> memref<1x128x8xf32, #tpu.memory_space<hbm>>
      %dma_start3A_837 = tpu.memref_squeeze %dma_start3A_836 : memref<1x128x8xf32, #tpu.memory_space<hbm>> -> memref<128x8xf32, #tpu.memory_space<hbm>>
      %dma_start3A_838 = arith.constant 0 : i32
      %dma_start3A_839 = tpu.memref_slice %arg7[%arg0, %mul3A_158, %dma_start3A_838] : memref<2x32768x8xf32, #tpu.memory_space<hbm>> -> memref<1x128x8xf32, #tpu.memory_space<hbm>>
      %dma_start3A_840 = tpu.memref_squeeze %dma_start3A_839 : memref<1x128x8xf32, #tpu.memory_space<hbm>> -> memref<128x8xf32, #tpu.memory_space<hbm>>
      tpu.enqueue_dma source(%arg12 : memref<128x8xf32, #tpu.memory_space<vmem>>) target(%dma_start3A_840 : memref<128x8xf32, #tpu.memory_space<hbm>>) target_semaphore(%run_scoped3A_834 : memref<!tpu.dma_semaphore, #tpu.memory_space<semaphore_mem>>)
      %dma_wait3A_841 = arith.constant 0 : i32
      %dma_wait3A_842 = tpu.memref_slice %arg7[%arg0, %mul3A_158, %dma_wait3A_841] : memref<2x32768x8xf32, #tpu.memory_space<hbm>> -> memref<1x128x8xf32, #tpu.memory_space<hbm>>
      %dma_wait3A_843 = tpu.memref_squeeze %dma_wait3A_842 : memref<1x128x8xf32, #tpu.memory_space<hbm>> -> memref<128x8xf32, #tpu.memory_space<hbm>>
      %dma_wait3A_844 = arith.constant 0 : i32
      %dma_wait3A_845 = tpu.memref_slice %arg7[%arg0, %mul3A_158, %dma_wait3A_844] : memref<2x32768x8xf32, #tpu.memory_space<hbm>> -> memref<1x128x8xf32, #tpu.memory_space<hbm>>
      %dma_wait3A_846 = tpu.memref_squeeze %dma_wait3A_845 : memref<1x128x8xf32, #tpu.memory_space<hbm>> -> memref<128x8xf32, #tpu.memory_space<hbm>>
      tpu.wait_dma2 semaphore(%run_scoped3A_834 : memref<!tpu.dma_semaphore, #tpu.memory_space<semaphore_mem>>) src(%arg12 : memref<128x8xf32, #tpu.memory_space<vmem>>) dst(%dma_wait3A_846 : memref<128x8xf32, #tpu.memory_space<hbm>>)
      tpu.yield
    }) : () -> ()
    %eq3A_175 = arith.constant 0 : i32
    %eq3A_176 = arith.cmpi eq, %arg0, %eq3A_175 : i32
    %convert_element_type3A_177 = arith.extui %eq3A_176 : i1 to i32
    %cond3A_178 = arith.constant 0 : i32
    %cond3A_179 = arith.cmpi ne, %convert_element_type3A_177, %cond3A_178 : i32
    scf.if %cond3A_179 {
      %dma_start3A_834 = arith.constant 0 : i32
      %dma_start3A_835 = arith.constant 5 : i32
      %dma_start3A_836 = arith.constant 0 : i32
      %dma_start3A_837 = tpu.memref_slice %arg11[%dma_start3A_834, %dma_start3A_835, %dma_start3A_836] : memref<2x8x128xi32, #tpu.memory_space<vmem>> -> memref<1x1x128xi32, #tpu.memory_space<vmem>>
      %dma_start3A_838 = tpu.memref_squeeze %dma_start3A_837 : memref<1x1x128xi32, #tpu.memory_space<vmem>> -> memref<128xi32, #tpu.memory_space<vmem>>
      %dma_start3A_839 = arith.constant 0 : i32
      %dma_start3A_840 = arith.constant 0 : i32
      %dma_start3A_841 = tpu.memref_slice %arg2[%dma_start3A_839, %dma_start3A_840] : memref<100096x8xf32, #tpu.memory_space<hbm>> -> memref<100096x8xf32, #tpu.memory_space<hbm>>
      tpu.enqueue_indirect_dma source(%dma_start3A_841 : memref<100096x8xf32, #tpu.memory_space<hbm>>) target(%arg13 : memref<128x8xf32, #tpu.memory_space<vmem>>) offsets(%dma_start3A_838 : memref<128xi32, #tpu.memory_space<vmem>>) semaphore(%arg15 : memref<!tpu.dma_semaphore, #tpu.memory_space<semaphore_mem>>)
      %dma_wait3A_842 = arith.constant 0 : i32
      %dma_wait3A_843 = arith.constant 5 : i32
      %dma_wait3A_844 = arith.constant 0 : i32
      %dma_wait3A_845 = tpu.memref_slice %arg11[%dma_wait3A_842, %dma_wait3A_843, %dma_wait3A_844] : memref<2x8x128xi32, #tpu.memory_space<vmem>> -> memref<1x1x128xi32, #tpu.memory_space<vmem>>
      %dma_wait3A_846 = tpu.memref_squeeze %dma_wait3A_845 : memref<1x1x128xi32, #tpu.memory_space<vmem>> -> memref<128xi32, #tpu.memory_space<vmem>>
      %dma_wait3A_847 = arith.constant 0 : i32
      %dma_wait3A_848 = arith.constant 0 : i32
      %dma_wait3A_849 = tpu.memref_slice %arg2[%dma_wait3A_847, %dma_wait3A_848] : memref<100096x8xf32, #tpu.memory_space<hbm>> -> memref<100096x8xf32, #tpu.memory_space<hbm>>
      tpu.wait_indirect_dma semaphore(%arg15 : memref<!tpu.dma_semaphore, #tpu.memory_space<semaphore_mem>>) src(%dma_wait3A_849 : memref<100096x8xf32, #tpu.memory_space<hbm>>) dst(%arg13 : memref<128x8xf32, #tpu.memory_space<vmem>>)
      "tpu.region"() ({
        %run_scoped3A_850 = tpu.sem_alloc : memref<!tpu.dma_semaphore, #tpu.memory_space<semaphore_mem>>
        %dma_start3A_851 = arith.constant 0 : i32
        %dma_start3A_852 = tpu.memref_slice %arg9[%mul3A_158, %dma_start3A_851] : memref<32768x8xf32, #tpu.memory_space<hbm>> -> memref<128x8xf32, #tpu.memory_space<hbm>>
        %dma_start3A_853 = arith.constant 0 : i32
        %dma_start3A_854 = tpu.memref_slice %arg9[%mul3A_158, %dma_start3A_853] : memref<32768x8xf32, #tpu.memory_space<hbm>> -> memref<128x8xf32, #tpu.memory_space<hbm>>
        tpu.enqueue_dma source(%arg13 : memref<128x8xf32, #tpu.memory_space<vmem>>) target(%dma_start3A_854 : memref<128x8xf32, #tpu.memory_space<hbm>>) target_semaphore(%run_scoped3A_850 : memref<!tpu.dma_semaphore, #tpu.memory_space<semaphore_mem>>)
        %dma_wait3A_855 = arith.constant 0 : i32
        %dma_wait3A_856 = tpu.memref_slice %arg9[%mul3A_158, %dma_wait3A_855] : memref<32768x8xf32, #tpu.memory_space<hbm>> -> memref<128x8xf32, #tpu.memory_space<hbm>>
        %dma_wait3A_857 = arith.constant 0 : i32
        %dma_wait3A_858 = tpu.memref_slice %arg9[%mul3A_158, %dma_wait3A_857] : memref<32768x8xf32, #tpu.memory_space<hbm>> -> memref<128x8xf32, #tpu.memory_space<hbm>>
        tpu.wait_dma2 semaphore(%run_scoped3A_850 : memref<!tpu.dma_semaphore, #tpu.memory_space<semaphore_mem>>) src(%arg13 : memref<128x8xf32, #tpu.memory_space<vmem>>) dst(%dma_wait3A_858 : memref<128x8xf32, #tpu.memory_space<hbm>>)
        tpu.yield
      }) : () -> ()
    } else {
    }
    %mul3A_180 = arith.constant 8 : i32
    %mul3A_181 = arith.muli %add3A_20, %mul3A_180 : i32
    %add3A_182 = arith.constant 6 : i32
    %add3A_183 = arith.addi %mul3A_181, %add3A_182 : i32
    %mul3A_184 = arith.constant 128 : i32
    %mul3A_185 = arith.muli %add3A_183, %mul3A_184 : i32
    %dma_start3A_186 = arith.constant 0 : i32
    %dma_start3A_187 = arith.constant 6 : i32
    %dma_start3A_188 = arith.constant 0 : i32
    %dma_start3A_189 = tpu.memref_slice %arg11[%dma_start3A_186, %dma_start3A_187, %dma_start3A_188] : memref<2x8x128xi32, #tpu.memory_space<vmem>> -> memref<1x1x128xi32, #tpu.memory_space<vmem>>
    %dma_start3A_190 = tpu.memref_squeeze %dma_start3A_189 : memref<1x1x128xi32, #tpu.memory_space<vmem>> -> memref<128xi32, #tpu.memory_space<vmem>>
    %dma_start3A_191 = arith.constant 0 : i32
    %dma_start3A_192 = arith.constant 0 : i32
    %dma_start3A_193 = tpu.memref_slice %arg10[%dma_start3A_191, %dma_start3A_192] : memref<100096x8xf32, #tpu.memory_space<vmem_shared>> -> memref<100096x8xf32, #tpu.memory_space<vmem_shared>>
    tpu.enqueue_indirect_dma source(%dma_start3A_193 : memref<100096x8xf32, #tpu.memory_space<vmem_shared>>) target(%arg12 : memref<128x8xf32, #tpu.memory_space<vmem>>) offsets(%dma_start3A_190 : memref<128xi32, #tpu.memory_space<vmem>>) semaphore(%arg14 : memref<!tpu.dma_semaphore, #tpu.memory_space<semaphore_mem>>)
    %dma_wait3A_194 = arith.constant 0 : i32
    %dma_wait3A_195 = arith.constant 6 : i32
    %dma_wait3A_196 = arith.constant 0 : i32
    %dma_wait3A_197 = tpu.memref_slice %arg11[%dma_wait3A_194, %dma_wait3A_195, %dma_wait3A_196] : memref<2x8x128xi32, #tpu.memory_space<vmem>> -> memref<1x1x128xi32, #tpu.memory_space<vmem>>
    %dma_wait3A_198 = tpu.memref_squeeze %dma_wait3A_197 : memref<1x1x128xi32, #tpu.memory_space<vmem>> -> memref<128xi32, #tpu.memory_space<vmem>>
    %dma_wait3A_199 = arith.constant 0 : i32
    %dma_wait3A_200 = arith.constant 0 : i32
    %dma_wait3A_201 = tpu.memref_slice %arg10[%dma_wait3A_199, %dma_wait3A_200] : memref<100096x8xf32, #tpu.memory_space<vmem_shared>> -> memref<100096x8xf32, #tpu.memory_space<vmem_shared>>
    tpu.wait_indirect_dma semaphore(%arg14 : memref<!tpu.dma_semaphore, #tpu.memory_space<semaphore_mem>>) src(%dma_wait3A_201 : memref<100096x8xf32, #tpu.memory_space<vmem_shared>>) dst(%arg12 : memref<128x8xf32, #tpu.memory_space<vmem>>)
    "tpu.region"() ({
      %run_scoped3A_834 = tpu.sem_alloc : memref<!tpu.dma_semaphore, #tpu.memory_space<semaphore_mem>>
      %dma_start3A_835 = arith.constant 0 : i32
      %dma_start3A_836 = tpu.memref_slice %arg7[%arg0, %mul3A_185, %dma_start3A_835] : memref<2x32768x8xf32, #tpu.memory_space<hbm>> -> memref<1x128x8xf32, #tpu.memory_space<hbm>>
      %dma_start3A_837 = tpu.memref_squeeze %dma_start3A_836 : memref<1x128x8xf32, #tpu.memory_space<hbm>> -> memref<128x8xf32, #tpu.memory_space<hbm>>
      %dma_start3A_838 = arith.constant 0 : i32
      %dma_start3A_839 = tpu.memref_slice %arg7[%arg0, %mul3A_185, %dma_start3A_838] : memref<2x32768x8xf32, #tpu.memory_space<hbm>> -> memref<1x128x8xf32, #tpu.memory_space<hbm>>
      %dma_start3A_840 = tpu.memref_squeeze %dma_start3A_839 : memref<1x128x8xf32, #tpu.memory_space<hbm>> -> memref<128x8xf32, #tpu.memory_space<hbm>>
      tpu.enqueue_dma source(%arg12 : memref<128x8xf32, #tpu.memory_space<vmem>>) target(%dma_start3A_840 : memref<128x8xf32, #tpu.memory_space<hbm>>) target_semaphore(%run_scoped3A_834 : memref<!tpu.dma_semaphore, #tpu.memory_space<semaphore_mem>>)
      %dma_wait3A_841 = arith.constant 0 : i32
      %dma_wait3A_842 = tpu.memref_slice %arg7[%arg0, %mul3A_185, %dma_wait3A_841] : memref<2x32768x8xf32, #tpu.memory_space<hbm>> -> memref<1x128x8xf32, #tpu.memory_space<hbm>>
      %dma_wait3A_843 = tpu.memref_squeeze %dma_wait3A_842 : memref<1x128x8xf32, #tpu.memory_space<hbm>> -> memref<128x8xf32, #tpu.memory_space<hbm>>
      %dma_wait3A_844 = arith.constant 0 : i32
      %dma_wait3A_845 = tpu.memref_slice %arg7[%arg0, %mul3A_185, %dma_wait3A_844] : memref<2x32768x8xf32, #tpu.memory_space<hbm>> -> memref<1x128x8xf32, #tpu.memory_space<hbm>>
      %dma_wait3A_846 = tpu.memref_squeeze %dma_wait3A_845 : memref<1x128x8xf32, #tpu.memory_space<hbm>> -> memref<128x8xf32, #tpu.memory_space<hbm>>
      tpu.wait_dma2 semaphore(%run_scoped3A_834 : memref<!tpu.dma_semaphore, #tpu.memory_space<semaphore_mem>>) src(%arg12 : memref<128x8xf32, #tpu.memory_space<vmem>>) dst(%dma_wait3A_846 : memref<128x8xf32, #tpu.memory_space<hbm>>)
      tpu.yield
    }) : () -> ()
    %eq3A_202 = arith.constant 0 : i32
    %eq3A_203 = arith.cmpi eq, %arg0, %eq3A_202 : i32
    %convert_element_type3A_204 = arith.extui %eq3A_203 : i1 to i32
    %cond3A_205 = arith.constant 0 : i32
    %cond3A_206 = arith.cmpi ne, %convert_element_type3A_204, %cond3A_205 : i32
    scf.if %cond3A_206 {
      %dma_start3A_834 = arith.constant 0 : i32
      %dma_start3A_835 = arith.constant 6 : i32
      %dma_start3A_836 = arith.constant 0 : i32
      %dma_start3A_837 = tpu.memref_slice %arg11[%dma_start3A_834, %dma_start3A_835, %dma_start3A_836] : memref<2x8x128xi32, #tpu.memory_space<vmem>> -> memref<1x1x128xi32, #tpu.memory_space<vmem>>
      %dma_start3A_838 = tpu.memref_squeeze %dma_start3A_837 : memref<1x1x128xi32, #tpu.memory_space<vmem>> -> memref<128xi32, #tpu.memory_space<vmem>>
      %dma_start3A_839 = arith.constant 0 : i32
      %dma_start3A_840 = arith.constant 0 : i32
      %dma_start3A_841 = tpu.memref_slice %arg2[%dma_start3A_839, %dma_start3A_840] : memref<100096x8xf32, #tpu.memory_space<hbm>> -> memref<100096x8xf32, #tpu.memory_space<hbm>>
      tpu.enqueue_indirect_dma source(%dma_start3A_841 : memref<100096x8xf32, #tpu.memory_space<hbm>>) target(%arg13 : memref<128x8xf32, #tpu.memory_space<vmem>>) offsets(%dma_start3A_838 : memref<128xi32, #tpu.memory_space<vmem>>) semaphore(%arg15 : memref<!tpu.dma_semaphore, #tpu.memory_space<semaphore_mem>>)
      %dma_wait3A_842 = arith.constant 0 : i32
      %dma_wait3A_843 = arith.constant 6 : i32
      %dma_wait3A_844 = arith.constant 0 : i32
      %dma_wait3A_845 = tpu.memref_slice %arg11[%dma_wait3A_842, %dma_wait3A_843, %dma_wait3A_844] : memref<2x8x128xi32, #tpu.memory_space<vmem>> -> memref<1x1x128xi32, #tpu.memory_space<vmem>>
      %dma_wait3A_846 = tpu.memref_squeeze %dma_wait3A_845 : memref<1x1x128xi32, #tpu.memory_space<vmem>> -> memref<128xi32, #tpu.memory_space<vmem>>
      %dma_wait3A_847 = arith.constant 0 : i32
      %dma_wait3A_848 = arith.constant 0 : i32
      %dma_wait3A_849 = tpu.memref_slice %arg2[%dma_wait3A_847, %dma_wait3A_848] : memref<100096x8xf32, #tpu.memory_space<hbm>> -> memref<100096x8xf32, #tpu.memory_space<hbm>>
      tpu.wait_indirect_dma semaphore(%arg15 : memref<!tpu.dma_semaphore, #tpu.memory_space<semaphore_mem>>) src(%dma_wait3A_849 : memref<100096x8xf32, #tpu.memory_space<hbm>>) dst(%arg13 : memref<128x8xf32, #tpu.memory_space<vmem>>)
      "tpu.region"() ({
        %run_scoped3A_850 = tpu.sem_alloc : memref<!tpu.dma_semaphore, #tpu.memory_space<semaphore_mem>>
        %dma_start3A_851 = arith.constant 0 : i32
        %dma_start3A_852 = tpu.memref_slice %arg9[%mul3A_185, %dma_start3A_851] : memref<32768x8xf32, #tpu.memory_space<hbm>> -> memref<128x8xf32, #tpu.memory_space<hbm>>
        %dma_start3A_853 = arith.constant 0 : i32
        %dma_start3A_854 = tpu.memref_slice %arg9[%mul3A_185, %dma_start3A_853] : memref<32768x8xf32, #tpu.memory_space<hbm>> -> memref<128x8xf32, #tpu.memory_space<hbm>>
        tpu.enqueue_dma source(%arg13 : memref<128x8xf32, #tpu.memory_space<vmem>>) target(%dma_start3A_854 : memref<128x8xf32, #tpu.memory_space<hbm>>) target_semaphore(%run_scoped3A_850 : memref<!tpu.dma_semaphore, #tpu.memory_space<semaphore_mem>>)
        %dma_wait3A_855 = arith.constant 0 : i32
        %dma_wait3A_856 = tpu.memref_slice %arg9[%mul3A_185, %dma_wait3A_855] : memref<32768x8xf32, #tpu.memory_space<hbm>> -> memref<128x8xf32, #tpu.memory_space<hbm>>
        %dma_wait3A_857 = arith.constant 0 : i32
        %dma_wait3A_858 = tpu.memref_slice %arg9[%mul3A_185, %dma_wait3A_857] : memref<32768x8xf32, #tpu.memory_space<hbm>> -> memref<128x8xf32, #tpu.memory_space<hbm>>
        tpu.wait_dma2 semaphore(%run_scoped3A_850 : memref<!tpu.dma_semaphore, #tpu.memory_space<semaphore_mem>>) src(%arg13 : memref<128x8xf32, #tpu.memory_space<vmem>>) dst(%dma_wait3A_858 : memref<128x8xf32, #tpu.memory_space<hbm>>)
        tpu.yield
      }) : () -> ()
    } else {
    }
    %mul3A_207 = arith.constant 8 : i32
    %mul3A_208 = arith.muli %add3A_20, %mul3A_207 : i32
    %add3A_209 = arith.constant 7 : i32
    %add3A_210 = arith.addi %mul3A_208, %add3A_209 : i32
    %mul3A_211 = arith.constant 128 : i32
    %mul3A_212 = arith.muli %add3A_210, %mul3A_211 : i32
    %dma_start3A_213 = arith.constant 0 : i32
    %dma_start3A_214 = arith.constant 7 : i32
    %dma_start3A_215 = arith.constant 0 : i32
    %dma_start3A_216 = tpu.memref_slice %arg11[%dma_start3A_213, %dma_start3A_214, %dma_start3A_215] : memref<2x8x128xi32, #tpu.memory_space<vmem>> -> memref<1x1x128xi32, #tpu.memory_space<vmem>>
    %dma_start3A_217 = tpu.memref_squeeze %dma_start3A_216 : memref<1x1x128xi32, #tpu.memory_space<vmem>> -> memref<128xi32, #tpu.memory_space<vmem>>
    %dma_start3A_218 = arith.constant 0 : i32
    %dma_start3A_219 = arith.constant 0 : i32
    %dma_start3A_220 = tpu.memref_slice %arg10[%dma_start3A_218, %dma_start3A_219] : memref<100096x8xf32, #tpu.memory_space<vmem_shared>> -> memref<100096x8xf32, #tpu.memory_space<vmem_shared>>
    tpu.enqueue_indirect_dma source(%dma_start3A_220 : memref<100096x8xf32, #tpu.memory_space<vmem_shared>>) target(%arg12 : memref<128x8xf32, #tpu.memory_space<vmem>>) offsets(%dma_start3A_217 : memref<128xi32, #tpu.memory_space<vmem>>) semaphore(%arg14 : memref<!tpu.dma_semaphore, #tpu.memory_space<semaphore_mem>>)
    %dma_wait3A_221 = arith.constant 0 : i32
    %dma_wait3A_222 = arith.constant 7 : i32
    %dma_wait3A_223 = arith.constant 0 : i32
    %dma_wait3A_224 = tpu.memref_slice %arg11[%dma_wait3A_221, %dma_wait3A_222, %dma_wait3A_223] : memref<2x8x128xi32, #tpu.memory_space<vmem>> -> memref<1x1x128xi32, #tpu.memory_space<vmem>>
    %dma_wait3A_225 = tpu.memref_squeeze %dma_wait3A_224 : memref<1x1x128xi32, #tpu.memory_space<vmem>> -> memref<128xi32, #tpu.memory_space<vmem>>
    %dma_wait3A_226 = arith.constant 0 : i32
    %dma_wait3A_227 = arith.constant 0 : i32
    %dma_wait3A_228 = tpu.memref_slice %arg10[%dma_wait3A_226, %dma_wait3A_227] : memref<100096x8xf32, #tpu.memory_space<vmem_shared>> -> memref<100096x8xf32, #tpu.memory_space<vmem_shared>>
    tpu.wait_indirect_dma semaphore(%arg14 : memref<!tpu.dma_semaphore, #tpu.memory_space<semaphore_mem>>) src(%dma_wait3A_228 : memref<100096x8xf32, #tpu.memory_space<vmem_shared>>) dst(%arg12 : memref<128x8xf32, #tpu.memory_space<vmem>>)
    "tpu.region"() ({
      %run_scoped3A_834 = tpu.sem_alloc : memref<!tpu.dma_semaphore, #tpu.memory_space<semaphore_mem>>
      %dma_start3A_835 = arith.constant 0 : i32
      %dma_start3A_836 = tpu.memref_slice %arg7[%arg0, %mul3A_212, %dma_start3A_835] : memref<2x32768x8xf32, #tpu.memory_space<hbm>> -> memref<1x128x8xf32, #tpu.memory_space<hbm>>
      %dma_start3A_837 = tpu.memref_squeeze %dma_start3A_836 : memref<1x128x8xf32, #tpu.memory_space<hbm>> -> memref<128x8xf32, #tpu.memory_space<hbm>>
      %dma_start3A_838 = arith.constant 0 : i32
      %dma_start3A_839 = tpu.memref_slice %arg7[%arg0, %mul3A_212, %dma_start3A_838] : memref<2x32768x8xf32, #tpu.memory_space<hbm>> -> memref<1x128x8xf32, #tpu.memory_space<hbm>>
      %dma_start3A_840 = tpu.memref_squeeze %dma_start3A_839 : memref<1x128x8xf32, #tpu.memory_space<hbm>> -> memref<128x8xf32, #tpu.memory_space<hbm>>
      tpu.enqueue_dma source(%arg12 : memref<128x8xf32, #tpu.memory_space<vmem>>) target(%dma_start3A_840 : memref<128x8xf32, #tpu.memory_space<hbm>>) target_semaphore(%run_scoped3A_834 : memref<!tpu.dma_semaphore, #tpu.memory_space<semaphore_mem>>)
      %dma_wait3A_841 = arith.constant 0 : i32
      %dma_wait3A_842 = tpu.memref_slice %arg7[%arg0, %mul3A_212, %dma_wait3A_841] : memref<2x32768x8xf32, #tpu.memory_space<hbm>> -> memref<1x128x8xf32, #tpu.memory_space<hbm>>
      %dma_wait3A_843 = tpu.memref_squeeze %dma_wait3A_842 : memref<1x128x8xf32, #tpu.memory_space<hbm>> -> memref<128x8xf32, #tpu.memory_space<hbm>>
      %dma_wait3A_844 = arith.constant 0 : i32
      %dma_wait3A_845 = tpu.memref_slice %arg7[%arg0, %mul3A_212, %dma_wait3A_844] : memref<2x32768x8xf32, #tpu.memory_space<hbm>> -> memref<1x128x8xf32, #tpu.memory_space<hbm>>
      %dma_wait3A_846 = tpu.memref_squeeze %dma_wait3A_845 : memref<1x128x8xf32, #tpu.memory_space<hbm>> -> memref<128x8xf32, #tpu.memory_space<hbm>>
      tpu.wait_dma2 semaphore(%run_scoped3A_834 : memref<!tpu.dma_semaphore, #tpu.memory_space<semaphore_mem>>) src(%arg12 : memref<128x8xf32, #tpu.memory_space<vmem>>) dst(%dma_wait3A_846 : memref<128x8xf32, #tpu.memory_space<hbm>>)
      tpu.yield
    }) : () -> ()
    %eq3A_229 = arith.constant 0 : i32
    %eq3A_230 = arith.cmpi eq, %arg0, %eq3A_229 : i32
    %convert_element_type3A_231 = arith.extui %eq3A_230 : i1 to i32
    %cond3A_232 = arith.constant 0 : i32
    %cond3A_233 = arith.cmpi ne, %convert_element_type3A_231, %cond3A_232 : i32
    scf.if %cond3A_233 {
      %dma_start3A_834 = arith.constant 0 : i32
      %dma_start3A_835 = arith.constant 7 : i32
      %dma_start3A_836 = arith.constant 0 : i32
      %dma_start3A_837 = tpu.memref_slice %arg11[%dma_start3A_834, %dma_start3A_835, %dma_start3A_836] : memref<2x8x128xi32, #tpu.memory_space<vmem>> -> memref<1x1x128xi32, #tpu.memory_space<vmem>>
      %dma_start3A_838 = tpu.memref_squeeze %dma_start3A_837 : memref<1x1x128xi32, #tpu.memory_space<vmem>> -> memref<128xi32, #tpu.memory_space<vmem>>
      %dma_start3A_839 = arith.constant 0 : i32
      %dma_start3A_840 = arith.constant 0 : i32
      %dma_start3A_841 = tpu.memref_slice %arg2[%dma_start3A_839, %dma_start3A_840] : memref<100096x8xf32, #tpu.memory_space<hbm>> -> memref<100096x8xf32, #tpu.memory_space<hbm>>
      tpu.enqueue_indirect_dma source(%dma_start3A_841 : memref<100096x8xf32, #tpu.memory_space<hbm>>) target(%arg13 : memref<128x8xf32, #tpu.memory_space<vmem>>) offsets(%dma_start3A_838 : memref<128xi32, #tpu.memory_space<vmem>>) semaphore(%arg15 : memref<!tpu.dma_semaphore, #tpu.memory_space<semaphore_mem>>)
      %dma_wait3A_842 = arith.constant 0 : i32
      %dma_wait3A_843 = arith.constant 7 : i32
      %dma_wait3A_844 = arith.constant 0 : i32
      %dma_wait3A_845 = tpu.memref_slice %arg11[%dma_wait3A_842, %dma_wait3A_843, %dma_wait3A_844] : memref<2x8x128xi32, #tpu.memory_space<vmem>> -> memref<1x1x128xi32, #tpu.memory_space<vmem>>
      %dma_wait3A_846 = tpu.memref_squeeze %dma_wait3A_845 : memref<1x1x128xi32, #tpu.memory_space<vmem>> -> memref<128xi32, #tpu.memory_space<vmem>>
      %dma_wait3A_847 = arith.constant 0 : i32
      %dma_wait3A_848 = arith.constant 0 : i32
      %dma_wait3A_849 = tpu.memref_slice %arg2[%dma_wait3A_847, %dma_wait3A_848] : memref<100096x8xf32, #tpu.memory_space<hbm>> -> memref<100096x8xf32, #tpu.memory_space<hbm>>
      tpu.wait_indirect_dma semaphore(%arg15 : memref<!tpu.dma_semaphore, #tpu.memory_space<semaphore_mem>>) src(%dma_wait3A_849 : memref<100096x8xf32, #tpu.memory_space<hbm>>) dst(%arg13 : memref<128x8xf32, #tpu.memory_space<vmem>>)
      "tpu.region"() ({
        %run_scoped3A_850 = tpu.sem_alloc : memref<!tpu.dma_semaphore, #tpu.memory_space<semaphore_mem>>
        %dma_start3A_851 = arith.constant 0 : i32
        %dma_start3A_852 = tpu.memref_slice %arg9[%mul3A_212, %dma_start3A_851] : memref<32768x8xf32, #tpu.memory_space<hbm>> -> memref<128x8xf32, #tpu.memory_space<hbm>>
        %dma_start3A_853 = arith.constant 0 : i32
        %dma_start3A_854 = tpu.memref_slice %arg9[%mul3A_212, %dma_start3A_853] : memref<32768x8xf32, #tpu.memory_space<hbm>> -> memref<128x8xf32, #tpu.memory_space<hbm>>
        tpu.enqueue_dma source(%arg13 : memref<128x8xf32, #tpu.memory_space<vmem>>) target(%dma_start3A_854 : memref<128x8xf32, #tpu.memory_space<hbm>>) target_semaphore(%run_scoped3A_850 : memref<!tpu.dma_semaphore, #tpu.memory_space<semaphore_mem>>)
        %dma_wait3A_855 = arith.constant 0 : i32
        %dma_wait3A_856 = tpu.memref_slice %arg9[%mul3A_212, %dma_wait3A_855] : memref<32768x8xf32, #tpu.memory_space<hbm>> -> memref<128x8xf32, #tpu.memory_space<hbm>>
        %dma_wait3A_857 = arith.constant 0 : i32
        %dma_wait3A_858 = tpu.memref_slice %arg9[%mul3A_212, %dma_wait3A_857] : memref<32768x8xf32, #tpu.memory_space<hbm>> -> memref<128x8xf32, #tpu.memory_space<hbm>>
        tpu.wait_dma2 semaphore(%run_scoped3A_850 : memref<!tpu.dma_semaphore, #tpu.memory_space<semaphore_mem>>) src(%arg13 : memref<128x8xf32, #tpu.memory_space<vmem>>) dst(%dma_wait3A_858 : memref<128x8xf32, #tpu.memory_space<hbm>>)
        tpu.yield
      }) : () -> ()
    } else {
    }
    %mul3A_234 = arith.constant 2 : i32
    %mul3A_235 = arith.muli %arg1, %mul3A_234 : i32
    %add3A_236 = arith.constant 1 : i32
    %add3A_237 = arith.addi %mul3A_235, %add3A_236 : i32
    %mul3A_238 = arith.constant 8 : i32
    %mul3A_239 = arith.muli %add3A_237, %mul3A_238 : i32
    %run_scoped3A_240 = arith.constant 0 : i32
    "tpu.region"() ({
      %run_scoped3A_834 = tpu.sem_alloc : memref<!tpu.dma_semaphore, #tpu.memory_space<semaphore_mem>>
      %dma_start3A_835 = arith.constant 0 : i32
      %dma_start3A_836 = arith.constant 0 : i32
      %dma_start3A_837 = tpu.memref_slice %arg11[%run_scoped3A_240, %dma_start3A_835, %dma_start3A_836] : memref<2x8x128xi32, #tpu.memory_space<vmem>> -> memref<1x8x128xi32, #tpu.memory_space<vmem>>
      %dma_start3A_838 = tpu.memref_squeeze %dma_start3A_837 : memref<1x8x128xi32, #tpu.memory_space<vmem>> -> memref<8x128xi32, #tpu.memory_space<vmem>>
      %dma_start3A_839 = arith.constant 0 : i32
      %dma_start3A_840 = tpu.memref_slice %arg4[%mul3A_239, %dma_start3A_839] : memref<256x128xi32, #tpu.memory_space<hbm>> -> memref<8x128xi32, #tpu.memory_space<hbm>>
      %dma_start3A_841 = arith.constant 0 : i32
      %dma_start3A_842 = arith.constant 0 : i32
      %dma_start3A_843 = tpu.memref_slice %arg11[%run_scoped3A_240, %dma_start3A_841, %dma_start3A_842] : memref<2x8x128xi32, #tpu.memory_space<vmem>> -> memref<1x8x128xi32, #tpu.memory_space<vmem>>
      %dma_start3A_844 = tpu.memref_squeeze %dma_start3A_843 : memref<1x8x128xi32, #tpu.memory_space<vmem>> -> memref<8x128xi32, #tpu.memory_space<vmem>>
      %dma_start3A_845 = arith.constant 0 : i32
      %dma_start3A_846 = tpu.memref_slice %arg4[%mul3A_239, %dma_start3A_845] : memref<256x128xi32, #tpu.memory_space<hbm>> -> memref<8x128xi32, #tpu.memory_space<hbm>>
      tpu.enqueue_dma source(%dma_start3A_846 : memref<8x128xi32, #tpu.memory_space<hbm>>) target(%dma_start3A_844 : memref<8x128xi32, #tpu.memory_space<vmem>>) target_semaphore(%run_scoped3A_834 : memref<!tpu.dma_semaphore, #tpu.memory_space<semaphore_mem>>)
      %dma_wait3A_847 = arith.constant 0 : i32
      %dma_wait3A_848 = arith.constant 0 : i32
      %dma_wait3A_849 = tpu.memref_slice %arg11[%run_scoped3A_240, %dma_wait3A_847, %dma_wait3A_848] : memref<2x8x128xi32, #tpu.memory_space<vmem>> -> memref<1x8x128xi32, #tpu.memory_space<vmem>>
      %dma_wait3A_850 = tpu.memref_squeeze %dma_wait3A_849 : memref<1x8x128xi32, #tpu.memory_space<vmem>> -> memref<8x128xi32, #tpu.memory_space<vmem>>
      %dma_wait3A_851 = arith.constant 0 : i32
      %dma_wait3A_852 = tpu.memref_slice %arg4[%mul3A_239, %dma_wait3A_851] : memref<256x128xi32, #tpu.memory_space<hbm>> -> memref<8x128xi32, #tpu.memory_space<hbm>>
      %dma_wait3A_853 = arith.constant 0 : i32
      %dma_wait3A_854 = arith.constant 0 : i32
      %dma_wait3A_855 = tpu.memref_slice %arg11[%run_scoped3A_240, %dma_wait3A_853, %dma_wait3A_854] : memref<2x8x128xi32, #tpu.memory_space<vmem>> -> memref<1x8x128xi32, #tpu.memory_space<vmem>>
      %dma_wait3A_856 = tpu.memref_squeeze %dma_wait3A_855 : memref<1x8x128xi32, #tpu.memory_space<vmem>> -> memref<8x128xi32, #tpu.memory_space<vmem>>
      %dma_wait3A_857 = arith.constant 0 : i32
      %dma_wait3A_858 = tpu.memref_slice %arg4[%mul3A_239, %dma_wait3A_857] : memref<256x128xi32, #tpu.memory_space<hbm>> -> memref<8x128xi32, #tpu.memory_space<hbm>>
      tpu.wait_dma2 semaphore(%run_scoped3A_834 : memref<!tpu.dma_semaphore, #tpu.memory_space<semaphore_mem>>) src(%dma_wait3A_858 : memref<8x128xi32, #tpu.memory_space<hbm>>) dst(%dma_wait3A_856 : memref<8x128xi32, #tpu.memory_space<vmem>>)
      tpu.yield
    }) : () -> ()
    %mul3A_241 = arith.constant 8 : i32
    %mul3A_242 = arith.muli %add3A_237, %mul3A_241 : i32
    %add3A_243 = arith.constant 0 : i32
    %add3A_244 = arith.addi %mul3A_242, %add3A_243 : i32
    %mul3A_245 = arith.constant 128 : i32
    %mul3A_246 = arith.muli %add3A_244, %mul3A_245 : i32
    %dma_start3A_247 = arith.constant 0 : i32
    %dma_start3A_248 = arith.constant 0 : i32
    %dma_start3A_249 = arith.constant 0 : i32
    %dma_start3A_250 = tpu.memref_slice %arg11[%dma_start3A_247, %dma_start3A_248, %dma_start3A_249] : memref<2x8x128xi32, #tpu.memory_space<vmem>> -> memref<1x1x128xi32, #tpu.memory_space<vmem>>
    %dma_start3A_251 = tpu.memref_squeeze %dma_start3A_250 : memref<1x1x128xi32, #tpu.memory_space<vmem>> -> memref<128xi32, #tpu.memory_space<vmem>>
    %dma_start3A_252 = arith.constant 0 : i32
    %dma_start3A_253 = arith.constant 0 : i32
    %dma_start3A_254 = tpu.memref_slice %arg10[%dma_start3A_252, %dma_start3A_253] : memref<100096x8xf32, #tpu.memory_space<vmem_shared>> -> memref<100096x8xf32, #tpu.memory_space<vmem_shared>>
    tpu.enqueue_indirect_dma source(%dma_start3A_254 : memref<100096x8xf32, #tpu.memory_space<vmem_shared>>) target(%arg12 : memref<128x8xf32, #tpu.memory_space<vmem>>) offsets(%dma_start3A_251 : memref<128xi32, #tpu.memory_space<vmem>>) semaphore(%arg14 : memref<!tpu.dma_semaphore, #tpu.memory_space<semaphore_mem>>)
    %dma_wait3A_255 = arith.constant 0 : i32
    %dma_wait3A_256 = arith.constant 0 : i32
    %dma_wait3A_257 = arith.constant 0 : i32
    %dma_wait3A_258 = tpu.memref_slice %arg11[%dma_wait3A_255, %dma_wait3A_256, %dma_wait3A_257] : memref<2x8x128xi32, #tpu.memory_space<vmem>> -> memref<1x1x128xi32, #tpu.memory_space<vmem>>
    %dma_wait3A_259 = tpu.memref_squeeze %dma_wait3A_258 : memref<1x1x128xi32, #tpu.memory_space<vmem>> -> memref<128xi32, #tpu.memory_space<vmem>>
    %dma_wait3A_260 = arith.constant 0 : i32
    %dma_wait3A_261 = arith.constant 0 : i32
    %dma_wait3A_262 = tpu.memref_slice %arg10[%dma_wait3A_260, %dma_wait3A_261] : memref<100096x8xf32, #tpu.memory_space<vmem_shared>> -> memref<100096x8xf32, #tpu.memory_space<vmem_shared>>
    tpu.wait_indirect_dma semaphore(%arg14 : memref<!tpu.dma_semaphore, #tpu.memory_space<semaphore_mem>>) src(%dma_wait3A_262 : memref<100096x8xf32, #tpu.memory_space<vmem_shared>>) dst(%arg12 : memref<128x8xf32, #tpu.memory_space<vmem>>)
    "tpu.region"() ({
      %run_scoped3A_834 = tpu.sem_alloc : memref<!tpu.dma_semaphore, #tpu.memory_space<semaphore_mem>>
      %dma_start3A_835 = arith.constant 0 : i32
      %dma_start3A_836 = tpu.memref_slice %arg7[%arg0, %mul3A_246, %dma_start3A_835] : memref<2x32768x8xf32, #tpu.memory_space<hbm>> -> memref<1x128x8xf32, #tpu.memory_space<hbm>>
      %dma_start3A_837 = tpu.memref_squeeze %dma_start3A_836 : memref<1x128x8xf32, #tpu.memory_space<hbm>> -> memref<128x8xf32, #tpu.memory_space<hbm>>
      %dma_start3A_838 = arith.constant 0 : i32
      %dma_start3A_839 = tpu.memref_slice %arg7[%arg0, %mul3A_246, %dma_start3A_838] : memref<2x32768x8xf32, #tpu.memory_space<hbm>> -> memref<1x128x8xf32, #tpu.memory_space<hbm>>
      %dma_start3A_840 = tpu.memref_squeeze %dma_start3A_839 : memref<1x128x8xf32, #tpu.memory_space<hbm>> -> memref<128x8xf32, #tpu.memory_space<hbm>>
      tpu.enqueue_dma source(%arg12 : memref<128x8xf32, #tpu.memory_space<vmem>>) target(%dma_start3A_840 : memref<128x8xf32, #tpu.memory_space<hbm>>) target_semaphore(%run_scoped3A_834 : memref<!tpu.dma_semaphore, #tpu.memory_space<semaphore_mem>>)
      %dma_wait3A_841 = arith.constant 0 : i32
      %dma_wait3A_842 = tpu.memref_slice %arg7[%arg0, %mul3A_246, %dma_wait3A_841] : memref<2x32768x8xf32, #tpu.memory_space<hbm>> -> memref<1x128x8xf32, #tpu.memory_space<hbm>>
      %dma_wait3A_843 = tpu.memref_squeeze %dma_wait3A_842 : memref<1x128x8xf32, #tpu.memory_space<hbm>> -> memref<128x8xf32, #tpu.memory_space<hbm>>
      %dma_wait3A_844 = arith.constant 0 : i32
      %dma_wait3A_845 = tpu.memref_slice %arg7[%arg0, %mul3A_246, %dma_wait3A_844] : memref<2x32768x8xf32, #tpu.memory_space<hbm>> -> memref<1x128x8xf32, #tpu.memory_space<hbm>>
      %dma_wait3A_846 = tpu.memref_squeeze %dma_wait3A_845 : memref<1x128x8xf32, #tpu.memory_space<hbm>> -> memref<128x8xf32, #tpu.memory_space<hbm>>
      tpu.wait_dma2 semaphore(%run_scoped3A_834 : memref<!tpu.dma_semaphore, #tpu.memory_space<semaphore_mem>>) src(%arg12 : memref<128x8xf32, #tpu.memory_space<vmem>>) dst(%dma_wait3A_846 : memref<128x8xf32, #tpu.memory_space<hbm>>)
      tpu.yield
    }) : () -> ()
    %eq3A_263 = arith.constant 1 : i32
    %eq3A_264 = arith.cmpi eq, %arg0, %eq3A_263 : i32
    %convert_element_type3A_265 = arith.extui %eq3A_264 : i1 to i32
    %cond3A_266 = arith.constant 0 : i32
    %cond3A_267 = arith.cmpi ne, %convert_element_type3A_265, %cond3A_266 : i32
    scf.if %cond3A_267 {
      %dma_start3A_834 = arith.constant 0 : i32
      %dma_start3A_835 = arith.constant 0 : i32
      %dma_start3A_836 = arith.constant 0 : i32
      %dma_start3A_837 = tpu.memref_slice %arg11[%dma_start3A_834, %dma_start3A_835, %dma_start3A_836] : memref<2x8x128xi32, #tpu.memory_space<vmem>> -> memref<1x1x128xi32, #tpu.memory_space<vmem>>
      %dma_start3A_838 = tpu.memref_squeeze %dma_start3A_837 : memref<1x1x128xi32, #tpu.memory_space<vmem>> -> memref<128xi32, #tpu.memory_space<vmem>>
      %dma_start3A_839 = arith.constant 0 : i32
      %dma_start3A_840 = arith.constant 0 : i32
      %dma_start3A_841 = tpu.memref_slice %arg2[%dma_start3A_839, %dma_start3A_840] : memref<100096x8xf32, #tpu.memory_space<hbm>> -> memref<100096x8xf32, #tpu.memory_space<hbm>>
      tpu.enqueue_indirect_dma source(%dma_start3A_841 : memref<100096x8xf32, #tpu.memory_space<hbm>>) target(%arg13 : memref<128x8xf32, #tpu.memory_space<vmem>>) offsets(%dma_start3A_838 : memref<128xi32, #tpu.memory_space<vmem>>) semaphore(%arg15 : memref<!tpu.dma_semaphore, #tpu.memory_space<semaphore_mem>>)
      %dma_wait3A_842 = arith.constant 0 : i32
      %dma_wait3A_843 = arith.constant 0 : i32
      %dma_wait3A_844 = arith.constant 0 : i32
      %dma_wait3A_845 = tpu.memref_slice %arg11[%dma_wait3A_842, %dma_wait3A_843, %dma_wait3A_844] : memref<2x8x128xi32, #tpu.memory_space<vmem>> -> memref<1x1x128xi32, #tpu.memory_space<vmem>>
      %dma_wait3A_846 = tpu.memref_squeeze %dma_wait3A_845 : memref<1x1x128xi32, #tpu.memory_space<vmem>> -> memref<128xi32, #tpu.memory_space<vmem>>
      %dma_wait3A_847 = arith.constant 0 : i32
      %dma_wait3A_848 = arith.constant 0 : i32
      %dma_wait3A_849 = tpu.memref_slice %arg2[%dma_wait3A_847, %dma_wait3A_848] : memref<100096x8xf32, #tpu.memory_space<hbm>> -> memref<100096x8xf32, #tpu.memory_space<hbm>>
      tpu.wait_indirect_dma semaphore(%arg15 : memref<!tpu.dma_semaphore, #tpu.memory_space<semaphore_mem>>) src(%dma_wait3A_849 : memref<100096x8xf32, #tpu.memory_space<hbm>>) dst(%arg13 : memref<128x8xf32, #tpu.memory_space<vmem>>)
      "tpu.region"() ({
        %run_scoped3A_850 = tpu.sem_alloc : memref<!tpu.dma_semaphore, #tpu.memory_space<semaphore_mem>>
        %dma_start3A_851 = arith.constant 0 : i32
        %dma_start3A_852 = tpu.memref_slice %arg9[%mul3A_246, %dma_start3A_851] : memref<32768x8xf32, #tpu.memory_space<hbm>> -> memref<128x8xf32, #tpu.memory_space<hbm>>
        %dma_start3A_853 = arith.constant 0 : i32
        %dma_start3A_854 = tpu.memref_slice %arg9[%mul3A_246, %dma_start3A_853] : memref<32768x8xf32, #tpu.memory_space<hbm>> -> memref<128x8xf32, #tpu.memory_space<hbm>>
        tpu.enqueue_dma source(%arg13 : memref<128x8xf32, #tpu.memory_space<vmem>>) target(%dma_start3A_854 : memref<128x8xf32, #tpu.memory_space<hbm>>) target_semaphore(%run_scoped3A_850 : memref<!tpu.dma_semaphore, #tpu.memory_space<semaphore_mem>>)
        %dma_wait3A_855 = arith.constant 0 : i32
        %dma_wait3A_856 = tpu.memref_slice %arg9[%mul3A_246, %dma_wait3A_855] : memref<32768x8xf32, #tpu.memory_space<hbm>> -> memref<128x8xf32, #tpu.memory_space<hbm>>
        %dma_wait3A_857 = arith.constant 0 : i32
        %dma_wait3A_858 = tpu.memref_slice %arg9[%mul3A_246, %dma_wait3A_857] : memref<32768x8xf32, #tpu.memory_space<hbm>> -> memref<128x8xf32, #tpu.memory_space<hbm>>
        tpu.wait_dma2 semaphore(%run_scoped3A_850 : memref<!tpu.dma_semaphore, #tpu.memory_space<semaphore_mem>>) src(%arg13 : memref<128x8xf32, #tpu.memory_space<vmem>>) dst(%dma_wait3A_858 : memref<128x8xf32, #tpu.memory_space<hbm>>)
        tpu.yield
      }) : () -> ()
    } else {
    }
    %mul3A_268 = arith.constant 8 : i32
    %mul3A_269 = arith.muli %add3A_237, %mul3A_268 : i32
    %add3A_270 = arith.constant 1 : i32
    %add3A_271 = arith.addi %mul3A_269, %add3A_270 : i32
    %mul3A_272 = arith.constant 128 : i32
    %mul3A_273 = arith.muli %add3A_271, %mul3A_272 : i32
    %dma_start3A_274 = arith.constant 0 : i32
    %dma_start3A_275 = arith.constant 1 : i32
    %dma_start3A_276 = arith.constant 0 : i32
    %dma_start3A_277 = tpu.memref_slice %arg11[%dma_start3A_274, %dma_start3A_275, %dma_start3A_276] : memref<2x8x128xi32, #tpu.memory_space<vmem>> -> memref<1x1x128xi32, #tpu.memory_space<vmem>>
    %dma_start3A_278 = tpu.memref_squeeze %dma_start3A_277 : memref<1x1x128xi32, #tpu.memory_space<vmem>> -> memref<128xi32, #tpu.memory_space<vmem>>
    %dma_start3A_279 = arith.constant 0 : i32
    %dma_start3A_280 = arith.constant 0 : i32
    %dma_start3A_281 = tpu.memref_slice %arg10[%dma_start3A_279, %dma_start3A_280] : memref<100096x8xf32, #tpu.memory_space<vmem_shared>> -> memref<100096x8xf32, #tpu.memory_space<vmem_shared>>
    tpu.enqueue_indirect_dma source(%dma_start3A_281 : memref<100096x8xf32, #tpu.memory_space<vmem_shared>>) target(%arg12 : memref<128x8xf32, #tpu.memory_space<vmem>>) offsets(%dma_start3A_278 : memref<128xi32, #tpu.memory_space<vmem>>) semaphore(%arg14 : memref<!tpu.dma_semaphore, #tpu.memory_space<semaphore_mem>>)
    %dma_wait3A_282 = arith.constant 0 : i32
    %dma_wait3A_283 = arith.constant 1 : i32
    %dma_wait3A_284 = arith.constant 0 : i32
    %dma_wait3A_285 = tpu.memref_slice %arg11[%dma_wait3A_282, %dma_wait3A_283, %dma_wait3A_284] : memref<2x8x128xi32, #tpu.memory_space<vmem>> -> memref<1x1x128xi32, #tpu.memory_space<vmem>>
    %dma_wait3A_286 = tpu.memref_squeeze %dma_wait3A_285 : memref<1x1x128xi32, #tpu.memory_space<vmem>> -> memref<128xi32, #tpu.memory_space<vmem>>
    %dma_wait3A_287 = arith.constant 0 : i32
    %dma_wait3A_288 = arith.constant 0 : i32
    %dma_wait3A_289 = tpu.memref_slice %arg10[%dma_wait3A_287, %dma_wait3A_288] : memref<100096x8xf32, #tpu.memory_space<vmem_shared>> -> memref<100096x8xf32, #tpu.memory_space<vmem_shared>>
    tpu.wait_indirect_dma semaphore(%arg14 : memref<!tpu.dma_semaphore, #tpu.memory_space<semaphore_mem>>) src(%dma_wait3A_289 : memref<100096x8xf32, #tpu.memory_space<vmem_shared>>) dst(%arg12 : memref<128x8xf32, #tpu.memory_space<vmem>>)
    "tpu.region"() ({
      %run_scoped3A_834 = tpu.sem_alloc : memref<!tpu.dma_semaphore, #tpu.memory_space<semaphore_mem>>
      %dma_start3A_835 = arith.constant 0 : i32
      %dma_start3A_836 = tpu.memref_slice %arg7[%arg0, %mul3A_273, %dma_start3A_835] : memref<2x32768x8xf32, #tpu.memory_space<hbm>> -> memref<1x128x8xf32, #tpu.memory_space<hbm>>
      %dma_start3A_837 = tpu.memref_squeeze %dma_start3A_836 : memref<1x128x8xf32, #tpu.memory_space<hbm>> -> memref<128x8xf32, #tpu.memory_space<hbm>>
      %dma_start3A_838 = arith.constant 0 : i32
      %dma_start3A_839 = tpu.memref_slice %arg7[%arg0, %mul3A_273, %dma_start3A_838] : memref<2x32768x8xf32, #tpu.memory_space<hbm>> -> memref<1x128x8xf32, #tpu.memory_space<hbm>>
      %dma_start3A_840 = tpu.memref_squeeze %dma_start3A_839 : memref<1x128x8xf32, #tpu.memory_space<hbm>> -> memref<128x8xf32, #tpu.memory_space<hbm>>
      tpu.enqueue_dma source(%arg12 : memref<128x8xf32, #tpu.memory_space<vmem>>) target(%dma_start3A_840 : memref<128x8xf32, #tpu.memory_space<hbm>>) target_semaphore(%run_scoped3A_834 : memref<!tpu.dma_semaphore, #tpu.memory_space<semaphore_mem>>)
      %dma_wait3A_841 = arith.constant 0 : i32
      %dma_wait3A_842 = tpu.memref_slice %arg7[%arg0, %mul3A_273, %dma_wait3A_841] : memref<2x32768x8xf32, #tpu.memory_space<hbm>> -> memref<1x128x8xf32, #tpu.memory_space<hbm>>
      %dma_wait3A_843 = tpu.memref_squeeze %dma_wait3A_842 : memref<1x128x8xf32, #tpu.memory_space<hbm>> -> memref<128x8xf32, #tpu.memory_space<hbm>>
      %dma_wait3A_844 = arith.constant 0 : i32
      %dma_wait3A_845 = tpu.memref_slice %arg7[%arg0, %mul3A_273, %dma_wait3A_844] : memref<2x32768x8xf32, #tpu.memory_space<hbm>> -> memref<1x128x8xf32, #tpu.memory_space<hbm>>
      %dma_wait3A_846 = tpu.memref_squeeze %dma_wait3A_845 : memref<1x128x8xf32, #tpu.memory_space<hbm>> -> memref<128x8xf32, #tpu.memory_space<hbm>>
      tpu.wait_dma2 semaphore(%run_scoped3A_834 : memref<!tpu.dma_semaphore, #tpu.memory_space<semaphore_mem>>) src(%arg12 : memref<128x8xf32, #tpu.memory_space<vmem>>) dst(%dma_wait3A_846 : memref<128x8xf32, #tpu.memory_space<hbm>>)
      tpu.yield
    }) : () -> ()
    %eq3A_290 = arith.constant 1 : i32
    %eq3A_291 = arith.cmpi eq, %arg0, %eq3A_290 : i32
    %convert_element_type3A_292 = arith.extui %eq3A_291 : i1 to i32
    %cond3A_293 = arith.constant 0 : i32
    %cond3A_294 = arith.cmpi ne, %convert_element_type3A_292, %cond3A_293 : i32
    scf.if %cond3A_294 {
      %dma_start3A_834 = arith.constant 0 : i32
      %dma_start3A_835 = arith.constant 1 : i32
      %dma_start3A_836 = arith.constant 0 : i32
      %dma_start3A_837 = tpu.memref_slice %arg11[%dma_start3A_834, %dma_start3A_835, %dma_start3A_836] : memref<2x8x128xi32, #tpu.memory_space<vmem>> -> memref<1x1x128xi32, #tpu.memory_space<vmem>>
      %dma_start3A_838 = tpu.memref_squeeze %dma_start3A_837 : memref<1x1x128xi32, #tpu.memory_space<vmem>> -> memref<128xi32, #tpu.memory_space<vmem>>
      %dma_start3A_839 = arith.constant 0 : i32
      %dma_start3A_840 = arith.constant 0 : i32
      %dma_start3A_841 = tpu.memref_slice %arg2[%dma_start3A_839, %dma_start3A_840] : memref<100096x8xf32, #tpu.memory_space<hbm>> -> memref<100096x8xf32, #tpu.memory_space<hbm>>
      tpu.enqueue_indirect_dma source(%dma_start3A_841 : memref<100096x8xf32, #tpu.memory_space<hbm>>) target(%arg13 : memref<128x8xf32, #tpu.memory_space<vmem>>) offsets(%dma_start3A_838 : memref<128xi32, #tpu.memory_space<vmem>>) semaphore(%arg15 : memref<!tpu.dma_semaphore, #tpu.memory_space<semaphore_mem>>)
      %dma_wait3A_842 = arith.constant 0 : i32
      %dma_wait3A_843 = arith.constant 1 : i32
      %dma_wait3A_844 = arith.constant 0 : i32
      %dma_wait3A_845 = tpu.memref_slice %arg11[%dma_wait3A_842, %dma_wait3A_843, %dma_wait3A_844] : memref<2x8x128xi32, #tpu.memory_space<vmem>> -> memref<1x1x128xi32, #tpu.memory_space<vmem>>
      %dma_wait3A_846 = tpu.memref_squeeze %dma_wait3A_845 : memref<1x1x128xi32, #tpu.memory_space<vmem>> -> memref<128xi32, #tpu.memory_space<vmem>>
      %dma_wait3A_847 = arith.constant 0 : i32
      %dma_wait3A_848 = arith.constant 0 : i32
      %dma_wait3A_849 = tpu.memref_slice %arg2[%dma_wait3A_847, %dma_wait3A_848] : memref<100096x8xf32, #tpu.memory_space<hbm>> -> memref<100096x8xf32, #tpu.memory_space<hbm>>
      tpu.wait_indirect_dma semaphore(%arg15 : memref<!tpu.dma_semaphore, #tpu.memory_space<semaphore_mem>>) src(%dma_wait3A_849 : memref<100096x8xf32, #tpu.memory_space<hbm>>) dst(%arg13 : memref<128x8xf32, #tpu.memory_space<vmem>>)
      "tpu.region"() ({
        %run_scoped3A_850 = tpu.sem_alloc : memref<!tpu.dma_semaphore, #tpu.memory_space<semaphore_mem>>
        %dma_start3A_851 = arith.constant 0 : i32
        %dma_start3A_852 = tpu.memref_slice %arg9[%mul3A_273, %dma_start3A_851] : memref<32768x8xf32, #tpu.memory_space<hbm>> -> memref<128x8xf32, #tpu.memory_space<hbm>>
        %dma_start3A_853 = arith.constant 0 : i32
        %dma_start3A_854 = tpu.memref_slice %arg9[%mul3A_273, %dma_start3A_853] : memref<32768x8xf32, #tpu.memory_space<hbm>> -> memref<128x8xf32, #tpu.memory_space<hbm>>
        tpu.enqueue_dma source(%arg13 : memref<128x8xf32, #tpu.memory_space<vmem>>) target(%dma_start3A_854 : memref<128x8xf32, #tpu.memory_space<hbm>>) target_semaphore(%run_scoped3A_850 : memref<!tpu.dma_semaphore, #tpu.memory_space<semaphore_mem>>)
        %dma_wait3A_855 = arith.constant 0 : i32
        %dma_wait3A_856 = tpu.memref_slice %arg9[%mul3A_273, %dma_wait3A_855] : memref<32768x8xf32, #tpu.memory_space<hbm>> -> memref<128x8xf32, #tpu.memory_space<hbm>>
        %dma_wait3A_857 = arith.constant 0 : i32
        %dma_wait3A_858 = tpu.memref_slice %arg9[%mul3A_273, %dma_wait3A_857] : memref<32768x8xf32, #tpu.memory_space<hbm>> -> memref<128x8xf32, #tpu.memory_space<hbm>>
        tpu.wait_dma2 semaphore(%run_scoped3A_850 : memref<!tpu.dma_semaphore, #tpu.memory_space<semaphore_mem>>) src(%arg13 : memref<128x8xf32, #tpu.memory_space<vmem>>) dst(%dma_wait3A_858 : memref<128x8xf32, #tpu.memory_space<hbm>>)
        tpu.yield
      }) : () -> ()
    } else {
    }
    %mul3A_295 = arith.constant 8 : i32
    %mul3A_296 = arith.muli %add3A_237, %mul3A_295 : i32
    %add3A_297 = arith.constant 2 : i32
    %add3A_298 = arith.addi %mul3A_296, %add3A_297 : i32
    %mul3A_299 = arith.constant 128 : i32
    %mul3A_300 = arith.muli %add3A_298, %mul3A_299 : i32
    %dma_start3A_301 = arith.constant 0 : i32
    %dma_start3A_302 = arith.constant 2 : i32
    %dma_start3A_303 = arith.constant 0 : i32
    %dma_start3A_304 = tpu.memref_slice %arg11[%dma_start3A_301, %dma_start3A_302, %dma_start3A_303] : memref<2x8x128xi32, #tpu.memory_space<vmem>> -> memref<1x1x128xi32, #tpu.memory_space<vmem>>
    %dma_start3A_305 = tpu.memref_squeeze %dma_start3A_304 : memref<1x1x128xi32, #tpu.memory_space<vmem>> -> memref<128xi32, #tpu.memory_space<vmem>>
    %dma_start3A_306 = arith.constant 0 : i32
    %dma_start3A_307 = arith.constant 0 : i32
    %dma_start3A_308 = tpu.memref_slice %arg10[%dma_start3A_306, %dma_start3A_307] : memref<100096x8xf32, #tpu.memory_space<vmem_shared>> -> memref<100096x8xf32, #tpu.memory_space<vmem_shared>>
    tpu.enqueue_indirect_dma source(%dma_start3A_308 : memref<100096x8xf32, #tpu.memory_space<vmem_shared>>) target(%arg12 : memref<128x8xf32, #tpu.memory_space<vmem>>) offsets(%dma_start3A_305 : memref<128xi32, #tpu.memory_space<vmem>>) semaphore(%arg14 : memref<!tpu.dma_semaphore, #tpu.memory_space<semaphore_mem>>)
    %dma_wait3A_309 = arith.constant 0 : i32
    %dma_wait3A_310 = arith.constant 2 : i32
    %dma_wait3A_311 = arith.constant 0 : i32
    %dma_wait3A_312 = tpu.memref_slice %arg11[%dma_wait3A_309, %dma_wait3A_310, %dma_wait3A_311] : memref<2x8x128xi32, #tpu.memory_space<vmem>> -> memref<1x1x128xi32, #tpu.memory_space<vmem>>
    %dma_wait3A_313 = tpu.memref_squeeze %dma_wait3A_312 : memref<1x1x128xi32, #tpu.memory_space<vmem>> -> memref<128xi32, #tpu.memory_space<vmem>>
    %dma_wait3A_314 = arith.constant 0 : i32
    %dma_wait3A_315 = arith.constant 0 : i32
    %dma_wait3A_316 = tpu.memref_slice %arg10[%dma_wait3A_314, %dma_wait3A_315] : memref<100096x8xf32, #tpu.memory_space<vmem_shared>> -> memref<100096x8xf32, #tpu.memory_space<vmem_shared>>
    tpu.wait_indirect_dma semaphore(%arg14 : memref<!tpu.dma_semaphore, #tpu.memory_space<semaphore_mem>>) src(%dma_wait3A_316 : memref<100096x8xf32, #tpu.memory_space<vmem_shared>>) dst(%arg12 : memref<128x8xf32, #tpu.memory_space<vmem>>)
    "tpu.region"() ({
      %run_scoped3A_834 = tpu.sem_alloc : memref<!tpu.dma_semaphore, #tpu.memory_space<semaphore_mem>>
      %dma_start3A_835 = arith.constant 0 : i32
      %dma_start3A_836 = tpu.memref_slice %arg7[%arg0, %mul3A_300, %dma_start3A_835] : memref<2x32768x8xf32, #tpu.memory_space<hbm>> -> memref<1x128x8xf32, #tpu.memory_space<hbm>>
      %dma_start3A_837 = tpu.memref_squeeze %dma_start3A_836 : memref<1x128x8xf32, #tpu.memory_space<hbm>> -> memref<128x8xf32, #tpu.memory_space<hbm>>
      %dma_start3A_838 = arith.constant 0 : i32
      %dma_start3A_839 = tpu.memref_slice %arg7[%arg0, %mul3A_300, %dma_start3A_838] : memref<2x32768x8xf32, #tpu.memory_space<hbm>> -> memref<1x128x8xf32, #tpu.memory_space<hbm>>
      %dma_start3A_840 = tpu.memref_squeeze %dma_start3A_839 : memref<1x128x8xf32, #tpu.memory_space<hbm>> -> memref<128x8xf32, #tpu.memory_space<hbm>>
      tpu.enqueue_dma source(%arg12 : memref<128x8xf32, #tpu.memory_space<vmem>>) target(%dma_start3A_840 : memref<128x8xf32, #tpu.memory_space<hbm>>) target_semaphore(%run_scoped3A_834 : memref<!tpu.dma_semaphore, #tpu.memory_space<semaphore_mem>>)
      %dma_wait3A_841 = arith.constant 0 : i32
      %dma_wait3A_842 = tpu.memref_slice %arg7[%arg0, %mul3A_300, %dma_wait3A_841] : memref<2x32768x8xf32, #tpu.memory_space<hbm>> -> memref<1x128x8xf32, #tpu.memory_space<hbm>>
      %dma_wait3A_843 = tpu.memref_squeeze %dma_wait3A_842 : memref<1x128x8xf32, #tpu.memory_space<hbm>> -> memref<128x8xf32, #tpu.memory_space<hbm>>
      %dma_wait3A_844 = arith.constant 0 : i32
      %dma_wait3A_845 = tpu.memref_slice %arg7[%arg0, %mul3A_300, %dma_wait3A_844] : memref<2x32768x8xf32, #tpu.memory_space<hbm>> -> memref<1x128x8xf32, #tpu.memory_space<hbm>>
      %dma_wait3A_846 = tpu.memref_squeeze %dma_wait3A_845 : memref<1x128x8xf32, #tpu.memory_space<hbm>> -> memref<128x8xf32, #tpu.memory_space<hbm>>
      tpu.wait_dma2 semaphore(%run_scoped3A_834 : memref<!tpu.dma_semaphore, #tpu.memory_space<semaphore_mem>>) src(%arg12 : memref<128x8xf32, #tpu.memory_space<vmem>>) dst(%dma_wait3A_846 : memref<128x8xf32, #tpu.memory_space<hbm>>)
      tpu.yield
    }) : () -> ()
    %eq3A_317 = arith.constant 1 : i32
    %eq3A_318 = arith.cmpi eq, %arg0, %eq3A_317 : i32
    %convert_element_type3A_319 = arith.extui %eq3A_318 : i1 to i32
    %cond3A_320 = arith.constant 0 : i32
    %cond3A_321 = arith.cmpi ne, %convert_element_type3A_319, %cond3A_320 : i32
    scf.if %cond3A_321 {
      %dma_start3A_834 = arith.constant 0 : i32
      %dma_start3A_835 = arith.constant 2 : i32
      %dma_start3A_836 = arith.constant 0 : i32
      %dma_start3A_837 = tpu.memref_slice %arg11[%dma_start3A_834, %dma_start3A_835, %dma_start3A_836] : memref<2x8x128xi32, #tpu.memory_space<vmem>> -> memref<1x1x128xi32, #tpu.memory_space<vmem>>
      %dma_start3A_838 = tpu.memref_squeeze %dma_start3A_837 : memref<1x1x128xi32, #tpu.memory_space<vmem>> -> memref<128xi32, #tpu.memory_space<vmem>>
      %dma_start3A_839 = arith.constant 0 : i32
      %dma_start3A_840 = arith.constant 0 : i32
      %dma_start3A_841 = tpu.memref_slice %arg2[%dma_start3A_839, %dma_start3A_840] : memref<100096x8xf32, #tpu.memory_space<hbm>> -> memref<100096x8xf32, #tpu.memory_space<hbm>>
      tpu.enqueue_indirect_dma source(%dma_start3A_841 : memref<100096x8xf32, #tpu.memory_space<hbm>>) target(%arg13 : memref<128x8xf32, #tpu.memory_space<vmem>>) offsets(%dma_start3A_838 : memref<128xi32, #tpu.memory_space<vmem>>) semaphore(%arg15 : memref<!tpu.dma_semaphore, #tpu.memory_space<semaphore_mem>>)
      %dma_wait3A_842 = arith.constant 0 : i32
      %dma_wait3A_843 = arith.constant 2 : i32
      %dma_wait3A_844 = arith.constant 0 : i32
      %dma_wait3A_845 = tpu.memref_slice %arg11[%dma_wait3A_842, %dma_wait3A_843, %dma_wait3A_844] : memref<2x8x128xi32, #tpu.memory_space<vmem>> -> memref<1x1x128xi32, #tpu.memory_space<vmem>>
      %dma_wait3A_846 = tpu.memref_squeeze %dma_wait3A_845 : memref<1x1x128xi32, #tpu.memory_space<vmem>> -> memref<128xi32, #tpu.memory_space<vmem>>
      %dma_wait3A_847 = arith.constant 0 : i32
      %dma_wait3A_848 = arith.constant 0 : i32
      %dma_wait3A_849 = tpu.memref_slice %arg2[%dma_wait3A_847, %dma_wait3A_848] : memref<100096x8xf32, #tpu.memory_space<hbm>> -> memref<100096x8xf32, #tpu.memory_space<hbm>>
      tpu.wait_indirect_dma semaphore(%arg15 : memref<!tpu.dma_semaphore, #tpu.memory_space<semaphore_mem>>) src(%dma_wait3A_849 : memref<100096x8xf32, #tpu.memory_space<hbm>>) dst(%arg13 : memref<128x8xf32, #tpu.memory_space<vmem>>)
      "tpu.region"() ({
        %run_scoped3A_850 = tpu.sem_alloc : memref<!tpu.dma_semaphore, #tpu.memory_space<semaphore_mem>>
        %dma_start3A_851 = arith.constant 0 : i32
        %dma_start3A_852 = tpu.memref_slice %arg9[%mul3A_300, %dma_start3A_851] : memref<32768x8xf32, #tpu.memory_space<hbm>> -> memref<128x8xf32, #tpu.memory_space<hbm>>
        %dma_start3A_853 = arith.constant 0 : i32
        %dma_start3A_854 = tpu.memref_slice %arg9[%mul3A_300, %dma_start3A_853] : memref<32768x8xf32, #tpu.memory_space<hbm>> -> memref<128x8xf32, #tpu.memory_space<hbm>>
        tpu.enqueue_dma source(%arg13 : memref<128x8xf32, #tpu.memory_space<vmem>>) target(%dma_start3A_854 : memref<128x8xf32, #tpu.memory_space<hbm>>) target_semaphore(%run_scoped3A_850 : memref<!tpu.dma_semaphore, #tpu.memory_space<semaphore_mem>>)
        %dma_wait3A_855 = arith.constant 0 : i32
        %dma_wait3A_856 = tpu.memref_slice %arg9[%mul3A_300, %dma_wait3A_855] : memref<32768x8xf32, #tpu.memory_space<hbm>> -> memref<128x8xf32, #tpu.memory_space<hbm>>
        %dma_wait3A_857 = arith.constant 0 : i32
        %dma_wait3A_858 = tpu.memref_slice %arg9[%mul3A_300, %dma_wait3A_857] : memref<32768x8xf32, #tpu.memory_space<hbm>> -> memref<128x8xf32, #tpu.memory_space<hbm>>
        tpu.wait_dma2 semaphore(%run_scoped3A_850 : memref<!tpu.dma_semaphore, #tpu.memory_space<semaphore_mem>>) src(%arg13 : memref<128x8xf32, #tpu.memory_space<vmem>>) dst(%dma_wait3A_858 : memref<128x8xf32, #tpu.memory_space<hbm>>)
        tpu.yield
      }) : () -> ()
    } else {
    }
    %mul3A_322 = arith.constant 8 : i32
    %mul3A_323 = arith.muli %add3A_237, %mul3A_322 : i32
    %add3A_324 = arith.constant 3 : i32
    %add3A_325 = arith.addi %mul3A_323, %add3A_324 : i32
    %mul3A_326 = arith.constant 128 : i32
    %mul3A_327 = arith.muli %add3A_325, %mul3A_326 : i32
    %dma_start3A_328 = arith.constant 0 : i32
    %dma_start3A_329 = arith.constant 3 : i32
    %dma_start3A_330 = arith.constant 0 : i32
    %dma_start3A_331 = tpu.memref_slice %arg11[%dma_start3A_328, %dma_start3A_329, %dma_start3A_330] : memref<2x8x128xi32, #tpu.memory_space<vmem>> -> memref<1x1x128xi32, #tpu.memory_space<vmem>>
    %dma_start3A_332 = tpu.memref_squeeze %dma_start3A_331 : memref<1x1x128xi32, #tpu.memory_space<vmem>> -> memref<128xi32, #tpu.memory_space<vmem>>
    %dma_start3A_333 = arith.constant 0 : i32
    %dma_start3A_334 = arith.constant 0 : i32
    %dma_start3A_335 = tpu.memref_slice %arg10[%dma_start3A_333, %dma_start3A_334] : memref<100096x8xf32, #tpu.memory_space<vmem_shared>> -> memref<100096x8xf32, #tpu.memory_space<vmem_shared>>
    tpu.enqueue_indirect_dma source(%dma_start3A_335 : memref<100096x8xf32, #tpu.memory_space<vmem_shared>>) target(%arg12 : memref<128x8xf32, #tpu.memory_space<vmem>>) offsets(%dma_start3A_332 : memref<128xi32, #tpu.memory_space<vmem>>) semaphore(%arg14 : memref<!tpu.dma_semaphore, #tpu.memory_space<semaphore_mem>>)
    %dma_wait3A_336 = arith.constant 0 : i32
    %dma_wait3A_337 = arith.constant 3 : i32
    %dma_wait3A_338 = arith.constant 0 : i32
    %dma_wait3A_339 = tpu.memref_slice %arg11[%dma_wait3A_336, %dma_wait3A_337, %dma_wait3A_338] : memref<2x8x128xi32, #tpu.memory_space<vmem>> -> memref<1x1x128xi32, #tpu.memory_space<vmem>>
    %dma_wait3A_340 = tpu.memref_squeeze %dma_wait3A_339 : memref<1x1x128xi32, #tpu.memory_space<vmem>> -> memref<128xi32, #tpu.memory_space<vmem>>
    %dma_wait3A_341 = arith.constant 0 : i32
    %dma_wait3A_342 = arith.constant 0 : i32
    %dma_wait3A_343 = tpu.memref_slice %arg10[%dma_wait3A_341, %dma_wait3A_342] : memref<100096x8xf32, #tpu.memory_space<vmem_shared>> -> memref<100096x8xf32, #tpu.memory_space<vmem_shared>>
    tpu.wait_indirect_dma semaphore(%arg14 : memref<!tpu.dma_semaphore, #tpu.memory_space<semaphore_mem>>) src(%dma_wait3A_343 : memref<100096x8xf32, #tpu.memory_space<vmem_shared>>) dst(%arg12 : memref<128x8xf32, #tpu.memory_space<vmem>>)
    "tpu.region"() ({
      %run_scoped3A_834 = tpu.sem_alloc : memref<!tpu.dma_semaphore, #tpu.memory_space<semaphore_mem>>
      %dma_start3A_835 = arith.constant 0 : i32
      %dma_start3A_836 = tpu.memref_slice %arg7[%arg0, %mul3A_327, %dma_start3A_835] : memref<2x32768x8xf32, #tpu.memory_space<hbm>> -> memref<1x128x8xf32, #tpu.memory_space<hbm>>
      %dma_start3A_837 = tpu.memref_squeeze %dma_start3A_836 : memref<1x128x8xf32, #tpu.memory_space<hbm>> -> memref<128x8xf32, #tpu.memory_space<hbm>>
      %dma_start3A_838 = arith.constant 0 : i32
      %dma_start3A_839 = tpu.memref_slice %arg7[%arg0, %mul3A_327, %dma_start3A_838] : memref<2x32768x8xf32, #tpu.memory_space<hbm>> -> memref<1x128x8xf32, #tpu.memory_space<hbm>>
      %dma_start3A_840 = tpu.memref_squeeze %dma_start3A_839 : memref<1x128x8xf32, #tpu.memory_space<hbm>> -> memref<128x8xf32, #tpu.memory_space<hbm>>
      tpu.enqueue_dma source(%arg12 : memref<128x8xf32, #tpu.memory_space<vmem>>) target(%dma_start3A_840 : memref<128x8xf32, #tpu.memory_space<hbm>>) target_semaphore(%run_scoped3A_834 : memref<!tpu.dma_semaphore, #tpu.memory_space<semaphore_mem>>)
      %dma_wait3A_841 = arith.constant 0 : i32
      %dma_wait3A_842 = tpu.memref_slice %arg7[%arg0, %mul3A_327, %dma_wait3A_841] : memref<2x32768x8xf32, #tpu.memory_space<hbm>> -> memref<1x128x8xf32, #tpu.memory_space<hbm>>
      %dma_wait3A_843 = tpu.memref_squeeze %dma_wait3A_842 : memref<1x128x8xf32, #tpu.memory_space<hbm>> -> memref<128x8xf32, #tpu.memory_space<hbm>>
      %dma_wait3A_844 = arith.constant 0 : i32
      %dma_wait3A_845 = tpu.memref_slice %arg7[%arg0, %mul3A_327, %dma_wait3A_844] : memref<2x32768x8xf32, #tpu.memory_space<hbm>> -> memref<1x128x8xf32, #tpu.memory_space<hbm>>
      %dma_wait3A_846 = tpu.memref_squeeze %dma_wait3A_845 : memref<1x128x8xf32, #tpu.memory_space<hbm>> -> memref<128x8xf32, #tpu.memory_space<hbm>>
      tpu.wait_dma2 semaphore(%run_scoped3A_834 : memref<!tpu.dma_semaphore, #tpu.memory_space<semaphore_mem>>) src(%arg12 : memref<128x8xf32, #tpu.memory_space<vmem>>) dst(%dma_wait3A_846 : memref<128x8xf32, #tpu.memory_space<hbm>>)
      tpu.yield
    }) : () -> ()
    %eq3A_344 = arith.constant 1 : i32
    %eq3A_345 = arith.cmpi eq, %arg0, %eq3A_344 : i32
    %convert_element_type3A_346 = arith.extui %eq3A_345 : i1 to i32
    %cond3A_347 = arith.constant 0 : i32
    %cond3A_348 = arith.cmpi ne, %convert_element_type3A_346, %cond3A_347 : i32
    scf.if %cond3A_348 {
      %dma_start3A_834 = arith.constant 0 : i32
      %dma_start3A_835 = arith.constant 3 : i32
      %dma_start3A_836 = arith.constant 0 : i32
      %dma_start3A_837 = tpu.memref_slice %arg11[%dma_start3A_834, %dma_start3A_835, %dma_start3A_836] : memref<2x8x128xi32, #tpu.memory_space<vmem>> -> memref<1x1x128xi32, #tpu.memory_space<vmem>>
      %dma_start3A_838 = tpu.memref_squeeze %dma_start3A_837 : memref<1x1x128xi32, #tpu.memory_space<vmem>> -> memref<128xi32, #tpu.memory_space<vmem>>
      %dma_start3A_839 = arith.constant 0 : i32
      %dma_start3A_840 = arith.constant 0 : i32
      %dma_start3A_841 = tpu.memref_slice %arg2[%dma_start3A_839, %dma_start3A_840] : memref<100096x8xf32, #tpu.memory_space<hbm>> -> memref<100096x8xf32, #tpu.memory_space<hbm>>
      tpu.enqueue_indirect_dma source(%dma_start3A_841 : memref<100096x8xf32, #tpu.memory_space<hbm>>) target(%arg13 : memref<128x8xf32, #tpu.memory_space<vmem>>) offsets(%dma_start3A_838 : memref<128xi32, #tpu.memory_space<vmem>>) semaphore(%arg15 : memref<!tpu.dma_semaphore, #tpu.memory_space<semaphore_mem>>)
      %dma_wait3A_842 = arith.constant 0 : i32
      %dma_wait3A_843 = arith.constant 3 : i32
      %dma_wait3A_844 = arith.constant 0 : i32
      %dma_wait3A_845 = tpu.memref_slice %arg11[%dma_wait3A_842, %dma_wait3A_843, %dma_wait3A_844] : memref<2x8x128xi32, #tpu.memory_space<vmem>> -> memref<1x1x128xi32, #tpu.memory_space<vmem>>
      %dma_wait3A_846 = tpu.memref_squeeze %dma_wait3A_845 : memref<1x1x128xi32, #tpu.memory_space<vmem>> -> memref<128xi32, #tpu.memory_space<vmem>>
      %dma_wait3A_847 = arith.constant 0 : i32
      %dma_wait3A_848 = arith.constant 0 : i32
      %dma_wait3A_849 = tpu.memref_slice %arg2[%dma_wait3A_847, %dma_wait3A_848] : memref<100096x8xf32, #tpu.memory_space<hbm>> -> memref<100096x8xf32, #tpu.memory_space<hbm>>
      tpu.wait_indirect_dma semaphore(%arg15 : memref<!tpu.dma_semaphore, #tpu.memory_space<semaphore_mem>>) src(%dma_wait3A_849 : memref<100096x8xf32, #tpu.memory_space<hbm>>) dst(%arg13 : memref<128x8xf32, #tpu.memory_space<vmem>>)
      "tpu.region"() ({
        %run_scoped3A_850 = tpu.sem_alloc : memref<!tpu.dma_semaphore, #tpu.memory_space<semaphore_mem>>
        %dma_start3A_851 = arith.constant 0 : i32
        %dma_start3A_852 = tpu.memref_slice %arg9[%mul3A_327, %dma_start3A_851] : memref<32768x8xf32, #tpu.memory_space<hbm>> -> memref<128x8xf32, #tpu.memory_space<hbm>>
        %dma_start3A_853 = arith.constant 0 : i32
        %dma_start3A_854 = tpu.memref_slice %arg9[%mul3A_327, %dma_start3A_853] : memref<32768x8xf32, #tpu.memory_space<hbm>> -> memref<128x8xf32, #tpu.memory_space<hbm>>
        tpu.enqueue_dma source(%arg13 : memref<128x8xf32, #tpu.memory_space<vmem>>) target(%dma_start3A_854 : memref<128x8xf32, #tpu.memory_space<hbm>>) target_semaphore(%run_scoped3A_850 : memref<!tpu.dma_semaphore, #tpu.memory_space<semaphore_mem>>)
        %dma_wait3A_855 = arith.constant 0 : i32
        %dma_wait3A_856 = tpu.memref_slice %arg9[%mul3A_327, %dma_wait3A_855] : memref<32768x8xf32, #tpu.memory_space<hbm>> -> memref<128x8xf32, #tpu.memory_space<hbm>>
        %dma_wait3A_857 = arith.constant 0 : i32
        %dma_wait3A_858 = tpu.memref_slice %arg9[%mul3A_327, %dma_wait3A_857] : memref<32768x8xf32, #tpu.memory_space<hbm>> -> memref<128x8xf32, #tpu.memory_space<hbm>>
        tpu.wait_dma2 semaphore(%run_scoped3A_850 : memref<!tpu.dma_semaphore, #tpu.memory_space<semaphore_mem>>) src(%arg13 : memref<128x8xf32, #tpu.memory_space<vmem>>) dst(%dma_wait3A_858 : memref<128x8xf32, #tpu.memory_space<hbm>>)
        tpu.yield
      }) : () -> ()
    } else {
    }
    %mul3A_349 = arith.constant 8 : i32
    %mul3A_350 = arith.muli %add3A_237, %mul3A_349 : i32
    %add3A_351 = arith.constant 4 : i32
    %add3A_352 = arith.addi %mul3A_350, %add3A_351 : i32
    %mul3A_353 = arith.constant 128 : i32
    %mul3A_354 = arith.muli %add3A_352, %mul3A_353 : i32
    %dma_start3A_355 = arith.constant 0 : i32
    %dma_start3A_356 = arith.constant 4 : i32
    %dma_start3A_357 = arith.constant 0 : i32
    %dma_start3A_358 = tpu.memref_slice %arg11[%dma_start3A_355, %dma_start3A_356, %dma_start3A_357] : memref<2x8x128xi32, #tpu.memory_space<vmem>> -> memref<1x1x128xi32, #tpu.memory_space<vmem>>
    %dma_start3A_359 = tpu.memref_squeeze %dma_start3A_358 : memref<1x1x128xi32, #tpu.memory_space<vmem>> -> memref<128xi32, #tpu.memory_space<vmem>>
    %dma_start3A_360 = arith.constant 0 : i32
    %dma_start3A_361 = arith.constant 0 : i32
    %dma_start3A_362 = tpu.memref_slice %arg10[%dma_start3A_360, %dma_start3A_361] : memref<100096x8xf32, #tpu.memory_space<vmem_shared>> -> memref<100096x8xf32, #tpu.memory_space<vmem_shared>>
    tpu.enqueue_indirect_dma source(%dma_start3A_362 : memref<100096x8xf32, #tpu.memory_space<vmem_shared>>) target(%arg12 : memref<128x8xf32, #tpu.memory_space<vmem>>) offsets(%dma_start3A_359 : memref<128xi32, #tpu.memory_space<vmem>>) semaphore(%arg14 : memref<!tpu.dma_semaphore, #tpu.memory_space<semaphore_mem>>)
    %dma_wait3A_363 = arith.constant 0 : i32
    %dma_wait3A_364 = arith.constant 4 : i32
    %dma_wait3A_365 = arith.constant 0 : i32
    %dma_wait3A_366 = tpu.memref_slice %arg11[%dma_wait3A_363, %dma_wait3A_364, %dma_wait3A_365] : memref<2x8x128xi32, #tpu.memory_space<vmem>> -> memref<1x1x128xi32, #tpu.memory_space<vmem>>
    %dma_wait3A_367 = tpu.memref_squeeze %dma_wait3A_366 : memref<1x1x128xi32, #tpu.memory_space<vmem>> -> memref<128xi32, #tpu.memory_space<vmem>>
    %dma_wait3A_368 = arith.constant 0 : i32
    %dma_wait3A_369 = arith.constant 0 : i32
    %dma_wait3A_370 = tpu.memref_slice %arg10[%dma_wait3A_368, %dma_wait3A_369] : memref<100096x8xf32, #tpu.memory_space<vmem_shared>> -> memref<100096x8xf32, #tpu.memory_space<vmem_shared>>
    tpu.wait_indirect_dma semaphore(%arg14 : memref<!tpu.dma_semaphore, #tpu.memory_space<semaphore_mem>>) src(%dma_wait3A_370 : memref<100096x8xf32, #tpu.memory_space<vmem_shared>>) dst(%arg12 : memref<128x8xf32, #tpu.memory_space<vmem>>)
    "tpu.region"() ({
      %run_scoped3A_834 = tpu.sem_alloc : memref<!tpu.dma_semaphore, #tpu.memory_space<semaphore_mem>>
      %dma_start3A_835 = arith.constant 0 : i32
      %dma_start3A_836 = tpu.memref_slice %arg7[%arg0, %mul3A_354, %dma_start3A_835] : memref<2x32768x8xf32, #tpu.memory_space<hbm>> -> memref<1x128x8xf32, #tpu.memory_space<hbm>>
      %dma_start3A_837 = tpu.memref_squeeze %dma_start3A_836 : memref<1x128x8xf32, #tpu.memory_space<hbm>> -> memref<128x8xf32, #tpu.memory_space<hbm>>
      %dma_start3A_838 = arith.constant 0 : i32
      %dma_start3A_839 = tpu.memref_slice %arg7[%arg0, %mul3A_354, %dma_start3A_838] : memref<2x32768x8xf32, #tpu.memory_space<hbm>> -> memref<1x128x8xf32, #tpu.memory_space<hbm>>
      %dma_start3A_840 = tpu.memref_squeeze %dma_start3A_839 : memref<1x128x8xf32, #tpu.memory_space<hbm>> -> memref<128x8xf32, #tpu.memory_space<hbm>>
      tpu.enqueue_dma source(%arg12 : memref<128x8xf32, #tpu.memory_space<vmem>>) target(%dma_start3A_840 : memref<128x8xf32, #tpu.memory_space<hbm>>) target_semaphore(%run_scoped3A_834 : memref<!tpu.dma_semaphore, #tpu.memory_space<semaphore_mem>>)
      %dma_wait3A_841 = arith.constant 0 : i32
      %dma_wait3A_842 = tpu.memref_slice %arg7[%arg0, %mul3A_354, %dma_wait3A_841] : memref<2x32768x8xf32, #tpu.memory_space<hbm>> -> memref<1x128x8xf32, #tpu.memory_space<hbm>>
      %dma_wait3A_843 = tpu.memref_squeeze %dma_wait3A_842 : memref<1x128x8xf32, #tpu.memory_space<hbm>> -> memref<128x8xf32, #tpu.memory_space<hbm>>
      %dma_wait3A_844 = arith.constant 0 : i32
      %dma_wait3A_845 = tpu.memref_slice %arg7[%arg0, %mul3A_354, %dma_wait3A_844] : memref<2x32768x8xf32, #tpu.memory_space<hbm>> -> memref<1x128x8xf32, #tpu.memory_space<hbm>>
      %dma_wait3A_846 = tpu.memref_squeeze %dma_wait3A_845 : memref<1x128x8xf32, #tpu.memory_space<hbm>> -> memref<128x8xf32, #tpu.memory_space<hbm>>
      tpu.wait_dma2 semaphore(%run_scoped3A_834 : memref<!tpu.dma_semaphore, #tpu.memory_space<semaphore_mem>>) src(%arg12 : memref<128x8xf32, #tpu.memory_space<vmem>>) dst(%dma_wait3A_846 : memref<128x8xf32, #tpu.memory_space<hbm>>)
      tpu.yield
    }) : () -> ()
    %eq3A_371 = arith.constant 1 : i32
    %eq3A_372 = arith.cmpi eq, %arg0, %eq3A_371 : i32
    %convert_element_type3A_373 = arith.extui %eq3A_372 : i1 to i32
    %cond3A_374 = arith.constant 0 : i32
    %cond3A_375 = arith.cmpi ne, %convert_element_type3A_373, %cond3A_374 : i32
    scf.if %cond3A_375 {
      %dma_start3A_834 = arith.constant 0 : i32
      %dma_start3A_835 = arith.constant 4 : i32
      %dma_start3A_836 = arith.constant 0 : i32
      %dma_start3A_837 = tpu.memref_slice %arg11[%dma_start3A_834, %dma_start3A_835, %dma_start3A_836] : memref<2x8x128xi32, #tpu.memory_space<vmem>> -> memref<1x1x128xi32, #tpu.memory_space<vmem>>
      %dma_start3A_838 = tpu.memref_squeeze %dma_start3A_837 : memref<1x1x128xi32, #tpu.memory_space<vmem>> -> memref<128xi32, #tpu.memory_space<vmem>>
      %dma_start3A_839 = arith.constant 0 : i32
      %dma_start3A_840 = arith.constant 0 : i32
      %dma_start3A_841 = tpu.memref_slice %arg2[%dma_start3A_839, %dma_start3A_840] : memref<100096x8xf32, #tpu.memory_space<hbm>> -> memref<100096x8xf32, #tpu.memory_space<hbm>>
      tpu.enqueue_indirect_dma source(%dma_start3A_841 : memref<100096x8xf32, #tpu.memory_space<hbm>>) target(%arg13 : memref<128x8xf32, #tpu.memory_space<vmem>>) offsets(%dma_start3A_838 : memref<128xi32, #tpu.memory_space<vmem>>) semaphore(%arg15 : memref<!tpu.dma_semaphore, #tpu.memory_space<semaphore_mem>>)
      %dma_wait3A_842 = arith.constant 0 : i32
      %dma_wait3A_843 = arith.constant 4 : i32
      %dma_wait3A_844 = arith.constant 0 : i32
      %dma_wait3A_845 = tpu.memref_slice %arg11[%dma_wait3A_842, %dma_wait3A_843, %dma_wait3A_844] : memref<2x8x128xi32, #tpu.memory_space<vmem>> -> memref<1x1x128xi32, #tpu.memory_space<vmem>>
      %dma_wait3A_846 = tpu.memref_squeeze %dma_wait3A_845 : memref<1x1x128xi32, #tpu.memory_space<vmem>> -> memref<128xi32, #tpu.memory_space<vmem>>
      %dma_wait3A_847 = arith.constant 0 : i32
      %dma_wait3A_848 = arith.constant 0 : i32
      %dma_wait3A_849 = tpu.memref_slice %arg2[%dma_wait3A_847, %dma_wait3A_848] : memref<100096x8xf32, #tpu.memory_space<hbm>> -> memref<100096x8xf32, #tpu.memory_space<hbm>>
      tpu.wait_indirect_dma semaphore(%arg15 : memref<!tpu.dma_semaphore, #tpu.memory_space<semaphore_mem>>) src(%dma_wait3A_849 : memref<100096x8xf32, #tpu.memory_space<hbm>>) dst(%arg13 : memref<128x8xf32, #tpu.memory_space<vmem>>)
      "tpu.region"() ({
        %run_scoped3A_850 = tpu.sem_alloc : memref<!tpu.dma_semaphore, #tpu.memory_space<semaphore_mem>>
        %dma_start3A_851 = arith.constant 0 : i32
        %dma_start3A_852 = tpu.memref_slice %arg9[%mul3A_354, %dma_start3A_851] : memref<32768x8xf32, #tpu.memory_space<hbm>> -> memref<128x8xf32, #tpu.memory_space<hbm>>
        %dma_start3A_853 = arith.constant 0 : i32
        %dma_start3A_854 = tpu.memref_slice %arg9[%mul3A_354, %dma_start3A_853] : memref<32768x8xf32, #tpu.memory_space<hbm>> -> memref<128x8xf32, #tpu.memory_space<hbm>>
        tpu.enqueue_dma source(%arg13 : memref<128x8xf32, #tpu.memory_space<vmem>>) target(%dma_start3A_854 : memref<128x8xf32, #tpu.memory_space<hbm>>) target_semaphore(%run_scoped3A_850 : memref<!tpu.dma_semaphore, #tpu.memory_space<semaphore_mem>>)
        %dma_wait3A_855 = arith.constant 0 : i32
        %dma_wait3A_856 = tpu.memref_slice %arg9[%mul3A_354, %dma_wait3A_855] : memref<32768x8xf32, #tpu.memory_space<hbm>> -> memref<128x8xf32, #tpu.memory_space<hbm>>
        %dma_wait3A_857 = arith.constant 0 : i32
        %dma_wait3A_858 = tpu.memref_slice %arg9[%mul3A_354, %dma_wait3A_857] : memref<32768x8xf32, #tpu.memory_space<hbm>> -> memref<128x8xf32, #tpu.memory_space<hbm>>
        tpu.wait_dma2 semaphore(%run_scoped3A_850 : memref<!tpu.dma_semaphore, #tpu.memory_space<semaphore_mem>>) src(%arg13 : memref<128x8xf32, #tpu.memory_space<vmem>>) dst(%dma_wait3A_858 : memref<128x8xf32, #tpu.memory_space<hbm>>)
        tpu.yield
      }) : () -> ()
    } else {
    }
    %mul3A_376 = arith.constant 8 : i32
    %mul3A_377 = arith.muli %add3A_237, %mul3A_376 : i32
    %add3A_378 = arith.constant 5 : i32
    %add3A_379 = arith.addi %mul3A_377, %add3A_378 : i32
    %mul3A_380 = arith.constant 128 : i32
    %mul3A_381 = arith.muli %add3A_379, %mul3A_380 : i32
    %dma_start3A_382 = arith.constant 0 : i32
    %dma_start3A_383 = arith.constant 5 : i32
    %dma_start3A_384 = arith.constant 0 : i32
    %dma_start3A_385 = tpu.memref_slice %arg11[%dma_start3A_382, %dma_start3A_383, %dma_start3A_384] : memref<2x8x128xi32, #tpu.memory_space<vmem>> -> memref<1x1x128xi32, #tpu.memory_space<vmem>>
    %dma_start3A_386 = tpu.memref_squeeze %dma_start3A_385 : memref<1x1x128xi32, #tpu.memory_space<vmem>> -> memref<128xi32, #tpu.memory_space<vmem>>
    %dma_start3A_387 = arith.constant 0 : i32
    %dma_start3A_388 = arith.constant 0 : i32
    %dma_start3A_389 = tpu.memref_slice %arg10[%dma_start3A_387, %dma_start3A_388] : memref<100096x8xf32, #tpu.memory_space<vmem_shared>> -> memref<100096x8xf32, #tpu.memory_space<vmem_shared>>
    tpu.enqueue_indirect_dma source(%dma_start3A_389 : memref<100096x8xf32, #tpu.memory_space<vmem_shared>>) target(%arg12 : memref<128x8xf32, #tpu.memory_space<vmem>>) offsets(%dma_start3A_386 : memref<128xi32, #tpu.memory_space<vmem>>) semaphore(%arg14 : memref<!tpu.dma_semaphore, #tpu.memory_space<semaphore_mem>>)
    %dma_wait3A_390 = arith.constant 0 : i32
    %dma_wait3A_391 = arith.constant 5 : i32
    %dma_wait3A_392 = arith.constant 0 : i32
    %dma_wait3A_393 = tpu.memref_slice %arg11[%dma_wait3A_390, %dma_wait3A_391, %dma_wait3A_392] : memref<2x8x128xi32, #tpu.memory_space<vmem>> -> memref<1x1x128xi32, #tpu.memory_space<vmem>>
    %dma_wait3A_394 = tpu.memref_squeeze %dma_wait3A_393 : memref<1x1x128xi32, #tpu.memory_space<vmem>> -> memref<128xi32, #tpu.memory_space<vmem>>
    %dma_wait3A_395 = arith.constant 0 : i32
    %dma_wait3A_396 = arith.constant 0 : i32
    %dma_wait3A_397 = tpu.memref_slice %arg10[%dma_wait3A_395, %dma_wait3A_396] : memref<100096x8xf32, #tpu.memory_space<vmem_shared>> -> memref<100096x8xf32, #tpu.memory_space<vmem_shared>>
    tpu.wait_indirect_dma semaphore(%arg14 : memref<!tpu.dma_semaphore, #tpu.memory_space<semaphore_mem>>) src(%dma_wait3A_397 : memref<100096x8xf32, #tpu.memory_space<vmem_shared>>) dst(%arg12 : memref<128x8xf32, #tpu.memory_space<vmem>>)
    "tpu.region"() ({
      %run_scoped3A_834 = tpu.sem_alloc : memref<!tpu.dma_semaphore, #tpu.memory_space<semaphore_mem>>
      %dma_start3A_835 = arith.constant 0 : i32
      %dma_start3A_836 = tpu.memref_slice %arg7[%arg0, %mul3A_381, %dma_start3A_835] : memref<2x32768x8xf32, #tpu.memory_space<hbm>> -> memref<1x128x8xf32, #tpu.memory_space<hbm>>
      %dma_start3A_837 = tpu.memref_squeeze %dma_start3A_836 : memref<1x128x8xf32, #tpu.memory_space<hbm>> -> memref<128x8xf32, #tpu.memory_space<hbm>>
      %dma_start3A_838 = arith.constant 0 : i32
      %dma_start3A_839 = tpu.memref_slice %arg7[%arg0, %mul3A_381, %dma_start3A_838] : memref<2x32768x8xf32, #tpu.memory_space<hbm>> -> memref<1x128x8xf32, #tpu.memory_space<hbm>>
      %dma_start3A_840 = tpu.memref_squeeze %dma_start3A_839 : memref<1x128x8xf32, #tpu.memory_space<hbm>> -> memref<128x8xf32, #tpu.memory_space<hbm>>
      tpu.enqueue_dma source(%arg12 : memref<128x8xf32, #tpu.memory_space<vmem>>) target(%dma_start3A_840 : memref<128x8xf32, #tpu.memory_space<hbm>>) target_semaphore(%run_scoped3A_834 : memref<!tpu.dma_semaphore, #tpu.memory_space<semaphore_mem>>)
      %dma_wait3A_841 = arith.constant 0 : i32
      %dma_wait3A_842 = tpu.memref_slice %arg7[%arg0, %mul3A_381, %dma_wait3A_841] : memref<2x32768x8xf32, #tpu.memory_space<hbm>> -> memref<1x128x8xf32, #tpu.memory_space<hbm>>
      %dma_wait3A_843 = tpu.memref_squeeze %dma_wait3A_842 : memref<1x128x8xf32, #tpu.memory_space<hbm>> -> memref<128x8xf32, #tpu.memory_space<hbm>>
      %dma_wait3A_844 = arith.constant 0 : i32
      %dma_wait3A_845 = tpu.memref_slice %arg7[%arg0, %mul3A_381, %dma_wait3A_844] : memref<2x32768x8xf32, #tpu.memory_space<hbm>> -> memref<1x128x8xf32, #tpu.memory_space<hbm>>
      %dma_wait3A_846 = tpu.memref_squeeze %dma_wait3A_845 : memref<1x128x8xf32, #tpu.memory_space<hbm>> -> memref<128x8xf32, #tpu.memory_space<hbm>>
      tpu.wait_dma2 semaphore(%run_scoped3A_834 : memref<!tpu.dma_semaphore, #tpu.memory_space<semaphore_mem>>) src(%arg12 : memref<128x8xf32, #tpu.memory_space<vmem>>) dst(%dma_wait3A_846 : memref<128x8xf32, #tpu.memory_space<hbm>>)
      tpu.yield
    }) : () -> ()
    %eq3A_398 = arith.constant 1 : i32
    %eq3A_399 = arith.cmpi eq, %arg0, %eq3A_398 : i32
    %convert_element_type3A_400 = arith.extui %eq3A_399 : i1 to i32
    %cond3A_401 = arith.constant 0 : i32
    %cond3A_402 = arith.cmpi ne, %convert_element_type3A_400, %cond3A_401 : i32
    scf.if %cond3A_402 {
      %dma_start3A_834 = arith.constant 0 : i32
      %dma_start3A_835 = arith.constant 5 : i32
      %dma_start3A_836 = arith.constant 0 : i32
      %dma_start3A_837 = tpu.memref_slice %arg11[%dma_start3A_834, %dma_start3A_835, %dma_start3A_836] : memref<2x8x128xi32, #tpu.memory_space<vmem>> -> memref<1x1x128xi32, #tpu.memory_space<vmem>>
      %dma_start3A_838 = tpu.memref_squeeze %dma_start3A_837 : memref<1x1x128xi32, #tpu.memory_space<vmem>> -> memref<128xi32, #tpu.memory_space<vmem>>
      %dma_start3A_839 = arith.constant 0 : i32
      %dma_start3A_840 = arith.constant 0 : i32
      %dma_start3A_841 = tpu.memref_slice %arg2[%dma_start3A_839, %dma_start3A_840] : memref<100096x8xf32, #tpu.memory_space<hbm>> -> memref<100096x8xf32, #tpu.memory_space<hbm>>
      tpu.enqueue_indirect_dma source(%dma_start3A_841 : memref<100096x8xf32, #tpu.memory_space<hbm>>) target(%arg13 : memref<128x8xf32, #tpu.memory_space<vmem>>) offsets(%dma_start3A_838 : memref<128xi32, #tpu.memory_space<vmem>>) semaphore(%arg15 : memref<!tpu.dma_semaphore, #tpu.memory_space<semaphore_mem>>)
      %dma_wait3A_842 = arith.constant 0 : i32
      %dma_wait3A_843 = arith.constant 5 : i32
      %dma_wait3A_844 = arith.constant 0 : i32
      %dma_wait3A_845 = tpu.memref_slice %arg11[%dma_wait3A_842, %dma_wait3A_843, %dma_wait3A_844] : memref<2x8x128xi32, #tpu.memory_space<vmem>> -> memref<1x1x128xi32, #tpu.memory_space<vmem>>
      %dma_wait3A_846 = tpu.memref_squeeze %dma_wait3A_845 : memref<1x1x128xi32, #tpu.memory_space<vmem>> -> memref<128xi32, #tpu.memory_space<vmem>>
      %dma_wait3A_847 = arith.constant 0 : i32
      %dma_wait3A_848 = arith.constant 0 : i32
      %dma_wait3A_849 = tpu.memref_slice %arg2[%dma_wait3A_847, %dma_wait3A_848] : memref<100096x8xf32, #tpu.memory_space<hbm>> -> memref<100096x8xf32, #tpu.memory_space<hbm>>
      tpu.wait_indirect_dma semaphore(%arg15 : memref<!tpu.dma_semaphore, #tpu.memory_space<semaphore_mem>>) src(%dma_wait3A_849 : memref<100096x8xf32, #tpu.memory_space<hbm>>) dst(%arg13 : memref<128x8xf32, #tpu.memory_space<vmem>>)
      "tpu.region"() ({
        %run_scoped3A_850 = tpu.sem_alloc : memref<!tpu.dma_semaphore, #tpu.memory_space<semaphore_mem>>
        %dma_start3A_851 = arith.constant 0 : i32
        %dma_start3A_852 = tpu.memref_slice %arg9[%mul3A_381, %dma_start3A_851] : memref<32768x8xf32, #tpu.memory_space<hbm>> -> memref<128x8xf32, #tpu.memory_space<hbm>>
        %dma_start3A_853 = arith.constant 0 : i32
        %dma_start3A_854 = tpu.memref_slice %arg9[%mul3A_381, %dma_start3A_853] : memref<32768x8xf32, #tpu.memory_space<hbm>> -> memref<128x8xf32, #tpu.memory_space<hbm>>
        tpu.enqueue_dma source(%arg13 : memref<128x8xf32, #tpu.memory_space<vmem>>) target(%dma_start3A_854 : memref<128x8xf32, #tpu.memory_space<hbm>>) target_semaphore(%run_scoped3A_850 : memref<!tpu.dma_semaphore, #tpu.memory_space<semaphore_mem>>)
        %dma_wait3A_855 = arith.constant 0 : i32
        %dma_wait3A_856 = tpu.memref_slice %arg9[%mul3A_381, %dma_wait3A_855] : memref<32768x8xf32, #tpu.memory_space<hbm>> -> memref<128x8xf32, #tpu.memory_space<hbm>>
        %dma_wait3A_857 = arith.constant 0 : i32
        %dma_wait3A_858 = tpu.memref_slice %arg9[%mul3A_381, %dma_wait3A_857] : memref<32768x8xf32, #tpu.memory_space<hbm>> -> memref<128x8xf32, #tpu.memory_space<hbm>>
        tpu.wait_dma2 semaphore(%run_scoped3A_850 : memref<!tpu.dma_semaphore, #tpu.memory_space<semaphore_mem>>) src(%arg13 : memref<128x8xf32, #tpu.memory_space<vmem>>) dst(%dma_wait3A_858 : memref<128x8xf32, #tpu.memory_space<hbm>>)
        tpu.yield
      }) : () -> ()
    } else {
    }
    %mul3A_403 = arith.constant 8 : i32
    %mul3A_404 = arith.muli %add3A_237, %mul3A_403 : i32
    %add3A_405 = arith.constant 6 : i32
    %add3A_406 = arith.addi %mul3A_404, %add3A_405 : i32
    %mul3A_407 = arith.constant 128 : i32
    %mul3A_408 = arith.muli %add3A_406, %mul3A_407 : i32
    %dma_start3A_409 = arith.constant 0 : i32
    %dma_start3A_410 = arith.constant 6 : i32
    %dma_start3A_411 = arith.constant 0 : i32
    %dma_start3A_412 = tpu.memref_slice %arg11[%dma_start3A_409, %dma_start3A_410, %dma_start3A_411] : memref<2x8x128xi32, #tpu.memory_space<vmem>> -> memref<1x1x128xi32, #tpu.memory_space<vmem>>
    %dma_start3A_413 = tpu.memref_squeeze %dma_start3A_412 : memref<1x1x128xi32, #tpu.memory_space<vmem>> -> memref<128xi32, #tpu.memory_space<vmem>>
    %dma_start3A_414 = arith.constant 0 : i32
    %dma_start3A_415 = arith.constant 0 : i32
    %dma_start3A_416 = tpu.memref_slice %arg10[%dma_start3A_414, %dma_start3A_415] : memref<100096x8xf32, #tpu.memory_space<vmem_shared>> -> memref<100096x8xf32, #tpu.memory_space<vmem_shared>>
    tpu.enqueue_indirect_dma source(%dma_start3A_416 : memref<100096x8xf32, #tpu.memory_space<vmem_shared>>) target(%arg12 : memref<128x8xf32, #tpu.memory_space<vmem>>) offsets(%dma_start3A_413 : memref<128xi32, #tpu.memory_space<vmem>>) semaphore(%arg14 : memref<!tpu.dma_semaphore, #tpu.memory_space<semaphore_mem>>)
    %dma_wait3A_417 = arith.constant 0 : i32
    %dma_wait3A_418 = arith.constant 6 : i32
    %dma_wait3A_419 = arith.constant 0 : i32
    %dma_wait3A_420 = tpu.memref_slice %arg11[%dma_wait3A_417, %dma_wait3A_418, %dma_wait3A_419] : memref<2x8x128xi32, #tpu.memory_space<vmem>> -> memref<1x1x128xi32, #tpu.memory_space<vmem>>
    %dma_wait3A_421 = tpu.memref_squeeze %dma_wait3A_420 : memref<1x1x128xi32, #tpu.memory_space<vmem>> -> memref<128xi32, #tpu.memory_space<vmem>>
    %dma_wait3A_422 = arith.constant 0 : i32
    %dma_wait3A_423 = arith.constant 0 : i32
    %dma_wait3A_424 = tpu.memref_slice %arg10[%dma_wait3A_422, %dma_wait3A_423] : memref<100096x8xf32, #tpu.memory_space<vmem_shared>> -> memref<100096x8xf32, #tpu.memory_space<vmem_shared>>
    tpu.wait_indirect_dma semaphore(%arg14 : memref<!tpu.dma_semaphore, #tpu.memory_space<semaphore_mem>>) src(%dma_wait3A_424 : memref<100096x8xf32, #tpu.memory_space<vmem_shared>>) dst(%arg12 : memref<128x8xf32, #tpu.memory_space<vmem>>)
    "tpu.region"() ({
      %run_scoped3A_834 = tpu.sem_alloc : memref<!tpu.dma_semaphore, #tpu.memory_space<semaphore_mem>>
      %dma_start3A_835 = arith.constant 0 : i32
      %dma_start3A_836 = tpu.memref_slice %arg7[%arg0, %mul3A_408, %dma_start3A_835] : memref<2x32768x8xf32, #tpu.memory_space<hbm>> -> memref<1x128x8xf32, #tpu.memory_space<hbm>>
      %dma_start3A_837 = tpu.memref_squeeze %dma_start3A_836 : memref<1x128x8xf32, #tpu.memory_space<hbm>> -> memref<128x8xf32, #tpu.memory_space<hbm>>
      %dma_start3A_838 = arith.constant 0 : i32
      %dma_start3A_839 = tpu.memref_slice %arg7[%arg0, %mul3A_408, %dma_start3A_838] : memref<2x32768x8xf32, #tpu.memory_space<hbm>> -> memref<1x128x8xf32, #tpu.memory_space<hbm>>
      %dma_start3A_840 = tpu.memref_squeeze %dma_start3A_839 : memref<1x128x8xf32, #tpu.memory_space<hbm>> -> memref<128x8xf32, #tpu.memory_space<hbm>>
      tpu.enqueue_dma source(%arg12 : memref<128x8xf32, #tpu.memory_space<vmem>>) target(%dma_start3A_840 : memref<128x8xf32, #tpu.memory_space<hbm>>) target_semaphore(%run_scoped3A_834 : memref<!tpu.dma_semaphore, #tpu.memory_space<semaphore_mem>>)
      %dma_wait3A_841 = arith.constant 0 : i32
      %dma_wait3A_842 = tpu.memref_slice %arg7[%arg0, %mul3A_408, %dma_wait3A_841] : memref<2x32768x8xf32, #tpu.memory_space<hbm>> -> memref<1x128x8xf32, #tpu.memory_space<hbm>>
      %dma_wait3A_843 = tpu.memref_squeeze %dma_wait3A_842 : memref<1x128x8xf32, #tpu.memory_space<hbm>> -> memref<128x8xf32, #tpu.memory_space<hbm>>
      %dma_wait3A_844 = arith.constant 0 : i32
      %dma_wait3A_845 = tpu.memref_slice %arg7[%arg0, %mul3A_408, %dma_wait3A_844] : memref<2x32768x8xf32, #tpu.memory_space<hbm>> -> memref<1x128x8xf32, #tpu.memory_space<hbm>>
      %dma_wait3A_846 = tpu.memref_squeeze %dma_wait3A_845 : memref<1x128x8xf32, #tpu.memory_space<hbm>> -> memref<128x8xf32, #tpu.memory_space<hbm>>
      tpu.wait_dma2 semaphore(%run_scoped3A_834 : memref<!tpu.dma_semaphore, #tpu.memory_space<semaphore_mem>>) src(%arg12 : memref<128x8xf32, #tpu.memory_space<vmem>>) dst(%dma_wait3A_846 : memref<128x8xf32, #tpu.memory_space<hbm>>)
      tpu.yield
    }) : () -> ()
    %eq3A_425 = arith.constant 1 : i32
    %eq3A_426 = arith.cmpi eq, %arg0, %eq3A_425 : i32
    %convert_element_type3A_427 = arith.extui %eq3A_426 : i1 to i32
    %cond3A_428 = arith.constant 0 : i32
    %cond3A_429 = arith.cmpi ne, %convert_element_type3A_427, %cond3A_428 : i32
    scf.if %cond3A_429 {
      %dma_start3A_834 = arith.constant 0 : i32
      %dma_start3A_835 = arith.constant 6 : i32
      %dma_start3A_836 = arith.constant 0 : i32
      %dma_start3A_837 = tpu.memref_slice %arg11[%dma_start3A_834, %dma_start3A_835, %dma_start3A_836] : memref<2x8x128xi32, #tpu.memory_space<vmem>> -> memref<1x1x128xi32, #tpu.memory_space<vmem>>
      %dma_start3A_838 = tpu.memref_squeeze %dma_start3A_837 : memref<1x1x128xi32, #tpu.memory_space<vmem>> -> memref<128xi32, #tpu.memory_space<vmem>>
      %dma_start3A_839 = arith.constant 0 : i32
      %dma_start3A_840 = arith.constant 0 : i32
      %dma_start3A_841 = tpu.memref_slice %arg2[%dma_start3A_839, %dma_start3A_840] : memref<100096x8xf32, #tpu.memory_space<hbm>> -> memref<100096x8xf32, #tpu.memory_space<hbm>>
      tpu.enqueue_indirect_dma source(%dma_start3A_841 : memref<100096x8xf32, #tpu.memory_space<hbm>>) target(%arg13 : memref<128x8xf32, #tpu.memory_space<vmem>>) offsets(%dma_start3A_838 : memref<128xi32, #tpu.memory_space<vmem>>) semaphore(%arg15 : memref<!tpu.dma_semaphore, #tpu.memory_space<semaphore_mem>>)
      %dma_wait3A_842 = arith.constant 0 : i32
      %dma_wait3A_843 = arith.constant 6 : i32
      %dma_wait3A_844 = arith.constant 0 : i32
      %dma_wait3A_845 = tpu.memref_slice %arg11[%dma_wait3A_842, %dma_wait3A_843, %dma_wait3A_844] : memref<2x8x128xi32, #tpu.memory_space<vmem>> -> memref<1x1x128xi32, #tpu.memory_space<vmem>>
      %dma_wait3A_846 = tpu.memref_squeeze %dma_wait3A_845 : memref<1x1x128xi32, #tpu.memory_space<vmem>> -> memref<128xi32, #tpu.memory_space<vmem>>
      %dma_wait3A_847 = arith.constant 0 : i32
      %dma_wait3A_848 = arith.constant 0 : i32
      %dma_wait3A_849 = tpu.memref_slice %arg2[%dma_wait3A_847, %dma_wait3A_848] : memref<100096x8xf32, #tpu.memory_space<hbm>> -> memref<100096x8xf32, #tpu.memory_space<hbm>>
      tpu.wait_indirect_dma semaphore(%arg15 : memref<!tpu.dma_semaphore, #tpu.memory_space<semaphore_mem>>) src(%dma_wait3A_849 : memref<100096x8xf32, #tpu.memory_space<hbm>>) dst(%arg13 : memref<128x8xf32, #tpu.memory_space<vmem>>)
      "tpu.region"() ({
        %run_scoped3A_850 = tpu.sem_alloc : memref<!tpu.dma_semaphore, #tpu.memory_space<semaphore_mem>>
        %dma_start3A_851 = arith.constant 0 : i32
        %dma_start3A_852 = tpu.memref_slice %arg9[%mul3A_408, %dma_start3A_851] : memref<32768x8xf32, #tpu.memory_space<hbm>> -> memref<128x8xf32, #tpu.memory_space<hbm>>
        %dma_start3A_853 = arith.constant 0 : i32
        %dma_start3A_854 = tpu.memref_slice %arg9[%mul3A_408, %dma_start3A_853] : memref<32768x8xf32, #tpu.memory_space<hbm>> -> memref<128x8xf32, #tpu.memory_space<hbm>>
        tpu.enqueue_dma source(%arg13 : memref<128x8xf32, #tpu.memory_space<vmem>>) target(%dma_start3A_854 : memref<128x8xf32, #tpu.memory_space<hbm>>) target_semaphore(%run_scoped3A_850 : memref<!tpu.dma_semaphore, #tpu.memory_space<semaphore_mem>>)
        %dma_wait3A_855 = arith.constant 0 : i32
        %dma_wait3A_856 = tpu.memref_slice %arg9[%mul3A_408, %dma_wait3A_855] : memref<32768x8xf32, #tpu.memory_space<hbm>> -> memref<128x8xf32, #tpu.memory_space<hbm>>
        %dma_wait3A_857 = arith.constant 0 : i32
        %dma_wait3A_858 = tpu.memref_slice %arg9[%mul3A_408, %dma_wait3A_857] : memref<32768x8xf32, #tpu.memory_space<hbm>> -> memref<128x8xf32, #tpu.memory_space<hbm>>
        tpu.wait_dma2 semaphore(%run_scoped3A_850 : memref<!tpu.dma_semaphore, #tpu.memory_space<semaphore_mem>>) src(%arg13 : memref<128x8xf32, #tpu.memory_space<vmem>>) dst(%dma_wait3A_858 : memref<128x8xf32, #tpu.memory_space<hbm>>)
        tpu.yield
      }) : () -> ()
    } else {
    }
    %mul3A_430 = arith.constant 8 : i32
    %mul3A_431 = arith.muli %add3A_237, %mul3A_430 : i32
    %add3A_432 = arith.constant 7 : i32
    %add3A_433 = arith.addi %mul3A_431, %add3A_432 : i32
    %mul3A_434 = arith.constant 128 : i32
    %mul3A_435 = arith.muli %add3A_433, %mul3A_434 : i32
    %dma_start3A_436 = arith.constant 0 : i32
    %dma_start3A_437 = arith.constant 7 : i32
    %dma_start3A_438 = arith.constant 0 : i32
    %dma_start3A_439 = tpu.memref_slice %arg11[%dma_start3A_436, %dma_start3A_437, %dma_start3A_438] : memref<2x8x128xi32, #tpu.memory_space<vmem>> -> memref<1x1x128xi32, #tpu.memory_space<vmem>>
    %dma_start3A_440 = tpu.memref_squeeze %dma_start3A_439 : memref<1x1x128xi32, #tpu.memory_space<vmem>> -> memref<128xi32, #tpu.memory_space<vmem>>
    %dma_start3A_441 = arith.constant 0 : i32
    %dma_start3A_442 = arith.constant 0 : i32
    %dma_start3A_443 = tpu.memref_slice %arg10[%dma_start3A_441, %dma_start3A_442] : memref<100096x8xf32, #tpu.memory_space<vmem_shared>> -> memref<100096x8xf32, #tpu.memory_space<vmem_shared>>
    tpu.enqueue_indirect_dma source(%dma_start3A_443 : memref<100096x8xf32, #tpu.memory_space<vmem_shared>>) target(%arg12 : memref<128x8xf32, #tpu.memory_space<vmem>>) offsets(%dma_start3A_440 : memref<128xi32, #tpu.memory_space<vmem>>) semaphore(%arg14 : memref<!tpu.dma_semaphore, #tpu.memory_space<semaphore_mem>>)
    %dma_wait3A_444 = arith.constant 0 : i32
    %dma_wait3A_445 = arith.constant 7 : i32
    %dma_wait3A_446 = arith.constant 0 : i32
    %dma_wait3A_447 = tpu.memref_slice %arg11[%dma_wait3A_444, %dma_wait3A_445, %dma_wait3A_446] : memref<2x8x128xi32, #tpu.memory_space<vmem>> -> memref<1x1x128xi32, #tpu.memory_space<vmem>>
    %dma_wait3A_448 = tpu.memref_squeeze %dma_wait3A_447 : memref<1x1x128xi32, #tpu.memory_space<vmem>> -> memref<128xi32, #tpu.memory_space<vmem>>
    %dma_wait3A_449 = arith.constant 0 : i32
    %dma_wait3A_450 = arith.constant 0 : i32
    %dma_wait3A_451 = tpu.memref_slice %arg10[%dma_wait3A_449, %dma_wait3A_450] : memref<100096x8xf32, #tpu.memory_space<vmem_shared>> -> memref<100096x8xf32, #tpu.memory_space<vmem_shared>>
    tpu.wait_indirect_dma semaphore(%arg14 : memref<!tpu.dma_semaphore, #tpu.memory_space<semaphore_mem>>) src(%dma_wait3A_451 : memref<100096x8xf32, #tpu.memory_space<vmem_shared>>) dst(%arg12 : memref<128x8xf32, #tpu.memory_space<vmem>>)
    "tpu.region"() ({
      %run_scoped3A_834 = tpu.sem_alloc : memref<!tpu.dma_semaphore, #tpu.memory_space<semaphore_mem>>
      %dma_start3A_835 = arith.constant 0 : i32
      %dma_start3A_836 = tpu.memref_slice %arg7[%arg0, %mul3A_435, %dma_start3A_835] : memref<2x32768x8xf32, #tpu.memory_space<hbm>> -> memref<1x128x8xf32, #tpu.memory_space<hbm>>
      %dma_start3A_837 = tpu.memref_squeeze %dma_start3A_836 : memref<1x128x8xf32, #tpu.memory_space<hbm>> -> memref<128x8xf32, #tpu.memory_space<hbm>>
      %dma_start3A_838 = arith.constant 0 : i32
      %dma_start3A_839 = tpu.memref_slice %arg7[%arg0, %mul3A_435, %dma_start3A_838] : memref<2x32768x8xf32, #tpu.memory_space<hbm>> -> memref<1x128x8xf32, #tpu.memory_space<hbm>>
      %dma_start3A_840 = tpu.memref_squeeze %dma_start3A_839 : memref<1x128x8xf32, #tpu.memory_space<hbm>> -> memref<128x8xf32, #tpu.memory_space<hbm>>
      tpu.enqueue_dma source(%arg12 : memref<128x8xf32, #tpu.memory_space<vmem>>) target(%dma_start3A_840 : memref<128x8xf32, #tpu.memory_space<hbm>>) target_semaphore(%run_scoped3A_834 : memref<!tpu.dma_semaphore, #tpu.memory_space<semaphore_mem>>)
      %dma_wait3A_841 = arith.constant 0 : i32
      %dma_wait3A_842 = tpu.memref_slice %arg7[%arg0, %mul3A_435, %dma_wait3A_841] : memref<2x32768x8xf32, #tpu.memory_space<hbm>> -> memref<1x128x8xf32, #tpu.memory_space<hbm>>
      %dma_wait3A_843 = tpu.memref_squeeze %dma_wait3A_842 : memref<1x128x8xf32, #tpu.memory_space<hbm>> -> memref<128x8xf32, #tpu.memory_space<hbm>>
      %dma_wait3A_844 = arith.constant 0 : i32
      %dma_wait3A_845 = tpu.memref_slice %arg7[%arg0, %mul3A_435, %dma_wait3A_844] : memref<2x32768x8xf32, #tpu.memory_space<hbm>> -> memref<1x128x8xf32, #tpu.memory_space<hbm>>
      %dma_wait3A_846 = tpu.memref_squeeze %dma_wait3A_845 : memref<1x128x8xf32, #tpu.memory_space<hbm>> -> memref<128x8xf32, #tpu.memory_space<hbm>>
      tpu.wait_dma2 semaphore(%run_scoped3A_834 : memref<!tpu.dma_semaphore, #tpu.memory_space<semaphore_mem>>) src(%arg12 : memref<128x8xf32, #tpu.memory_space<vmem>>) dst(%dma_wait3A_846 : memref<128x8xf32, #tpu.memory_space<hbm>>)
      tpu.yield
    }) : () -> ()
    %eq3A_452 = arith.constant 1 : i32
    %eq3A_453 = arith.cmpi eq, %arg0, %eq3A_452 : i32
    %convert_element_type3A_454 = arith.extui %eq3A_453 : i1 to i32
    %cond3A_455 = arith.constant 0 : i32
    %cond3A_456 = arith.cmpi ne, %convert_element_type3A_454, %cond3A_455 : i32
    scf.if %cond3A_456 {
      %dma_start3A_834 = arith.constant 0 : i32
      %dma_start3A_835 = arith.constant 7 : i32
      %dma_start3A_836 = arith.constant 0 : i32
      %dma_start3A_837 = tpu.memref_slice %arg11[%dma_start3A_834, %dma_start3A_835, %dma_start3A_836] : memref<2x8x128xi32, #tpu.memory_space<vmem>> -> memref<1x1x128xi32, #tpu.memory_space<vmem>>
      %dma_start3A_838 = tpu.memref_squeeze %dma_start3A_837 : memref<1x1x128xi32, #tpu.memory_space<vmem>> -> memref<128xi32, #tpu.memory_space<vmem>>
      %dma_start3A_839 = arith.constant 0 : i32
      %dma_start3A_840 = arith.constant 0 : i32
      %dma_start3A_841 = tpu.memref_slice %arg2[%dma_start3A_839, %dma_start3A_840] : memref<100096x8xf32, #tpu.memory_space<hbm>> -> memref<100096x8xf32, #tpu.memory_space<hbm>>
      tpu.enqueue_indirect_dma source(%dma_start3A_841 : memref<100096x8xf32, #tpu.memory_space<hbm>>) target(%arg13 : memref<128x8xf32, #tpu.memory_space<vmem>>) offsets(%dma_start3A_838 : memref<128xi32, #tpu.memory_space<vmem>>) semaphore(%arg15 : memref<!tpu.dma_semaphore, #tpu.memory_space<semaphore_mem>>)
      %dma_wait3A_842 = arith.constant 0 : i32
      %dma_wait3A_843 = arith.constant 7 : i32
      %dma_wait3A_844 = arith.constant 0 : i32
      %dma_wait3A_845 = tpu.memref_slice %arg11[%dma_wait3A_842, %dma_wait3A_843, %dma_wait3A_844] : memref<2x8x128xi32, #tpu.memory_space<vmem>> -> memref<1x1x128xi32, #tpu.memory_space<vmem>>
      %dma_wait3A_846 = tpu.memref_squeeze %dma_wait3A_845 : memref<1x1x128xi32, #tpu.memory_space<vmem>> -> memref<128xi32, #tpu.memory_space<vmem>>
      %dma_wait3A_847 = arith.constant 0 : i32
      %dma_wait3A_848 = arith.constant 0 : i32
      %dma_wait3A_849 = tpu.memref_slice %arg2[%dma_wait3A_847, %dma_wait3A_848] : memref<100096x8xf32, #tpu.memory_space<hbm>> -> memref<100096x8xf32, #tpu.memory_space<hbm>>
      tpu.wait_indirect_dma semaphore(%arg15 : memref<!tpu.dma_semaphore, #tpu.memory_space<semaphore_mem>>) src(%dma_wait3A_849 : memref<100096x8xf32, #tpu.memory_space<hbm>>) dst(%arg13 : memref<128x8xf32, #tpu.memory_space<vmem>>)
      "tpu.region"() ({
        %run_scoped3A_850 = tpu.sem_alloc : memref<!tpu.dma_semaphore, #tpu.memory_space<semaphore_mem>>
        %dma_start3A_851 = arith.constant 0 : i32
        %dma_start3A_852 = tpu.memref_slice %arg9[%mul3A_435, %dma_start3A_851] : memref<32768x8xf32, #tpu.memory_space<hbm>> -> memref<128x8xf32, #tpu.memory_space<hbm>>
        %dma_start3A_853 = arith.constant 0 : i32
        %dma_start3A_854 = tpu.memref_slice %arg9[%mul3A_435, %dma_start3A_853] : memref<32768x8xf32, #tpu.memory_space<hbm>> -> memref<128x8xf32, #tpu.memory_space<hbm>>
        tpu.enqueue_dma source(%arg13 : memref<128x8xf32, #tpu.memory_space<vmem>>) target(%dma_start3A_854 : memref<128x8xf32, #tpu.memory_space<hbm>>) target_semaphore(%run_scoped3A_850 : memref<!tpu.dma_semaphore, #tpu.memory_space<semaphore_mem>>)
        %dma_wait3A_855 = arith.constant 0 : i32
        %dma_wait3A_856 = tpu.memref_slice %arg9[%mul3A_435, %dma_wait3A_855] : memref<32768x8xf32, #tpu.memory_space<hbm>> -> memref<128x8xf32, #tpu.memory_space<hbm>>
        %dma_wait3A_857 = arith.constant 0 : i32
        %dma_wait3A_858 = tpu.memref_slice %arg9[%mul3A_435, %dma_wait3A_857] : memref<32768x8xf32, #tpu.memory_space<hbm>> -> memref<128x8xf32, #tpu.memory_space<hbm>>
        tpu.wait_dma2 semaphore(%run_scoped3A_850 : memref<!tpu.dma_semaphore, #tpu.memory_space<semaphore_mem>>) src(%arg13 : memref<128x8xf32, #tpu.memory_space<vmem>>) dst(%dma_wait3A_858 : memref<128x8xf32, #tpu.memory_space<hbm>>)
        tpu.yield
      }) : () -> ()
    } else {
    }
    %barrier3A_457 = arith.constant 0 : index
    tpu.barrier barrier_id(%barrier3A_457)
    "tpu.region"() ({
      %run_scoped3A_834 = tpu.sem_alloc : memref<!tpu.dma_semaphore, #tpu.memory_space<semaphore_mem>>
      tpu.enqueue_dma source(%arg6 : memref<128x8xf32, #tpu.memory_space<hbm>>) target(%arg12 : memref<128x8xf32, #tpu.memory_space<vmem>>) target_semaphore(%run_scoped3A_834 : memref<!tpu.dma_semaphore, #tpu.memory_space<semaphore_mem>>)
      tpu.wait_dma2 semaphore(%run_scoped3A_834 : memref<!tpu.dma_semaphore, #tpu.memory_space<semaphore_mem>>) src(%arg6 : memref<128x8xf32, #tpu.memory_space<hbm>>) dst(%arg12 : memref<128x8xf32, #tpu.memory_space<vmem>>)
      tpu.yield
    }) : () -> ()
    %while3A_458 = arith.constant 0 : i32
    %while3A_459 = arith.subi %min3A_7, %mul3A_4 : i32
    %while3A_460 = arith.addi %mul3A_4, %while3A_459 : i32
    %while3A_461 = arith.constant 1 : i32
    %while3A_462 = arith.divsi %while3A_459, %while3A_461 : i32
    %while3A_463 = arith.muli %while3A_462, %while3A_461 : i32
    %while3A_464 = arith.addi %mul3A_4, %while3A_463 : i32
    %while3A_465 = arith.constant 1 : i32
    scf.for %while3A_834 = %mul3A_4 to %while3A_464 step %while3A_465  : i32 {
      %mul3A_835 = arith.constant 8 : i32
      %mul3A_836 = arith.muli %while3A_834, %mul3A_835 : i32
      %run_scoped3A_837 = arith.constant 1 : i32
      %run_scoped3A_838 = arith.constant 1 : i32
      "tpu.region"() ({
        %run_scoped3A_967 = tpu.sem_alloc : memref<!tpu.dma_semaphore, #tpu.memory_space<semaphore_mem>>
        %dma_start3A_968 = arith.constant 0 : i32
        %dma_start3A_969 = arith.constant 0 : i32
        %dma_start3A_970 = tpu.memref_slice %arg11[%run_scoped3A_838, %dma_start3A_968, %dma_start3A_969] : memref<2x8x128xi32, #tpu.memory_space<vmem>> -> memref<1x8x128xi32, #tpu.memory_space<vmem>>
        %dma_start3A_971 = tpu.memref_squeeze %dma_start3A_970 : memref<1x8x128xi32, #tpu.memory_space<vmem>> -> memref<8x128xi32, #tpu.memory_space<vmem>>
        %dma_start3A_972 = arith.constant 0 : i32
        %dma_start3A_973 = tpu.memref_slice %arg3[%run_scoped3A_837, %mul3A_836, %dma_start3A_972] : memref<2x50000x128xi32, #tpu.memory_space<hbm>> -> memref<1x8x128xi32, #tpu.memory_space<hbm>>
        %dma_start3A_974 = tpu.memref_squeeze %dma_start3A_973 : memref<1x8x128xi32, #tpu.memory_space<hbm>> -> memref<8x128xi32, #tpu.memory_space<hbm>>
        %dma_start3A_975 = arith.constant 0 : i32
        %dma_start3A_976 = arith.constant 0 : i32
        %dma_start3A_977 = tpu.memref_slice %arg11[%run_scoped3A_838, %dma_start3A_975, %dma_start3A_976] : memref<2x8x128xi32, #tpu.memory_space<vmem>> -> memref<1x8x128xi32, #tpu.memory_space<vmem>>
        %dma_start3A_978 = tpu.memref_squeeze %dma_start3A_977 : memref<1x8x128xi32, #tpu.memory_space<vmem>> -> memref<8x128xi32, #tpu.memory_space<vmem>>
        %dma_start3A_979 = arith.constant 0 : i32
        %dma_start3A_980 = tpu.memref_slice %arg3[%run_scoped3A_837, %mul3A_836, %dma_start3A_979] : memref<2x50000x128xi32, #tpu.memory_space<hbm>> -> memref<1x8x128xi32, #tpu.memory_space<hbm>>
        %dma_start3A_981 = tpu.memref_squeeze %dma_start3A_980 : memref<1x8x128xi32, #tpu.memory_space<hbm>> -> memref<8x128xi32, #tpu.memory_space<hbm>>
        tpu.enqueue_dma source(%dma_start3A_981 : memref<8x128xi32, #tpu.memory_space<hbm>>) target(%dma_start3A_978 : memref<8x128xi32, #tpu.memory_space<vmem>>) target_semaphore(%run_scoped3A_967 : memref<!tpu.dma_semaphore, #tpu.memory_space<semaphore_mem>>)
        %dma_wait3A_982 = arith.constant 0 : i32
        %dma_wait3A_983 = arith.constant 0 : i32
        %dma_wait3A_984 = tpu.memref_slice %arg11[%run_scoped3A_838, %dma_wait3A_982, %dma_wait3A_983] : memref<2x8x128xi32, #tpu.memory_space<vmem>> -> memref<1x8x128xi32, #tpu.memory_space<vmem>>
        %dma_wait3A_985 = tpu.memref_squeeze %dma_wait3A_984 : memref<1x8x128xi32, #tpu.memory_space<vmem>> -> memref<8x128xi32, #tpu.memory_space<vmem>>
        %dma_wait3A_986 = arith.constant 0 : i32
        %dma_wait3A_987 = tpu.memref_slice %arg3[%run_scoped3A_837, %mul3A_836, %dma_wait3A_986] : memref<2x50000x128xi32, #tpu.memory_space<hbm>> -> memref<1x8x128xi32, #tpu.memory_space<hbm>>
        %dma_wait3A_988 = tpu.memref_squeeze %dma_wait3A_987 : memref<1x8x128xi32, #tpu.memory_space<hbm>> -> memref<8x128xi32, #tpu.memory_space<hbm>>
        %dma_wait3A_989 = arith.constant 0 : i32
        %dma_wait3A_990 = arith.constant 0 : i32
        %dma_wait3A_991 = tpu.memref_slice %arg11[%run_scoped3A_838, %dma_wait3A_989, %dma_wait3A_990] : memref<2x8x128xi32, #tpu.memory_space<vmem>> -> memref<1x8x128xi32, #tpu.memory_space<vmem>>
        %dma_wait3A_992 = tpu.memref_squeeze %dma_wait3A_991 : memref<1x8x128xi32, #tpu.memory_space<vmem>> -> memref<8x128xi32, #tpu.memory_space<vmem>>
        %dma_wait3A_993 = arith.constant 0 : i32
        %dma_wait3A_994 = tpu.memref_slice %arg3[%run_scoped3A_837, %mul3A_836, %dma_wait3A_993] : memref<2x50000x128xi32, #tpu.memory_space<hbm>> -> memref<1x8x128xi32, #tpu.memory_space<hbm>>
        %dma_wait3A_995 = tpu.memref_squeeze %dma_wait3A_994 : memref<1x8x128xi32, #tpu.memory_space<hbm>> -> memref<8x128xi32, #tpu.memory_space<hbm>>
        tpu.wait_dma2 semaphore(%run_scoped3A_967 : memref<!tpu.dma_semaphore, #tpu.memory_space<semaphore_mem>>) src(%dma_wait3A_995 : memref<8x128xi32, #tpu.memory_space<hbm>>) dst(%dma_wait3A_992 : memref<8x128xi32, #tpu.memory_space<vmem>>)
        tpu.yield
      }) : () -> ()
      %dma_start3A_839 = arith.constant 1 : i32
      %dma_start3A_840 = arith.constant 0 : i32
      %dma_start3A_841 = arith.constant 0 : i32
      %dma_start3A_842 = tpu.memref_slice %arg11[%dma_start3A_839, %dma_start3A_840, %dma_start3A_841] : memref<2x8x128xi32, #tpu.memory_space<vmem>> -> memref<1x1x128xi32, #tpu.memory_space<vmem>>
      %dma_start3A_843 = tpu.memref_squeeze %dma_start3A_842 : memref<1x1x128xi32, #tpu.memory_space<vmem>> -> memref<128xi32, #tpu.memory_space<vmem>>
      %dma_start3A_844 = arith.constant 0 : i32
      %dma_start3A_845 = arith.constant 0 : i32
      %dma_start3A_846 = tpu.memref_slice %arg10[%dma_start3A_844, %dma_start3A_845] : memref<100096x8xf32, #tpu.memory_space<vmem_shared>> -> memref<100096x8xf32, #tpu.memory_space<vmem_shared>>
      tpu.enqueue_indirect_dma source(%arg12 : memref<128x8xf32, #tpu.memory_space<vmem>>) target(%dma_start3A_846 : memref<100096x8xf32, #tpu.memory_space<vmem_shared>>) offsets(%dma_start3A_843 : memref<128xi32, #tpu.memory_space<vmem>>) semaphore(%arg16 : memref<!tpu.dma_semaphore, #tpu.memory_space<semaphore_mem>>) {add = true}
      %dma_start3A_847 = arith.constant 1 : i32
      %dma_start3A_848 = arith.constant 1 : i32
      %dma_start3A_849 = arith.constant 0 : i32
      %dma_start3A_850 = tpu.memref_slice %arg11[%dma_start3A_847, %dma_start3A_848, %dma_start3A_849] : memref<2x8x128xi32, #tpu.memory_space<vmem>> -> memref<1x1x128xi32, #tpu.memory_space<vmem>>
      %dma_start3A_851 = tpu.memref_squeeze %dma_start3A_850 : memref<1x1x128xi32, #tpu.memory_space<vmem>> -> memref<128xi32, #tpu.memory_space<vmem>>
      %dma_start3A_852 = arith.constant 0 : i32
      %dma_start3A_853 = arith.constant 0 : i32
      %dma_start3A_854 = tpu.memref_slice %arg10[%dma_start3A_852, %dma_start3A_853] : memref<100096x8xf32, #tpu.memory_space<vmem_shared>> -> memref<100096x8xf32, #tpu.memory_space<vmem_shared>>
      tpu.enqueue_indirect_dma source(%arg12 : memref<128x8xf32, #tpu.memory_space<vmem>>) target(%dma_start3A_854 : memref<100096x8xf32, #tpu.memory_space<vmem_shared>>) offsets(%dma_start3A_851 : memref<128xi32, #tpu.memory_space<vmem>>) semaphore(%arg17 : memref<!tpu.dma_semaphore, #tpu.memory_space<semaphore_mem>>) {add = true}
      %dma_start3A_855 = arith.constant 1 : i32
      %dma_start3A_856 = arith.constant 2 : i32
      %dma_start3A_857 = arith.constant 0 : i32
      %dma_start3A_858 = tpu.memref_slice %arg11[%dma_start3A_855, %dma_start3A_856, %dma_start3A_857] : memref<2x8x128xi32, #tpu.memory_space<vmem>> -> memref<1x1x128xi32, #tpu.memory_space<vmem>>
      %dma_start3A_859 = tpu.memref_squeeze %dma_start3A_858 : memref<1x1x128xi32, #tpu.memory_space<vmem>> -> memref<128xi32, #tpu.memory_space<vmem>>
      %dma_start3A_860 = arith.constant 0 : i32
      %dma_start3A_861 = arith.constant 0 : i32
      %dma_start3A_862 = tpu.memref_slice %arg10[%dma_start3A_860, %dma_start3A_861] : memref<100096x8xf32, #tpu.memory_space<vmem_shared>> -> memref<100096x8xf32, #tpu.memory_space<vmem_shared>>
      tpu.enqueue_indirect_dma source(%arg12 : memref<128x8xf32, #tpu.memory_space<vmem>>) target(%dma_start3A_862 : memref<100096x8xf32, #tpu.memory_space<vmem_shared>>) offsets(%dma_start3A_859 : memref<128xi32, #tpu.memory_space<vmem>>) semaphore(%arg16 : memref<!tpu.dma_semaphore, #tpu.memory_space<semaphore_mem>>) {add = true}
      %dma_start3A_863 = arith.constant 1 : i32
      %dma_start3A_864 = arith.constant 3 : i32
      %dma_start3A_865 = arith.constant 0 : i32
      %dma_start3A_866 = tpu.memref_slice %arg11[%dma_start3A_863, %dma_start3A_864, %dma_start3A_865] : memref<2x8x128xi32, #tpu.memory_space<vmem>> -> memref<1x1x128xi32, #tpu.memory_space<vmem>>
      %dma_start3A_867 = tpu.memref_squeeze %dma_start3A_866 : memref<1x1x128xi32, #tpu.memory_space<vmem>> -> memref<128xi32, #tpu.memory_space<vmem>>
      %dma_start3A_868 = arith.constant 0 : i32
      %dma_start3A_869 = arith.constant 0 : i32
      %dma_start3A_870 = tpu.memref_slice %arg10[%dma_start3A_868, %dma_start3A_869] : memref<100096x8xf32, #tpu.memory_space<vmem_shared>> -> memref<100096x8xf32, #tpu.memory_space<vmem_shared>>
      tpu.enqueue_indirect_dma source(%arg12 : memref<128x8xf32, #tpu.memory_space<vmem>>) target(%dma_start3A_870 : memref<100096x8xf32, #tpu.memory_space<vmem_shared>>) offsets(%dma_start3A_867 : memref<128xi32, #tpu.memory_space<vmem>>) semaphore(%arg17 : memref<!tpu.dma_semaphore, #tpu.memory_space<semaphore_mem>>) {add = true}
      %dma_start3A_871 = arith.constant 1 : i32
      %dma_start3A_872 = arith.constant 4 : i32
      %dma_start3A_873 = arith.constant 0 : i32
      %dma_start3A_874 = tpu.memref_slice %arg11[%dma_start3A_871, %dma_start3A_872, %dma_start3A_873] : memref<2x8x128xi32, #tpu.memory_space<vmem>> -> memref<1x1x128xi32, #tpu.memory_space<vmem>>
      %dma_start3A_875 = tpu.memref_squeeze %dma_start3A_874 : memref<1x1x128xi32, #tpu.memory_space<vmem>> -> memref<128xi32, #tpu.memory_space<vmem>>
      %dma_start3A_876 = arith.constant 0 : i32
      %dma_start3A_877 = arith.constant 0 : i32
      %dma_start3A_878 = tpu.memref_slice %arg10[%dma_start3A_876, %dma_start3A_877] : memref<100096x8xf32, #tpu.memory_space<vmem_shared>> -> memref<100096x8xf32, #tpu.memory_space<vmem_shared>>
      tpu.enqueue_indirect_dma source(%arg12 : memref<128x8xf32, #tpu.memory_space<vmem>>) target(%dma_start3A_878 : memref<100096x8xf32, #tpu.memory_space<vmem_shared>>) offsets(%dma_start3A_875 : memref<128xi32, #tpu.memory_space<vmem>>) semaphore(%arg16 : memref<!tpu.dma_semaphore, #tpu.memory_space<semaphore_mem>>) {add = true}
      %dma_start3A_879 = arith.constant 1 : i32
      %dma_start3A_880 = arith.constant 5 : i32
      %dma_start3A_881 = arith.constant 0 : i32
      %dma_start3A_882 = tpu.memref_slice %arg11[%dma_start3A_879, %dma_start3A_880, %dma_start3A_881] : memref<2x8x128xi32, #tpu.memory_space<vmem>> -> memref<1x1x128xi32, #tpu.memory_space<vmem>>
      %dma_start3A_883 = tpu.memref_squeeze %dma_start3A_882 : memref<1x1x128xi32, #tpu.memory_space<vmem>> -> memref<128xi32, #tpu.memory_space<vmem>>
      %dma_start3A_884 = arith.constant 0 : i32
      %dma_start3A_885 = arith.constant 0 : i32
      %dma_start3A_886 = tpu.memref_slice %arg10[%dma_start3A_884, %dma_start3A_885] : memref<100096x8xf32, #tpu.memory_space<vmem_shared>> -> memref<100096x8xf32, #tpu.memory_space<vmem_shared>>
      tpu.enqueue_indirect_dma source(%arg12 : memref<128x8xf32, #tpu.memory_space<vmem>>) target(%dma_start3A_886 : memref<100096x8xf32, #tpu.memory_space<vmem_shared>>) offsets(%dma_start3A_883 : memref<128xi32, #tpu.memory_space<vmem>>) semaphore(%arg17 : memref<!tpu.dma_semaphore, #tpu.memory_space<semaphore_mem>>) {add = true}
      %dma_start3A_887 = arith.constant 1 : i32
      %dma_start3A_888 = arith.constant 6 : i32
      %dma_start3A_889 = arith.constant 0 : i32
      %dma_start3A_890 = tpu.memref_slice %arg11[%dma_start3A_887, %dma_start3A_888, %dma_start3A_889] : memref<2x8x128xi32, #tpu.memory_space<vmem>> -> memref<1x1x128xi32, #tpu.memory_space<vmem>>
      %dma_start3A_891 = tpu.memref_squeeze %dma_start3A_890 : memref<1x1x128xi32, #tpu.memory_space<vmem>> -> memref<128xi32, #tpu.memory_space<vmem>>
      %dma_start3A_892 = arith.constant 0 : i32
      %dma_start3A_893 = arith.constant 0 : i32
      %dma_start3A_894 = tpu.memref_slice %arg10[%dma_start3A_892, %dma_start3A_893] : memref<100096x8xf32, #tpu.memory_space<vmem_shared>> -> memref<100096x8xf32, #tpu.memory_space<vmem_shared>>
      tpu.enqueue_indirect_dma source(%arg12 : memref<128x8xf32, #tpu.memory_space<vmem>>) target(%dma_start3A_894 : memref<100096x8xf32, #tpu.memory_space<vmem_shared>>) offsets(%dma_start3A_891 : memref<128xi32, #tpu.memory_space<vmem>>) semaphore(%arg16 : memref<!tpu.dma_semaphore, #tpu.memory_space<semaphore_mem>>) {add = true}
      %dma_start3A_895 = arith.constant 1 : i32
      %dma_start3A_896 = arith.constant 7 : i32
      %dma_start3A_897 = arith.constant 0 : i32
      %dma_start3A_898 = tpu.memref_slice %arg11[%dma_start3A_895, %dma_start3A_896, %dma_start3A_897] : memref<2x8x128xi32, #tpu.memory_space<vmem>> -> memref<1x1x128xi32, #tpu.memory_space<vmem>>
      %dma_start3A_899 = tpu.memref_squeeze %dma_start3A_898 : memref<1x1x128xi32, #tpu.memory_space<vmem>> -> memref<128xi32, #tpu.memory_space<vmem>>
      %dma_start3A_900 = arith.constant 0 : i32
      %dma_start3A_901 = arith.constant 0 : i32
      %dma_start3A_902 = tpu.memref_slice %arg10[%dma_start3A_900, %dma_start3A_901] : memref<100096x8xf32, #tpu.memory_space<vmem_shared>> -> memref<100096x8xf32, #tpu.memory_space<vmem_shared>>
      tpu.enqueue_indirect_dma source(%arg12 : memref<128x8xf32, #tpu.memory_space<vmem>>) target(%dma_start3A_902 : memref<100096x8xf32, #tpu.memory_space<vmem_shared>>) offsets(%dma_start3A_899 : memref<128xi32, #tpu.memory_space<vmem>>) semaphore(%arg17 : memref<!tpu.dma_semaphore, #tpu.memory_space<semaphore_mem>>) {add = true}
      %dma_wait3A_903 = arith.constant 1 : i32
      %dma_wait3A_904 = arith.constant 0 : i32
      %dma_wait3A_905 = arith.constant 0 : i32
      %dma_wait3A_906 = tpu.memref_slice %arg11[%dma_wait3A_903, %dma_wait3A_904, %dma_wait3A_905] : memref<2x8x128xi32, #tpu.memory_space<vmem>> -> memref<1x1x128xi32, #tpu.memory_space<vmem>>
      %dma_wait3A_907 = tpu.memref_squeeze %dma_wait3A_906 : memref<1x1x128xi32, #tpu.memory_space<vmem>> -> memref<128xi32, #tpu.memory_space<vmem>>
      %dma_wait3A_908 = arith.constant 0 : i32
      %dma_wait3A_909 = arith.constant 0 : i32
      %dma_wait3A_910 = tpu.memref_slice %arg10[%dma_wait3A_908, %dma_wait3A_909] : memref<100096x8xf32, #tpu.memory_space<vmem_shared>> -> memref<100096x8xf32, #tpu.memory_space<vmem_shared>>
      tpu.wait_indirect_dma semaphore(%arg16 : memref<!tpu.dma_semaphore, #tpu.memory_space<semaphore_mem>>) src(%arg12 : memref<128x8xf32, #tpu.memory_space<vmem>>) dst(%dma_wait3A_910 : memref<100096x8xf32, #tpu.memory_space<vmem_shared>>)
      %dma_wait3A_911 = arith.constant 1 : i32
      %dma_wait3A_912 = arith.constant 1 : i32
      %dma_wait3A_913 = arith.constant 0 : i32
      %dma_wait3A_914 = tpu.memref_slice %arg11[%dma_wait3A_911, %dma_wait3A_912, %dma_wait3A_913] : memref<2x8x128xi32, #tpu.memory_space<vmem>> -> memref<1x1x128xi32, #tpu.memory_space<vmem>>
      %dma_wait3A_915 = tpu.memref_squeeze %dma_wait3A_914 : memref<1x1x128xi32, #tpu.memory_space<vmem>> -> memref<128xi32, #tpu.memory_space<vmem>>
      %dma_wait3A_916 = arith.constant 0 : i32
      %dma_wait3A_917 = arith.constant 0 : i32
      %dma_wait3A_918 = tpu.memref_slice %arg10[%dma_wait3A_916, %dma_wait3A_917] : memref<100096x8xf32, #tpu.memory_space<vmem_shared>> -> memref<100096x8xf32, #tpu.memory_space<vmem_shared>>
      tpu.wait_indirect_dma semaphore(%arg17 : memref<!tpu.dma_semaphore, #tpu.memory_space<semaphore_mem>>) src(%arg12 : memref<128x8xf32, #tpu.memory_space<vmem>>) dst(%dma_wait3A_918 : memref<100096x8xf32, #tpu.memory_space<vmem_shared>>)
      %dma_wait3A_919 = arith.constant 1 : i32
      %dma_wait3A_920 = arith.constant 2 : i32
      %dma_wait3A_921 = arith.constant 0 : i32
      %dma_wait3A_922 = tpu.memref_slice %arg11[%dma_wait3A_919, %dma_wait3A_920, %dma_wait3A_921] : memref<2x8x128xi32, #tpu.memory_space<vmem>> -> memref<1x1x128xi32, #tpu.memory_space<vmem>>
      %dma_wait3A_923 = tpu.memref_squeeze %dma_wait3A_922 : memref<1x1x128xi32, #tpu.memory_space<vmem>> -> memref<128xi32, #tpu.memory_space<vmem>>
      %dma_wait3A_924 = arith.constant 0 : i32
      %dma_wait3A_925 = arith.constant 0 : i32
      %dma_wait3A_926 = tpu.memref_slice %arg10[%dma_wait3A_924, %dma_wait3A_925] : memref<100096x8xf32, #tpu.memory_space<vmem_shared>> -> memref<100096x8xf32, #tpu.memory_space<vmem_shared>>
      tpu.wait_indirect_dma semaphore(%arg16 : memref<!tpu.dma_semaphore, #tpu.memory_space<semaphore_mem>>) src(%arg12 : memref<128x8xf32, #tpu.memory_space<vmem>>) dst(%dma_wait3A_926 : memref<100096x8xf32, #tpu.memory_space<vmem_shared>>)
      %dma_wait3A_927 = arith.constant 1 : i32
      %dma_wait3A_928 = arith.constant 3 : i32
      %dma_wait3A_929 = arith.constant 0 : i32
      %dma_wait3A_930 = tpu.memref_slice %arg11[%dma_wait3A_927, %dma_wait3A_928, %dma_wait3A_929] : memref<2x8x128xi32, #tpu.memory_space<vmem>> -> memref<1x1x128xi32, #tpu.memory_space<vmem>>
      %dma_wait3A_931 = tpu.memref_squeeze %dma_wait3A_930 : memref<1x1x128xi32, #tpu.memory_space<vmem>> -> memref<128xi32, #tpu.memory_space<vmem>>
      %dma_wait3A_932 = arith.constant 0 : i32
      %dma_wait3A_933 = arith.constant 0 : i32
      %dma_wait3A_934 = tpu.memref_slice %arg10[%dma_wait3A_932, %dma_wait3A_933] : memref<100096x8xf32, #tpu.memory_space<vmem_shared>> -> memref<100096x8xf32, #tpu.memory_space<vmem_shared>>
      tpu.wait_indirect_dma semaphore(%arg17 : memref<!tpu.dma_semaphore, #tpu.memory_space<semaphore_mem>>) src(%arg12 : memref<128x8xf32, #tpu.memory_space<vmem>>) dst(%dma_wait3A_934 : memref<100096x8xf32, #tpu.memory_space<vmem_shared>>)
      %dma_wait3A_935 = arith.constant 1 : i32
      %dma_wait3A_936 = arith.constant 4 : i32
      %dma_wait3A_937 = arith.constant 0 : i32
      %dma_wait3A_938 = tpu.memref_slice %arg11[%dma_wait3A_935, %dma_wait3A_936, %dma_wait3A_937] : memref<2x8x128xi32, #tpu.memory_space<vmem>> -> memref<1x1x128xi32, #tpu.memory_space<vmem>>
      %dma_wait3A_939 = tpu.memref_squeeze %dma_wait3A_938 : memref<1x1x128xi32, #tpu.memory_space<vmem>> -> memref<128xi32, #tpu.memory_space<vmem>>
      %dma_wait3A_940 = arith.constant 0 : i32
      %dma_wait3A_941 = arith.constant 0 : i32
      %dma_wait3A_942 = tpu.memref_slice %arg10[%dma_wait3A_940, %dma_wait3A_941] : memref<100096x8xf32, #tpu.memory_space<vmem_shared>> -> memref<100096x8xf32, #tpu.memory_space<vmem_shared>>
      tpu.wait_indirect_dma semaphore(%arg16 : memref<!tpu.dma_semaphore, #tpu.memory_space<semaphore_mem>>) src(%arg12 : memref<128x8xf32, #tpu.memory_space<vmem>>) dst(%dma_wait3A_942 : memref<100096x8xf32, #tpu.memory_space<vmem_shared>>)
      %dma_wait3A_943 = arith.constant 1 : i32
      %dma_wait3A_944 = arith.constant 5 : i32
      %dma_wait3A_945 = arith.constant 0 : i32
      %dma_wait3A_946 = tpu.memref_slice %arg11[%dma_wait3A_943, %dma_wait3A_944, %dma_wait3A_945] : memref<2x8x128xi32, #tpu.memory_space<vmem>> -> memref<1x1x128xi32, #tpu.memory_space<vmem>>
      %dma_wait3A_947 = tpu.memref_squeeze %dma_wait3A_946 : memref<1x1x128xi32, #tpu.memory_space<vmem>> -> memref<128xi32, #tpu.memory_space<vmem>>
      %dma_wait3A_948 = arith.constant 0 : i32
      %dma_wait3A_949 = arith.constant 0 : i32
      %dma_wait3A_950 = tpu.memref_slice %arg10[%dma_wait3A_948, %dma_wait3A_949] : memref<100096x8xf32, #tpu.memory_space<vmem_shared>> -> memref<100096x8xf32, #tpu.memory_space<vmem_shared>>
      tpu.wait_indirect_dma semaphore(%arg17 : memref<!tpu.dma_semaphore, #tpu.memory_space<semaphore_mem>>) src(%arg12 : memref<128x8xf32, #tpu.memory_space<vmem>>) dst(%dma_wait3A_950 : memref<100096x8xf32, #tpu.memory_space<vmem_shared>>)
      %dma_wait3A_951 = arith.constant 1 : i32
      %dma_wait3A_952 = arith.constant 6 : i32
      %dma_wait3A_953 = arith.constant 0 : i32
      %dma_wait3A_954 = tpu.memref_slice %arg11[%dma_wait3A_951, %dma_wait3A_952, %dma_wait3A_953] : memref<2x8x128xi32, #tpu.memory_space<vmem>> -> memref<1x1x128xi32, #tpu.memory_space<vmem>>
      %dma_wait3A_955 = tpu.memref_squeeze %dma_wait3A_954 : memref<1x1x128xi32, #tpu.memory_space<vmem>> -> memref<128xi32, #tpu.memory_space<vmem>>
      %dma_wait3A_956 = arith.constant 0 : i32
      %dma_wait3A_957 = arith.constant 0 : i32
      %dma_wait3A_958 = tpu.memref_slice %arg10[%dma_wait3A_956, %dma_wait3A_957] : memref<100096x8xf32, #tpu.memory_space<vmem_shared>> -> memref<100096x8xf32, #tpu.memory_space<vmem_shared>>
      tpu.wait_indirect_dma semaphore(%arg16 : memref<!tpu.dma_semaphore, #tpu.memory_space<semaphore_mem>>) src(%arg12 : memref<128x8xf32, #tpu.memory_space<vmem>>) dst(%dma_wait3A_958 : memref<100096x8xf32, #tpu.memory_space<vmem_shared>>)
      %dma_wait3A_959 = arith.constant 1 : i32
      %dma_wait3A_960 = arith.constant 7 : i32
      %dma_wait3A_961 = arith.constant 0 : i32
      %dma_wait3A_962 = tpu.memref_slice %arg11[%dma_wait3A_959, %dma_wait3A_960, %dma_wait3A_961] : memref<2x8x128xi32, #tpu.memory_space<vmem>> -> memref<1x1x128xi32, #tpu.memory_space<vmem>>
      %dma_wait3A_963 = tpu.memref_squeeze %dma_wait3A_962 : memref<1x1x128xi32, #tpu.memory_space<vmem>> -> memref<128xi32, #tpu.memory_space<vmem>>
      %dma_wait3A_964 = arith.constant 0 : i32
      %dma_wait3A_965 = arith.constant 0 : i32
      %dma_wait3A_966 = tpu.memref_slice %arg10[%dma_wait3A_964, %dma_wait3A_965] : memref<100096x8xf32, #tpu.memory_space<vmem_shared>> -> memref<100096x8xf32, #tpu.memory_space<vmem_shared>>
      tpu.wait_indirect_dma semaphore(%arg17 : memref<!tpu.dma_semaphore, #tpu.memory_space<semaphore_mem>>) src(%arg12 : memref<128x8xf32, #tpu.memory_space<vmem>>) dst(%dma_wait3A_966 : memref<100096x8xf32, #tpu.memory_space<vmem_shared>>)
    }
    %while3A_466 = arith.constant 1 : i32
    scf.for %while3A_834 = %while3A_464 to %while3A_460 step %while3A_466  : i32 {
      %mul3A_835 = arith.constant 8 : i32
      %mul3A_836 = arith.muli %while3A_834, %mul3A_835 : i32
      %run_scoped3A_837 = arith.constant 1 : i32
      %run_scoped3A_838 = arith.constant 1 : i32
      "tpu.region"() ({
        %run_scoped3A_967 = tpu.sem_alloc : memref<!tpu.dma_semaphore, #tpu.memory_space<semaphore_mem>>
        %dma_start3A_968 = arith.constant 0 : i32
        %dma_start3A_969 = arith.constant 0 : i32
        %dma_start3A_970 = tpu.memref_slice %arg11[%run_scoped3A_838, %dma_start3A_968, %dma_start3A_969] : memref<2x8x128xi32, #tpu.memory_space<vmem>> -> memref<1x8x128xi32, #tpu.memory_space<vmem>>
        %dma_start3A_971 = tpu.memref_squeeze %dma_start3A_970 : memref<1x8x128xi32, #tpu.memory_space<vmem>> -> memref<8x128xi32, #tpu.memory_space<vmem>>
        %dma_start3A_972 = arith.constant 0 : i32
        %dma_start3A_973 = tpu.memref_slice %arg3[%run_scoped3A_837, %mul3A_836, %dma_start3A_972] : memref<2x50000x128xi32, #tpu.memory_space<hbm>> -> memref<1x8x128xi32, #tpu.memory_space<hbm>>
        %dma_start3A_974 = tpu.memref_squeeze %dma_start3A_973 : memref<1x8x128xi32, #tpu.memory_space<hbm>> -> memref<8x128xi32, #tpu.memory_space<hbm>>
        %dma_start3A_975 = arith.constant 0 : i32
        %dma_start3A_976 = arith.constant 0 : i32
        %dma_start3A_977 = tpu.memref_slice %arg11[%run_scoped3A_838, %dma_start3A_975, %dma_start3A_976] : memref<2x8x128xi32, #tpu.memory_space<vmem>> -> memref<1x8x128xi32, #tpu.memory_space<vmem>>
        %dma_start3A_978 = tpu.memref_squeeze %dma_start3A_977 : memref<1x8x128xi32, #tpu.memory_space<vmem>> -> memref<8x128xi32, #tpu.memory_space<vmem>>
        %dma_start3A_979 = arith.constant 0 : i32
        %dma_start3A_980 = tpu.memref_slice %arg3[%run_scoped3A_837, %mul3A_836, %dma_start3A_979] : memref<2x50000x128xi32, #tpu.memory_space<hbm>> -> memref<1x8x128xi32, #tpu.memory_space<hbm>>
        %dma_start3A_981 = tpu.memref_squeeze %dma_start3A_980 : memref<1x8x128xi32, #tpu.memory_space<hbm>> -> memref<8x128xi32, #tpu.memory_space<hbm>>
        tpu.enqueue_dma source(%dma_start3A_981 : memref<8x128xi32, #tpu.memory_space<hbm>>) target(%dma_start3A_978 : memref<8x128xi32, #tpu.memory_space<vmem>>) target_semaphore(%run_scoped3A_967 : memref<!tpu.dma_semaphore, #tpu.memory_space<semaphore_mem>>)
        %dma_wait3A_982 = arith.constant 0 : i32
        %dma_wait3A_983 = arith.constant 0 : i32
        %dma_wait3A_984 = tpu.memref_slice %arg11[%run_scoped3A_838, %dma_wait3A_982, %dma_wait3A_983] : memref<2x8x128xi32, #tpu.memory_space<vmem>> -> memref<1x8x128xi32, #tpu.memory_space<vmem>>
        %dma_wait3A_985 = tpu.memref_squeeze %dma_wait3A_984 : memref<1x8x128xi32, #tpu.memory_space<vmem>> -> memref<8x128xi32, #tpu.memory_space<vmem>>
        %dma_wait3A_986 = arith.constant 0 : i32
        %dma_wait3A_987 = tpu.memref_slice %arg3[%run_scoped3A_837, %mul3A_836, %dma_wait3A_986] : memref<2x50000x128xi32, #tpu.memory_space<hbm>> -> memref<1x8x128xi32, #tpu.memory_space<hbm>>
        %dma_wait3A_988 = tpu.memref_squeeze %dma_wait3A_987 : memref<1x8x128xi32, #tpu.memory_space<hbm>> -> memref<8x128xi32, #tpu.memory_space<hbm>>
        %dma_wait3A_989 = arith.constant 0 : i32
        %dma_wait3A_990 = arith.constant 0 : i32
        %dma_wait3A_991 = tpu.memref_slice %arg11[%run_scoped3A_838, %dma_wait3A_989, %dma_wait3A_990] : memref<2x8x128xi32, #tpu.memory_space<vmem>> -> memref<1x8x128xi32, #tpu.memory_space<vmem>>
        %dma_wait3A_992 = tpu.memref_squeeze %dma_wait3A_991 : memref<1x8x128xi32, #tpu.memory_space<vmem>> -> memref<8x128xi32, #tpu.memory_space<vmem>>
        %dma_wait3A_993 = arith.constant 0 : i32
        %dma_wait3A_994 = tpu.memref_slice %arg3[%run_scoped3A_837, %mul3A_836, %dma_wait3A_993] : memref<2x50000x128xi32, #tpu.memory_space<hbm>> -> memref<1x8x128xi32, #tpu.memory_space<hbm>>
        %dma_wait3A_995 = tpu.memref_squeeze %dma_wait3A_994 : memref<1x8x128xi32, #tpu.memory_space<hbm>> -> memref<8x128xi32, #tpu.memory_space<hbm>>
        tpu.wait_dma2 semaphore(%run_scoped3A_967 : memref<!tpu.dma_semaphore, #tpu.memory_space<semaphore_mem>>) src(%dma_wait3A_995 : memref<8x128xi32, #tpu.memory_space<hbm>>) dst(%dma_wait3A_992 : memref<8x128xi32, #tpu.memory_space<vmem>>)
        tpu.yield
      }) : () -> ()
      %dma_start3A_839 = arith.constant 1 : i32
      %dma_start3A_840 = arith.constant 0 : i32
      %dma_start3A_841 = arith.constant 0 : i32
      %dma_start3A_842 = tpu.memref_slice %arg11[%dma_start3A_839, %dma_start3A_840, %dma_start3A_841] : memref<2x8x128xi32, #tpu.memory_space<vmem>> -> memref<1x1x128xi32, #tpu.memory_space<vmem>>
      %dma_start3A_843 = tpu.memref_squeeze %dma_start3A_842 : memref<1x1x128xi32, #tpu.memory_space<vmem>> -> memref<128xi32, #tpu.memory_space<vmem>>
      %dma_start3A_844 = arith.constant 0 : i32
      %dma_start3A_845 = arith.constant 0 : i32
      %dma_start3A_846 = tpu.memref_slice %arg10[%dma_start3A_844, %dma_start3A_845] : memref<100096x8xf32, #tpu.memory_space<vmem_shared>> -> memref<100096x8xf32, #tpu.memory_space<vmem_shared>>
      tpu.enqueue_indirect_dma source(%arg12 : memref<128x8xf32, #tpu.memory_space<vmem>>) target(%dma_start3A_846 : memref<100096x8xf32, #tpu.memory_space<vmem_shared>>) offsets(%dma_start3A_843 : memref<128xi32, #tpu.memory_space<vmem>>) semaphore(%arg16 : memref<!tpu.dma_semaphore, #tpu.memory_space<semaphore_mem>>) {add = true}
      %dma_start3A_847 = arith.constant 1 : i32
      %dma_start3A_848 = arith.constant 1 : i32
      %dma_start3A_849 = arith.constant 0 : i32
      %dma_start3A_850 = tpu.memref_slice %arg11[%dma_start3A_847, %dma_start3A_848, %dma_start3A_849] : memref<2x8x128xi32, #tpu.memory_space<vmem>> -> memref<1x1x128xi32, #tpu.memory_space<vmem>>
      %dma_start3A_851 = tpu.memref_squeeze %dma_start3A_850 : memref<1x1x128xi32, #tpu.memory_space<vmem>> -> memref<128xi32, #tpu.memory_space<vmem>>
      %dma_start3A_852 = arith.constant 0 : i32
      %dma_start3A_853 = arith.constant 0 : i32
      %dma_start3A_854 = tpu.memref_slice %arg10[%dma_start3A_852, %dma_start3A_853] : memref<100096x8xf32, #tpu.memory_space<vmem_shared>> -> memref<100096x8xf32, #tpu.memory_space<vmem_shared>>
      tpu.enqueue_indirect_dma source(%arg12 : memref<128x8xf32, #tpu.memory_space<vmem>>) target(%dma_start3A_854 : memref<100096x8xf32, #tpu.memory_space<vmem_shared>>) offsets(%dma_start3A_851 : memref<128xi32, #tpu.memory_space<vmem>>) semaphore(%arg17 : memref<!tpu.dma_semaphore, #tpu.memory_space<semaphore_mem>>) {add = true}
      %dma_start3A_855 = arith.constant 1 : i32
      %dma_start3A_856 = arith.constant 2 : i32
      %dma_start3A_857 = arith.constant 0 : i32
      %dma_start3A_858 = tpu.memref_slice %arg11[%dma_start3A_855, %dma_start3A_856, %dma_start3A_857] : memref<2x8x128xi32, #tpu.memory_space<vmem>> -> memref<1x1x128xi32, #tpu.memory_space<vmem>>
      %dma_start3A_859 = tpu.memref_squeeze %dma_start3A_858 : memref<1x1x128xi32, #tpu.memory_space<vmem>> -> memref<128xi32, #tpu.memory_space<vmem>>
      %dma_start3A_860 = arith.constant 0 : i32
      %dma_start3A_861 = arith.constant 0 : i32
      %dma_start3A_862 = tpu.memref_slice %arg10[%dma_start3A_860, %dma_start3A_861] : memref<100096x8xf32, #tpu.memory_space<vmem_shared>> -> memref<100096x8xf32, #tpu.memory_space<vmem_shared>>
      tpu.enqueue_indirect_dma source(%arg12 : memref<128x8xf32, #tpu.memory_space<vmem>>) target(%dma_start3A_862 : memref<100096x8xf32, #tpu.memory_space<vmem_shared>>) offsets(%dma_start3A_859 : memref<128xi32, #tpu.memory_space<vmem>>) semaphore(%arg16 : memref<!tpu.dma_semaphore, #tpu.memory_space<semaphore_mem>>) {add = true}
      %dma_start3A_863 = arith.constant 1 : i32
      %dma_start3A_864 = arith.constant 3 : i32
      %dma_start3A_865 = arith.constant 0 : i32
      %dma_start3A_866 = tpu.memref_slice %arg11[%dma_start3A_863, %dma_start3A_864, %dma_start3A_865] : memref<2x8x128xi32, #tpu.memory_space<vmem>> -> memref<1x1x128xi32, #tpu.memory_space<vmem>>
      %dma_start3A_867 = tpu.memref_squeeze %dma_start3A_866 : memref<1x1x128xi32, #tpu.memory_space<vmem>> -> memref<128xi32, #tpu.memory_space<vmem>>
      %dma_start3A_868 = arith.constant 0 : i32
      %dma_start3A_869 = arith.constant 0 : i32
      %dma_start3A_870 = tpu.memref_slice %arg10[%dma_start3A_868, %dma_start3A_869] : memref<100096x8xf32, #tpu.memory_space<vmem_shared>> -> memref<100096x8xf32, #tpu.memory_space<vmem_shared>>
      tpu.enqueue_indirect_dma source(%arg12 : memref<128x8xf32, #tpu.memory_space<vmem>>) target(%dma_start3A_870 : memref<100096x8xf32, #tpu.memory_space<vmem_shared>>) offsets(%dma_start3A_867 : memref<128xi32, #tpu.memory_space<vmem>>) semaphore(%arg17 : memref<!tpu.dma_semaphore, #tpu.memory_space<semaphore_mem>>) {add = true}
      %dma_start3A_871 = arith.constant 1 : i32
      %dma_start3A_872 = arith.constant 4 : i32
      %dma_start3A_873 = arith.constant 0 : i32
      %dma_start3A_874 = tpu.memref_slice %arg11[%dma_start3A_871, %dma_start3A_872, %dma_start3A_873] : memref<2x8x128xi32, #tpu.memory_space<vmem>> -> memref<1x1x128xi32, #tpu.memory_space<vmem>>
      %dma_start3A_875 = tpu.memref_squeeze %dma_start3A_874 : memref<1x1x128xi32, #tpu.memory_space<vmem>> -> memref<128xi32, #tpu.memory_space<vmem>>
      %dma_start3A_876 = arith.constant 0 : i32
      %dma_start3A_877 = arith.constant 0 : i32
      %dma_start3A_878 = tpu.memref_slice %arg10[%dma_start3A_876, %dma_start3A_877] : memref<100096x8xf32, #tpu.memory_space<vmem_shared>> -> memref<100096x8xf32, #tpu.memory_space<vmem_shared>>
      tpu.enqueue_indirect_dma source(%arg12 : memref<128x8xf32, #tpu.memory_space<vmem>>) target(%dma_start3A_878 : memref<100096x8xf32, #tpu.memory_space<vmem_shared>>) offsets(%dma_start3A_875 : memref<128xi32, #tpu.memory_space<vmem>>) semaphore(%arg16 : memref<!tpu.dma_semaphore, #tpu.memory_space<semaphore_mem>>) {add = true}
      %dma_start3A_879 = arith.constant 1 : i32
      %dma_start3A_880 = arith.constant 5 : i32
      %dma_start3A_881 = arith.constant 0 : i32
      %dma_start3A_882 = tpu.memref_slice %arg11[%dma_start3A_879, %dma_start3A_880, %dma_start3A_881] : memref<2x8x128xi32, #tpu.memory_space<vmem>> -> memref<1x1x128xi32, #tpu.memory_space<vmem>>
      %dma_start3A_883 = tpu.memref_squeeze %dma_start3A_882 : memref<1x1x128xi32, #tpu.memory_space<vmem>> -> memref<128xi32, #tpu.memory_space<vmem>>
      %dma_start3A_884 = arith.constant 0 : i32
      %dma_start3A_885 = arith.constant 0 : i32
      %dma_start3A_886 = tpu.memref_slice %arg10[%dma_start3A_884, %dma_start3A_885] : memref<100096x8xf32, #tpu.memory_space<vmem_shared>> -> memref<100096x8xf32, #tpu.memory_space<vmem_shared>>
      tpu.enqueue_indirect_dma source(%arg12 : memref<128x8xf32, #tpu.memory_space<vmem>>) target(%dma_start3A_886 : memref<100096x8xf32, #tpu.memory_space<vmem_shared>>) offsets(%dma_start3A_883 : memref<128xi32, #tpu.memory_space<vmem>>) semaphore(%arg17 : memref<!tpu.dma_semaphore, #tpu.memory_space<semaphore_mem>>) {add = true}
      %dma_start3A_887 = arith.constant 1 : i32
      %dma_start3A_888 = arith.constant 6 : i32
      %dma_start3A_889 = arith.constant 0 : i32
      %dma_start3A_890 = tpu.memref_slice %arg11[%dma_start3A_887, %dma_start3A_888, %dma_start3A_889] : memref<2x8x128xi32, #tpu.memory_space<vmem>> -> memref<1x1x128xi32, #tpu.memory_space<vmem>>
      %dma_start3A_891 = tpu.memref_squeeze %dma_start3A_890 : memref<1x1x128xi32, #tpu.memory_space<vmem>> -> memref<128xi32, #tpu.memory_space<vmem>>
      %dma_start3A_892 = arith.constant 0 : i32
      %dma_start3A_893 = arith.constant 0 : i32
      %dma_start3A_894 = tpu.memref_slice %arg10[%dma_start3A_892, %dma_start3A_893] : memref<100096x8xf32, #tpu.memory_space<vmem_shared>> -> memref<100096x8xf32, #tpu.memory_space<vmem_shared>>
      tpu.enqueue_indirect_dma source(%arg12 : memref<128x8xf32, #tpu.memory_space<vmem>>) target(%dma_start3A_894 : memref<100096x8xf32, #tpu.memory_space<vmem_shared>>) offsets(%dma_start3A_891 : memref<128xi32, #tpu.memory_space<vmem>>) semaphore(%arg16 : memref<!tpu.dma_semaphore, #tpu.memory_space<semaphore_mem>>) {add = true}
      %dma_start3A_895 = arith.constant 1 : i32
      %dma_start3A_896 = arith.constant 7 : i32
      %dma_start3A_897 = arith.constant 0 : i32
      %dma_start3A_898 = tpu.memref_slice %arg11[%dma_start3A_895, %dma_start3A_896, %dma_start3A_897] : memref<2x8x128xi32, #tpu.memory_space<vmem>> -> memref<1x1x128xi32, #tpu.memory_space<vmem>>
      %dma_start3A_899 = tpu.memref_squeeze %dma_start3A_898 : memref<1x1x128xi32, #tpu.memory_space<vmem>> -> memref<128xi32, #tpu.memory_space<vmem>>
      %dma_start3A_900 = arith.constant 0 : i32
      %dma_start3A_901 = arith.constant 0 : i32
      %dma_start3A_902 = tpu.memref_slice %arg10[%dma_start3A_900, %dma_start3A_901] : memref<100096x8xf32, #tpu.memory_space<vmem_shared>> -> memref<100096x8xf32, #tpu.memory_space<vmem_shared>>
      tpu.enqueue_indirect_dma source(%arg12 : memref<128x8xf32, #tpu.memory_space<vmem>>) target(%dma_start3A_902 : memref<100096x8xf32, #tpu.memory_space<vmem_shared>>) offsets(%dma_start3A_899 : memref<128xi32, #tpu.memory_space<vmem>>) semaphore(%arg17 : memref<!tpu.dma_semaphore, #tpu.memory_space<semaphore_mem>>) {add = true}
      %dma_wait3A_903 = arith.constant 1 : i32
      %dma_wait3A_904 = arith.constant 0 : i32
      %dma_wait3A_905 = arith.constant 0 : i32
      %dma_wait3A_906 = tpu.memref_slice %arg11[%dma_wait3A_903, %dma_wait3A_904, %dma_wait3A_905] : memref<2x8x128xi32, #tpu.memory_space<vmem>> -> memref<1x1x128xi32, #tpu.memory_space<vmem>>
      %dma_wait3A_907 = tpu.memref_squeeze %dma_wait3A_906 : memref<1x1x128xi32, #tpu.memory_space<vmem>> -> memref<128xi32, #tpu.memory_space<vmem>>
      %dma_wait3A_908 = arith.constant 0 : i32
      %dma_wait3A_909 = arith.constant 0 : i32
      %dma_wait3A_910 = tpu.memref_slice %arg10[%dma_wait3A_908, %dma_wait3A_909] : memref<100096x8xf32, #tpu.memory_space<vmem_shared>> -> memref<100096x8xf32, #tpu.memory_space<vmem_shared>>
      tpu.wait_indirect_dma semaphore(%arg16 : memref<!tpu.dma_semaphore, #tpu.memory_space<semaphore_mem>>) src(%arg12 : memref<128x8xf32, #tpu.memory_space<vmem>>) dst(%dma_wait3A_910 : memref<100096x8xf32, #tpu.memory_space<vmem_shared>>)
      %dma_wait3A_911 = arith.constant 1 : i32
      %dma_wait3A_912 = arith.constant 1 : i32
      %dma_wait3A_913 = arith.constant 0 : i32
      %dma_wait3A_914 = tpu.memref_slice %arg11[%dma_wait3A_911, %dma_wait3A_912, %dma_wait3A_913] : memref<2x8x128xi32, #tpu.memory_space<vmem>> -> memref<1x1x128xi32, #tpu.memory_space<vmem>>
      %dma_wait3A_915 = tpu.memref_squeeze %dma_wait3A_914 : memref<1x1x128xi32, #tpu.memory_space<vmem>> -> memref<128xi32, #tpu.memory_space<vmem>>
      %dma_wait3A_916 = arith.constant 0 : i32
      %dma_wait3A_917 = arith.constant 0 : i32
      %dma_wait3A_918 = tpu.memref_slice %arg10[%dma_wait3A_916, %dma_wait3A_917] : memref<100096x8xf32, #tpu.memory_space<vmem_shared>> -> memref<100096x8xf32, #tpu.memory_space<vmem_shared>>
      tpu.wait_indirect_dma semaphore(%arg17 : memref<!tpu.dma_semaphore, #tpu.memory_space<semaphore_mem>>) src(%arg12 : memref<128x8xf32, #tpu.memory_space<vmem>>) dst(%dma_wait3A_918 : memref<100096x8xf32, #tpu.memory_space<vmem_shared>>)
      %dma_wait3A_919 = arith.constant 1 : i32
      %dma_wait3A_920 = arith.constant 2 : i32
      %dma_wait3A_921 = arith.constant 0 : i32
      %dma_wait3A_922 = tpu.memref_slice %arg11[%dma_wait3A_919, %dma_wait3A_920, %dma_wait3A_921] : memref<2x8x128xi32, #tpu.memory_space<vmem>> -> memref<1x1x128xi32, #tpu.memory_space<vmem>>
      %dma_wait3A_923 = tpu.memref_squeeze %dma_wait3A_922 : memref<1x1x128xi32, #tpu.memory_space<vmem>> -> memref<128xi32, #tpu.memory_space<vmem>>
      %dma_wait3A_924 = arith.constant 0 : i32
      %dma_wait3A_925 = arith.constant 0 : i32
      %dma_wait3A_926 = tpu.memref_slice %arg10[%dma_wait3A_924, %dma_wait3A_925] : memref<100096x8xf32, #tpu.memory_space<vmem_shared>> -> memref<100096x8xf32, #tpu.memory_space<vmem_shared>>
      tpu.wait_indirect_dma semaphore(%arg16 : memref<!tpu.dma_semaphore, #tpu.memory_space<semaphore_mem>>) src(%arg12 : memref<128x8xf32, #tpu.memory_space<vmem>>) dst(%dma_wait3A_926 : memref<100096x8xf32, #tpu.memory_space<vmem_shared>>)
      %dma_wait3A_927 = arith.constant 1 : i32
      %dma_wait3A_928 = arith.constant 3 : i32
      %dma_wait3A_929 = arith.constant 0 : i32
      %dma_wait3A_930 = tpu.memref_slice %arg11[%dma_wait3A_927, %dma_wait3A_928, %dma_wait3A_929] : memref<2x8x128xi32, #tpu.memory_space<vmem>> -> memref<1x1x128xi32, #tpu.memory_space<vmem>>
      %dma_wait3A_931 = tpu.memref_squeeze %dma_wait3A_930 : memref<1x1x128xi32, #tpu.memory_space<vmem>> -> memref<128xi32, #tpu.memory_space<vmem>>
      %dma_wait3A_932 = arith.constant 0 : i32
      %dma_wait3A_933 = arith.constant 0 : i32
      %dma_wait3A_934 = tpu.memref_slice %arg10[%dma_wait3A_932, %dma_wait3A_933] : memref<100096x8xf32, #tpu.memory_space<vmem_shared>> -> memref<100096x8xf32, #tpu.memory_space<vmem_shared>>
      tpu.wait_indirect_dma semaphore(%arg17 : memref<!tpu.dma_semaphore, #tpu.memory_space<semaphore_mem>>) src(%arg12 : memref<128x8xf32, #tpu.memory_space<vmem>>) dst(%dma_wait3A_934 : memref<100096x8xf32, #tpu.memory_space<vmem_shared>>)
      %dma_wait3A_935 = arith.constant 1 : i32
      %dma_wait3A_936 = arith.constant 4 : i32
      %dma_wait3A_937 = arith.constant 0 : i32
      %dma_wait3A_938 = tpu.memref_slice %arg11[%dma_wait3A_935, %dma_wait3A_936, %dma_wait3A_937] : memref<2x8x128xi32, #tpu.memory_space<vmem>> -> memref<1x1x128xi32, #tpu.memory_space<vmem>>
      %dma_wait3A_939 = tpu.memref_squeeze %dma_wait3A_938 : memref<1x1x128xi32, #tpu.memory_space<vmem>> -> memref<128xi32, #tpu.memory_space<vmem>>
      %dma_wait3A_940 = arith.constant 0 : i32
      %dma_wait3A_941 = arith.constant 0 : i32
      %dma_wait3A_942 = tpu.memref_slice %arg10[%dma_wait3A_940, %dma_wait3A_941] : memref<100096x8xf32, #tpu.memory_space<vmem_shared>> -> memref<100096x8xf32, #tpu.memory_space<vmem_shared>>
      tpu.wait_indirect_dma semaphore(%arg16 : memref<!tpu.dma_semaphore, #tpu.memory_space<semaphore_mem>>) src(%arg12 : memref<128x8xf32, #tpu.memory_space<vmem>>) dst(%dma_wait3A_942 : memref<100096x8xf32, #tpu.memory_space<vmem_shared>>)
      %dma_wait3A_943 = arith.constant 1 : i32
      %dma_wait3A_944 = arith.constant 5 : i32
      %dma_wait3A_945 = arith.constant 0 : i32
      %dma_wait3A_946 = tpu.memref_slice %arg11[%dma_wait3A_943, %dma_wait3A_944, %dma_wait3A_945] : memref<2x8x128xi32, #tpu.memory_space<vmem>> -> memref<1x1x128xi32, #tpu.memory_space<vmem>>
      %dma_wait3A_947 = tpu.memref_squeeze %dma_wait3A_946 : memref<1x1x128xi32, #tpu.memory_space<vmem>> -> memref<128xi32, #tpu.memory_space<vmem>>
      %dma_wait3A_948 = arith.constant 0 : i32
      %dma_wait3A_949 = arith.constant 0 : i32
      %dma_wait3A_950 = tpu.memref_slice %arg10[%dma_wait3A_948, %dma_wait3A_949] : memref<100096x8xf32, #tpu.memory_space<vmem_shared>> -> memref<100096x8xf32, #tpu.memory_space<vmem_shared>>
      tpu.wait_indirect_dma semaphore(%arg17 : memref<!tpu.dma_semaphore, #tpu.memory_space<semaphore_mem>>) src(%arg12 : memref<128x8xf32, #tpu.memory_space<vmem>>) dst(%dma_wait3A_950 : memref<100096x8xf32, #tpu.memory_space<vmem_shared>>)
      %dma_wait3A_951 = arith.constant 1 : i32
      %dma_wait3A_952 = arith.constant 6 : i32
      %dma_wait3A_953 = arith.constant 0 : i32
      %dma_wait3A_954 = tpu.memref_slice %arg11[%dma_wait3A_951, %dma_wait3A_952, %dma_wait3A_953] : memref<2x8x128xi32, #tpu.memory_space<vmem>> -> memref<1x1x128xi32, #tpu.memory_space<vmem>>
      %dma_wait3A_955 = tpu.memref_squeeze %dma_wait3A_954 : memref<1x1x128xi32, #tpu.memory_space<vmem>> -> memref<128xi32, #tpu.memory_space<vmem>>
      %dma_wait3A_956 = arith.constant 0 : i32
      %dma_wait3A_957 = arith.constant 0 : i32
      %dma_wait3A_958 = tpu.memref_slice %arg10[%dma_wait3A_956, %dma_wait3A_957] : memref<100096x8xf32, #tpu.memory_space<vmem_shared>> -> memref<100096x8xf32, #tpu.memory_space<vmem_shared>>
      tpu.wait_indirect_dma semaphore(%arg16 : memref<!tpu.dma_semaphore, #tpu.memory_space<semaphore_mem>>) src(%arg12 : memref<128x8xf32, #tpu.memory_space<vmem>>) dst(%dma_wait3A_958 : memref<100096x8xf32, #tpu.memory_space<vmem_shared>>)
      %dma_wait3A_959 = arith.constant 1 : i32
      %dma_wait3A_960 = arith.constant 7 : i32
      %dma_wait3A_961 = arith.constant 0 : i32
      %dma_wait3A_962 = tpu.memref_slice %arg11[%dma_wait3A_959, %dma_wait3A_960, %dma_wait3A_961] : memref<2x8x128xi32, #tpu.memory_space<vmem>> -> memref<1x1x128xi32, #tpu.memory_space<vmem>>
      %dma_wait3A_963 = tpu.memref_squeeze %dma_wait3A_962 : memref<1x1x128xi32, #tpu.memory_space<vmem>> -> memref<128xi32, #tpu.memory_space<vmem>>
      %dma_wait3A_964 = arith.constant 0 : i32
      %dma_wait3A_965 = arith.constant 0 : i32
      %dma_wait3A_966 = tpu.memref_slice %arg10[%dma_wait3A_964, %dma_wait3A_965] : memref<100096x8xf32, #tpu.memory_space<vmem_shared>> -> memref<100096x8xf32, #tpu.memory_space<vmem_shared>>
      tpu.wait_indirect_dma semaphore(%arg17 : memref<!tpu.dma_semaphore, #tpu.memory_space<semaphore_mem>>) src(%arg12 : memref<128x8xf32, #tpu.memory_space<vmem>>) dst(%dma_wait3A_966 : memref<100096x8xf32, #tpu.memory_space<vmem_shared>>)
    }
    %barrier3A_467 = arith.constant 0 : index
    tpu.barrier barrier_id(%barrier3A_467)
    %mul3A_468 = arith.constant 2 : i32
    %mul3A_469 = arith.muli %arg1, %mul3A_468 : i32
    %add3A_470 = arith.constant 0 : i32
    %add3A_471 = arith.addi %mul3A_469, %add3A_470 : i32
    %mul3A_472 = arith.constant 8 : i32
    %mul3A_473 = arith.muli %add3A_471, %mul3A_472 : i32
    %run_scoped3A_474 = arith.constant 0 : i32
    "tpu.region"() ({
      %run_scoped3A_834 = tpu.sem_alloc : memref<!tpu.dma_semaphore, #tpu.memory_space<semaphore_mem>>
      %dma_start3A_835 = arith.constant 0 : i32
      %dma_start3A_836 = arith.constant 0 : i32
      %dma_start3A_837 = tpu.memref_slice %arg11[%run_scoped3A_474, %dma_start3A_835, %dma_start3A_836] : memref<2x8x128xi32, #tpu.memory_space<vmem>> -> memref<1x8x128xi32, #tpu.memory_space<vmem>>
      %dma_start3A_838 = tpu.memref_squeeze %dma_start3A_837 : memref<1x8x128xi32, #tpu.memory_space<vmem>> -> memref<8x128xi32, #tpu.memory_space<vmem>>
      %dma_start3A_839 = arith.constant 0 : i32
      %dma_start3A_840 = tpu.memref_slice %arg4[%mul3A_473, %dma_start3A_839] : memref<256x128xi32, #tpu.memory_space<hbm>> -> memref<8x128xi32, #tpu.memory_space<hbm>>
      %dma_start3A_841 = arith.constant 0 : i32
      %dma_start3A_842 = arith.constant 0 : i32
      %dma_start3A_843 = tpu.memref_slice %arg11[%run_scoped3A_474, %dma_start3A_841, %dma_start3A_842] : memref<2x8x128xi32, #tpu.memory_space<vmem>> -> memref<1x8x128xi32, #tpu.memory_space<vmem>>
      %dma_start3A_844 = tpu.memref_squeeze %dma_start3A_843 : memref<1x8x128xi32, #tpu.memory_space<vmem>> -> memref<8x128xi32, #tpu.memory_space<vmem>>
      %dma_start3A_845 = arith.constant 0 : i32
      %dma_start3A_846 = tpu.memref_slice %arg4[%mul3A_473, %dma_start3A_845] : memref<256x128xi32, #tpu.memory_space<hbm>> -> memref<8x128xi32, #tpu.memory_space<hbm>>
      tpu.enqueue_dma source(%dma_start3A_846 : memref<8x128xi32, #tpu.memory_space<hbm>>) target(%dma_start3A_844 : memref<8x128xi32, #tpu.memory_space<vmem>>) target_semaphore(%run_scoped3A_834 : memref<!tpu.dma_semaphore, #tpu.memory_space<semaphore_mem>>)
      %dma_wait3A_847 = arith.constant 0 : i32
      %dma_wait3A_848 = arith.constant 0 : i32
      %dma_wait3A_849 = tpu.memref_slice %arg11[%run_scoped3A_474, %dma_wait3A_847, %dma_wait3A_848] : memref<2x8x128xi32, #tpu.memory_space<vmem>> -> memref<1x8x128xi32, #tpu.memory_space<vmem>>
      %dma_wait3A_850 = tpu.memref_squeeze %dma_wait3A_849 : memref<1x8x128xi32, #tpu.memory_space<vmem>> -> memref<8x128xi32, #tpu.memory_space<vmem>>
      %dma_wait3A_851 = arith.constant 0 : i32
      %dma_wait3A_852 = tpu.memref_slice %arg4[%mul3A_473, %dma_wait3A_851] : memref<256x128xi32, #tpu.memory_space<hbm>> -> memref<8x128xi32, #tpu.memory_space<hbm>>
      %dma_wait3A_853 = arith.constant 0 : i32
      %dma_wait3A_854 = arith.constant 0 : i32
      %dma_wait3A_855 = tpu.memref_slice %arg11[%run_scoped3A_474, %dma_wait3A_853, %dma_wait3A_854] : memref<2x8x128xi32, #tpu.memory_space<vmem>> -> memref<1x8x128xi32, #tpu.memory_space<vmem>>
      %dma_wait3A_856 = tpu.memref_squeeze %dma_wait3A_855 : memref<1x8x128xi32, #tpu.memory_space<vmem>> -> memref<8x128xi32, #tpu.memory_space<vmem>>
      %dma_wait3A_857 = arith.constant 0 : i32
      %dma_wait3A_858 = tpu.memref_slice %arg4[%mul3A_473, %dma_wait3A_857] : memref<256x128xi32, #tpu.memory_space<hbm>> -> memref<8x128xi32, #tpu.memory_space<hbm>>
      tpu.wait_dma2 semaphore(%run_scoped3A_834 : memref<!tpu.dma_semaphore, #tpu.memory_space<semaphore_mem>>) src(%dma_wait3A_858 : memref<8x128xi32, #tpu.memory_space<hbm>>) dst(%dma_wait3A_856 : memref<8x128xi32, #tpu.memory_space<vmem>>)
      tpu.yield
    }) : () -> ()
    %mul3A_475 = arith.constant 8 : i32
    %mul3A_476 = arith.muli %add3A_471, %mul3A_475 : i32
    %add3A_477 = arith.constant 0 : i32
    %add3A_478 = arith.addi %mul3A_476, %add3A_477 : i32
    %mul3A_479 = arith.constant 128 : i32
    %mul3A_480 = arith.muli %add3A_478, %mul3A_479 : i32
    %dma_start3A_481 = arith.constant 0 : i32
    %dma_start3A_482 = arith.constant 0 : i32
    %dma_start3A_483 = arith.constant 0 : i32
    %dma_start3A_484 = tpu.memref_slice %arg11[%dma_start3A_481, %dma_start3A_482, %dma_start3A_483] : memref<2x8x128xi32, #tpu.memory_space<vmem>> -> memref<1x1x128xi32, #tpu.memory_space<vmem>>
    %dma_start3A_485 = tpu.memref_squeeze %dma_start3A_484 : memref<1x1x128xi32, #tpu.memory_space<vmem>> -> memref<128xi32, #tpu.memory_space<vmem>>
    %dma_start3A_486 = arith.constant 0 : i32
    %dma_start3A_487 = arith.constant 0 : i32
    %dma_start3A_488 = tpu.memref_slice %arg10[%dma_start3A_486, %dma_start3A_487] : memref<100096x8xf32, #tpu.memory_space<vmem_shared>> -> memref<100096x8xf32, #tpu.memory_space<vmem_shared>>
    tpu.enqueue_indirect_dma source(%dma_start3A_488 : memref<100096x8xf32, #tpu.memory_space<vmem_shared>>) target(%arg12 : memref<128x8xf32, #tpu.memory_space<vmem>>) offsets(%dma_start3A_485 : memref<128xi32, #tpu.memory_space<vmem>>) semaphore(%arg14 : memref<!tpu.dma_semaphore, #tpu.memory_space<semaphore_mem>>)
    %dma_wait3A_489 = arith.constant 0 : i32
    %dma_wait3A_490 = arith.constant 0 : i32
    %dma_wait3A_491 = arith.constant 0 : i32
    %dma_wait3A_492 = tpu.memref_slice %arg11[%dma_wait3A_489, %dma_wait3A_490, %dma_wait3A_491] : memref<2x8x128xi32, #tpu.memory_space<vmem>> -> memref<1x1x128xi32, #tpu.memory_space<vmem>>
    %dma_wait3A_493 = tpu.memref_squeeze %dma_wait3A_492 : memref<1x1x128xi32, #tpu.memory_space<vmem>> -> memref<128xi32, #tpu.memory_space<vmem>>
    %dma_wait3A_494 = arith.constant 0 : i32
    %dma_wait3A_495 = arith.constant 0 : i32
    %dma_wait3A_496 = tpu.memref_slice %arg10[%dma_wait3A_494, %dma_wait3A_495] : memref<100096x8xf32, #tpu.memory_space<vmem_shared>> -> memref<100096x8xf32, #tpu.memory_space<vmem_shared>>
    tpu.wait_indirect_dma semaphore(%arg14 : memref<!tpu.dma_semaphore, #tpu.memory_space<semaphore_mem>>) src(%dma_wait3A_496 : memref<100096x8xf32, #tpu.memory_space<vmem_shared>>) dst(%arg12 : memref<128x8xf32, #tpu.memory_space<vmem>>)
    "tpu.region"() ({
      %run_scoped3A_834 = tpu.sem_alloc : memref<!tpu.dma_semaphore, #tpu.memory_space<semaphore_mem>>
      %dma_start3A_835 = arith.constant 0 : i32
      %dma_start3A_836 = tpu.memref_slice %arg8[%arg0, %mul3A_480, %dma_start3A_835] : memref<2x32768x8xf32, #tpu.memory_space<hbm>> -> memref<1x128x8xf32, #tpu.memory_space<hbm>>
      %dma_start3A_837 = tpu.memref_squeeze %dma_start3A_836 : memref<1x128x8xf32, #tpu.memory_space<hbm>> -> memref<128x8xf32, #tpu.memory_space<hbm>>
      %dma_start3A_838 = arith.constant 0 : i32
      %dma_start3A_839 = tpu.memref_slice %arg8[%arg0, %mul3A_480, %dma_start3A_838] : memref<2x32768x8xf32, #tpu.memory_space<hbm>> -> memref<1x128x8xf32, #tpu.memory_space<hbm>>
      %dma_start3A_840 = tpu.memref_squeeze %dma_start3A_839 : memref<1x128x8xf32, #tpu.memory_space<hbm>> -> memref<128x8xf32, #tpu.memory_space<hbm>>
      tpu.enqueue_dma source(%arg12 : memref<128x8xf32, #tpu.memory_space<vmem>>) target(%dma_start3A_840 : memref<128x8xf32, #tpu.memory_space<hbm>>) target_semaphore(%run_scoped3A_834 : memref<!tpu.dma_semaphore, #tpu.memory_space<semaphore_mem>>)
      %dma_wait3A_841 = arith.constant 0 : i32
      %dma_wait3A_842 = tpu.memref_slice %arg8[%arg0, %mul3A_480, %dma_wait3A_841] : memref<2x32768x8xf32, #tpu.memory_space<hbm>> -> memref<1x128x8xf32, #tpu.memory_space<hbm>>
      %dma_wait3A_843 = tpu.memref_squeeze %dma_wait3A_842 : memref<1x128x8xf32, #tpu.memory_space<hbm>> -> memref<128x8xf32, #tpu.memory_space<hbm>>
      %dma_wait3A_844 = arith.constant 0 : i32
      %dma_wait3A_845 = tpu.memref_slice %arg8[%arg0, %mul3A_480, %dma_wait3A_844] : memref<2x32768x8xf32, #tpu.memory_space<hbm>> -> memref<1x128x8xf32, #tpu.memory_space<hbm>>
      %dma_wait3A_846 = tpu.memref_squeeze %dma_wait3A_845 : memref<1x128x8xf32, #tpu.memory_space<hbm>> -> memref<128x8xf32, #tpu.memory_space<hbm>>
      tpu.wait_dma2 semaphore(%run_scoped3A_834 : memref<!tpu.dma_semaphore, #tpu.memory_space<semaphore_mem>>) src(%arg12 : memref<128x8xf32, #tpu.memory_space<vmem>>) dst(%dma_wait3A_846 : memref<128x8xf32, #tpu.memory_space<hbm>>)
      tpu.yield
    }) : () -> ()
    %mul3A_497 = arith.constant 8 : i32
    %mul3A_498 = arith.muli %add3A_471, %mul3A_497 : i32
    %add3A_499 = arith.constant 1 : i32
    %add3A_500 = arith.addi %mul3A_498, %add3A_499 : i32
    %mul3A_501 = arith.constant 128 : i32
    %mul3A_502 = arith.muli %add3A_500, %mul3A_501 : i32
    %dma_start3A_503 = arith.constant 0 : i32
    %dma_start3A_504 = arith.constant 1 : i32
    %dma_start3A_505 = arith.constant 0 : i32
    %dma_start3A_506 = tpu.memref_slice %arg11[%dma_start3A_503, %dma_start3A_504, %dma_start3A_505] : memref<2x8x128xi32, #tpu.memory_space<vmem>> -> memref<1x1x128xi32, #tpu.memory_space<vmem>>
    %dma_start3A_507 = tpu.memref_squeeze %dma_start3A_506 : memref<1x1x128xi32, #tpu.memory_space<vmem>> -> memref<128xi32, #tpu.memory_space<vmem>>
    %dma_start3A_508 = arith.constant 0 : i32
    %dma_start3A_509 = arith.constant 0 : i32
    %dma_start3A_510 = tpu.memref_slice %arg10[%dma_start3A_508, %dma_start3A_509] : memref<100096x8xf32, #tpu.memory_space<vmem_shared>> -> memref<100096x8xf32, #tpu.memory_space<vmem_shared>>
    tpu.enqueue_indirect_dma source(%dma_start3A_510 : memref<100096x8xf32, #tpu.memory_space<vmem_shared>>) target(%arg12 : memref<128x8xf32, #tpu.memory_space<vmem>>) offsets(%dma_start3A_507 : memref<128xi32, #tpu.memory_space<vmem>>) semaphore(%arg14 : memref<!tpu.dma_semaphore, #tpu.memory_space<semaphore_mem>>)
    %dma_wait3A_511 = arith.constant 0 : i32
    %dma_wait3A_512 = arith.constant 1 : i32
    %dma_wait3A_513 = arith.constant 0 : i32
    %dma_wait3A_514 = tpu.memref_slice %arg11[%dma_wait3A_511, %dma_wait3A_512, %dma_wait3A_513] : memref<2x8x128xi32, #tpu.memory_space<vmem>> -> memref<1x1x128xi32, #tpu.memory_space<vmem>>
    %dma_wait3A_515 = tpu.memref_squeeze %dma_wait3A_514 : memref<1x1x128xi32, #tpu.memory_space<vmem>> -> memref<128xi32, #tpu.memory_space<vmem>>
    %dma_wait3A_516 = arith.constant 0 : i32
    %dma_wait3A_517 = arith.constant 0 : i32
    %dma_wait3A_518 = tpu.memref_slice %arg10[%dma_wait3A_516, %dma_wait3A_517] : memref<100096x8xf32, #tpu.memory_space<vmem_shared>> -> memref<100096x8xf32, #tpu.memory_space<vmem_shared>>
    tpu.wait_indirect_dma semaphore(%arg14 : memref<!tpu.dma_semaphore, #tpu.memory_space<semaphore_mem>>) src(%dma_wait3A_518 : memref<100096x8xf32, #tpu.memory_space<vmem_shared>>) dst(%arg12 : memref<128x8xf32, #tpu.memory_space<vmem>>)
    "tpu.region"() ({
      %run_scoped3A_834 = tpu.sem_alloc : memref<!tpu.dma_semaphore, #tpu.memory_space<semaphore_mem>>
      %dma_start3A_835 = arith.constant 0 : i32
      %dma_start3A_836 = tpu.memref_slice %arg8[%arg0, %mul3A_502, %dma_start3A_835] : memref<2x32768x8xf32, #tpu.memory_space<hbm>> -> memref<1x128x8xf32, #tpu.memory_space<hbm>>
      %dma_start3A_837 = tpu.memref_squeeze %dma_start3A_836 : memref<1x128x8xf32, #tpu.memory_space<hbm>> -> memref<128x8xf32, #tpu.memory_space<hbm>>
      %dma_start3A_838 = arith.constant 0 : i32
      %dma_start3A_839 = tpu.memref_slice %arg8[%arg0, %mul3A_502, %dma_start3A_838] : memref<2x32768x8xf32, #tpu.memory_space<hbm>> -> memref<1x128x8xf32, #tpu.memory_space<hbm>>
      %dma_start3A_840 = tpu.memref_squeeze %dma_start3A_839 : memref<1x128x8xf32, #tpu.memory_space<hbm>> -> memref<128x8xf32, #tpu.memory_space<hbm>>
      tpu.enqueue_dma source(%arg12 : memref<128x8xf32, #tpu.memory_space<vmem>>) target(%dma_start3A_840 : memref<128x8xf32, #tpu.memory_space<hbm>>) target_semaphore(%run_scoped3A_834 : memref<!tpu.dma_semaphore, #tpu.memory_space<semaphore_mem>>)
      %dma_wait3A_841 = arith.constant 0 : i32
      %dma_wait3A_842 = tpu.memref_slice %arg8[%arg0, %mul3A_502, %dma_wait3A_841] : memref<2x32768x8xf32, #tpu.memory_space<hbm>> -> memref<1x128x8xf32, #tpu.memory_space<hbm>>
      %dma_wait3A_843 = tpu.memref_squeeze %dma_wait3A_842 : memref<1x128x8xf32, #tpu.memory_space<hbm>> -> memref<128x8xf32, #tpu.memory_space<hbm>>
      %dma_wait3A_844 = arith.constant 0 : i32
      %dma_wait3A_845 = tpu.memref_slice %arg8[%arg0, %mul3A_502, %dma_wait3A_844] : memref<2x32768x8xf32, #tpu.memory_space<hbm>> -> memref<1x128x8xf32, #tpu.memory_space<hbm>>
      %dma_wait3A_846 = tpu.memref_squeeze %dma_wait3A_845 : memref<1x128x8xf32, #tpu.memory_space<hbm>> -> memref<128x8xf32, #tpu.memory_space<hbm>>
      tpu.wait_dma2 semaphore(%run_scoped3A_834 : memref<!tpu.dma_semaphore, #tpu.memory_space<semaphore_mem>>) src(%arg12 : memref<128x8xf32, #tpu.memory_space<vmem>>) dst(%dma_wait3A_846 : memref<128x8xf32, #tpu.memory_space<hbm>>)
      tpu.yield
    }) : () -> ()
    %mul3A_519 = arith.constant 8 : i32
    %mul3A_520 = arith.muli %add3A_471, %mul3A_519 : i32
    %add3A_521 = arith.constant 2 : i32
    %add3A_522 = arith.addi %mul3A_520, %add3A_521 : i32
    %mul3A_523 = arith.constant 128 : i32
    %mul3A_524 = arith.muli %add3A_522, %mul3A_523 : i32
    %dma_start3A_525 = arith.constant 0 : i32
    %dma_start3A_526 = arith.constant 2 : i32
    %dma_start3A_527 = arith.constant 0 : i32
    %dma_start3A_528 = tpu.memref_slice %arg11[%dma_start3A_525, %dma_start3A_526, %dma_start3A_527] : memref<2x8x128xi32, #tpu.memory_space<vmem>> -> memref<1x1x128xi32, #tpu.memory_space<vmem>>
    %dma_start3A_529 = tpu.memref_squeeze %dma_start3A_528 : memref<1x1x128xi32, #tpu.memory_space<vmem>> -> memref<128xi32, #tpu.memory_space<vmem>>
    %dma_start3A_530 = arith.constant 0 : i32
    %dma_start3A_531 = arith.constant 0 : i32
    %dma_start3A_532 = tpu.memref_slice %arg10[%dma_start3A_530, %dma_start3A_531] : memref<100096x8xf32, #tpu.memory_space<vmem_shared>> -> memref<100096x8xf32, #tpu.memory_space<vmem_shared>>
    tpu.enqueue_indirect_dma source(%dma_start3A_532 : memref<100096x8xf32, #tpu.memory_space<vmem_shared>>) target(%arg12 : memref<128x8xf32, #tpu.memory_space<vmem>>) offsets(%dma_start3A_529 : memref<128xi32, #tpu.memory_space<vmem>>) semaphore(%arg14 : memref<!tpu.dma_semaphore, #tpu.memory_space<semaphore_mem>>)
    %dma_wait3A_533 = arith.constant 0 : i32
    %dma_wait3A_534 = arith.constant 2 : i32
    %dma_wait3A_535 = arith.constant 0 : i32
    %dma_wait3A_536 = tpu.memref_slice %arg11[%dma_wait3A_533, %dma_wait3A_534, %dma_wait3A_535] : memref<2x8x128xi32, #tpu.memory_space<vmem>> -> memref<1x1x128xi32, #tpu.memory_space<vmem>>
    %dma_wait3A_537 = tpu.memref_squeeze %dma_wait3A_536 : memref<1x1x128xi32, #tpu.memory_space<vmem>> -> memref<128xi32, #tpu.memory_space<vmem>>
    %dma_wait3A_538 = arith.constant 0 : i32
    %dma_wait3A_539 = arith.constant 0 : i32
    %dma_wait3A_540 = tpu.memref_slice %arg10[%dma_wait3A_538, %dma_wait3A_539] : memref<100096x8xf32, #tpu.memory_space<vmem_shared>> -> memref<100096x8xf32, #tpu.memory_space<vmem_shared>>
    tpu.wait_indirect_dma semaphore(%arg14 : memref<!tpu.dma_semaphore, #tpu.memory_space<semaphore_mem>>) src(%dma_wait3A_540 : memref<100096x8xf32, #tpu.memory_space<vmem_shared>>) dst(%arg12 : memref<128x8xf32, #tpu.memory_space<vmem>>)
    "tpu.region"() ({
      %run_scoped3A_834 = tpu.sem_alloc : memref<!tpu.dma_semaphore, #tpu.memory_space<semaphore_mem>>
      %dma_start3A_835 = arith.constant 0 : i32
      %dma_start3A_836 = tpu.memref_slice %arg8[%arg0, %mul3A_524, %dma_start3A_835] : memref<2x32768x8xf32, #tpu.memory_space<hbm>> -> memref<1x128x8xf32, #tpu.memory_space<hbm>>
      %dma_start3A_837 = tpu.memref_squeeze %dma_start3A_836 : memref<1x128x8xf32, #tpu.memory_space<hbm>> -> memref<128x8xf32, #tpu.memory_space<hbm>>
      %dma_start3A_838 = arith.constant 0 : i32
      %dma_start3A_839 = tpu.memref_slice %arg8[%arg0, %mul3A_524, %dma_start3A_838] : memref<2x32768x8xf32, #tpu.memory_space<hbm>> -> memref<1x128x8xf32, #tpu.memory_space<hbm>>
      %dma_start3A_840 = tpu.memref_squeeze %dma_start3A_839 : memref<1x128x8xf32, #tpu.memory_space<hbm>> -> memref<128x8xf32, #tpu.memory_space<hbm>>
      tpu.enqueue_dma source(%arg12 : memref<128x8xf32, #tpu.memory_space<vmem>>) target(%dma_start3A_840 : memref<128x8xf32, #tpu.memory_space<hbm>>) target_semaphore(%run_scoped3A_834 : memref<!tpu.dma_semaphore, #tpu.memory_space<semaphore_mem>>)
      %dma_wait3A_841 = arith.constant 0 : i32
      %dma_wait3A_842 = tpu.memref_slice %arg8[%arg0, %mul3A_524, %dma_wait3A_841] : memref<2x32768x8xf32, #tpu.memory_space<hbm>> -> memref<1x128x8xf32, #tpu.memory_space<hbm>>
      %dma_wait3A_843 = tpu.memref_squeeze %dma_wait3A_842 : memref<1x128x8xf32, #tpu.memory_space<hbm>> -> memref<128x8xf32, #tpu.memory_space<hbm>>
      %dma_wait3A_844 = arith.constant 0 : i32
      %dma_wait3A_845 = tpu.memref_slice %arg8[%arg0, %mul3A_524, %dma_wait3A_844] : memref<2x32768x8xf32, #tpu.memory_space<hbm>> -> memref<1x128x8xf32, #tpu.memory_space<hbm>>
      %dma_wait3A_846 = tpu.memref_squeeze %dma_wait3A_845 : memref<1x128x8xf32, #tpu.memory_space<hbm>> -> memref<128x8xf32, #tpu.memory_space<hbm>>
      tpu.wait_dma2 semaphore(%run_scoped3A_834 : memref<!tpu.dma_semaphore, #tpu.memory_space<semaphore_mem>>) src(%arg12 : memref<128x8xf32, #tpu.memory_space<vmem>>) dst(%dma_wait3A_846 : memref<128x8xf32, #tpu.memory_space<hbm>>)
      tpu.yield
    }) : () -> ()
    %mul3A_541 = arith.constant 8 : i32
    %mul3A_542 = arith.muli %add3A_471, %mul3A_541 : i32
    %add3A_543 = arith.constant 3 : i32
    %add3A_544 = arith.addi %mul3A_542, %add3A_543 : i32
    %mul3A_545 = arith.constant 128 : i32
    %mul3A_546 = arith.muli %add3A_544, %mul3A_545 : i32
    %dma_start3A_547 = arith.constant 0 : i32
    %dma_start3A_548 = arith.constant 3 : i32
    %dma_start3A_549 = arith.constant 0 : i32
    %dma_start3A_550 = tpu.memref_slice %arg11[%dma_start3A_547, %dma_start3A_548, %dma_start3A_549] : memref<2x8x128xi32, #tpu.memory_space<vmem>> -> memref<1x1x128xi32, #tpu.memory_space<vmem>>
    %dma_start3A_551 = tpu.memref_squeeze %dma_start3A_550 : memref<1x1x128xi32, #tpu.memory_space<vmem>> -> memref<128xi32, #tpu.memory_space<vmem>>
    %dma_start3A_552 = arith.constant 0 : i32
    %dma_start3A_553 = arith.constant 0 : i32
    %dma_start3A_554 = tpu.memref_slice %arg10[%dma_start3A_552, %dma_start3A_553] : memref<100096x8xf32, #tpu.memory_space<vmem_shared>> -> memref<100096x8xf32, #tpu.memory_space<vmem_shared>>
    tpu.enqueue_indirect_dma source(%dma_start3A_554 : memref<100096x8xf32, #tpu.memory_space<vmem_shared>>) target(%arg12 : memref<128x8xf32, #tpu.memory_space<vmem>>) offsets(%dma_start3A_551 : memref<128xi32, #tpu.memory_space<vmem>>) semaphore(%arg14 : memref<!tpu.dma_semaphore, #tpu.memory_space<semaphore_mem>>)
    %dma_wait3A_555 = arith.constant 0 : i32
    %dma_wait3A_556 = arith.constant 3 : i32
    %dma_wait3A_557 = arith.constant 0 : i32
    %dma_wait3A_558 = tpu.memref_slice %arg11[%dma_wait3A_555, %dma_wait3A_556, %dma_wait3A_557] : memref<2x8x128xi32, #tpu.memory_space<vmem>> -> memref<1x1x128xi32, #tpu.memory_space<vmem>>
    %dma_wait3A_559 = tpu.memref_squeeze %dma_wait3A_558 : memref<1x1x128xi32, #tpu.memory_space<vmem>> -> memref<128xi32, #tpu.memory_space<vmem>>
    %dma_wait3A_560 = arith.constant 0 : i32
    %dma_wait3A_561 = arith.constant 0 : i32
    %dma_wait3A_562 = tpu.memref_slice %arg10[%dma_wait3A_560, %dma_wait3A_561] : memref<100096x8xf32, #tpu.memory_space<vmem_shared>> -> memref<100096x8xf32, #tpu.memory_space<vmem_shared>>
    tpu.wait_indirect_dma semaphore(%arg14 : memref<!tpu.dma_semaphore, #tpu.memory_space<semaphore_mem>>) src(%dma_wait3A_562 : memref<100096x8xf32, #tpu.memory_space<vmem_shared>>) dst(%arg12 : memref<128x8xf32, #tpu.memory_space<vmem>>)
    "tpu.region"() ({
      %run_scoped3A_834 = tpu.sem_alloc : memref<!tpu.dma_semaphore, #tpu.memory_space<semaphore_mem>>
      %dma_start3A_835 = arith.constant 0 : i32
      %dma_start3A_836 = tpu.memref_slice %arg8[%arg0, %mul3A_546, %dma_start3A_835] : memref<2x32768x8xf32, #tpu.memory_space<hbm>> -> memref<1x128x8xf32, #tpu.memory_space<hbm>>
      %dma_start3A_837 = tpu.memref_squeeze %dma_start3A_836 : memref<1x128x8xf32, #tpu.memory_space<hbm>> -> memref<128x8xf32, #tpu.memory_space<hbm>>
      %dma_start3A_838 = arith.constant 0 : i32
      %dma_start3A_839 = tpu.memref_slice %arg8[%arg0, %mul3A_546, %dma_start3A_838] : memref<2x32768x8xf32, #tpu.memory_space<hbm>> -> memref<1x128x8xf32, #tpu.memory_space<hbm>>
      %dma_start3A_840 = tpu.memref_squeeze %dma_start3A_839 : memref<1x128x8xf32, #tpu.memory_space<hbm>> -> memref<128x8xf32, #tpu.memory_space<hbm>>
      tpu.enqueue_dma source(%arg12 : memref<128x8xf32, #tpu.memory_space<vmem>>) target(%dma_start3A_840 : memref<128x8xf32, #tpu.memory_space<hbm>>) target_semaphore(%run_scoped3A_834 : memref<!tpu.dma_semaphore, #tpu.memory_space<semaphore_mem>>)
      %dma_wait3A_841 = arith.constant 0 : i32
      %dma_wait3A_842 = tpu.memref_slice %arg8[%arg0, %mul3A_546, %dma_wait3A_841] : memref<2x32768x8xf32, #tpu.memory_space<hbm>> -> memref<1x128x8xf32, #tpu.memory_space<hbm>>
      %dma_wait3A_843 = tpu.memref_squeeze %dma_wait3A_842 : memref<1x128x8xf32, #tpu.memory_space<hbm>> -> memref<128x8xf32, #tpu.memory_space<hbm>>
      %dma_wait3A_844 = arith.constant 0 : i32
      %dma_wait3A_845 = tpu.memref_slice %arg8[%arg0, %mul3A_546, %dma_wait3A_844] : memref<2x32768x8xf32, #tpu.memory_space<hbm>> -> memref<1x128x8xf32, #tpu.memory_space<hbm>>
      %dma_wait3A_846 = tpu.memref_squeeze %dma_wait3A_845 : memref<1x128x8xf32, #tpu.memory_space<hbm>> -> memref<128x8xf32, #tpu.memory_space<hbm>>
      tpu.wait_dma2 semaphore(%run_scoped3A_834 : memref<!tpu.dma_semaphore, #tpu.memory_space<semaphore_mem>>) src(%arg12 : memref<128x8xf32, #tpu.memory_space<vmem>>) dst(%dma_wait3A_846 : memref<128x8xf32, #tpu.memory_space<hbm>>)
      tpu.yield
    }) : () -> ()
    %mul3A_563 = arith.constant 8 : i32
    %mul3A_564 = arith.muli %add3A_471, %mul3A_563 : i32
    %add3A_565 = arith.constant 4 : i32
    %add3A_566 = arith.addi %mul3A_564, %add3A_565 : i32
    %mul3A_567 = arith.constant 128 : i32
    %mul3A_568 = arith.muli %add3A_566, %mul3A_567 : i32
    %dma_start3A_569 = arith.constant 0 : i32
    %dma_start3A_570 = arith.constant 4 : i32
    %dma_start3A_571 = arith.constant 0 : i32
    %dma_start3A_572 = tpu.memref_slice %arg11[%dma_start3A_569, %dma_start3A_570, %dma_start3A_571] : memref<2x8x128xi32, #tpu.memory_space<vmem>> -> memref<1x1x128xi32, #tpu.memory_space<vmem>>
    %dma_start3A_573 = tpu.memref_squeeze %dma_start3A_572 : memref<1x1x128xi32, #tpu.memory_space<vmem>> -> memref<128xi32, #tpu.memory_space<vmem>>
    %dma_start3A_574 = arith.constant 0 : i32
    %dma_start3A_575 = arith.constant 0 : i32
    %dma_start3A_576 = tpu.memref_slice %arg10[%dma_start3A_574, %dma_start3A_575] : memref<100096x8xf32, #tpu.memory_space<vmem_shared>> -> memref<100096x8xf32, #tpu.memory_space<vmem_shared>>
    tpu.enqueue_indirect_dma source(%dma_start3A_576 : memref<100096x8xf32, #tpu.memory_space<vmem_shared>>) target(%arg12 : memref<128x8xf32, #tpu.memory_space<vmem>>) offsets(%dma_start3A_573 : memref<128xi32, #tpu.memory_space<vmem>>) semaphore(%arg14 : memref<!tpu.dma_semaphore, #tpu.memory_space<semaphore_mem>>)
    %dma_wait3A_577 = arith.constant 0 : i32
    %dma_wait3A_578 = arith.constant 4 : i32
    %dma_wait3A_579 = arith.constant 0 : i32
    %dma_wait3A_580 = tpu.memref_slice %arg11[%dma_wait3A_577, %dma_wait3A_578, %dma_wait3A_579] : memref<2x8x128xi32, #tpu.memory_space<vmem>> -> memref<1x1x128xi32, #tpu.memory_space<vmem>>
    %dma_wait3A_581 = tpu.memref_squeeze %dma_wait3A_580 : memref<1x1x128xi32, #tpu.memory_space<vmem>> -> memref<128xi32, #tpu.memory_space<vmem>>
    %dma_wait3A_582 = arith.constant 0 : i32
    %dma_wait3A_583 = arith.constant 0 : i32
    %dma_wait3A_584 = tpu.memref_slice %arg10[%dma_wait3A_582, %dma_wait3A_583] : memref<100096x8xf32, #tpu.memory_space<vmem_shared>> -> memref<100096x8xf32, #tpu.memory_space<vmem_shared>>
    tpu.wait_indirect_dma semaphore(%arg14 : memref<!tpu.dma_semaphore, #tpu.memory_space<semaphore_mem>>) src(%dma_wait3A_584 : memref<100096x8xf32, #tpu.memory_space<vmem_shared>>) dst(%arg12 : memref<128x8xf32, #tpu.memory_space<vmem>>)
    "tpu.region"() ({
      %run_scoped3A_834 = tpu.sem_alloc : memref<!tpu.dma_semaphore, #tpu.memory_space<semaphore_mem>>
      %dma_start3A_835 = arith.constant 0 : i32
      %dma_start3A_836 = tpu.memref_slice %arg8[%arg0, %mul3A_568, %dma_start3A_835] : memref<2x32768x8xf32, #tpu.memory_space<hbm>> -> memref<1x128x8xf32, #tpu.memory_space<hbm>>
      %dma_start3A_837 = tpu.memref_squeeze %dma_start3A_836 : memref<1x128x8xf32, #tpu.memory_space<hbm>> -> memref<128x8xf32, #tpu.memory_space<hbm>>
      %dma_start3A_838 = arith.constant 0 : i32
      %dma_start3A_839 = tpu.memref_slice %arg8[%arg0, %mul3A_568, %dma_start3A_838] : memref<2x32768x8xf32, #tpu.memory_space<hbm>> -> memref<1x128x8xf32, #tpu.memory_space<hbm>>
      %dma_start3A_840 = tpu.memref_squeeze %dma_start3A_839 : memref<1x128x8xf32, #tpu.memory_space<hbm>> -> memref<128x8xf32, #tpu.memory_space<hbm>>
      tpu.enqueue_dma source(%arg12 : memref<128x8xf32, #tpu.memory_space<vmem>>) target(%dma_start3A_840 : memref<128x8xf32, #tpu.memory_space<hbm>>) target_semaphore(%run_scoped3A_834 : memref<!tpu.dma_semaphore, #tpu.memory_space<semaphore_mem>>)
      %dma_wait3A_841 = arith.constant 0 : i32
      %dma_wait3A_842 = tpu.memref_slice %arg8[%arg0, %mul3A_568, %dma_wait3A_841] : memref<2x32768x8xf32, #tpu.memory_space<hbm>> -> memref<1x128x8xf32, #tpu.memory_space<hbm>>
      %dma_wait3A_843 = tpu.memref_squeeze %dma_wait3A_842 : memref<1x128x8xf32, #tpu.memory_space<hbm>> -> memref<128x8xf32, #tpu.memory_space<hbm>>
      %dma_wait3A_844 = arith.constant 0 : i32
      %dma_wait3A_845 = tpu.memref_slice %arg8[%arg0, %mul3A_568, %dma_wait3A_844] : memref<2x32768x8xf32, #tpu.memory_space<hbm>> -> memref<1x128x8xf32, #tpu.memory_space<hbm>>
      %dma_wait3A_846 = tpu.memref_squeeze %dma_wait3A_845 : memref<1x128x8xf32, #tpu.memory_space<hbm>> -> memref<128x8xf32, #tpu.memory_space<hbm>>
      tpu.wait_dma2 semaphore(%run_scoped3A_834 : memref<!tpu.dma_semaphore, #tpu.memory_space<semaphore_mem>>) src(%arg12 : memref<128x8xf32, #tpu.memory_space<vmem>>) dst(%dma_wait3A_846 : memref<128x8xf32, #tpu.memory_space<hbm>>)
      tpu.yield
    }) : () -> ()
    %mul3A_585 = arith.constant 8 : i32
    %mul3A_586 = arith.muli %add3A_471, %mul3A_585 : i32
    %add3A_587 = arith.constant 5 : i32
    %add3A_588 = arith.addi %mul3A_586, %add3A_587 : i32
    %mul3A_589 = arith.constant 128 : i32
    %mul3A_590 = arith.muli %add3A_588, %mul3A_589 : i32
    %dma_start3A_591 = arith.constant 0 : i32
    %dma_start3A_592 = arith.constant 5 : i32
    %dma_start3A_593 = arith.constant 0 : i32
    %dma_start3A_594 = tpu.memref_slice %arg11[%dma_start3A_591, %dma_start3A_592, %dma_start3A_593] : memref<2x8x128xi32, #tpu.memory_space<vmem>> -> memref<1x1x128xi32, #tpu.memory_space<vmem>>
    %dma_start3A_595 = tpu.memref_squeeze %dma_start3A_594 : memref<1x1x128xi32, #tpu.memory_space<vmem>> -> memref<128xi32, #tpu.memory_space<vmem>>
    %dma_start3A_596 = arith.constant 0 : i32
    %dma_start3A_597 = arith.constant 0 : i32
    %dma_start3A_598 = tpu.memref_slice %arg10[%dma_start3A_596, %dma_start3A_597] : memref<100096x8xf32, #tpu.memory_space<vmem_shared>> -> memref<100096x8xf32, #tpu.memory_space<vmem_shared>>
    tpu.enqueue_indirect_dma source(%dma_start3A_598 : memref<100096x8xf32, #tpu.memory_space<vmem_shared>>) target(%arg12 : memref<128x8xf32, #tpu.memory_space<vmem>>) offsets(%dma_start3A_595 : memref<128xi32, #tpu.memory_space<vmem>>) semaphore(%arg14 : memref<!tpu.dma_semaphore, #tpu.memory_space<semaphore_mem>>)
    %dma_wait3A_599 = arith.constant 0 : i32
    %dma_wait3A_600 = arith.constant 5 : i32
    %dma_wait3A_601 = arith.constant 0 : i32
    %dma_wait3A_602 = tpu.memref_slice %arg11[%dma_wait3A_599, %dma_wait3A_600, %dma_wait3A_601] : memref<2x8x128xi32, #tpu.memory_space<vmem>> -> memref<1x1x128xi32, #tpu.memory_space<vmem>>
    %dma_wait3A_603 = tpu.memref_squeeze %dma_wait3A_602 : memref<1x1x128xi32, #tpu.memory_space<vmem>> -> memref<128xi32, #tpu.memory_space<vmem>>
    %dma_wait3A_604 = arith.constant 0 : i32
    %dma_wait3A_605 = arith.constant 0 : i32
    %dma_wait3A_606 = tpu.memref_slice %arg10[%dma_wait3A_604, %dma_wait3A_605] : memref<100096x8xf32, #tpu.memory_space<vmem_shared>> -> memref<100096x8xf32, #tpu.memory_space<vmem_shared>>
    tpu.wait_indirect_dma semaphore(%arg14 : memref<!tpu.dma_semaphore, #tpu.memory_space<semaphore_mem>>) src(%dma_wait3A_606 : memref<100096x8xf32, #tpu.memory_space<vmem_shared>>) dst(%arg12 : memref<128x8xf32, #tpu.memory_space<vmem>>)
    "tpu.region"() ({
      %run_scoped3A_834 = tpu.sem_alloc : memref<!tpu.dma_semaphore, #tpu.memory_space<semaphore_mem>>
      %dma_start3A_835 = arith.constant 0 : i32
      %dma_start3A_836 = tpu.memref_slice %arg8[%arg0, %mul3A_590, %dma_start3A_835] : memref<2x32768x8xf32, #tpu.memory_space<hbm>> -> memref<1x128x8xf32, #tpu.memory_space<hbm>>
      %dma_start3A_837 = tpu.memref_squeeze %dma_start3A_836 : memref<1x128x8xf32, #tpu.memory_space<hbm>> -> memref<128x8xf32, #tpu.memory_space<hbm>>
      %dma_start3A_838 = arith.constant 0 : i32
      %dma_start3A_839 = tpu.memref_slice %arg8[%arg0, %mul3A_590, %dma_start3A_838] : memref<2x32768x8xf32, #tpu.memory_space<hbm>> -> memref<1x128x8xf32, #tpu.memory_space<hbm>>
      %dma_start3A_840 = tpu.memref_squeeze %dma_start3A_839 : memref<1x128x8xf32, #tpu.memory_space<hbm>> -> memref<128x8xf32, #tpu.memory_space<hbm>>
      tpu.enqueue_dma source(%arg12 : memref<128x8xf32, #tpu.memory_space<vmem>>) target(%dma_start3A_840 : memref<128x8xf32, #tpu.memory_space<hbm>>) target_semaphore(%run_scoped3A_834 : memref<!tpu.dma_semaphore, #tpu.memory_space<semaphore_mem>>)
      %dma_wait3A_841 = arith.constant 0 : i32
      %dma_wait3A_842 = tpu.memref_slice %arg8[%arg0, %mul3A_590, %dma_wait3A_841] : memref<2x32768x8xf32, #tpu.memory_space<hbm>> -> memref<1x128x8xf32, #tpu.memory_space<hbm>>
      %dma_wait3A_843 = tpu.memref_squeeze %dma_wait3A_842 : memref<1x128x8xf32, #tpu.memory_space<hbm>> -> memref<128x8xf32, #tpu.memory_space<hbm>>
      %dma_wait3A_844 = arith.constant 0 : i32
      %dma_wait3A_845 = tpu.memref_slice %arg8[%arg0, %mul3A_590, %dma_wait3A_844] : memref<2x32768x8xf32, #tpu.memory_space<hbm>> -> memref<1x128x8xf32, #tpu.memory_space<hbm>>
      %dma_wait3A_846 = tpu.memref_squeeze %dma_wait3A_845 : memref<1x128x8xf32, #tpu.memory_space<hbm>> -> memref<128x8xf32, #tpu.memory_space<hbm>>
      tpu.wait_dma2 semaphore(%run_scoped3A_834 : memref<!tpu.dma_semaphore, #tpu.memory_space<semaphore_mem>>) src(%arg12 : memref<128x8xf32, #tpu.memory_space<vmem>>) dst(%dma_wait3A_846 : memref<128x8xf32, #tpu.memory_space<hbm>>)
      tpu.yield
    }) : () -> ()
    %mul3A_607 = arith.constant 8 : i32
    %mul3A_608 = arith.muli %add3A_471, %mul3A_607 : i32
    %add3A_609 = arith.constant 6 : i32
    %add3A_610 = arith.addi %mul3A_608, %add3A_609 : i32
    %mul3A_611 = arith.constant 128 : i32
    %mul3A_612 = arith.muli %add3A_610, %mul3A_611 : i32
    %dma_start3A_613 = arith.constant 0 : i32
    %dma_start3A_614 = arith.constant 6 : i32
    %dma_start3A_615 = arith.constant 0 : i32
    %dma_start3A_616 = tpu.memref_slice %arg11[%dma_start3A_613, %dma_start3A_614, %dma_start3A_615] : memref<2x8x128xi32, #tpu.memory_space<vmem>> -> memref<1x1x128xi32, #tpu.memory_space<vmem>>
    %dma_start3A_617 = tpu.memref_squeeze %dma_start3A_616 : memref<1x1x128xi32, #tpu.memory_space<vmem>> -> memref<128xi32, #tpu.memory_space<vmem>>
    %dma_start3A_618 = arith.constant 0 : i32
    %dma_start3A_619 = arith.constant 0 : i32
    %dma_start3A_620 = tpu.memref_slice %arg10[%dma_start3A_618, %dma_start3A_619] : memref<100096x8xf32, #tpu.memory_space<vmem_shared>> -> memref<100096x8xf32, #tpu.memory_space<vmem_shared>>
    tpu.enqueue_indirect_dma source(%dma_start3A_620 : memref<100096x8xf32, #tpu.memory_space<vmem_shared>>) target(%arg12 : memref<128x8xf32, #tpu.memory_space<vmem>>) offsets(%dma_start3A_617 : memref<128xi32, #tpu.memory_space<vmem>>) semaphore(%arg14 : memref<!tpu.dma_semaphore, #tpu.memory_space<semaphore_mem>>)
    %dma_wait3A_621 = arith.constant 0 : i32
    %dma_wait3A_622 = arith.constant 6 : i32
    %dma_wait3A_623 = arith.constant 0 : i32
    %dma_wait3A_624 = tpu.memref_slice %arg11[%dma_wait3A_621, %dma_wait3A_622, %dma_wait3A_623] : memref<2x8x128xi32, #tpu.memory_space<vmem>> -> memref<1x1x128xi32, #tpu.memory_space<vmem>>
    %dma_wait3A_625 = tpu.memref_squeeze %dma_wait3A_624 : memref<1x1x128xi32, #tpu.memory_space<vmem>> -> memref<128xi32, #tpu.memory_space<vmem>>
    %dma_wait3A_626 = arith.constant 0 : i32
    %dma_wait3A_627 = arith.constant 0 : i32
    %dma_wait3A_628 = tpu.memref_slice %arg10[%dma_wait3A_626, %dma_wait3A_627] : memref<100096x8xf32, #tpu.memory_space<vmem_shared>> -> memref<100096x8xf32, #tpu.memory_space<vmem_shared>>
    tpu.wait_indirect_dma semaphore(%arg14 : memref<!tpu.dma_semaphore, #tpu.memory_space<semaphore_mem>>) src(%dma_wait3A_628 : memref<100096x8xf32, #tpu.memory_space<vmem_shared>>) dst(%arg12 : memref<128x8xf32, #tpu.memory_space<vmem>>)
    "tpu.region"() ({
      %run_scoped3A_834 = tpu.sem_alloc : memref<!tpu.dma_semaphore, #tpu.memory_space<semaphore_mem>>
      %dma_start3A_835 = arith.constant 0 : i32
      %dma_start3A_836 = tpu.memref_slice %arg8[%arg0, %mul3A_612, %dma_start3A_835] : memref<2x32768x8xf32, #tpu.memory_space<hbm>> -> memref<1x128x8xf32, #tpu.memory_space<hbm>>
      %dma_start3A_837 = tpu.memref_squeeze %dma_start3A_836 : memref<1x128x8xf32, #tpu.memory_space<hbm>> -> memref<128x8xf32, #tpu.memory_space<hbm>>
      %dma_start3A_838 = arith.constant 0 : i32
      %dma_start3A_839 = tpu.memref_slice %arg8[%arg0, %mul3A_612, %dma_start3A_838] : memref<2x32768x8xf32, #tpu.memory_space<hbm>> -> memref<1x128x8xf32, #tpu.memory_space<hbm>>
      %dma_start3A_840 = tpu.memref_squeeze %dma_start3A_839 : memref<1x128x8xf32, #tpu.memory_space<hbm>> -> memref<128x8xf32, #tpu.memory_space<hbm>>
      tpu.enqueue_dma source(%arg12 : memref<128x8xf32, #tpu.memory_space<vmem>>) target(%dma_start3A_840 : memref<128x8xf32, #tpu.memory_space<hbm>>) target_semaphore(%run_scoped3A_834 : memref<!tpu.dma_semaphore, #tpu.memory_space<semaphore_mem>>)
      %dma_wait3A_841 = arith.constant 0 : i32
      %dma_wait3A_842 = tpu.memref_slice %arg8[%arg0, %mul3A_612, %dma_wait3A_841] : memref<2x32768x8xf32, #tpu.memory_space<hbm>> -> memref<1x128x8xf32, #tpu.memory_space<hbm>>
      %dma_wait3A_843 = tpu.memref_squeeze %dma_wait3A_842 : memref<1x128x8xf32, #tpu.memory_space<hbm>> -> memref<128x8xf32, #tpu.memory_space<hbm>>
      %dma_wait3A_844 = arith.constant 0 : i32
      %dma_wait3A_845 = tpu.memref_slice %arg8[%arg0, %mul3A_612, %dma_wait3A_844] : memref<2x32768x8xf32, #tpu.memory_space<hbm>> -> memref<1x128x8xf32, #tpu.memory_space<hbm>>
      %dma_wait3A_846 = tpu.memref_squeeze %dma_wait3A_845 : memref<1x128x8xf32, #tpu.memory_space<hbm>> -> memref<128x8xf32, #tpu.memory_space<hbm>>
      tpu.wait_dma2 semaphore(%run_scoped3A_834 : memref<!tpu.dma_semaphore, #tpu.memory_space<semaphore_mem>>) src(%arg12 : memref<128x8xf32, #tpu.memory_space<vmem>>) dst(%dma_wait3A_846 : memref<128x8xf32, #tpu.memory_space<hbm>>)
      tpu.yield
    }) : () -> ()
    %mul3A_629 = arith.constant 8 : i32
    %mul3A_630 = arith.muli %add3A_471, %mul3A_629 : i32
    %add3A_631 = arith.constant 7 : i32
    %add3A_632 = arith.addi %mul3A_630, %add3A_631 : i32
    %mul3A_633 = arith.constant 128 : i32
    %mul3A_634 = arith.muli %add3A_632, %mul3A_633 : i32
    %dma_start3A_635 = arith.constant 0 : i32
    %dma_start3A_636 = arith.constant 7 : i32
    %dma_start3A_637 = arith.constant 0 : i32
    %dma_start3A_638 = tpu.memref_slice %arg11[%dma_start3A_635, %dma_start3A_636, %dma_start3A_637] : memref<2x8x128xi32, #tpu.memory_space<vmem>> -> memref<1x1x128xi32, #tpu.memory_space<vmem>>
    %dma_start3A_639 = tpu.memref_squeeze %dma_start3A_638 : memref<1x1x128xi32, #tpu.memory_space<vmem>> -> memref<128xi32, #tpu.memory_space<vmem>>
    %dma_start3A_640 = arith.constant 0 : i32
    %dma_start3A_641 = arith.constant 0 : i32
    %dma_start3A_642 = tpu.memref_slice %arg10[%dma_start3A_640, %dma_start3A_641] : memref<100096x8xf32, #tpu.memory_space<vmem_shared>> -> memref<100096x8xf32, #tpu.memory_space<vmem_shared>>
    tpu.enqueue_indirect_dma source(%dma_start3A_642 : memref<100096x8xf32, #tpu.memory_space<vmem_shared>>) target(%arg12 : memref<128x8xf32, #tpu.memory_space<vmem>>) offsets(%dma_start3A_639 : memref<128xi32, #tpu.memory_space<vmem>>) semaphore(%arg14 : memref<!tpu.dma_semaphore, #tpu.memory_space<semaphore_mem>>)
    %dma_wait3A_643 = arith.constant 0 : i32
    %dma_wait3A_644 = arith.constant 7 : i32
    %dma_wait3A_645 = arith.constant 0 : i32
    %dma_wait3A_646 = tpu.memref_slice %arg11[%dma_wait3A_643, %dma_wait3A_644, %dma_wait3A_645] : memref<2x8x128xi32, #tpu.memory_space<vmem>> -> memref<1x1x128xi32, #tpu.memory_space<vmem>>
    %dma_wait3A_647 = tpu.memref_squeeze %dma_wait3A_646 : memref<1x1x128xi32, #tpu.memory_space<vmem>> -> memref<128xi32, #tpu.memory_space<vmem>>
    %dma_wait3A_648 = arith.constant 0 : i32
    %dma_wait3A_649 = arith.constant 0 : i32
    %dma_wait3A_650 = tpu.memref_slice %arg10[%dma_wait3A_648, %dma_wait3A_649] : memref<100096x8xf32, #tpu.memory_space<vmem_shared>> -> memref<100096x8xf32, #tpu.memory_space<vmem_shared>>
    tpu.wait_indirect_dma semaphore(%arg14 : memref<!tpu.dma_semaphore, #tpu.memory_space<semaphore_mem>>) src(%dma_wait3A_650 : memref<100096x8xf32, #tpu.memory_space<vmem_shared>>) dst(%arg12 : memref<128x8xf32, #tpu.memory_space<vmem>>)
    "tpu.region"() ({
      %run_scoped3A_834 = tpu.sem_alloc : memref<!tpu.dma_semaphore, #tpu.memory_space<semaphore_mem>>
      %dma_start3A_835 = arith.constant 0 : i32
      %dma_start3A_836 = tpu.memref_slice %arg8[%arg0, %mul3A_634, %dma_start3A_835] : memref<2x32768x8xf32, #tpu.memory_space<hbm>> -> memref<1x128x8xf32, #tpu.memory_space<hbm>>
      %dma_start3A_837 = tpu.memref_squeeze %dma_start3A_836 : memref<1x128x8xf32, #tpu.memory_space<hbm>> -> memref<128x8xf32, #tpu.memory_space<hbm>>
      %dma_start3A_838 = arith.constant 0 : i32
      %dma_start3A_839 = tpu.memref_slice %arg8[%arg0, %mul3A_634, %dma_start3A_838] : memref<2x32768x8xf32, #tpu.memory_space<hbm>> -> memref<1x128x8xf32, #tpu.memory_space<hbm>>
      %dma_start3A_840 = tpu.memref_squeeze %dma_start3A_839 : memref<1x128x8xf32, #tpu.memory_space<hbm>> -> memref<128x8xf32, #tpu.memory_space<hbm>>
      tpu.enqueue_dma source(%arg12 : memref<128x8xf32, #tpu.memory_space<vmem>>) target(%dma_start3A_840 : memref<128x8xf32, #tpu.memory_space<hbm>>) target_semaphore(%run_scoped3A_834 : memref<!tpu.dma_semaphore, #tpu.memory_space<semaphore_mem>>)
      %dma_wait3A_841 = arith.constant 0 : i32
      %dma_wait3A_842 = tpu.memref_slice %arg8[%arg0, %mul3A_634, %dma_wait3A_841] : memref<2x32768x8xf32, #tpu.memory_space<hbm>> -> memref<1x128x8xf32, #tpu.memory_space<hbm>>
      %dma_wait3A_843 = tpu.memref_squeeze %dma_wait3A_842 : memref<1x128x8xf32, #tpu.memory_space<hbm>> -> memref<128x8xf32, #tpu.memory_space<hbm>>
      %dma_wait3A_844 = arith.constant 0 : i32
      %dma_wait3A_845 = tpu.memref_slice %arg8[%arg0, %mul3A_634, %dma_wait3A_844] : memref<2x32768x8xf32, #tpu.memory_space<hbm>> -> memref<1x128x8xf32, #tpu.memory_space<hbm>>
      %dma_wait3A_846 = tpu.memref_squeeze %dma_wait3A_845 : memref<1x128x8xf32, #tpu.memory_space<hbm>> -> memref<128x8xf32, #tpu.memory_space<hbm>>
      tpu.wait_dma2 semaphore(%run_scoped3A_834 : memref<!tpu.dma_semaphore, #tpu.memory_space<semaphore_mem>>) src(%arg12 : memref<128x8xf32, #tpu.memory_space<vmem>>) dst(%dma_wait3A_846 : memref<128x8xf32, #tpu.memory_space<hbm>>)
      tpu.yield
    }) : () -> ()
    %mul3A_651 = arith.constant 2 : i32
    %mul3A_652 = arith.muli %arg1, %mul3A_651 : i32
    %add3A_653 = arith.constant 1 : i32
    %add3A_654 = arith.addi %mul3A_652, %add3A_653 : i32
    %mul3A_655 = arith.constant 8 : i32
    %mul3A_656 = arith.muli %add3A_654, %mul3A_655 : i32
    %run_scoped3A_657 = arith.constant 0 : i32
    "tpu.region"() ({
      %run_scoped3A_834 = tpu.sem_alloc : memref<!tpu.dma_semaphore, #tpu.memory_space<semaphore_mem>>
      %dma_start3A_835 = arith.constant 0 : i32
      %dma_start3A_836 = arith.constant 0 : i32
      %dma_start3A_837 = tpu.memref_slice %arg11[%run_scoped3A_657, %dma_start3A_835, %dma_start3A_836] : memref<2x8x128xi32, #tpu.memory_space<vmem>> -> memref<1x8x128xi32, #tpu.memory_space<vmem>>
      %dma_start3A_838 = tpu.memref_squeeze %dma_start3A_837 : memref<1x8x128xi32, #tpu.memory_space<vmem>> -> memref<8x128xi32, #tpu.memory_space<vmem>>
      %dma_start3A_839 = arith.constant 0 : i32
      %dma_start3A_840 = tpu.memref_slice %arg4[%mul3A_656, %dma_start3A_839] : memref<256x128xi32, #tpu.memory_space<hbm>> -> memref<8x128xi32, #tpu.memory_space<hbm>>
      %dma_start3A_841 = arith.constant 0 : i32
      %dma_start3A_842 = arith.constant 0 : i32
      %dma_start3A_843 = tpu.memref_slice %arg11[%run_scoped3A_657, %dma_start3A_841, %dma_start3A_842] : memref<2x8x128xi32, #tpu.memory_space<vmem>> -> memref<1x8x128xi32, #tpu.memory_space<vmem>>
      %dma_start3A_844 = tpu.memref_squeeze %dma_start3A_843 : memref<1x8x128xi32, #tpu.memory_space<vmem>> -> memref<8x128xi32, #tpu.memory_space<vmem>>
      %dma_start3A_845 = arith.constant 0 : i32
      %dma_start3A_846 = tpu.memref_slice %arg4[%mul3A_656, %dma_start3A_845] : memref<256x128xi32, #tpu.memory_space<hbm>> -> memref<8x128xi32, #tpu.memory_space<hbm>>
      tpu.enqueue_dma source(%dma_start3A_846 : memref<8x128xi32, #tpu.memory_space<hbm>>) target(%dma_start3A_844 : memref<8x128xi32, #tpu.memory_space<vmem>>) target_semaphore(%run_scoped3A_834 : memref<!tpu.dma_semaphore, #tpu.memory_space<semaphore_mem>>)
      %dma_wait3A_847 = arith.constant 0 : i32
      %dma_wait3A_848 = arith.constant 0 : i32
      %dma_wait3A_849 = tpu.memref_slice %arg11[%run_scoped3A_657, %dma_wait3A_847, %dma_wait3A_848] : memref<2x8x128xi32, #tpu.memory_space<vmem>> -> memref<1x8x128xi32, #tpu.memory_space<vmem>>
      %dma_wait3A_850 = tpu.memref_squeeze %dma_wait3A_849 : memref<1x8x128xi32, #tpu.memory_space<vmem>> -> memref<8x128xi32, #tpu.memory_space<vmem>>
      %dma_wait3A_851 = arith.constant 0 : i32
      %dma_wait3A_852 = tpu.memref_slice %arg4[%mul3A_656, %dma_wait3A_851] : memref<256x128xi32, #tpu.memory_space<hbm>> -> memref<8x128xi32, #tpu.memory_space<hbm>>
      %dma_wait3A_853 = arith.constant 0 : i32
      %dma_wait3A_854 = arith.constant 0 : i32
      %dma_wait3A_855 = tpu.memref_slice %arg11[%run_scoped3A_657, %dma_wait3A_853, %dma_wait3A_854] : memref<2x8x128xi32, #tpu.memory_space<vmem>> -> memref<1x8x128xi32, #tpu.memory_space<vmem>>
      %dma_wait3A_856 = tpu.memref_squeeze %dma_wait3A_855 : memref<1x8x128xi32, #tpu.memory_space<vmem>> -> memref<8x128xi32, #tpu.memory_space<vmem>>
      %dma_wait3A_857 = arith.constant 0 : i32
      %dma_wait3A_858 = tpu.memref_slice %arg4[%mul3A_656, %dma_wait3A_857] : memref<256x128xi32, #tpu.memory_space<hbm>> -> memref<8x128xi32, #tpu.memory_space<hbm>>
      tpu.wait_dma2 semaphore(%run_scoped3A_834 : memref<!tpu.dma_semaphore, #tpu.memory_space<semaphore_mem>>) src(%dma_wait3A_858 : memref<8x128xi32, #tpu.memory_space<hbm>>) dst(%dma_wait3A_856 : memref<8x128xi32, #tpu.memory_space<vmem>>)
      tpu.yield
    }) : () -> ()
    %mul3A_658 = arith.constant 8 : i32
    %mul3A_659 = arith.muli %add3A_654, %mul3A_658 : i32
    %add3A_660 = arith.constant 0 : i32
    %add3A_661 = arith.addi %mul3A_659, %add3A_660 : i32
    %mul3A_662 = arith.constant 128 : i32
    %mul3A_663 = arith.muli %add3A_661, %mul3A_662 : i32
    %dma_start3A_664 = arith.constant 0 : i32
    %dma_start3A_665 = arith.constant 0 : i32
    %dma_start3A_666 = arith.constant 0 : i32
    %dma_start3A_667 = tpu.memref_slice %arg11[%dma_start3A_664, %dma_start3A_665, %dma_start3A_666] : memref<2x8x128xi32, #tpu.memory_space<vmem>> -> memref<1x1x128xi32, #tpu.memory_space<vmem>>
    %dma_start3A_668 = tpu.memref_squeeze %dma_start3A_667 : memref<1x1x128xi32, #tpu.memory_space<vmem>> -> memref<128xi32, #tpu.memory_space<vmem>>
    %dma_start3A_669 = arith.constant 0 : i32
    %dma_start3A_670 = arith.constant 0 : i32
    %dma_start3A_671 = tpu.memref_slice %arg10[%dma_start3A_669, %dma_start3A_670] : memref<100096x8xf32, #tpu.memory_space<vmem_shared>> -> memref<100096x8xf32, #tpu.memory_space<vmem_shared>>
    tpu.enqueue_indirect_dma source(%dma_start3A_671 : memref<100096x8xf32, #tpu.memory_space<vmem_shared>>) target(%arg12 : memref<128x8xf32, #tpu.memory_space<vmem>>) offsets(%dma_start3A_668 : memref<128xi32, #tpu.memory_space<vmem>>) semaphore(%arg14 : memref<!tpu.dma_semaphore, #tpu.memory_space<semaphore_mem>>)
    %dma_wait3A_672 = arith.constant 0 : i32
    %dma_wait3A_673 = arith.constant 0 : i32
    %dma_wait3A_674 = arith.constant 0 : i32
    %dma_wait3A_675 = tpu.memref_slice %arg11[%dma_wait3A_672, %dma_wait3A_673, %dma_wait3A_674] : memref<2x8x128xi32, #tpu.memory_space<vmem>> -> memref<1x1x128xi32, #tpu.memory_space<vmem>>
    %dma_wait3A_676 = tpu.memref_squeeze %dma_wait3A_675 : memref<1x1x128xi32, #tpu.memory_space<vmem>> -> memref<128xi32, #tpu.memory_space<vmem>>
    %dma_wait3A_677 = arith.constant 0 : i32
    %dma_wait3A_678 = arith.constant 0 : i32
    %dma_wait3A_679 = tpu.memref_slice %arg10[%dma_wait3A_677, %dma_wait3A_678] : memref<100096x8xf32, #tpu.memory_space<vmem_shared>> -> memref<100096x8xf32, #tpu.memory_space<vmem_shared>>
    tpu.wait_indirect_dma semaphore(%arg14 : memref<!tpu.dma_semaphore, #tpu.memory_space<semaphore_mem>>) src(%dma_wait3A_679 : memref<100096x8xf32, #tpu.memory_space<vmem_shared>>) dst(%arg12 : memref<128x8xf32, #tpu.memory_space<vmem>>)
    "tpu.region"() ({
      %run_scoped3A_834 = tpu.sem_alloc : memref<!tpu.dma_semaphore, #tpu.memory_space<semaphore_mem>>
      %dma_start3A_835 = arith.constant 0 : i32
      %dma_start3A_836 = tpu.memref_slice %arg8[%arg0, %mul3A_663, %dma_start3A_835] : memref<2x32768x8xf32, #tpu.memory_space<hbm>> -> memref<1x128x8xf32, #tpu.memory_space<hbm>>
      %dma_start3A_837 = tpu.memref_squeeze %dma_start3A_836 : memref<1x128x8xf32, #tpu.memory_space<hbm>> -> memref<128x8xf32, #tpu.memory_space<hbm>>
      %dma_start3A_838 = arith.constant 0 : i32
      %dma_start3A_839 = tpu.memref_slice %arg8[%arg0, %mul3A_663, %dma_start3A_838] : memref<2x32768x8xf32, #tpu.memory_space<hbm>> -> memref<1x128x8xf32, #tpu.memory_space<hbm>>
      %dma_start3A_840 = tpu.memref_squeeze %dma_start3A_839 : memref<1x128x8xf32, #tpu.memory_space<hbm>> -> memref<128x8xf32, #tpu.memory_space<hbm>>
      tpu.enqueue_dma source(%arg12 : memref<128x8xf32, #tpu.memory_space<vmem>>) target(%dma_start3A_840 : memref<128x8xf32, #tpu.memory_space<hbm>>) target_semaphore(%run_scoped3A_834 : memref<!tpu.dma_semaphore, #tpu.memory_space<semaphore_mem>>)
      %dma_wait3A_841 = arith.constant 0 : i32
      %dma_wait3A_842 = tpu.memref_slice %arg8[%arg0, %mul3A_663, %dma_wait3A_841] : memref<2x32768x8xf32, #tpu.memory_space<hbm>> -> memref<1x128x8xf32, #tpu.memory_space<hbm>>
      %dma_wait3A_843 = tpu.memref_squeeze %dma_wait3A_842 : memref<1x128x8xf32, #tpu.memory_space<hbm>> -> memref<128x8xf32, #tpu.memory_space<hbm>>
      %dma_wait3A_844 = arith.constant 0 : i32
      %dma_wait3A_845 = tpu.memref_slice %arg8[%arg0, %mul3A_663, %dma_wait3A_844] : memref<2x32768x8xf32, #tpu.memory_space<hbm>> -> memref<1x128x8xf32, #tpu.memory_space<hbm>>
      %dma_wait3A_846 = tpu.memref_squeeze %dma_wait3A_845 : memref<1x128x8xf32, #tpu.memory_space<hbm>> -> memref<128x8xf32, #tpu.memory_space<hbm>>
      tpu.wait_dma2 semaphore(%run_scoped3A_834 : memref<!tpu.dma_semaphore, #tpu.memory_space<semaphore_mem>>) src(%arg12 : memref<128x8xf32, #tpu.memory_space<vmem>>) dst(%dma_wait3A_846 : memref<128x8xf32, #tpu.memory_space<hbm>>)
      tpu.yield
    }) : () -> ()
    %mul3A_680 = arith.constant 8 : i32
    %mul3A_681 = arith.muli %add3A_654, %mul3A_680 : i32
    %add3A_682 = arith.constant 1 : i32
    %add3A_683 = arith.addi %mul3A_681, %add3A_682 : i32
    %mul3A_684 = arith.constant 128 : i32
    %mul3A_685 = arith.muli %add3A_683, %mul3A_684 : i32
    %dma_start3A_686 = arith.constant 0 : i32
    %dma_start3A_687 = arith.constant 1 : i32
    %dma_start3A_688 = arith.constant 0 : i32
    %dma_start3A_689 = tpu.memref_slice %arg11[%dma_start3A_686, %dma_start3A_687, %dma_start3A_688] : memref<2x8x128xi32, #tpu.memory_space<vmem>> -> memref<1x1x128xi32, #tpu.memory_space<vmem>>
    %dma_start3A_690 = tpu.memref_squeeze %dma_start3A_689 : memref<1x1x128xi32, #tpu.memory_space<vmem>> -> memref<128xi32, #tpu.memory_space<vmem>>
    %dma_start3A_691 = arith.constant 0 : i32
    %dma_start3A_692 = arith.constant 0 : i32
    %dma_start3A_693 = tpu.memref_slice %arg10[%dma_start3A_691, %dma_start3A_692] : memref<100096x8xf32, #tpu.memory_space<vmem_shared>> -> memref<100096x8xf32, #tpu.memory_space<vmem_shared>>
    tpu.enqueue_indirect_dma source(%dma_start3A_693 : memref<100096x8xf32, #tpu.memory_space<vmem_shared>>) target(%arg12 : memref<128x8xf32, #tpu.memory_space<vmem>>) offsets(%dma_start3A_690 : memref<128xi32, #tpu.memory_space<vmem>>) semaphore(%arg14 : memref<!tpu.dma_semaphore, #tpu.memory_space<semaphore_mem>>)
    %dma_wait3A_694 = arith.constant 0 : i32
    %dma_wait3A_695 = arith.constant 1 : i32
    %dma_wait3A_696 = arith.constant 0 : i32
    %dma_wait3A_697 = tpu.memref_slice %arg11[%dma_wait3A_694, %dma_wait3A_695, %dma_wait3A_696] : memref<2x8x128xi32, #tpu.memory_space<vmem>> -> memref<1x1x128xi32, #tpu.memory_space<vmem>>
    %dma_wait3A_698 = tpu.memref_squeeze %dma_wait3A_697 : memref<1x1x128xi32, #tpu.memory_space<vmem>> -> memref<128xi32, #tpu.memory_space<vmem>>
    %dma_wait3A_699 = arith.constant 0 : i32
    %dma_wait3A_700 = arith.constant 0 : i32
    %dma_wait3A_701 = tpu.memref_slice %arg10[%dma_wait3A_699, %dma_wait3A_700] : memref<100096x8xf32, #tpu.memory_space<vmem_shared>> -> memref<100096x8xf32, #tpu.memory_space<vmem_shared>>
    tpu.wait_indirect_dma semaphore(%arg14 : memref<!tpu.dma_semaphore, #tpu.memory_space<semaphore_mem>>) src(%dma_wait3A_701 : memref<100096x8xf32, #tpu.memory_space<vmem_shared>>) dst(%arg12 : memref<128x8xf32, #tpu.memory_space<vmem>>)
    "tpu.region"() ({
      %run_scoped3A_834 = tpu.sem_alloc : memref<!tpu.dma_semaphore, #tpu.memory_space<semaphore_mem>>
      %dma_start3A_835 = arith.constant 0 : i32
      %dma_start3A_836 = tpu.memref_slice %arg8[%arg0, %mul3A_685, %dma_start3A_835] : memref<2x32768x8xf32, #tpu.memory_space<hbm>> -> memref<1x128x8xf32, #tpu.memory_space<hbm>>
      %dma_start3A_837 = tpu.memref_squeeze %dma_start3A_836 : memref<1x128x8xf32, #tpu.memory_space<hbm>> -> memref<128x8xf32, #tpu.memory_space<hbm>>
      %dma_start3A_838 = arith.constant 0 : i32
      %dma_start3A_839 = tpu.memref_slice %arg8[%arg0, %mul3A_685, %dma_start3A_838] : memref<2x32768x8xf32, #tpu.memory_space<hbm>> -> memref<1x128x8xf32, #tpu.memory_space<hbm>>
      %dma_start3A_840 = tpu.memref_squeeze %dma_start3A_839 : memref<1x128x8xf32, #tpu.memory_space<hbm>> -> memref<128x8xf32, #tpu.memory_space<hbm>>
      tpu.enqueue_dma source(%arg12 : memref<128x8xf32, #tpu.memory_space<vmem>>) target(%dma_start3A_840 : memref<128x8xf32, #tpu.memory_space<hbm>>) target_semaphore(%run_scoped3A_834 : memref<!tpu.dma_semaphore, #tpu.memory_space<semaphore_mem>>)
      %dma_wait3A_841 = arith.constant 0 : i32
      %dma_wait3A_842 = tpu.memref_slice %arg8[%arg0, %mul3A_685, %dma_wait3A_841] : memref<2x32768x8xf32, #tpu.memory_space<hbm>> -> memref<1x128x8xf32, #tpu.memory_space<hbm>>
      %dma_wait3A_843 = tpu.memref_squeeze %dma_wait3A_842 : memref<1x128x8xf32, #tpu.memory_space<hbm>> -> memref<128x8xf32, #tpu.memory_space<hbm>>
      %dma_wait3A_844 = arith.constant 0 : i32
      %dma_wait3A_845 = tpu.memref_slice %arg8[%arg0, %mul3A_685, %dma_wait3A_844] : memref<2x32768x8xf32, #tpu.memory_space<hbm>> -> memref<1x128x8xf32, #tpu.memory_space<hbm>>
      %dma_wait3A_846 = tpu.memref_squeeze %dma_wait3A_845 : memref<1x128x8xf32, #tpu.memory_space<hbm>> -> memref<128x8xf32, #tpu.memory_space<hbm>>
      tpu.wait_dma2 semaphore(%run_scoped3A_834 : memref<!tpu.dma_semaphore, #tpu.memory_space<semaphore_mem>>) src(%arg12 : memref<128x8xf32, #tpu.memory_space<vmem>>) dst(%dma_wait3A_846 : memref<128x8xf32, #tpu.memory_space<hbm>>)
      tpu.yield
    }) : () -> ()
    %mul3A_702 = arith.constant 8 : i32
    %mul3A_703 = arith.muli %add3A_654, %mul3A_702 : i32
    %add3A_704 = arith.constant 2 : i32
    %add3A_705 = arith.addi %mul3A_703, %add3A_704 : i32
    %mul3A_706 = arith.constant 128 : i32
    %mul3A_707 = arith.muli %add3A_705, %mul3A_706 : i32
    %dma_start3A_708 = arith.constant 0 : i32
    %dma_start3A_709 = arith.constant 2 : i32
    %dma_start3A_710 = arith.constant 0 : i32
    %dma_start3A_711 = tpu.memref_slice %arg11[%dma_start3A_708, %dma_start3A_709, %dma_start3A_710] : memref<2x8x128xi32, #tpu.memory_space<vmem>> -> memref<1x1x128xi32, #tpu.memory_space<vmem>>
    %dma_start3A_712 = tpu.memref_squeeze %dma_start3A_711 : memref<1x1x128xi32, #tpu.memory_space<vmem>> -> memref<128xi32, #tpu.memory_space<vmem>>
    %dma_start3A_713 = arith.constant 0 : i32
    %dma_start3A_714 = arith.constant 0 : i32
    %dma_start3A_715 = tpu.memref_slice %arg10[%dma_start3A_713, %dma_start3A_714] : memref<100096x8xf32, #tpu.memory_space<vmem_shared>> -> memref<100096x8xf32, #tpu.memory_space<vmem_shared>>
    tpu.enqueue_indirect_dma source(%dma_start3A_715 : memref<100096x8xf32, #tpu.memory_space<vmem_shared>>) target(%arg12 : memref<128x8xf32, #tpu.memory_space<vmem>>) offsets(%dma_start3A_712 : memref<128xi32, #tpu.memory_space<vmem>>) semaphore(%arg14 : memref<!tpu.dma_semaphore, #tpu.memory_space<semaphore_mem>>)
    %dma_wait3A_716 = arith.constant 0 : i32
    %dma_wait3A_717 = arith.constant 2 : i32
    %dma_wait3A_718 = arith.constant 0 : i32
    %dma_wait3A_719 = tpu.memref_slice %arg11[%dma_wait3A_716, %dma_wait3A_717, %dma_wait3A_718] : memref<2x8x128xi32, #tpu.memory_space<vmem>> -> memref<1x1x128xi32, #tpu.memory_space<vmem>>
    %dma_wait3A_720 = tpu.memref_squeeze %dma_wait3A_719 : memref<1x1x128xi32, #tpu.memory_space<vmem>> -> memref<128xi32, #tpu.memory_space<vmem>>
    %dma_wait3A_721 = arith.constant 0 : i32
    %dma_wait3A_722 = arith.constant 0 : i32
    %dma_wait3A_723 = tpu.memref_slice %arg10[%dma_wait3A_721, %dma_wait3A_722] : memref<100096x8xf32, #tpu.memory_space<vmem_shared>> -> memref<100096x8xf32, #tpu.memory_space<vmem_shared>>
    tpu.wait_indirect_dma semaphore(%arg14 : memref<!tpu.dma_semaphore, #tpu.memory_space<semaphore_mem>>) src(%dma_wait3A_723 : memref<100096x8xf32, #tpu.memory_space<vmem_shared>>) dst(%arg12 : memref<128x8xf32, #tpu.memory_space<vmem>>)
    "tpu.region"() ({
      %run_scoped3A_834 = tpu.sem_alloc : memref<!tpu.dma_semaphore, #tpu.memory_space<semaphore_mem>>
      %dma_start3A_835 = arith.constant 0 : i32
      %dma_start3A_836 = tpu.memref_slice %arg8[%arg0, %mul3A_707, %dma_start3A_835] : memref<2x32768x8xf32, #tpu.memory_space<hbm>> -> memref<1x128x8xf32, #tpu.memory_space<hbm>>
      %dma_start3A_837 = tpu.memref_squeeze %dma_start3A_836 : memref<1x128x8xf32, #tpu.memory_space<hbm>> -> memref<128x8xf32, #tpu.memory_space<hbm>>
      %dma_start3A_838 = arith.constant 0 : i32
      %dma_start3A_839 = tpu.memref_slice %arg8[%arg0, %mul3A_707, %dma_start3A_838] : memref<2x32768x8xf32, #tpu.memory_space<hbm>> -> memref<1x128x8xf32, #tpu.memory_space<hbm>>
      %dma_start3A_840 = tpu.memref_squeeze %dma_start3A_839 : memref<1x128x8xf32, #tpu.memory_space<hbm>> -> memref<128x8xf32, #tpu.memory_space<hbm>>
      tpu.enqueue_dma source(%arg12 : memref<128x8xf32, #tpu.memory_space<vmem>>) target(%dma_start3A_840 : memref<128x8xf32, #tpu.memory_space<hbm>>) target_semaphore(%run_scoped3A_834 : memref<!tpu.dma_semaphore, #tpu.memory_space<semaphore_mem>>)
      %dma_wait3A_841 = arith.constant 0 : i32
      %dma_wait3A_842 = tpu.memref_slice %arg8[%arg0, %mul3A_707, %dma_wait3A_841] : memref<2x32768x8xf32, #tpu.memory_space<hbm>> -> memref<1x128x8xf32, #tpu.memory_space<hbm>>
      %dma_wait3A_843 = tpu.memref_squeeze %dma_wait3A_842 : memref<1x128x8xf32, #tpu.memory_space<hbm>> -> memref<128x8xf32, #tpu.memory_space<hbm>>
      %dma_wait3A_844 = arith.constant 0 : i32
      %dma_wait3A_845 = tpu.memref_slice %arg8[%arg0, %mul3A_707, %dma_wait3A_844] : memref<2x32768x8xf32, #tpu.memory_space<hbm>> -> memref<1x128x8xf32, #tpu.memory_space<hbm>>
      %dma_wait3A_846 = tpu.memref_squeeze %dma_wait3A_845 : memref<1x128x8xf32, #tpu.memory_space<hbm>> -> memref<128x8xf32, #tpu.memory_space<hbm>>
      tpu.wait_dma2 semaphore(%run_scoped3A_834 : memref<!tpu.dma_semaphore, #tpu.memory_space<semaphore_mem>>) src(%arg12 : memref<128x8xf32, #tpu.memory_space<vmem>>) dst(%dma_wait3A_846 : memref<128x8xf32, #tpu.memory_space<hbm>>)
      tpu.yield
    }) : () -> ()
    %mul3A_724 = arith.constant 8 : i32
    %mul3A_725 = arith.muli %add3A_654, %mul3A_724 : i32
    %add3A_726 = arith.constant 3 : i32
    %add3A_727 = arith.addi %mul3A_725, %add3A_726 : i32
    %mul3A_728 = arith.constant 128 : i32
    %mul3A_729 = arith.muli %add3A_727, %mul3A_728 : i32
    %dma_start3A_730 = arith.constant 0 : i32
    %dma_start3A_731 = arith.constant 3 : i32
    %dma_start3A_732 = arith.constant 0 : i32
    %dma_start3A_733 = tpu.memref_slice %arg11[%dma_start3A_730, %dma_start3A_731, %dma_start3A_732] : memref<2x8x128xi32, #tpu.memory_space<vmem>> -> memref<1x1x128xi32, #tpu.memory_space<vmem>>
    %dma_start3A_734 = tpu.memref_squeeze %dma_start3A_733 : memref<1x1x128xi32, #tpu.memory_space<vmem>> -> memref<128xi32, #tpu.memory_space<vmem>>
    %dma_start3A_735 = arith.constant 0 : i32
    %dma_start3A_736 = arith.constant 0 : i32
    %dma_start3A_737 = tpu.memref_slice %arg10[%dma_start3A_735, %dma_start3A_736] : memref<100096x8xf32, #tpu.memory_space<vmem_shared>> -> memref<100096x8xf32, #tpu.memory_space<vmem_shared>>
    tpu.enqueue_indirect_dma source(%dma_start3A_737 : memref<100096x8xf32, #tpu.memory_space<vmem_shared>>) target(%arg12 : memref<128x8xf32, #tpu.memory_space<vmem>>) offsets(%dma_start3A_734 : memref<128xi32, #tpu.memory_space<vmem>>) semaphore(%arg14 : memref<!tpu.dma_semaphore, #tpu.memory_space<semaphore_mem>>)
    %dma_wait3A_738 = arith.constant 0 : i32
    %dma_wait3A_739 = arith.constant 3 : i32
    %dma_wait3A_740 = arith.constant 0 : i32
    %dma_wait3A_741 = tpu.memref_slice %arg11[%dma_wait3A_738, %dma_wait3A_739, %dma_wait3A_740] : memref<2x8x128xi32, #tpu.memory_space<vmem>> -> memref<1x1x128xi32, #tpu.memory_space<vmem>>
    %dma_wait3A_742 = tpu.memref_squeeze %dma_wait3A_741 : memref<1x1x128xi32, #tpu.memory_space<vmem>> -> memref<128xi32, #tpu.memory_space<vmem>>
    %dma_wait3A_743 = arith.constant 0 : i32
    %dma_wait3A_744 = arith.constant 0 : i32
    %dma_wait3A_745 = tpu.memref_slice %arg10[%dma_wait3A_743, %dma_wait3A_744] : memref<100096x8xf32, #tpu.memory_space<vmem_shared>> -> memref<100096x8xf32, #tpu.memory_space<vmem_shared>>
    tpu.wait_indirect_dma semaphore(%arg14 : memref<!tpu.dma_semaphore, #tpu.memory_space<semaphore_mem>>) src(%dma_wait3A_745 : memref<100096x8xf32, #tpu.memory_space<vmem_shared>>) dst(%arg12 : memref<128x8xf32, #tpu.memory_space<vmem>>)
    "tpu.region"() ({
      %run_scoped3A_834 = tpu.sem_alloc : memref<!tpu.dma_semaphore, #tpu.memory_space<semaphore_mem>>
      %dma_start3A_835 = arith.constant 0 : i32
      %dma_start3A_836 = tpu.memref_slice %arg8[%arg0, %mul3A_729, %dma_start3A_835] : memref<2x32768x8xf32, #tpu.memory_space<hbm>> -> memref<1x128x8xf32, #tpu.memory_space<hbm>>
      %dma_start3A_837 = tpu.memref_squeeze %dma_start3A_836 : memref<1x128x8xf32, #tpu.memory_space<hbm>> -> memref<128x8xf32, #tpu.memory_space<hbm>>
      %dma_start3A_838 = arith.constant 0 : i32
      %dma_start3A_839 = tpu.memref_slice %arg8[%arg0, %mul3A_729, %dma_start3A_838] : memref<2x32768x8xf32, #tpu.memory_space<hbm>> -> memref<1x128x8xf32, #tpu.memory_space<hbm>>
      %dma_start3A_840 = tpu.memref_squeeze %dma_start3A_839 : memref<1x128x8xf32, #tpu.memory_space<hbm>> -> memref<128x8xf32, #tpu.memory_space<hbm>>
      tpu.enqueue_dma source(%arg12 : memref<128x8xf32, #tpu.memory_space<vmem>>) target(%dma_start3A_840 : memref<128x8xf32, #tpu.memory_space<hbm>>) target_semaphore(%run_scoped3A_834 : memref<!tpu.dma_semaphore, #tpu.memory_space<semaphore_mem>>)
      %dma_wait3A_841 = arith.constant 0 : i32
      %dma_wait3A_842 = tpu.memref_slice %arg8[%arg0, %mul3A_729, %dma_wait3A_841] : memref<2x32768x8xf32, #tpu.memory_space<hbm>> -> memref<1x128x8xf32, #tpu.memory_space<hbm>>
      %dma_wait3A_843 = tpu.memref_squeeze %dma_wait3A_842 : memref<1x128x8xf32, #tpu.memory_space<hbm>> -> memref<128x8xf32, #tpu.memory_space<hbm>>
      %dma_wait3A_844 = arith.constant 0 : i32
      %dma_wait3A_845 = tpu.memref_slice %arg8[%arg0, %mul3A_729, %dma_wait3A_844] : memref<2x32768x8xf32, #tpu.memory_space<hbm>> -> memref<1x128x8xf32, #tpu.memory_space<hbm>>
      %dma_wait3A_846 = tpu.memref_squeeze %dma_wait3A_845 : memref<1x128x8xf32, #tpu.memory_space<hbm>> -> memref<128x8xf32, #tpu.memory_space<hbm>>
      tpu.wait_dma2 semaphore(%run_scoped3A_834 : memref<!tpu.dma_semaphore, #tpu.memory_space<semaphore_mem>>) src(%arg12 : memref<128x8xf32, #tpu.memory_space<vmem>>) dst(%dma_wait3A_846 : memref<128x8xf32, #tpu.memory_space<hbm>>)
      tpu.yield
    }) : () -> ()
    %mul3A_746 = arith.constant 8 : i32
    %mul3A_747 = arith.muli %add3A_654, %mul3A_746 : i32
    %add3A_748 = arith.constant 4 : i32
    %add3A_749 = arith.addi %mul3A_747, %add3A_748 : i32
    %mul3A_750 = arith.constant 128 : i32
    %mul3A_751 = arith.muli %add3A_749, %mul3A_750 : i32
    %dma_start3A_752 = arith.constant 0 : i32
    %dma_start3A_753 = arith.constant 4 : i32
    %dma_start3A_754 = arith.constant 0 : i32
    %dma_start3A_755 = tpu.memref_slice %arg11[%dma_start3A_752, %dma_start3A_753, %dma_start3A_754] : memref<2x8x128xi32, #tpu.memory_space<vmem>> -> memref<1x1x128xi32, #tpu.memory_space<vmem>>
    %dma_start3A_756 = tpu.memref_squeeze %dma_start3A_755 : memref<1x1x128xi32, #tpu.memory_space<vmem>> -> memref<128xi32, #tpu.memory_space<vmem>>
    %dma_start3A_757 = arith.constant 0 : i32
    %dma_start3A_758 = arith.constant 0 : i32
    %dma_start3A_759 = tpu.memref_slice %arg10[%dma_start3A_757, %dma_start3A_758] : memref<100096x8xf32, #tpu.memory_space<vmem_shared>> -> memref<100096x8xf32, #tpu.memory_space<vmem_shared>>
    tpu.enqueue_indirect_dma source(%dma_start3A_759 : memref<100096x8xf32, #tpu.memory_space<vmem_shared>>) target(%arg12 : memref<128x8xf32, #tpu.memory_space<vmem>>) offsets(%dma_start3A_756 : memref<128xi32, #tpu.memory_space<vmem>>) semaphore(%arg14 : memref<!tpu.dma_semaphore, #tpu.memory_space<semaphore_mem>>)
    %dma_wait3A_760 = arith.constant 0 : i32
    %dma_wait3A_761 = arith.constant 4 : i32
    %dma_wait3A_762 = arith.constant 0 : i32
    %dma_wait3A_763 = tpu.memref_slice %arg11[%dma_wait3A_760, %dma_wait3A_761, %dma_wait3A_762] : memref<2x8x128xi32, #tpu.memory_space<vmem>> -> memref<1x1x128xi32, #tpu.memory_space<vmem>>
    %dma_wait3A_764 = tpu.memref_squeeze %dma_wait3A_763 : memref<1x1x128xi32, #tpu.memory_space<vmem>> -> memref<128xi32, #tpu.memory_space<vmem>>
    %dma_wait3A_765 = arith.constant 0 : i32
    %dma_wait3A_766 = arith.constant 0 : i32
    %dma_wait3A_767 = tpu.memref_slice %arg10[%dma_wait3A_765, %dma_wait3A_766] : memref<100096x8xf32, #tpu.memory_space<vmem_shared>> -> memref<100096x8xf32, #tpu.memory_space<vmem_shared>>
    tpu.wait_indirect_dma semaphore(%arg14 : memref<!tpu.dma_semaphore, #tpu.memory_space<semaphore_mem>>) src(%dma_wait3A_767 : memref<100096x8xf32, #tpu.memory_space<vmem_shared>>) dst(%arg12 : memref<128x8xf32, #tpu.memory_space<vmem>>)
    "tpu.region"() ({
      %run_scoped3A_834 = tpu.sem_alloc : memref<!tpu.dma_semaphore, #tpu.memory_space<semaphore_mem>>
      %dma_start3A_835 = arith.constant 0 : i32
      %dma_start3A_836 = tpu.memref_slice %arg8[%arg0, %mul3A_751, %dma_start3A_835] : memref<2x32768x8xf32, #tpu.memory_space<hbm>> -> memref<1x128x8xf32, #tpu.memory_space<hbm>>
      %dma_start3A_837 = tpu.memref_squeeze %dma_start3A_836 : memref<1x128x8xf32, #tpu.memory_space<hbm>> -> memref<128x8xf32, #tpu.memory_space<hbm>>
      %dma_start3A_838 = arith.constant 0 : i32
      %dma_start3A_839 = tpu.memref_slice %arg8[%arg0, %mul3A_751, %dma_start3A_838] : memref<2x32768x8xf32, #tpu.memory_space<hbm>> -> memref<1x128x8xf32, #tpu.memory_space<hbm>>
      %dma_start3A_840 = tpu.memref_squeeze %dma_start3A_839 : memref<1x128x8xf32, #tpu.memory_space<hbm>> -> memref<128x8xf32, #tpu.memory_space<hbm>>
      tpu.enqueue_dma source(%arg12 : memref<128x8xf32, #tpu.memory_space<vmem>>) target(%dma_start3A_840 : memref<128x8xf32, #tpu.memory_space<hbm>>) target_semaphore(%run_scoped3A_834 : memref<!tpu.dma_semaphore, #tpu.memory_space<semaphore_mem>>)
      %dma_wait3A_841 = arith.constant 0 : i32
      %dma_wait3A_842 = tpu.memref_slice %arg8[%arg0, %mul3A_751, %dma_wait3A_841] : memref<2x32768x8xf32, #tpu.memory_space<hbm>> -> memref<1x128x8xf32, #tpu.memory_space<hbm>>
      %dma_wait3A_843 = tpu.memref_squeeze %dma_wait3A_842 : memref<1x128x8xf32, #tpu.memory_space<hbm>> -> memref<128x8xf32, #tpu.memory_space<hbm>>
      %dma_wait3A_844 = arith.constant 0 : i32
      %dma_wait3A_845 = tpu.memref_slice %arg8[%arg0, %mul3A_751, %dma_wait3A_844] : memref<2x32768x8xf32, #tpu.memory_space<hbm>> -> memref<1x128x8xf32, #tpu.memory_space<hbm>>
      %dma_wait3A_846 = tpu.memref_squeeze %dma_wait3A_845 : memref<1x128x8xf32, #tpu.memory_space<hbm>> -> memref<128x8xf32, #tpu.memory_space<hbm>>
      tpu.wait_dma2 semaphore(%run_scoped3A_834 : memref<!tpu.dma_semaphore, #tpu.memory_space<semaphore_mem>>) src(%arg12 : memref<128x8xf32, #tpu.memory_space<vmem>>) dst(%dma_wait3A_846 : memref<128x8xf32, #tpu.memory_space<hbm>>)
      tpu.yield
    }) : () -> ()
    %mul3A_768 = arith.constant 8 : i32
    %mul3A_769 = arith.muli %add3A_654, %mul3A_768 : i32
    %add3A_770 = arith.constant 5 : i32
    %add3A_771 = arith.addi %mul3A_769, %add3A_770 : i32
    %mul3A_772 = arith.constant 128 : i32
    %mul3A_773 = arith.muli %add3A_771, %mul3A_772 : i32
    %dma_start3A_774 = arith.constant 0 : i32
    %dma_start3A_775 = arith.constant 5 : i32
    %dma_start3A_776 = arith.constant 0 : i32
    %dma_start3A_777 = tpu.memref_slice %arg11[%dma_start3A_774, %dma_start3A_775, %dma_start3A_776] : memref<2x8x128xi32, #tpu.memory_space<vmem>> -> memref<1x1x128xi32, #tpu.memory_space<vmem>>
    %dma_start3A_778 = tpu.memref_squeeze %dma_start3A_777 : memref<1x1x128xi32, #tpu.memory_space<vmem>> -> memref<128xi32, #tpu.memory_space<vmem>>
    %dma_start3A_779 = arith.constant 0 : i32
    %dma_start3A_780 = arith.constant 0 : i32
    %dma_start3A_781 = tpu.memref_slice %arg10[%dma_start3A_779, %dma_start3A_780] : memref<100096x8xf32, #tpu.memory_space<vmem_shared>> -> memref<100096x8xf32, #tpu.memory_space<vmem_shared>>
    tpu.enqueue_indirect_dma source(%dma_start3A_781 : memref<100096x8xf32, #tpu.memory_space<vmem_shared>>) target(%arg12 : memref<128x8xf32, #tpu.memory_space<vmem>>) offsets(%dma_start3A_778 : memref<128xi32, #tpu.memory_space<vmem>>) semaphore(%arg14 : memref<!tpu.dma_semaphore, #tpu.memory_space<semaphore_mem>>)
    %dma_wait3A_782 = arith.constant 0 : i32
    %dma_wait3A_783 = arith.constant 5 : i32
    %dma_wait3A_784 = arith.constant 0 : i32
    %dma_wait3A_785 = tpu.memref_slice %arg11[%dma_wait3A_782, %dma_wait3A_783, %dma_wait3A_784] : memref<2x8x128xi32, #tpu.memory_space<vmem>> -> memref<1x1x128xi32, #tpu.memory_space<vmem>>
    %dma_wait3A_786 = tpu.memref_squeeze %dma_wait3A_785 : memref<1x1x128xi32, #tpu.memory_space<vmem>> -> memref<128xi32, #tpu.memory_space<vmem>>
    %dma_wait3A_787 = arith.constant 0 : i32
    %dma_wait3A_788 = arith.constant 0 : i32
    %dma_wait3A_789 = tpu.memref_slice %arg10[%dma_wait3A_787, %dma_wait3A_788] : memref<100096x8xf32, #tpu.memory_space<vmem_shared>> -> memref<100096x8xf32, #tpu.memory_space<vmem_shared>>
    tpu.wait_indirect_dma semaphore(%arg14 : memref<!tpu.dma_semaphore, #tpu.memory_space<semaphore_mem>>) src(%dma_wait3A_789 : memref<100096x8xf32, #tpu.memory_space<vmem_shared>>) dst(%arg12 : memref<128x8xf32, #tpu.memory_space<vmem>>)
    "tpu.region"() ({
      %run_scoped3A_834 = tpu.sem_alloc : memref<!tpu.dma_semaphore, #tpu.memory_space<semaphore_mem>>
      %dma_start3A_835 = arith.constant 0 : i32
      %dma_start3A_836 = tpu.memref_slice %arg8[%arg0, %mul3A_773, %dma_start3A_835] : memref<2x32768x8xf32, #tpu.memory_space<hbm>> -> memref<1x128x8xf32, #tpu.memory_space<hbm>>
      %dma_start3A_837 = tpu.memref_squeeze %dma_start3A_836 : memref<1x128x8xf32, #tpu.memory_space<hbm>> -> memref<128x8xf32, #tpu.memory_space<hbm>>
      %dma_start3A_838 = arith.constant 0 : i32
      %dma_start3A_839 = tpu.memref_slice %arg8[%arg0, %mul3A_773, %dma_start3A_838] : memref<2x32768x8xf32, #tpu.memory_space<hbm>> -> memref<1x128x8xf32, #tpu.memory_space<hbm>>
      %dma_start3A_840 = tpu.memref_squeeze %dma_start3A_839 : memref<1x128x8xf32, #tpu.memory_space<hbm>> -> memref<128x8xf32, #tpu.memory_space<hbm>>
      tpu.enqueue_dma source(%arg12 : memref<128x8xf32, #tpu.memory_space<vmem>>) target(%dma_start3A_840 : memref<128x8xf32, #tpu.memory_space<hbm>>) target_semaphore(%run_scoped3A_834 : memref<!tpu.dma_semaphore, #tpu.memory_space<semaphore_mem>>)
      %dma_wait3A_841 = arith.constant 0 : i32
      %dma_wait3A_842 = tpu.memref_slice %arg8[%arg0, %mul3A_773, %dma_wait3A_841] : memref<2x32768x8xf32, #tpu.memory_space<hbm>> -> memref<1x128x8xf32, #tpu.memory_space<hbm>>
      %dma_wait3A_843 = tpu.memref_squeeze %dma_wait3A_842 : memref<1x128x8xf32, #tpu.memory_space<hbm>> -> memref<128x8xf32, #tpu.memory_space<hbm>>
      %dma_wait3A_844 = arith.constant 0 : i32
      %dma_wait3A_845 = tpu.memref_slice %arg8[%arg0, %mul3A_773, %dma_wait3A_844] : memref<2x32768x8xf32, #tpu.memory_space<hbm>> -> memref<1x128x8xf32, #tpu.memory_space<hbm>>
      %dma_wait3A_846 = tpu.memref_squeeze %dma_wait3A_845 : memref<1x128x8xf32, #tpu.memory_space<hbm>> -> memref<128x8xf32, #tpu.memory_space<hbm>>
      tpu.wait_dma2 semaphore(%run_scoped3A_834 : memref<!tpu.dma_semaphore, #tpu.memory_space<semaphore_mem>>) src(%arg12 : memref<128x8xf32, #tpu.memory_space<vmem>>) dst(%dma_wait3A_846 : memref<128x8xf32, #tpu.memory_space<hbm>>)
      tpu.yield
    }) : () -> ()
    %mul3A_790 = arith.constant 8 : i32
    %mul3A_791 = arith.muli %add3A_654, %mul3A_790 : i32
    %add3A_792 = arith.constant 6 : i32
    %add3A_793 = arith.addi %mul3A_791, %add3A_792 : i32
    %mul3A_794 = arith.constant 128 : i32
    %mul3A_795 = arith.muli %add3A_793, %mul3A_794 : i32
    %dma_start3A_796 = arith.constant 0 : i32
    %dma_start3A_797 = arith.constant 6 : i32
    %dma_start3A_798 = arith.constant 0 : i32
    %dma_start3A_799 = tpu.memref_slice %arg11[%dma_start3A_796, %dma_start3A_797, %dma_start3A_798] : memref<2x8x128xi32, #tpu.memory_space<vmem>> -> memref<1x1x128xi32, #tpu.memory_space<vmem>>
    %dma_start3A_800 = tpu.memref_squeeze %dma_start3A_799 : memref<1x1x128xi32, #tpu.memory_space<vmem>> -> memref<128xi32, #tpu.memory_space<vmem>>
    %dma_start3A_801 = arith.constant 0 : i32
    %dma_start3A_802 = arith.constant 0 : i32
    %dma_start3A_803 = tpu.memref_slice %arg10[%dma_start3A_801, %dma_start3A_802] : memref<100096x8xf32, #tpu.memory_space<vmem_shared>> -> memref<100096x8xf32, #tpu.memory_space<vmem_shared>>
    tpu.enqueue_indirect_dma source(%dma_start3A_803 : memref<100096x8xf32, #tpu.memory_space<vmem_shared>>) target(%arg12 : memref<128x8xf32, #tpu.memory_space<vmem>>) offsets(%dma_start3A_800 : memref<128xi32, #tpu.memory_space<vmem>>) semaphore(%arg14 : memref<!tpu.dma_semaphore, #tpu.memory_space<semaphore_mem>>)
    %dma_wait3A_804 = arith.constant 0 : i32
    %dma_wait3A_805 = arith.constant 6 : i32
    %dma_wait3A_806 = arith.constant 0 : i32
    %dma_wait3A_807 = tpu.memref_slice %arg11[%dma_wait3A_804, %dma_wait3A_805, %dma_wait3A_806] : memref<2x8x128xi32, #tpu.memory_space<vmem>> -> memref<1x1x128xi32, #tpu.memory_space<vmem>>
    %dma_wait3A_808 = tpu.memref_squeeze %dma_wait3A_807 : memref<1x1x128xi32, #tpu.memory_space<vmem>> -> memref<128xi32, #tpu.memory_space<vmem>>
    %dma_wait3A_809 = arith.constant 0 : i32
    %dma_wait3A_810 = arith.constant 0 : i32
    %dma_wait3A_811 = tpu.memref_slice %arg10[%dma_wait3A_809, %dma_wait3A_810] : memref<100096x8xf32, #tpu.memory_space<vmem_shared>> -> memref<100096x8xf32, #tpu.memory_space<vmem_shared>>
    tpu.wait_indirect_dma semaphore(%arg14 : memref<!tpu.dma_semaphore, #tpu.memory_space<semaphore_mem>>) src(%dma_wait3A_811 : memref<100096x8xf32, #tpu.memory_space<vmem_shared>>) dst(%arg12 : memref<128x8xf32, #tpu.memory_space<vmem>>)
    "tpu.region"() ({
      %run_scoped3A_834 = tpu.sem_alloc : memref<!tpu.dma_semaphore, #tpu.memory_space<semaphore_mem>>
      %dma_start3A_835 = arith.constant 0 : i32
      %dma_start3A_836 = tpu.memref_slice %arg8[%arg0, %mul3A_795, %dma_start3A_835] : memref<2x32768x8xf32, #tpu.memory_space<hbm>> -> memref<1x128x8xf32, #tpu.memory_space<hbm>>
      %dma_start3A_837 = tpu.memref_squeeze %dma_start3A_836 : memref<1x128x8xf32, #tpu.memory_space<hbm>> -> memref<128x8xf32, #tpu.memory_space<hbm>>
      %dma_start3A_838 = arith.constant 0 : i32
      %dma_start3A_839 = tpu.memref_slice %arg8[%arg0, %mul3A_795, %dma_start3A_838] : memref<2x32768x8xf32, #tpu.memory_space<hbm>> -> memref<1x128x8xf32, #tpu.memory_space<hbm>>
      %dma_start3A_840 = tpu.memref_squeeze %dma_start3A_839 : memref<1x128x8xf32, #tpu.memory_space<hbm>> -> memref<128x8xf32, #tpu.memory_space<hbm>>
      tpu.enqueue_dma source(%arg12 : memref<128x8xf32, #tpu.memory_space<vmem>>) target(%dma_start3A_840 : memref<128x8xf32, #tpu.memory_space<hbm>>) target_semaphore(%run_scoped3A_834 : memref<!tpu.dma_semaphore, #tpu.memory_space<semaphore_mem>>)
      %dma_wait3A_841 = arith.constant 0 : i32
      %dma_wait3A_842 = tpu.memref_slice %arg8[%arg0, %mul3A_795, %dma_wait3A_841] : memref<2x32768x8xf32, #tpu.memory_space<hbm>> -> memref<1x128x8xf32, #tpu.memory_space<hbm>>
      %dma_wait3A_843 = tpu.memref_squeeze %dma_wait3A_842 : memref<1x128x8xf32, #tpu.memory_space<hbm>> -> memref<128x8xf32, #tpu.memory_space<hbm>>
      %dma_wait3A_844 = arith.constant 0 : i32
      %dma_wait3A_845 = tpu.memref_slice %arg8[%arg0, %mul3A_795, %dma_wait3A_844] : memref<2x32768x8xf32, #tpu.memory_space<hbm>> -> memref<1x128x8xf32, #tpu.memory_space<hbm>>
      %dma_wait3A_846 = tpu.memref_squeeze %dma_wait3A_845 : memref<1x128x8xf32, #tpu.memory_space<hbm>> -> memref<128x8xf32, #tpu.memory_space<hbm>>
      tpu.wait_dma2 semaphore(%run_scoped3A_834 : memref<!tpu.dma_semaphore, #tpu.memory_space<semaphore_mem>>) src(%arg12 : memref<128x8xf32, #tpu.memory_space<vmem>>) dst(%dma_wait3A_846 : memref<128x8xf32, #tpu.memory_space<hbm>>)
      tpu.yield
    }) : () -> ()
    %mul3A_812 = arith.constant 8 : i32
    %mul3A_813 = arith.muli %add3A_654, %mul3A_812 : i32
    %add3A_814 = arith.constant 7 : i32
    %add3A_815 = arith.addi %mul3A_813, %add3A_814 : i32
    %mul3A_816 = arith.constant 128 : i32
    %mul3A_817 = arith.muli %add3A_815, %mul3A_816 : i32
    %dma_start3A_818 = arith.constant 0 : i32
    %dma_start3A_819 = arith.constant 7 : i32
    %dma_start3A_820 = arith.constant 0 : i32
    %dma_start3A_821 = tpu.memref_slice %arg11[%dma_start3A_818, %dma_start3A_819, %dma_start3A_820] : memref<2x8x128xi32, #tpu.memory_space<vmem>> -> memref<1x1x128xi32, #tpu.memory_space<vmem>>
    %dma_start3A_822 = tpu.memref_squeeze %dma_start3A_821 : memref<1x1x128xi32, #tpu.memory_space<vmem>> -> memref<128xi32, #tpu.memory_space<vmem>>
    %dma_start3A_823 = arith.constant 0 : i32
    %dma_start3A_824 = arith.constant 0 : i32
    %dma_start3A_825 = tpu.memref_slice %arg10[%dma_start3A_823, %dma_start3A_824] : memref<100096x8xf32, #tpu.memory_space<vmem_shared>> -> memref<100096x8xf32, #tpu.memory_space<vmem_shared>>
    tpu.enqueue_indirect_dma source(%dma_start3A_825 : memref<100096x8xf32, #tpu.memory_space<vmem_shared>>) target(%arg12 : memref<128x8xf32, #tpu.memory_space<vmem>>) offsets(%dma_start3A_822 : memref<128xi32, #tpu.memory_space<vmem>>) semaphore(%arg14 : memref<!tpu.dma_semaphore, #tpu.memory_space<semaphore_mem>>)
    %dma_wait3A_826 = arith.constant 0 : i32
    %dma_wait3A_827 = arith.constant 7 : i32
    %dma_wait3A_828 = arith.constant 0 : i32
    %dma_wait3A_829 = tpu.memref_slice %arg11[%dma_wait3A_826, %dma_wait3A_827, %dma_wait3A_828] : memref<2x8x128xi32, #tpu.memory_space<vmem>> -> memref<1x1x128xi32, #tpu.memory_space<vmem>>
    %dma_wait3A_830 = tpu.memref_squeeze %dma_wait3A_829 : memref<1x1x128xi32, #tpu.memory_space<vmem>> -> memref<128xi32, #tpu.memory_space<vmem>>
    %dma_wait3A_831 = arith.constant 0 : i32
    %dma_wait3A_832 = arith.constant 0 : i32
    %dma_wait3A_833 = tpu.memref_slice %arg10[%dma_wait3A_831, %dma_wait3A_832] : memref<100096x8xf32, #tpu.memory_space<vmem_shared>> -> memref<100096x8xf32, #tpu.memory_space<vmem_shared>>
    tpu.wait_indirect_dma semaphore(%arg14 : memref<!tpu.dma_semaphore, #tpu.memory_space<semaphore_mem>>) src(%dma_wait3A_833 : memref<100096x8xf32, #tpu.memory_space<vmem_shared>>) dst(%arg12 : memref<128x8xf32, #tpu.memory_space<vmem>>)
    "tpu.region"() ({
      %run_scoped3A_834 = tpu.sem_alloc : memref<!tpu.dma_semaphore, #tpu.memory_space<semaphore_mem>>
      %dma_start3A_835 = arith.constant 0 : i32
      %dma_start3A_836 = tpu.memref_slice %arg8[%arg0, %mul3A_817, %dma_start3A_835] : memref<2x32768x8xf32, #tpu.memory_space<hbm>> -> memref<1x128x8xf32, #tpu.memory_space<hbm>>
      %dma_start3A_837 = tpu.memref_squeeze %dma_start3A_836 : memref<1x128x8xf32, #tpu.memory_space<hbm>> -> memref<128x8xf32, #tpu.memory_space<hbm>>
      %dma_start3A_838 = arith.constant 0 : i32
      %dma_start3A_839 = tpu.memref_slice %arg8[%arg0, %mul3A_817, %dma_start3A_838] : memref<2x32768x8xf32, #tpu.memory_space<hbm>> -> memref<1x128x8xf32, #tpu.memory_space<hbm>>
      %dma_start3A_840 = tpu.memref_squeeze %dma_start3A_839 : memref<1x128x8xf32, #tpu.memory_space<hbm>> -> memref<128x8xf32, #tpu.memory_space<hbm>>
      tpu.enqueue_dma source(%arg12 : memref<128x8xf32, #tpu.memory_space<vmem>>) target(%dma_start3A_840 : memref<128x8xf32, #tpu.memory_space<hbm>>) target_semaphore(%run_scoped3A_834 : memref<!tpu.dma_semaphore, #tpu.memory_space<semaphore_mem>>)
      %dma_wait3A_841 = arith.constant 0 : i32
      %dma_wait3A_842 = tpu.memref_slice %arg8[%arg0, %mul3A_817, %dma_wait3A_841] : memref<2x32768x8xf32, #tpu.memory_space<hbm>> -> memref<1x128x8xf32, #tpu.memory_space<hbm>>
      %dma_wait3A_843 = tpu.memref_squeeze %dma_wait3A_842 : memref<1x128x8xf32, #tpu.memory_space<hbm>> -> memref<128x8xf32, #tpu.memory_space<hbm>>
      %dma_wait3A_844 = arith.constant 0 : i32
      %dma_wait3A_845 = tpu.memref_slice %arg8[%arg0, %mul3A_817, %dma_wait3A_844] : memref<2x32768x8xf32, #tpu.memory_space<hbm>> -> memref<1x128x8xf32, #tpu.memory_space<hbm>>
      %dma_wait3A_846 = tpu.memref_squeeze %dma_wait3A_845 : memref<1x128x8xf32, #tpu.memory_space<hbm>> -> memref<128x8xf32, #tpu.memory_space<hbm>>
      tpu.wait_dma2 semaphore(%run_scoped3A_834 : memref<!tpu.dma_semaphore, #tpu.memory_space<semaphore_mem>>) src(%arg12 : memref<128x8xf32, #tpu.memory_space<vmem>>) dst(%dma_wait3A_846 : memref<128x8xf32, #tpu.memory_space<hbm>>)
      tpu.yield
    }) : () -> ()
    return
  }
}

module attributes {stable_mosaic.version = 14 : i64} {
  func.func @body(%arg0: i32, %arg1: memref<1024x768xf32, #tpu.memory_space<vmem>>, %arg2: memref<768x128xf32, #tpu.memory_space<vmem>>, %arg3: memref<1x128xf32, #tpu.memory_space<vmem>>, %arg4: memref<1024x128xf32, #tpu.memory_space<vmem>>) attributes {dimension_semantics = [#tpu.dimension_semantics<arbitrary>], iteration_bounds = array<i64: 16>, scalar_prefetch = 0 : i64, scratch_operands = 0 : i64, tpu.core_type = #tpu.core_type<tc>, window_params = [{transform_indices = @transform_0, window_bounds = array<i64: 1024, 768>}, {pipeline_mode = #tpu.pipeline_mode<synchronous>, transform_indices = @transform_1, window_bounds = array<i64: 768, 128>}, {pipeline_mode = #tpu.pipeline_mode<synchronous>, transform_indices = @transform_2, window_bounds = array<i64: 1, 128>}, {transform_indices = @transform_3, window_bounds = array<i64: 1024, 128>}]} {
    %get3A = arith.constant 0 : index
    %get3A_0 = arith.constant 0 : index
    %get3A_1 = vector.load %arg1[%get3A, %get3A_0] : memref<1024x768xf32, #tpu.memory_space<vmem>>, vector<1024x768xf32>
    %get3A_2 = arith.constant 0 : index
    %get3A_3 = arith.constant 0 : index
    %get3A_4 = vector.load %arg2[%get3A_2, %get3A_3] : memref<768x128xf32, #tpu.memory_space<vmem>>, vector<768x128xf32>
    %dot_general3A = arith.constant dense<0.000000e+00> : vector<1024x128xf32>
    %dot_general3A_5 = tpu.matmul %get3A_1, %get3A_4, %dot_general3A {dimension_numbers = #tpu.dot_dimension_numbers<[1], [0], [0], [1], [0, 0, 1, 1], [], []>, transpose_lhs_hint = false} : vector<1024x768xf32>, vector<768x128xf32>, vector<1024x128xf32> -> vector<1024x128xf32>
    %get3A_6 = arith.constant 0 : index
    %get3A_7 = arith.constant 0 : index
    %get3A_8 = vector.load %arg3[%get3A_6, %get3A_7] : memref<1x128xf32, #tpu.memory_space<vmem>>, vector<1x128xf32>
    %add3A = vector.broadcast %get3A_8 : vector<1x128xf32> to vector<1024x128xf32>
    %add3A_9 = arith.addf %dot_general3A_5, %add3A : vector<1024x128xf32>
    %max3A = arith.constant 0.000000e+00 : f32
    %max3A_10 = vector.broadcast %max3A : f32 to vector<1024x128xf32>
    %max3A_11 = arith.maximumf %add3A_9, %max3A_10 : vector<1024x128xf32>
    %swap3A = arith.constant 0 : index
    %swap3A_12 = arith.constant 0 : index
    %swap3A_13 = vector.load %arg4[%swap3A, %swap3A_12] : memref<1024x128xf32, #tpu.memory_space<vmem>>, vector<1024x128xf32>
    tpu.vector_store %arg4[%swap3A, %swap3A_12], %max3A_11 {strides = array<i32>} : memref<1024x128xf32, #tpu.memory_space<vmem>>, vector<1024x128xf32>,
    return
  }
  func.func @transform_0(%arg0: i32) -> (i32, i32) {
    %c0_i32 = arith.constant 0 : i32
    %c0_i32_0 = arith.constant 0 : i32
    return %arg0, %c0_i32 : i32, i32
  }
  func.func @transform_1(%arg0: i32) -> (i32, i32) {
    %c0_i32 = arith.constant 0 : i32
    %c0_i32_0 = arith.constant 0 : i32
    %c0_i32_1 = arith.constant 0 : i32
    return %c0_i32, %c0_i32_0 : i32, i32
  }
  func.func @transform_2(%arg0: i32) -> (i32, i32) {
    %c0_i32 = arith.constant 0 : i32
    %c0_i32_0 = arith.constant 0 : i32
    %c0_i32_1 = arith.constant 0 : i32
    return %c0_i32, %c0_i32_0 : i32, i32
  }
  func.func @transform_3(%arg0: i32) -> (i32, i32) {
    %c0_i32 = arith.constant 0 : i32
    %c0_i32_0 = arith.constant 0 : i32
    return %arg0, %c0_i32 : i32, i32
  }
}

module attributes {stable_mosaic.version = 14 : i64} {
  func.func @body(%arg0: i32, %arg1: memref<1024x128xf32, #tpu.memory_space<vmem>>, %arg2: memref<2x1024x8xf32, #tpu.memory_space<vmem>>, %arg3: memref<2x1024x8xf32, #tpu.memory_space<vmem>>, %arg4: memref<2x1024x8xf32, #tpu.memory_space<vmem>>, %arg5: memref<2x1024x8xf32, #tpu.memory_space<vmem>>, %arg6: memref<1024x8xf32, #tpu.memory_space<vmem>>, %arg7: memref<1024x8xf32, #tpu.memory_space<vmem>>, %arg8: memref<8x8xf32, #tpu.memory_space<vmem>>, %arg9: memref<8x8xf32, #tpu.memory_space<vmem>>, %arg10: memref<1x8xf32, #tpu.memory_space<vmem>>, %arg11: memref<128x16xf32, #tpu.memory_space<vmem>>, %arg12: memref<8x16xf32, #tpu.memory_space<vmem>>, %arg13: memref<8x16xf32, #tpu.memory_space<vmem>>, %arg14: memref<1x16xf32, #tpu.memory_space<vmem>>, %arg15: memref<16x8xf32, #tpu.memory_space<vmem>>, %arg16: memref<1x8xf32, #tpu.memory_space<vmem>>, %arg17: memref<1024x8xf32, #tpu.memory_space<vmem>>) attributes {dimension_semantics = [#tpu.dimension_semantics<arbitrary>], iteration_bounds = array<i64: 16>, scalar_prefetch = 0 : i64, scratch_operands = 0 : i64, tpu.core_type = #tpu.core_type<tc>, window_params = [{transform_indices = @transform_0, window_bounds = array<i64: 1024, 128>}, {transform_indices = @transform_1, window_bounds = array<i64: 2, 1024, 8>}, {transform_indices = @transform_2, window_bounds = array<i64: 2, 1024, 8>}, {transform_indices = @transform_3, window_bounds = array<i64: 2, 1024, 8>}, {transform_indices = @transform_4, window_bounds = array<i64: 2, 1024, 8>}, {transform_indices = @transform_5, window_bounds = array<i64: 1024, 8>}, {transform_indices = @transform_6, window_bounds = array<i64: 1024, 8>}, {pipeline_mode = #tpu.pipeline_mode<synchronous>, transform_indices = @transform_7, window_bounds = array<i64: 8, 8>}, {pipeline_mode = #tpu.pipeline_mode<synchronous>, transform_indices = @transform_8, window_bounds = array<i64: 8, 8>}, {pipeline_mode = #tpu.pipeline_mode<synchronous>, transform_indices = @transform_9, window_bounds = array<i64: 1, 8>}, {pipeline_mode = #tpu.pipeline_mode<synchronous>, transform_indices = @transform_10, window_bounds = array<i64: 128, 16>}, {pipeline_mode = #tpu.pipeline_mode<synchronous>, transform_indices = @transform_11, window_bounds = array<i64: 8, 16>}, {pipeline_mode = #tpu.pipeline_mode<synchronous>, transform_indices = @transform_12, window_bounds = array<i64: 8, 16>}, {pipeline_mode = #tpu.pipeline_mode<synchronous>, transform_indices = @transform_13, window_bounds = array<i64: 1, 16>}, {pipeline_mode = #tpu.pipeline_mode<synchronous>, transform_indices = @transform_14, window_bounds = array<i64: 16, 8>}, {pipeline_mode = #tpu.pipeline_mode<synchronous>, transform_indices = @transform_15, window_bounds = array<i64: 1, 8>}, {transform_indices = @transform_16, window_bounds = array<i64: 1024, 8>}]} {
    %get3A = arith.constant 0 : index
    %get3A_0 = arith.constant 0 : index
    %get3A_1 = arith.constant 0 : index
    %get3A_2 = vector.load %arg2[%get3A, %get3A_0, %get3A_1] : memref<2x1024x8xf32, #tpu.memory_space<vmem>>, vector<1x1024x8xf32>
    %get3A_3 = vector.shape_cast %get3A_2 : vector<1x1024x8xf32> to vector<1024x8xf32>
    %get3A_4 = arith.constant 1 : index
    %get3A_5 = arith.constant 0 : index
    %get3A_6 = arith.constant 0 : index
    %get3A_7 = vector.load %arg2[%get3A_4, %get3A_5, %get3A_6] : memref<2x1024x8xf32, #tpu.memory_space<vmem>>, vector<1x1024x8xf32>
    %get3A_8 = vector.shape_cast %get3A_7 : vector<1x1024x8xf32> to vector<1024x8xf32>
    %add3A = arith.addf %get3A_3, %get3A_8 : vector<1024x8xf32>
    %get3A_9 = arith.constant 0 : index
    %get3A_10 = arith.constant 0 : index
    %get3A_11 = arith.constant 0 : index
    %get3A_12 = vector.load %arg3[%get3A_9, %get3A_10, %get3A_11] : memref<2x1024x8xf32, #tpu.memory_space<vmem>>, vector<1x1024x8xf32>
    %get3A_13 = vector.shape_cast %get3A_12 : vector<1x1024x8xf32> to vector<1024x8xf32>
    %get3A_14 = arith.constant 1 : index
    %get3A_15 = arith.constant 0 : index
    %get3A_16 = arith.constant 0 : index
    %get3A_17 = vector.load %arg3[%get3A_14, %get3A_15, %get3A_16] : memref<2x1024x8xf32, #tpu.memory_space<vmem>>, vector<1x1024x8xf32>
    %get3A_18 = vector.shape_cast %get3A_17 : vector<1x1024x8xf32> to vector<1024x8xf32>
    %add3A_19 = arith.addf %get3A_13, %get3A_18 : vector<1024x8xf32>
    %get3A_20 = arith.constant 0 : index
    %get3A_21 = arith.constant 0 : index
    %get3A_22 = arith.constant 0 : index
    %get3A_23 = vector.load %arg4[%get3A_20, %get3A_21, %get3A_22] : memref<2x1024x8xf32, #tpu.memory_space<vmem>>, vector<1x1024x1xf32>
    %get3A_24 = vector.shape_cast %get3A_23 : vector<1x1024x1xf32> to vector<1024x1xf32>
    %get3A_25 = arith.constant 1 : index
    %get3A_26 = arith.constant 0 : index
    %get3A_27 = arith.constant 0 : index
    %get3A_28 = vector.load %arg4[%get3A_25, %get3A_26, %get3A_27] : memref<2x1024x8xf32, #tpu.memory_space<vmem>>, vector<1x1024x1xf32>
    %get3A_29 = vector.shape_cast %get3A_28 : vector<1x1024x1xf32> to vector<1024x1xf32>
    %add3A_30 = arith.addf %get3A_24, %get3A_29 : vector<1024x1xf32>
    %slice3A = vector.extract_strided_slice %add3A {offsets = [0, 0], sizes = [1024, 1], strides = [1, 1]} : vector<1024x8xf32> to vector<1024x1xf32>
    %sub3A = arith.subf %add3A_30, %slice3A : vector<1024x1xf32>
    %get3A_31 = arith.constant 0 : index
    %get3A_32 = arith.constant 0 : index
    %get3A_33 = arith.constant 0 : index
    %get3A_34 = vector.load %arg5[%get3A_31, %get3A_32, %get3A_33] : memref<2x1024x8xf32, #tpu.memory_space<vmem>>, vector<1x1024x1xf32>
    %get3A_35 = vector.shape_cast %get3A_34 : vector<1x1024x1xf32> to vector<1024x1xf32>
    %get3A_36 = arith.constant 1 : index
    %get3A_37 = arith.constant 0 : index
    %get3A_38 = arith.constant 0 : index
    %get3A_39 = vector.load %arg5[%get3A_36, %get3A_37, %get3A_38] : memref<2x1024x8xf32, #tpu.memory_space<vmem>>, vector<1x1024x1xf32>
    %get3A_40 = vector.shape_cast %get3A_39 : vector<1x1024x1xf32> to vector<1024x1xf32>
    %add3A_41 = arith.addf %get3A_35, %get3A_40 : vector<1024x1xf32>
    %slice3A_42 = vector.extract_strided_slice %add3A_19 {offsets = [0, 0], sizes = [1024, 1], strides = [1, 1]} : vector<1024x8xf32> to vector<1024x1xf32>
    %sub3A_43 = arith.subf %add3A_41, %slice3A_42 : vector<1024x1xf32>
    %max3A = arith.constant 1.000000e+00 : f32
    %max3A_44 = vector.broadcast %max3A : f32 to vector<1024x1xf32>
    %max3A_45 = arith.maximumf %sub3A, %max3A_44 : vector<1024x1xf32>
    %div3A = vector.broadcast %max3A_45 : vector<1024x1xf32> to vector<1024x8xf32>
    %div3A_46 = arith.divf %add3A, %div3A : vector<1024x8xf32>
    %max3A_47 = arith.constant 1.000000e+00 : f32
    %max3A_48 = vector.broadcast %max3A_47 : f32 to vector<1024x1xf32>
    %max3A_49 = arith.maximumf %sub3A_43, %max3A_48 : vector<1024x1xf32>
    %div3A_50 = vector.broadcast %max3A_49 : vector<1024x1xf32> to vector<1024x8xf32>
    %div3A_51 = arith.divf %add3A_19, %div3A_50 : vector<1024x8xf32>
    %get3A_52 = arith.constant 0 : index
    %get3A_53 = arith.constant 0 : index
    %get3A_54 = vector.load %arg6[%get3A_52, %get3A_53] : memref<1024x8xf32, #tpu.memory_space<vmem>>, vector<1024x8xf32>
    %get3A_55 = arith.constant 0 : index
    %get3A_56 = arith.constant 0 : index
    %get3A_57 = vector.load %arg8[%get3A_55, %get3A_56] : memref<8x8xf32, #tpu.memory_space<vmem>>, vector<8x8xf32>
    %dot_general3A = arith.constant dense<0.000000e+00> : vector<1024x8xf32>
    %dot_general3A_58 = tpu.matmul %get3A_54, %get3A_57, %dot_general3A {dimension_numbers = #tpu.dot_dimension_numbers<[1], [0], [0], [1], [0, 0, 1, 1], [], []>, transpose_lhs_hint = false} : vector<1024x8xf32>, vector<8x8xf32>, vector<1024x8xf32> -> vector<1024x8xf32>
    %get3A_59 = arith.constant 0 : index
    %get3A_60 = arith.constant 0 : index
    %get3A_61 = vector.load %arg9[%get3A_59, %get3A_60] : memref<8x8xf32, #tpu.memory_space<vmem>>, vector<8x8xf32>
    %dot_general3A_62 = arith.constant dense<0.000000e+00> : vector<1024x8xf32>
    %dot_general3A_63 = tpu.matmul %div3A_46, %get3A_61, %dot_general3A_62 {dimension_numbers = #tpu.dot_dimension_numbers<[1], [0], [0], [1], [0, 0, 1, 1], [], []>, transpose_lhs_hint = false} : vector<1024x8xf32>, vector<8x8xf32>, vector<1024x8xf32> -> vector<1024x8xf32>
    %add3A_64 = arith.addf %dot_general3A_58, %dot_general3A_63 : vector<1024x8xf32>
    %get3A_65 = arith.constant 0 : index
    %get3A_66 = arith.constant 0 : index
    %get3A_67 = vector.load %arg10[%get3A_65, %get3A_66] : memref<1x8xf32, #tpu.memory_space<vmem>>, vector<1x8xf32>
    %add3A_68 = vector.broadcast %get3A_67 : vector<1x8xf32> to vector<1024x8xf32>
    %add3A_69 = arith.addf %add3A_64, %add3A_68 : vector<1024x8xf32>
    %get3A_70 = arith.constant 0 : index
    %get3A_71 = arith.constant 0 : index
    %get3A_72 = vector.load %arg7[%get3A_70, %get3A_71] : memref<1024x8xf32, #tpu.memory_space<vmem>>, vector<1024x8xf32>
    %get3A_73 = arith.constant 0 : index
    %get3A_74 = arith.constant 0 : index
    %get3A_75 = vector.load %arg8[%get3A_73, %get3A_74] : memref<8x8xf32, #tpu.memory_space<vmem>>, vector<8x8xf32>
    %dot_general3A_76 = arith.constant dense<0.000000e+00> : vector<1024x8xf32>
    %dot_general3A_77 = tpu.matmul %get3A_72, %get3A_75, %dot_general3A_76 {dimension_numbers = #tpu.dot_dimension_numbers<[1], [0], [0], [1], [0, 0, 1, 1], [], []>, transpose_lhs_hint = false} : vector<1024x8xf32>, vector<8x8xf32>, vector<1024x8xf32> -> vector<1024x8xf32>
    %get3A_78 = arith.constant 0 : index
    %get3A_79 = arith.constant 0 : index
    %get3A_80 = vector.load %arg9[%get3A_78, %get3A_79] : memref<8x8xf32, #tpu.memory_space<vmem>>, vector<8x8xf32>
    %dot_general3A_81 = arith.constant dense<0.000000e+00> : vector<1024x8xf32>
    %dot_general3A_82 = tpu.matmul %div3A_51, %get3A_80, %dot_general3A_81 {dimension_numbers = #tpu.dot_dimension_numbers<[1], [0], [0], [1], [0, 0, 1, 1], [], []>, transpose_lhs_hint = false} : vector<1024x8xf32>, vector<8x8xf32>, vector<1024x8xf32> -> vector<1024x8xf32>
    %add3A_83 = arith.addf %dot_general3A_77, %dot_general3A_82 : vector<1024x8xf32>
    %get3A_84 = arith.constant 0 : index
    %get3A_85 = arith.constant 0 : index
    %get3A_86 = vector.load %arg10[%get3A_84, %get3A_85] : memref<1x8xf32, #tpu.memory_space<vmem>>, vector<1x8xf32>
    %add3A_87 = vector.broadcast %get3A_86 : vector<1x8xf32> to vector<1024x8xf32>
    %add3A_88 = arith.addf %add3A_83, %add3A_87 : vector<1024x8xf32>
    %get3A_89 = arith.constant 0 : index
    %get3A_90 = arith.constant 0 : index
    %get3A_91 = vector.load %arg1[%get3A_89, %get3A_90] : memref<1024x128xf32, #tpu.memory_space<vmem>>, vector<1024x128xf32>
    %get3A_92 = arith.constant 0 : index
    %get3A_93 = arith.constant 0 : index
    %get3A_94 = vector.load %arg11[%get3A_92, %get3A_93] : memref<128x16xf32, #tpu.memory_space<vmem>>, vector<128x16xf32>
    %dot_general3A_95 = arith.constant dense<0.000000e+00> : vector<1024x16xf32>
    %dot_general3A_96 = tpu.matmul %get3A_91, %get3A_94, %dot_general3A_95 {dimension_numbers = #tpu.dot_dimension_numbers<[1], [0], [0], [1], [0, 0, 1, 1], [], []>, transpose_lhs_hint = false} : vector<1024x128xf32>, vector<128x16xf32>, vector<1024x16xf32> -> vector<1024x16xf32>
    %get3A_97 = arith.constant 0 : index
    %get3A_98 = arith.constant 0 : index
    %get3A_99 = vector.load %arg12[%get3A_97, %get3A_98] : memref<8x16xf32, #tpu.memory_space<vmem>>, vector<8x16xf32>
    %dot_general3A_100 = arith.constant dense<0.000000e+00> : vector<1024x16xf32>
    %dot_general3A_101 = tpu.matmul %add3A_69, %get3A_99, %dot_general3A_100 {dimension_numbers = #tpu.dot_dimension_numbers<[1], [0], [0], [1], [0, 0, 1, 1], [], []>, transpose_lhs_hint = false} : vector<1024x8xf32>, vector<8x16xf32>, vector<1024x16xf32> -> vector<1024x16xf32>
    %add3A_102 = arith.addf %dot_general3A_96, %dot_general3A_101 : vector<1024x16xf32>
    %get3A_103 = arith.constant 0 : index
    %get3A_104 = arith.constant 0 : index
    %get3A_105 = vector.load %arg13[%get3A_103, %get3A_104] : memref<8x16xf32, #tpu.memory_space<vmem>>, vector<8x16xf32>
    %dot_general3A_106 = arith.constant dense<0.000000e+00> : vector<1024x16xf32>
    %dot_general3A_107 = tpu.matmul %add3A_88, %get3A_105, %dot_general3A_106 {dimension_numbers = #tpu.dot_dimension_numbers<[1], [0], [0], [1], [0, 0, 1, 1], [], []>, transpose_lhs_hint = false} : vector<1024x8xf32>, vector<8x16xf32>, vector<1024x16xf32> -> vector<1024x16xf32>
    %add3A_108 = arith.addf %add3A_102, %dot_general3A_107 : vector<1024x16xf32>
    %get3A_109 = arith.constant 0 : index
    %get3A_110 = arith.constant 0 : index
    %get3A_111 = vector.load %arg14[%get3A_109, %get3A_110] : memref<1x16xf32, #tpu.memory_space<vmem>>, vector<1x16xf32>
    %add3A_112 = vector.broadcast %get3A_111 : vector<1x16xf32> to vector<1024x16xf32>
    %add3A_113 = arith.addf %add3A_108, %add3A_112 : vector<1024x16xf32>
    %max3A_114 = arith.constant 0.000000e+00 : f32
    %max3A_115 = vector.broadcast %max3A_114 : f32 to vector<1024x16xf32>
    %max3A_116 = arith.maximumf %add3A_113, %max3A_115 : vector<1024x16xf32>
    %get3A_117 = arith.constant 0 : index
    %get3A_118 = arith.constant 0 : index
    %get3A_119 = vector.load %arg15[%get3A_117, %get3A_118] : memref<16x8xf32, #tpu.memory_space<vmem>>, vector<16x8xf32>
    %dot_general3A_120 = arith.constant dense<0.000000e+00> : vector<1024x8xf32>
    %dot_general3A_121 = tpu.matmul %max3A_116, %get3A_119, %dot_general3A_120 {dimension_numbers = #tpu.dot_dimension_numbers<[1], [0], [0], [1], [0, 0, 1, 1], [], []>, transpose_lhs_hint = false} : vector<1024x16xf32>, vector<16x8xf32>, vector<1024x8xf32> -> vector<1024x8xf32>
    %get3A_122 = arith.constant 0 : index
    %get3A_123 = arith.constant 0 : index
    %get3A_124 = vector.load %arg16[%get3A_122, %get3A_123] : memref<1x8xf32, #tpu.memory_space<vmem>>, vector<1x8xf32>
    %add3A_125 = vector.broadcast %get3A_124 : vector<1x8xf32> to vector<1024x8xf32>
    %add3A_126 = arith.addf %dot_general3A_121, %add3A_125 : vector<1024x8xf32>
    %swap3A = arith.constant 0 : index
    %swap3A_127 = arith.constant 0 : index
    %swap3A_128 = vector.load %arg17[%swap3A, %swap3A_127] : memref<1024x8xf32, #tpu.memory_space<vmem>>, vector<1024x8xf32>
    tpu.vector_store %arg17[%swap3A, %swap3A_127], %add3A_126 {strides = array<i32>} : memref<1024x8xf32, #tpu.memory_space<vmem>>, vector<1024x8xf32>,
    return
  }
  func.func @transform_0(%arg0: i32) -> (i32, i32) {
    %c0_i32 = arith.constant 0 : i32
    %c0_i32_0 = arith.constant 0 : i32
    return %arg0, %c0_i32 : i32, i32
  }
  func.func @transform_1(%arg0: i32) -> (i32, i32, i32) {
    %c0_i32 = arith.constant 0 : i32
    %c0_i32_0 = arith.constant 0 : i32
    %c0_i32_1 = arith.constant 0 : i32
    return %c0_i32, %arg0, %c0_i32_0 : i32, i32, i32
  }
  func.func @transform_2(%arg0: i32) -> (i32, i32, i32) {
    %add3A = arith.constant 16 : i32
    %add3A_0 = arith.addi %add3A, %arg0 : i32
    %c0_i32 = arith.constant 0 : i32
    %c0_i32_1 = arith.constant 0 : i32
    %c0_i32_2 = arith.constant 0 : i32
    return %c0_i32, %add3A_0, %c0_i32_1 : i32, i32, i32
  }
  func.func @transform_3(%arg0: i32) -> (i32, i32, i32) {
    %c0_i32 = arith.constant 0 : i32
    %c0_i32_0 = arith.constant 0 : i32
    %c0_i32_1 = arith.constant 0 : i32
    return %c0_i32, %arg0, %c0_i32_0 : i32, i32, i32
  }
  func.func @transform_4(%arg0: i32) -> (i32, i32, i32) {
    %add3A = arith.constant 16 : i32
    %add3A_0 = arith.addi %add3A, %arg0 : i32
    %c0_i32 = arith.constant 0 : i32
    %c0_i32_1 = arith.constant 0 : i32
    %c0_i32_2 = arith.constant 0 : i32
    return %c0_i32, %add3A_0, %c0_i32_1 : i32, i32, i32
  }
  func.func @transform_5(%arg0: i32) -> (i32, i32) {
    %c0_i32 = arith.constant 0 : i32
    %c0_i32_0 = arith.constant 0 : i32
    return %arg0, %c0_i32 : i32, i32
  }
  func.func @transform_6(%arg0: i32) -> (i32, i32) {
    %add3A = arith.constant 16 : i32
    %add3A_0 = arith.addi %add3A, %arg0 : i32
    %c0_i32 = arith.constant 0 : i32
    %c0_i32_1 = arith.constant 0 : i32
    return %add3A_0, %c0_i32 : i32, i32
  }
  func.func @transform_7(%arg0: i32) -> (i32, i32) {
    %c0_i32 = arith.constant 0 : i32
    %c0_i32_0 = arith.constant 0 : i32
    %c0_i32_1 = arith.constant 0 : i32
    return %c0_i32, %c0_i32_0 : i32, i32
  }
  func.func @transform_8(%arg0: i32) -> (i32, i32) {
    %c0_i32 = arith.constant 0 : i32
    %c0_i32_0 = arith.constant 0 : i32
    %c0_i32_1 = arith.constant 0 : i32
    return %c0_i32, %c0_i32_0 : i32, i32
  }
  func.func @transform_9(%arg0: i32) -> (i32, i32) {
    %c0_i32 = arith.constant 0 : i32
    %c0_i32_0 = arith.constant 0 : i32
    %c0_i32_1 = arith.constant 0 : i32
    return %c0_i32, %c0_i32_0 : i32, i32
  }
  func.func @transform_10(%arg0: i32) -> (i32, i32) {
    %c0_i32 = arith.constant 0 : i32
    %c0_i32_0 = arith.constant 0 : i32
    %c0_i32_1 = arith.constant 0 : i32
    return %c0_i32, %c0_i32_0 : i32, i32
  }
  func.func @transform_11(%arg0: i32) -> (i32, i32) {
    %c0_i32 = arith.constant 0 : i32
    %c0_i32_0 = arith.constant 0 : i32
    %c0_i32_1 = arith.constant 0 : i32
    return %c0_i32, %c0_i32_0 : i32, i32
  }
  func.func @transform_12(%arg0: i32) -> (i32, i32) {
    %c0_i32 = arith.constant 0 : i32
    %c0_i32_0 = arith.constant 0 : i32
    %c0_i32_1 = arith.constant 0 : i32
    return %c0_i32, %c0_i32_0 : i32, i32
  }
  func.func @transform_13(%arg0: i32) -> (i32, i32) {
    %c0_i32 = arith.constant 0 : i32
    %c0_i32_0 = arith.constant 0 : i32
    %c0_i32_1 = arith.constant 0 : i32
    return %c0_i32, %c0_i32_0 : i32, i32
  }
  func.func @transform_14(%arg0: i32) -> (i32, i32) {
    %c0_i32 = arith.constant 0 : i32
    %c0_i32_0 = arith.constant 0 : i32
    %c0_i32_1 = arith.constant 0 : i32
    return %c0_i32, %c0_i32_0 : i32, i32
  }
  func.func @transform_15(%arg0: i32) -> (i32, i32) {
    %c0_i32 = arith.constant 0 : i32
    %c0_i32_0 = arith.constant 0 : i32
    %c0_i32_1 = arith.constant 0 : i32
    return %c0_i32, %c0_i32_0 : i32, i32
  }
  func.func @transform_16(%arg0: i32) -> (i32, i32) {
    %c0_i32 = arith.constant 0 : i32
    %c0_i32_0 = arith.constant 0 : i32
    return %arg0, %c0_i32 : i32, i32
  }
}

</mosaic_0001>

<sc_bundles>
// kernel: kernel.5.cloned.1.call-start
scs
__scs_entry_jumppad:
0x0: {  	(pc) =	sbr.rel $0x88, $3  }
0x1: {  	(tag) =	ssettag $0x0;
	lr =	simm.s32 $0x1  }
0x2: {  	[smem:$0x3F94] =	sst lr;
	_ =	strace $0xD0000000  }
0x3: {  	_ = 	snop  }
0x4: {  	_ = 	snop  }
0x5: {  	_ = 	snop  }
0x6: {  	_ = 	snop  }
0x7: {  	_ = 	snop  }
__scs_overlays_trampoline_lowered:
0x8: {  	[smem:$0x3FA3] =	sst s0  }
0x9: {  	[smem:$0x3FA4] =	sst s1  }
0xa: {  	[smem:$0x3FA5] =	sst s2  }
0xb: {  	[smem:$0x3FA6] =	sst s3  }
0xc: {  	[smem:$0x3FA7] =	sst s4  }
0xd: {  	[smem:$0x3FA8] =	sst s5  }
0xe: {  	[smem:$0x3FA9] =	sst s6  }
0xf: {  	[smem:$0x3FAA] =	sst s7  }
0x10: {  	[smem:$0x3FAB] =	sst s8  }
0x11: {  	[smem:$0x3FAC] =	sst s9;
	s0 =	simm.s32 @!p0 $0x0  }
0x12: {  	s1 =	sld [smem:$0x3F92];
	s0 =	simm.s32 @p0 $0x1  }
0x13: {  	[smem:$0x3FAD] =	sst s0;
	s0 =	simm.s32 @!p1 $0x0  }
0x14: {  	s2 =	sld [smem:$0x3F91];
	s0 =	simm.s32 @p1 $0x1  }
0x15: {  	[smem:$0x3FAE] =	sst s0;
	s0 =	simm.s32 @!p2 $0x0  }
0x16: {  	s3 =	sld [smem:$0x3FDB];
	s0 =	simm.s32 @p2 $0x1  }
0x17: {  	s4 =	simm.s32 $0x1BF5;
	[smem:$0x3FB0] =	sst s0  }
0x18: {  	s0 =	sld [smem:$0x3F93];
	_ =	swait.ge [sflag:s4], $0x0  }
0x19: {  	s7 =	sld [smem:$0x3F94]  }
0x1a: {  	s8 =	sadd.s32 $0xFFFFE003, lr  }
0x1b: {  	s9 =	sadd.s32 $0xFFFFFEF7, lr;
	s5 =	simm.s32 $0xFFFFFFFF;
	p2 =	slt.u32 s8, $0xFFFFF086  }
0x1c: {  	p1 =	slt.u32 s9, $0xF7A;
	s5 =	simm.s32 @!p2 $0x0  }
0x1d: {  	s5 =	simm.s32 @p1 $0x1;
	p0 =	seq.s32 s7, s2  }
0x1e: {  	s7 =	smul.u32 @!p0 $0xF7A, s2;
	p2 =	seq.s32 @!p0 s5, $0x0  }
0x1f: {  	s9 =	smul.u32 $0xF7A, s1;
	s8 =	simm.s32 @!p0 $0x1BF5;
	p2 =	por !p2, p0  }
0x20: {  	[sflag:s8] =	ssyncset.s32 @!p0 $0xFFFFF086;
	s6 =	sadd.s32 @!p0 s3, s7;
	s7 =	simm.s32 @!p0 $0x108  }
0x21: {  	s3 =	sadd.s32 s3, s9;
	s6 =	sadd.s32 @!p0 $0x88, s6;
	s7 =	simm.s32 @p2 $0x1082  }
0x22: {  	[simem:s7], [sflag:s8] =	dma.local @!p0 [hbm:s6], $0xF7A  }
0x23: {  	s9 =	sor.u32 $0xD0000000, s2;
	s6 =	simm.s32 $0x108;
	_ =	swait.ge @!p0 [sflag:s8], $0x0  }
0x24: {  	s3 =	sadd.s32 $0x88, s3;
	s6 =	simm.s32 @!p1 $0x1082;
	[sflag:s4] =	ssyncset.s32 $0xFFFFF086  }
0x25: {  	[simem:s6], [sflag:s4] =	dma.local [hbm:s3], $0xF7A  }
0x26: {  	[smem:$0x3F94] =	sst s1;
	(tag) =	ssettag s2;
	_ =	strace s9  }
0x27: {  	s1 =	sld [smem:$0x3FA4]  }
0x28: {  	s2 =	sld [smem:$0x3FA5]  }
0x29: {  	s4 =	sld [smem:$0x3FA7]  }
0x2a: {  	p0 =	seq.s32 s5, $0x0;
	s5 =	sld [smem:$0x3FA8]  }
0x2b: {  	s6 =	sld [smem:$0x3FA9]  }
0x2c: {  	s7 =	sld [smem:$0x3FAA]  }
0x2d: {  	s3 =	simm.s32 $0x108;
	s8 =	sld [smem:$0x3FAB]  }
0x2e: {  	s3 =	simm.s32 @!p0 $0x1082;
	s9 =	sld [smem:$0x3FAC]  }
0x2f: {  	lr =	sadd.s32 s0, s3;
	s0 =	sld [smem:$0x3FA3]  }
0x30: {  	s3 =	sld [smem:$0x3FA6]  }
0x31: {  	[smem:$0x3FAF] =	sst s10  }
0x32: {  	s10 =	sld [smem:$0x3FAD];
	_ =	sdelay $0x3  }
0x33: {  	p0 =	seq.s32 s10, $0x1;
	s10 =	sld [smem:$0x3FAF];
	_ =	sdelay $0x3  }
0x34: {  	[smem:$0x3FAF] =	sst s10  }
0x35: {  	s10 =	sld [smem:$0x3FAE];
	_ =	sdelay $0x3  }
0x36: {  	p1 =	seq.s32 s10, $0x1;
	s10 =	sld [smem:$0x3FAF];
	_ =	sdelay $0x3  }
0x37: {  	[smem:$0x3FAF] =	sst s10  }
0x38: {  	s10 =	sld [smem:$0x3FB0]  }
0x39: {  	_ = 	snop;
	(pc) =	sbr.ind lr, $3  }
0x3a: {  	_ = 	snop  }
0x3b: {  	_ = 	snop  }
0x3c: {  	p2 =	seq.s32 s10, $0x1;
	s10 =	sld [smem:$0x3FAF]  }
0x3d: {  	_ =	shalt  }
0x3e: {  	_ =	shalt  }
0x3f: {  	_ =	shalt  }
0x40: {  	_ =	shalt  }
0x41: {  	_ =	shalt  }
0x42: {  	_ =	shalt  }
0x43: {  	_ =	shalt  }
0x44: {  	_ =	shalt  }
0x45: {  	_ =	shalt  }
0x46: {  	_ =	shalt  }
0x47: {  	_ =	shalt  }
0x48: {  	_ =	shalt  }
0x49: {  	_ =	shalt  }
0x4a: {  	_ =	shalt  }
0x4b: {  	_ =	shalt  }
0x4c: {  	_ =	shalt  }
0x4d: {  	_ =	shalt  }
0x4e: {  	_ =	shalt  }
0x4f: {  	_ =	shalt  }
0x50: {  	_ =	shalt  }
0x51: {  	_ =	shalt  }
0x52: {  	_ =	shalt  }
0x53: {  	_ =	shalt  }
0x54: {  	_ =	shalt  }
0x55: {  	_ =	shalt  }
0x56: {  	_ =	shalt  }
0x57: {  	_ =	shalt  }
0x58: {  	_ =	shalt  }
0x59: {  	_ =	shalt  }
0x5a: {  	_ =	shalt  }
0x5b: {  	_ =	shalt  }
0x5c: {  	_ =	shalt  }
0x5d: {  	_ =	shalt  }
0x5e: {  	_ =	shalt  }
0x5f: {  	_ =	shalt  }
0x60: {  	_ =	shalt  }
0x61: {  	_ =	shalt  }
0x62: {  	_ =	shalt  }
0x63: {  	_ =	shalt  }
0x64: {  	_ =	shalt  }
0x65: {  	_ =	shalt  }
0x66: {  	_ =	shalt  }
0x67: {  	_ =	shalt  }
0x68: {  	_ =	shalt  }
0x69: {  	_ =	shalt  }
0x6a: {  	_ =	shalt  }
0x6b: {  	_ =	shalt  }
0x6c: {  	_ =	shalt  }
0x6d: {  	_ =	shalt  }
0x6e: {  	_ =	shalt  }
0x6f: {  	_ =	shalt  }
0x70: {  	_ =	shalt  }
0x71: {  	_ =	shalt  }
0x72: {  	_ =	shalt  }
0x73: {  	_ =	shalt  }
0x74: {  	_ =	shalt  }
0x75: {  	_ =	shalt  }
0x76: {  	_ =	shalt  }
0x77: {  	_ =	shalt  }
0x78: {  	_ =	shalt  }
0x79: {  	_ =	shalt  }
0x7a: {  	_ =	shalt  }
0x7b: {  	_ =	shalt  }
0x7c: {  	_ =	shalt  }
0x7d: {  	_ =	shalt  }
0x7e: {  	_ =	shalt  }
0x7f: {  	_ =	shalt  }
0x80: {  	_ =	shalt  }
0x81: {  	_ =	shalt  }
0x82: {  	_ =	shalt  }
0x83: {  	_ =	shalt  }
0x84: {  	_ =	shalt  }
0x85: {  	_ =	shalt  }
0x86: {  	_ =	shalt  }
0x87: {  	_ =	shalt  }
.Lfunc_end0:
.L_simem_size_0:
called_computation.1_lowered:
.L_overlay_start_0:
0x88: {  	s2 =	sld [smem:$0x3FD9]  }
0x89: {  	s3 =	sld [smem:$0x3FFE];
	_ =	sdelay $0x1  }
0x8a: {  	s1 =	srdreg.scid  }
0x8b: {  	s0 =	sand.u32 $0x1, s1  }
0x8c: {  	s17 =	sshll.u32 s0, $0xA;
	s2 =	sadd.s32 s3, s2  }
0x8d: {  	s2 =	sadd.s32 s2, s17  }
0x8e: {  	[smem:$0x3FBB] =	sst s2  }
0x8f: {  	_ = 	snop  }
0x90: {  	s2 =	sld [smem:$0x3FD0];
	(tm) =	ssettm $0x1  }
0x91: {  	s18 =	sld [smem:$0x3FFB];
	_ =	sdelay $0x3  }
0x92: {  	_ =	strace s18  }
0x93: {  	s3 =	sld [smem:$0x3FFC];
	_ =	sdelay $0x3  }
0x94: {  	_ =	strace s3  }
0x95: {  	s3 =	sld [smem:$0x3FFD];
	_ =	sdelay $0x3  }
0x96: {  	_ =	strace s3  }
0x97: {  	_ =	strace $0x8FFFFFFF  }
0x98: {  	s19 =	sld [smem:$0x3FDB];
	_ =	sdelay $0x1  }
0x99: {  	s4 =	simm.s32 $_scs_section_size  }
0x9a: {  	s5 =	simm.s32 $_size__tile_overlayer_lowered;
	s6 =	simm.s32 $_tile_overlayer_lowered  }
0x9b: {  	s22 =	simm.s32 $0x1BFF;
	s21 =	sshll.u32 s6, $0x1;
	s3 =	sadd.s32 s4, s19  }
0x9c: {  	s7 =	simm.s32 $0x0;
	s20 =	sshll.u32 s5, $0x1;
	s5 =	sadd.s32 s21, s3  }
0x9d: {  	[timem:s7], [sflag:s22] =	dma.local [hbm:s5], s20  }
0x9e: {  	_ =	swait.ge [sflag:s22], s20  }
0x9f: {  	s4 =	ssub.s32 $0x0, s20;
	[sflag:s22] =	ssyncset.done $0x0  }
0xa0: {  	[sflag:s22] =	ssyncadd.s32 s4;
	_ =	sdelay $0x1  }
0xa1: {  	s23 =	simm.s32 $0x1B8B  }
0xa2: {  	_ =	swait.ge [sflag:s23], $0x1  }
0xa3: {  	[sflag:s23] =	ssyncset.done $0x0  }
0xa4: {  	s25 =	simm.s32 $0x1B8E;
	s24 =	sld [smem:$0x3FFE];
	[sflag:s23] =	ssyncadd.s32 $0xFFFFFFFF  }
0xa5: {  	s26 =	simm.s32 $execute0_lowered;
	[smem:$0x3FD2] =	sst s25  }
0xa6: {  	s5 =	sshll.u32 s26, $0x1;
	_ =	strace $0x80000049;
	[dreg:$0x1] =	wrdreg $0xFFFFFFFF  }
0xa7: {  	s28 =	simm.s32 $_size_execute0_lowered;
	s3 =	sadd.s32 s3, s5;
	[dreg:$0x0] =	wrdreg $0x0  }
0xa8: {  	s5 =	sshll.u32 s28, $0x1;
	[dreg:$0x2] =	wrdreg s3  }
0xa9: {  	[dreg:$0x3] =	wrdreg s5  }
0xaa: {  	[dreg:$0x4] =	wrdreg $0xC0  }
0xab: {  	_ =	task [dreg:s7], $0x5FFFF  }
0xac: {  	[dreg:$0x1] =	wrdreg $0xFFFFFFFF  }
0xad: {  	[dreg:$0x0] =	wrdreg $0x60  }
0xae: {  	[dreg:$0x2] =	wrdreg s24  }
0xaf: {  	[dreg:$0x3] =	wrdreg s2  }
0xb0: {  	[dreg:$0x4] =	wrdreg $0x0  }
0xb1: {  	[dreg:$0x5] =	wrdreg $0x9  }
0xb2: {  	_ =	task.clear_ibuf [dreg:s7], $0x6FFFF;
	_ =	strace $0x90000049  }
0xb3: {  	s29 =	simm.s32 $0x9;
	_ =	strace $0x8000004B  }
0xb4: {  	_ =	swait.ge [sflag:s29], $0x1  }
0xb5: {  	[sflag:s29] =	ssyncadd.s32 $0xFFFFFFFF  }
0xb6: {  	_ =	strace $0x9000004B  }
0xb7: {  	_ =	sfence  }
0xb8: {  	s30 =	sld [smem:$0x0];
	_ =	sdelay $0x2  }
0xb9: {  	s31 =	sshll.u32 s1, $0xD;
	s1 =	sshrl.u32 s1, $0x2  }
0xba: {  	s3 =	sand.u32 $0x4000, s31;
	s1 =	sadd.s32 s1, s30  }
0xbb: {  	s0 =	sor.u32 s3, s0;
	s1 =	sshll.u32 s1, $0x11  }
0xbc: {  	s0 =	sor.u32 s1, s0  }
0xbd: {  	s0 =	sadd.s32 $0x8F2B, s0  }
0xbe: {  	[sflag:s0] =	ssyncadd.remote.s32 $0x1  }
0xbf: {  	_ =	sfence.sel $0xFFFF  }
0xc0: {  	[dreg:$0x0] =	wrdreg $0xFFFFFFFF;
	(pc) =	sbr.abs _section_cstart, $3  }
0xc1: {  	[dreg:$0x1] =	wrdreg $0xFFFFFFFF  }
0xc2: {  	_ =	task.clear_ibuf [dreg:s7], $0x2FFFF;
	_ =	strace $0x9FFFFFFF  }
0xc3: {  	(tm) =	ssettm $0x7FFFFFFF  }
tec
execute0_lowered:
.L_overlay_start_1:
0x0: {  	(tag) =	ssettag $0x1  }
0x1: {  	s1 =	srdreg.scid  }
0x2: {  	s0 =	rddreg [dreg:$0x0];
	s24 =	stileid.u32;
	s2 =	sand.u32 $0x1, s1  }
0x3: {  	s6 =	sadd.s32 $0x1A1E00, s0;
	s3 =	sadd.s32 $0x1C3000, s0;
	s5 =	sshll.u32 s24, $0x8  }
0x4: {  	s7 =	sshll.u32 s24, $0xE;
	s8 =	sshll.u32 s24, $0xB;
	s21 =	sshllo.u32 s24, $0x1  }
0x5: {  	s1 =	ssub.s32 $0x2, s2;
	s15 =	sadd.s32 s6, s5;
	s9 =	sor.u32 $0x400, s7  }
0x6: {  	s8 =	sadd.s32 s3, s8;
	s17 =	sor.u32 $0x800, s7;
	s11 =	sor.u32 $0xC00, s7  }
0x7: {  	s12 =	sor.u32 $0x1000, s7;
	s20 =	sor.u32 $0x1400, s7;
	[dreg:$0x6] =	wrdreg s15  }
0x8: {  	s14 =	sor.u32 $0x1800, s7;
	s4 =	sshrl.u32 s1, $0x1;
	[dreg:$0x7] =	wrdreg s8  }
0x9: {  	s16 =	sshrl.u32 s9, $0x3;
	s18 =	sshrl.u32 s11, $0x3;
	s19 =	sshrl.u32 s12, $0x3  }
0xa: {  	s1 =	ssub.s32 s1, s4;
	s4 =	sshll.u32 s2, $0x12;
	s8 =	sadd.s32 s3, s16  }
0xb: {  	s16 =	sshll.u32 s21, $0x7;
	s5 =	sor.u32 s7, s4;
	s9 =	sor.u32 s4, s9  }
0xc: {  	[dreg:$0x8] =	wrdreg s8;
	s10 =	sor.u32 s4, s17;
	s8 =	sshrl.u32 s17, $0x3  }
0xd: {  	s11 =	sor.u32 s4, s11;
	s12 =	sor.u32 s4, s12;
	s13 =	sor.u32 s4, s20  }
0xe: {  	s7 =	sor.u32 $0x1C00, s7;
	s6 =	sadd.s32 s6, s16;
	s8 =	sadd.s32 s3, s8  }
0xf: {  	s15 =	sor.u32 s4, s7;
	s7 =	sshrl.u32 s7, $0x3;
	[dreg:$0xe] =	wrdreg s6  }
0x10: {  	s6 =	sshll.u32 s21, $0xD;
	[dreg:$0x9] =	wrdreg s8;
	s8 =	sadd.s32 s3, s18  }
0x11: {  	s7 =	sadd.s32 s3, s7;
	s23 =	sor.u32 $0x400, s6;
	s26 =	sor.u32 $0x800, s6  }
0x12: {  	s17 =	sor.u32 $0xC00, s6;
	[dreg:$0xa] =	wrdreg s8;
	s8 =	sadd.s32 s3, s19  }
0x13: {  	[dreg:$0xf] =	wrdreg s7;
	s25 =	sor.u32 s4, s23;
	s7 =	sshrl.u32 s23, $0x3  }
0x14: {  	s18 =	sshrl.u32 s26, $0x3;
	s16 =	sor.u32 s4, s26;
	s19 =	sshrl.u32 s17, $0x3  }
0x15: {  	s17 =	sor.u32 s4, s17;
	[dreg:$0xb] =	wrdreg s8;
	s8 =	sshrl.u32 s20, $0x3  }
0x16: {  	s7 =	sadd.s32 s3, s7;
	s20 =	sor.u32 $0x1000, s6;
	s8 =	sadd.s32 s3, s8  }
0x17: {  	[dreg:$0x11] =	wrdreg s7;
	s7 =	sadd.s32 s3, s18;
	s18 =	sor.u32 s4, s20  }
0x18: {  	[dreg:$0xc] =	wrdreg s8;
	s8 =	sor.u32 s4, s14;
	s14 =	sshrl.u32 s14, $0x3  }
0x19: {  	[dreg:$0x12] =	wrdreg s7;
	s7 =	sadd.s32 s3, s19;
	s19 =	sor.u32 $0x1400, s6  }
0x1a: {  	s14 =	sadd.s32 s3, s14;
	[dreg:$0x13] =	wrdreg s7;
	s7 =	sshrl.u32 s20, $0x3  }
0x1b: {  	s20 =	sor.u32 $0x1800, s6;
	s8 =	sshrl.u32 s8, $0x3;
	[dreg:$0xd] =	wrdreg s14  }
0x1c: {  	s14 =	sshll.u32 s21, $0xA;
	s7 =	sadd.s32 s3, s7;
	s21 =	sshrl.u32 s19, $0x3  }
0x1d: {  	s19 =	sor.u32 s4, s19;
	s22 =	sadd.s32 s3, s14;
	[dreg:$0x14] =	wrdreg s7  }
0x1e: {  	s7 =	sadd.s32 s3, s21;
	s21 =	sor.u32 s4, s6;
	s6 =	sor.u32 $0x1C00, s6  }
0x1f: {  	s14 =	sshrl.u32 s25, $0x3;
	[dreg:$0x10] =	wrdreg s22;
	s22 =	sor.u32 s4, s20  }
0x20: {  	s20 =	sshrl.u32 s20, $0x3;
	s4 =	sor.u32 s4, s6;
	s6 =	sshrl.u32 s6, $0x3  }
0x21: {  	[dreg:$0x15] =	wrdreg s7;
	s20 =	sadd.s32 s3, s20;
	s3 =	sadd.s32 s3, s6  }
0x22: {  	s6 =	sshrl.u32 s10, $0x3;
	s10 =	sshrl.u32 s12, $0x3;
	s12 =	sshrl.u32 s15, $0x3  }
0x23: {  	s15 =	sshrl.u32 s16, $0x3;
	s16 =	sshrl.u32 s17, $0x3;
	s17 =	sshrl.u32 s18, $0x3  }
0x24: {  	s18 =	sshrl.u32 s19, $0x3;
	s19 =	sadd.s32 $0x1B3000, s0;
	[dreg:$0x16] =	wrdreg s20  }
0x25: {  	[dreg:$0x17] =	wrdreg s3;
	s3 =	sshrl.u32 s5, $0x3;
	s26 =	sadd.s32 s19, s6  }
0x26: {  	s5 =	sshrl.u32 s9, $0x3;
	s23 =	sadd.s32 s19, s3;
	[dreg:$0x1a] =	wrdreg s26  }
0x27: {  	s9 =	sshrl.u32 s11, $0x3;
	s25 =	sadd.s32 s19, s5;
	[dreg:$0x18] =	wrdreg s23  }
0x28: {  	s7 =	sshrl.u32 s22, $0x3;
	s22 =	sadd.s32 s19, s9;
	[dreg:$0x19] =	wrdreg s25  }
0x29: {  	s20 =	sadd.s32 $0x1A3000, s0;
	s26 =	sadd.s32 s19, s8;
	[dreg:$0x1b] =	wrdreg s22  }
0x2a: {  	s3 =	sadd.s32 s20, s3;
	[dreg:$0x1e] =	wrdreg s26  }
0x2b: {  	s5 =	sadd.s32 s20, s5;
	[smem:$0x7E7] =	sst s3  }
0x2c: {  	s11 =	sshrl.u32 s13, $0x3;
	s6 =	sadd.s32 s20, s6;
	[smem:$0x7E8] =	sst s5  }
0x2d: {  	s13 =	sshrl.u32 s21, $0x3;
	s21 =	sadd.s32 s20, s10;
	[smem:$0x7E9] =	sst s6  }
0x2e: {  	s23 =	sadd.s32 s19, s10;
	[smem:$0x7EB] =	sst s21  }
0x2f: {  	s25 =	sadd.s32 s19, s11;
	[dreg:$0x1c] =	wrdreg s23  }
0x30: {  	s22 =	sadd.s32 s19, s12;
	[dreg:$0x1d] =	wrdreg s25  }
0x31: {  	s29 =	simm.s32 $0xC680;
	s26 =	sadd.s32 s19, s15;
	[dreg:$0x1f] =	wrdreg s22  }
0x32: {  	s30 =	simm.s32 $0xCA80;
	s5 =	sadd.s32 s20, s14;
	[smem:$0x7E1] =	sst s26  }
0x33: {  	s28 =	sadd.s32 $0x189600, s0;
	s6 =	sadd.s32 s20, s15;
	[smem:$0x7F0] =	sst s5  }
0x34: {  	p0 =	sne.s32 s2, $0x0;
	s10 =	sadd.s32 s20, s17;
	[smem:$0x7F1] =	sst s6  }
0x35: {  	p1 =	seq.s32 s2, $0x0;
	s23 =	sadd.s32 s19, s13;
	[smem:$0x7F3] =	sst s10  }
0x36: {  	s1 =	smax.u32 s1, $0x1;
	s25 =	sadd.s32 s19, s14;
	[smem:$0x7DF] =	sst s23  }
0x37: {  	s4 =	sshrl.u32 s4, $0x3;
	s22 =	sadd.s32 s19, s16;
	[smem:$0x7E0] =	sst s25  }
0x38: {  	s15 =	sadd.s32 $0x2C00, s0;
	s26 =	sadd.s32 s19, s7;
	[smem:$0x7E2] =	sst s22  }
0x39: {  	s0 =	sadd.s32 $0x1A2E00, s0;
	s23 =	sadd.s32 s19, s17;
	[smem:$0x7E5] =	sst s26  }
0x3a: {  	s14 =	smul.u32 $0xC400, s24;
	s25 =	sadd.s32 s19, s18;
	[smem:$0x7E3] =	sst s23  }
0x3b: {  	s5 =	simm.s32 $0x80;
	s19 =	sadd.s32 s19, s4;
	[smem:$0x7E4] =	sst s25  }
0x3c: {  	s6 =	simm.s32 $0xCB80;
	s22 =	sadd.s32 s20, s11;
	[smem:$0x7E6] =	sst s19  }
0x3d: {  	s26 =	sadd.s32 s20, s13;
	s11 =	sadd.s32 s20, s18;
	[smem:$0x7EC] =	sst s22  }
0x3e: {  	s13 =	sadd.s32 s20, s7;
	s4 =	sadd.s32 s20, s4;
	[smem:$0x7EF] =	sst s26  }
0x3f: {  	s17 =	simm.s32 $0x400;
	s18 =	sshll.u32 s24, $0x1;
	[smem:$0x7F4] =	sst s11  }
0x40: {  	s7 =	simm.s32 $0x1;
	s19 =	sadd.s32 s20, s9;
	[smem:$0x7F5] =	sst s13  }
0x41: {  	s23 =	sadd.s32 s20, s8;
	s25 =	sadd.s32 s20, s12;
	[smem:$0x7F6] =	sst s4  }
0x42: {  	s8 =	sadd.s32 s20, s16;
	s9 =	smul.u32 $0x62000, s24;
	[smem:$0x7EA] =	sst s19  }
0x43: {  	s12 =	smul.u32 $0x31000, s2;
	s22 =	simm.s32 $0x0;
	[smem:$0x7ED] =	sst s23  }
0x44: {  	s16 =	smul.u32 $0x6200, s2;
	s4 =	sadd.s32 s14, s15;
	[smem:$0x7EE] =	sst s25  }
0x45: {  	s20 =	smul.u32 $0x30E00, s24;
	s26 =	sshll.u32 s24, $0x6;
	[smem:$0x7F2] =	sst s8  }
0x46: {  	s11 =	simm.s32 $0xCF80;
	s13 =	simm.s32 $0xC800;
	[smem:$0x7FF] =	sst s22  }
0x47: {  	s14 =	simm.s32 $0x3;
	s24 =	simm.s32 $0xC600;
	s23 =	rddreg [dreg:$0x2]  }
0x48: {  	s19 =	simm.s32 $0x61A800;
	s8 =	simm.s32 $0xC780;
	s3 =	sadd.s32 s12, s9  }
0x49: {  	s4 =	sadd.s32 s16, s4;
	s25 =	sshrl.u32 s20, $0x2;
	s3 =	sadd.s32 $0x61A800, s3  }
0x4a: {  	s12 =	simm.s32 $0x2;
	s16 =	simm.s32 $0xC880;
	s3 =	sshrl.u32 s3, $0x3  }
0x4b: {  	s20 =	simm.s32 $0xC580;
	[smem:$0x7F7] =	sst s4;
	s3 =	sadd.s32 s3, s15  }
0x4c: {  	s9 =	simm.s32 $0x0;
	s4 =	simm.s32 $0xC380;
	[smem:$0x7F8] =	sst s3  }
0x4d: {  	s15 =	simm.s32 $0xC480;
	_ =	strace $0x8000004A;
	[dreg:$0x4] =	wrdreg s17  }
0x4e: {  	s3 =	sor.u32 s2, s18;
	s2 =	sor.u32 $0x1C05, s26;
	[dreg:$0x5] =	wrdreg s19  }
0x4f: {  	s26 =	simm.s32 $0xC400;
	s18 =	simm.s32 $0xC500;
	[smem:$0x7F9] =	sst s0  }
0x50: {  	s21 =	smul.u32 $0xC4, s3;
	s0 =	sadd.s32 s25, s23;
	[smem:$0x7FA] =	sst s2  }
.Ltmp0:
0x51: {  	[smem:$0x7FB] =	sst s1;
	s17 =	simm.s32 $0x4;
	(pc) =	sbr.rel .LBB2_1-.Ltmp0, $4  }
0x52: {  	s19 =	simm.s32 $0xC900;
	s25 =	simm.s32 $0xCA00;
	s2 =	simm.s32 $0xCB00  }
0x53: {  	s0 =	sshrl.u32 s0, $0x3;
	s3 =	smin.u32 s21, $0x17A6;
	[smem:$0x7FC] =	sst s21  }
0x54: {  	[smem:$0x7FD] =	sst s0;
	s0 =	simm.s32 $0xC700;
	s31 =	sadd.s32 $0xC4, s3  }
0x55: {  	s3 =	simm.s32 $0x5;
	p2 =	sge.u32 s21, s31;
	s21 =	simm.s32 $0xC980  }
.LBB2_8:
0x56: {  	[sflag:s17] =	ssyncadd.s32 $0xFFFFFC00;
	s9 =	sld [smem:$0x7DE]  }
.LBB2_9:
0x57: {  	[bflag:$0x0] =	sbarrier.arrive $0xFFFF  }
0x58: {  	s1 =	rddreg [dreg:$0x6]  }
0x59: {  	[tilespmem:s4], [sflag:$0x5] =	stream.linear.gather [hbm4b:s1+s22], $0x400, $0x38;
	[tilespmem:$0xD380] =	vst v63  }
0x5a: {  	_ =	swait.ge [sflag:s3], $0x400  }
0x5b: {  	[sflag:s3] =	ssyncset.done $0x0  }
0x5c: {  	[sflag:s3] =	ssyncadd.s32 $0xFFFFFC00  }
0x5d: {  	[tilespmem:s6], [sflag:$0x1] =	stream.indirect.gather [spmem:s23], $0x8, s4, s5, $0xb8;
	[tilespmem:$0xD380] =	vst v63  }
0x5e: {  	_ =	swait.ge [sflag:s7], $0x400  }
0x5f: {  	s26 =	sld [smem:$0x7E7]  }
0x60: {  	[sflag:s7] =	ssyncset.done $0x0  }
0x61: {  	[sflag:s7] =	ssyncadd.s32 $0xFFFFFC00  }
0x62: {  	[hbm4b:s26+s22] =	stream.linear.scatter [tilespmem:s6], [sflag:$0x5], $0x400, $0x38;
	[tilespmem:$0xD380] =	vst v63  }
0x63: {  	_ =	swait.ge [sflag:s3], $0x400  }
0x64: {  	[sflag:s3] =	ssyncset.done $0x0  }
0x65: {  	s26 =	simm.s32 $0xC400;
	[sflag:s3] =	ssyncadd.s32 $0xFFFFFC00  }
0x66: {  	[tilespmem:s6], [sflag:$0x1] =	stream.indirect.gather [spmem:s23], $0x8, s26, s5, $0xb8;
	[tilespmem:$0xD380] =	vst v63  }
0x67: {  	_ =	swait.ge [sflag:s7], $0x400  }
0x68: {  	s10 =	sld [smem:$0x7E8]  }
0x69: {  	[sflag:s7] =	ssyncset.done $0x0  }
0x6a: {  	[sflag:s7] =	ssyncadd.s32 $0xFFFFFC00  }
0x6b: {  	[hbm4b:s10+s22] =	stream.linear.scatter [tilespmem:s6], [sflag:$0x5], $0x400, $0x38;
	[tilespmem:$0xD380] =	vst v63  }
0x6c: {  	_ =	swait.ge [sflag:s3], $0x400  }
0x6d: {  	[sflag:s3] =	ssyncset.done $0x0  }
0x6e: {  	[sflag:s3] =	ssyncadd.s32 $0xFFFFFC00  }
0x6f: {  	[tilespmem:s6], [sflag:$0x1] =	stream.indirect.gather [spmem:s23], $0x8, s15, s5, $0xb8;
	[tilespmem:$0xD380] =	vst v63  }
0x70: {  	_ =	swait.ge [sflag:s7], $0x400  }
0x71: {  	s10 =	sld [smem:$0x7E9]  }
0x72: {  	[sflag:s7] =	ssyncset.done $0x0  }
0x73: {  	[sflag:s7] =	ssyncadd.s32 $0xFFFFFC00  }
0x74: {  	[hbm4b:s10+s22] =	stream.linear.scatter [tilespmem:s6], [sflag:$0x5], $0x400, $0x38;
	[tilespmem:$0xD380] =	vst v63  }
0x75: {  	_ =	swait.ge [sflag:s3], $0x400  }
0x76: {  	[sflag:s3] =	ssyncset.done $0x0  }
0x77: {  	[sflag:s3] =	ssyncadd.s32 $0xFFFFFC00  }
0x78: {  	[tilespmem:s6], [sflag:$0x1] =	stream.indirect.gather [spmem:s23], $0x8, s18, s5, $0xb8;
	[tilespmem:$0xD380] =	vst v63  }
0x79: {  	_ =	swait.ge [sflag:s7], $0x400  }
0x7a: {  	s10 =	sld [smem:$0x7EA]  }
0x7b: {  	[sflag:s7] =	ssyncset.done $0x0  }
0x7c: {  	[sflag:s7] =	ssyncadd.s32 $0xFFFFFC00  }
0x7d: {  	[hbm4b:s10+s22] =	stream.linear.scatter [tilespmem:s6], [sflag:$0x5], $0x400, $0x38;
	[tilespmem:$0xD380] =	vst v63  }
0x7e: {  	_ =	swait.ge [sflag:s3], $0x400  }
0x7f: {  	[sflag:s3] =	ssyncset.done $0x0  }
0x80: {  	[sflag:s3] =	ssyncadd.s32 $0xFFFFFC00  }
0x81: {  	[tilespmem:s6], [sflag:$0x1] =	stream.indirect.gather [spmem:s23], $0x8, s20, s5, $0xb8;
	[tilespmem:$0xD380] =	vst v63  }
0x82: {  	_ =	swait.ge [sflag:s7], $0x400  }
0x83: {  	s10 =	sld [smem:$0x7EB]  }
0x84: {  	[sflag:s7] =	ssyncset.done $0x0  }
0x85: {  	[sflag:s7] =	ssyncadd.s32 $0xFFFFFC00  }
0x86: {  	[hbm4b:s10+s22] =	stream.linear.scatter [tilespmem:s6], [sflag:$0x5], $0x400, $0x38;
	[tilespmem:$0xD380] =	vst v63  }
0x87: {  	_ =	swait.ge [sflag:s3], $0x400  }
0x88: {  	[sflag:s3] =	ssyncset.done $0x0  }
0x89: {  	[sflag:s3] =	ssyncadd.s32 $0xFFFFFC00  }
0x8a: {  	[tilespmem:s6], [sflag:$0x1] =	stream.indirect.gather [spmem:s23], $0x8, s24, s5, $0xb8;
	[tilespmem:$0xD380] =	vst v63  }
0x8b: {  	_ =	swait.ge [sflag:s7], $0x400  }
0x8c: {  	s10 =	sld [smem:$0x7EC]  }
0x8d: {  	[sflag:s7] =	ssyncset.done $0x0  }
0x8e: {  	[sflag:s7] =	ssyncadd.s32 $0xFFFFFC00  }
0x8f: {  	[hbm4b:s10+s22] =	stream.linear.scatter [tilespmem:s6], [sflag:$0x5], $0x400, $0x38;
	[tilespmem:$0xD380] =	vst v63  }
0x90: {  	_ =	swait.ge [sflag:s3], $0x400  }
0x91: {  	[sflag:s3] =	ssyncset.done $0x0  }
0x92: {  	[sflag:s3] =	ssyncadd.s32 $0xFFFFFC00  }
0x93: {  	[tilespmem:s6], [sflag:$0x1] =	stream.indirect.gather [spmem:s23], $0x8, s29, s5, $0xb8;
	[tilespmem:$0xD380] =	vst v63  }
0x94: {  	_ =	swait.ge [sflag:s7], $0x400  }
0x95: {  	s10 =	sld [smem:$0x7ED]  }
0x96: {  	[sflag:s7] =	ssyncset.done $0x0  }
0x97: {  	[sflag:s7] =	ssyncadd.s32 $0xFFFFFC00  }
0x98: {  	[hbm4b:s10+s22] =	stream.linear.scatter [tilespmem:s6], [sflag:$0x5], $0x400, $0x38;
	[tilespmem:$0xD380] =	vst v63  }
0x99: {  	_ =	swait.ge [sflag:s3], $0x400  }
0x9a: {  	[sflag:s3] =	ssyncset.done $0x0  }
0x9b: {  	[sflag:s3] =	ssyncadd.s32 $0xFFFFFC00  }
0x9c: {  	[tilespmem:s6], [sflag:$0x1] =	stream.indirect.gather [spmem:s23], $0x8, s0, s5, $0xb8;
	[tilespmem:$0xD380] =	vst v63  }
0x9d: {  	_ =	swait.ge [sflag:s7], $0x400  }
0x9e: {  	s10 =	sld [smem:$0x7EE]  }
0x9f: {  	[sflag:s7] =	ssyncset.done $0x0  }
0xa0: {  	[sflag:s7] =	ssyncadd.s32 $0xFFFFFC00  }
0xa1: {  	[hbm4b:s10+s22] =	stream.linear.scatter [tilespmem:s6], [sflag:$0x5], $0x400, $0x38;
	[tilespmem:$0xD380] =	vst v63  }
0xa2: {  	_ =	swait.ge [sflag:s3], $0x400  }
0xa3: {  	[sflag:s3] =	ssyncset.done $0x0  }
0xa4: {  	s10 =	rddreg [dreg:$0xe];
	[sflag:s3] =	ssyncadd.s32 $0xFFFFFC00  }
0xa5: {  	[tilespmem:s4], [sflag:$0x5] =	stream.linear.gather [hbm4b:s10+s22], $0x400, $0x38;
	[tilespmem:$0xD380] =	vst v63  }
0xa6: {  	_ =	swait.ge [sflag:s3], $0x400  }
0xa7: {  	[sflag:s3] =	ssyncset.done $0x0  }
0xa8: {  	[sflag:s3] =	ssyncadd.s32 $0xFFFFFC00  }
0xa9: {  	[tilespmem:s6], [sflag:$0x1] =	stream.indirect.gather [spmem:s23], $0x8, s4, s5, $0xb8;
	[tilespmem:$0xD380] =	vst v63  }
0xaa: {  	_ =	swait.ge [sflag:s7], $0x400  }
0xab: {  	s10 =	sld [smem:$0x7EF]  }
0xac: {  	[sflag:s7] =	ssyncset.done $0x0  }
0xad: {  	[sflag:s7] =	ssyncadd.s32 $0xFFFFFC00  }
0xae: {  	[hbm4b:s10+s22] =	stream.linear.scatter [tilespmem:s6], [sflag:$0x5], $0x400, $0x38;
	[tilespmem:$0xD380] =	vst v63  }
0xaf: {  	_ =	swait.ge [sflag:s3], $0x400  }
0xb0: {  	[sflag:s3] =	ssyncset.done $0x0  }
0xb1: {  	[sflag:s3] =	ssyncadd.s32 $0xFFFFFC00  }
0xb2: {  	[tilespmem:s6], [sflag:$0x1] =	stream.indirect.gather [spmem:s23], $0x8, s26, s5, $0xb8;
	[tilespmem:$0xD380] =	vst v63  }
0xb3: {  	_ =	swait.ge [sflag:s7], $0x400  }
0xb4: {  	s10 =	sld [smem:$0x7F0]  }
0xb5: {  	[sflag:s7] =	ssyncset.done $0x0  }
0xb6: {  	[sflag:s7] =	ssyncadd.s32 $0xFFFFFC00  }
0xb7: {  	[hbm4b:s10+s22] =	stream.linear.scatter [tilespmem:s6], [sflag:$0x5], $0x400, $0x38;
	[tilespmem:$0xD380] =	vst v63  }
0xb8: {  	_ =	swait.ge [sflag:s3], $0x400  }
0xb9: {  	[sflag:s3] =	ssyncset.done $0x0  }
0xba: {  	[sflag:s3] =	ssyncadd.s32 $0xFFFFFC00  }
0xbb: {  	[tilespmem:s6], [sflag:$0x1] =	stream.indirect.gather [spmem:s23], $0x8, s15, s5, $0xb8;
	[tilespmem:$0xD380] =	vst v63  }
0xbc: {  	_ =	swait.ge [sflag:s7], $0x400  }
0xbd: {  	s10 =	sld [smem:$0x7F1]  }
0xbe: {  	[sflag:s7] =	ssyncset.done $0x0  }
0xbf: {  	[sflag:s7] =	ssyncadd.s32 $0xFFFFFC00  }
0xc0: {  	[hbm4b:s10+s22] =	stream.linear.scatter [tilespmem:s6], [sflag:$0x5], $0x400, $0x38;
	[tilespmem:$0xD380] =	vst v63  }
0xc1: {  	_ =	swait.ge [sflag:s3], $0x400  }
0xc2: {  	[sflag:s3] =	ssyncset.done $0x0  }
0xc3: {  	[sflag:s3] =	ssyncadd.s32 $0xFFFFFC00  }
0xc4: {  	[tilespmem:s6], [sflag:$0x1] =	stream.indirect.gather [spmem:s23], $0x8, s18, s5, $0xb8;
	[tilespmem:$0xD380] =	vst v63  }
0xc5: {  	_ =	swait.ge [sflag:s7], $0x400  }
0xc6: {  	s10 =	sld [smem:$0x7F2]  }
0xc7: {  	[sflag:s7] =	ssyncset.done $0x0  }
0xc8: {  	[sflag:s7] =	ssyncadd.s32 $0xFFFFFC00  }
0xc9: {  	[hbm4b:s10+s22] =	stream.linear.scatter [tilespmem:s6], [sflag:$0x5], $0x400, $0x38;
	[tilespmem:$0xD380] =	vst v63  }
0xca: {  	_ =	swait.ge [sflag:s3], $0x400  }
0xcb: {  	[sflag:s3] =	ssyncset.done $0x0  }
0xcc: {  	[sflag:s3] =	ssyncadd.s32 $0xFFFFFC00  }
0xcd: {  	[tilespmem:s6], [sflag:$0x1] =	stream.indirect.gather [spmem:s23], $0x8, s20, s5, $0xb8;
	[tilespmem:$0xD380] =	vst v63  }
0xce: {  	_ =	swait.ge [sflag:s7], $0x400  }
0xcf: {  	s10 =	sld [smem:$0x7F3]  }
0xd0: {  	[sflag:s7] =	ssyncset.done $0x0  }
0xd1: {  	[sflag:s7] =	ssyncadd.s32 $0xFFFFFC00  }
0xd2: {  	[hbm4b:s10+s22] =	stream.linear.scatter [tilespmem:s6], [sflag:$0x5], $0x400, $0x38;
	[tilespmem:$0xD380] =	vst v63  }
0xd3: {  	_ =	swait.ge [sflag:s3], $0x400  }
0xd4: {  	[sflag:s3] =	ssyncset.done $0x0  }
0xd5: {  	[sflag:s3] =	ssyncadd.s32 $0xFFFFFC00  }
0xd6: {  	[tilespmem:s6], [sflag:$0x1] =	stream.indirect.gather [spmem:s23], $0x8, s24, s5, $0xb8;
	[tilespmem:$0xD380] =	vst v63  }
0xd7: {  	_ =	swait.ge [sflag:s7], $0x400  }
0xd8: {  	s10 =	sld [smem:$0x7F4]  }
0xd9: {  	[sflag:s7] =	ssyncset.done $0x0  }
0xda: {  	[sflag:s7] =	ssyncadd.s32 $0xFFFFFC00  }
0xdb: {  	[hbm4b:s10+s22] =	stream.linear.scatter [tilespmem:s6], [sflag:$0x5], $0x400, $0x38;
	[tilespmem:$0xD380] =	vst v63  }
0xdc: {  	_ =	swait.ge [sflag:s3], $0x400  }
0xdd: {  	[sflag:s3] =	ssyncset.done $0x0  }
0xde: {  	[sflag:s3] =	ssyncadd.s32 $0xFFFFFC00  }
0xdf: {  	[tilespmem:s6], [sflag:$0x1] =	stream.indirect.gather [spmem:s23], $0x8, s29, s5, $0xb8;
	[tilespmem:$0xD380] =	vst v63  }
0xe0: {  	_ =	swait.ge [sflag:s7], $0x400  }
0xe1: {  	s10 =	sld [smem:$0x7F5]  }
0xe2: {  	[sflag:s7] =	ssyncset.done $0x0  }
0xe3: {  	[sflag:s7] =	ssyncadd.s32 $0xFFFFFC00  }
0xe4: {  	[hbm4b:s10+s22] =	stream.linear.scatter [tilespmem:s6], [sflag:$0x5], $0x400, $0x38;
	[tilespmem:$0xD380] =	vst v63  }
0xe5: {  	_ =	swait.ge [sflag:s3], $0x400  }
0xe6: {  	[sflag:s3] =	ssyncset.done $0x0  }
0xe7: {  	[sflag:s3] =	ssyncadd.s32 $0xFFFFFC00  }
0xe8: {  	[tilespmem:s6], [sflag:$0x1] =	stream.indirect.gather [spmem:s23], $0x8, s0, s5, $0xb8;
	[tilespmem:$0xD380] =	vst v63  }
0xe9: {  	_ =	swait.ge [sflag:s7], $0x400  }
0xea: {  	s10 =	sld [smem:$0x7F6]  }
0xeb: {  	[sflag:s7] =	ssyncset.done $0x0  }
0xec: {  	[sflag:s7] =	ssyncadd.s32 $0xFFFFFC00  }
0xed: {  	[hbm4b:s10+s22] =	stream.linear.scatter [tilespmem:s6], [sflag:$0x5], $0x400, $0x38;
	[tilespmem:$0xD380] =	vst v63  }
0xee: {  	_ =	swait.ge [sflag:s3], $0x400  }
0xef: {  	s10 =	sld [smem:$0x7FB];
	_ =	sdelay $0x1  }
0xf0: {  	s9 =	sadd.s32 $0x1, s9  }
0xf1: {  	p3 =	sne.s32 s9, s10  }
.Ltmp1:
0xf2: {  	_ = 	snop;
	(pc) =	sbr.rel @!p3 .LBB2_10-.Ltmp1, $3  }
0xf3: {  	_ =	sdelay $0x1  }
0xf4: {  	[sflag:s3] =	ssyncset.done $0x0  }
0xf5: {  	[sflag:s3] =	ssyncadd.s32 $0xFFFFFC00  }
.LBB2_1:
0xf6: {  	[smem:$0x7DE] =	sst s9  }
0xf7: {  	s9 =	sld [smem:$0x7FA]  }
0xf8: {  	s10 =	sld [smem:$0x7FD];
	_ =	sdelay $0x1  }
0xf9: {  	s1 =	rddreg [dreg:$0x1]  }
0xfa: {  	[spmem:s10], [sflag:s9] =	dma.local [hbm:s1], $0x1870  }
.Ltmp2:
0xfb: {  	_ =	swait.ge [sflag:s3], $0x1870;
	(pc) =	sbr.rel @p2 .LBB2_5-.Ltmp2, $3  }
0xfc: {  	[sflag:s3] =	ssyncset.done $0x0  }
0xfd: {  	[sflag:s3] =	ssyncadd.s32 $0xFFFFE790  }
0xfe: {  	[bflag:$0x0] =	sbarrier.arrive $0xFFFF;
	_ =	sdelay $0x1  }
0xff: {  	s10 =	sld [smem:$0x7F7]  }
0x100: {  	s1 =	rddreg [dreg:$0x4]  }
0x101: {  	s9 =	rddreg [dreg:$0x5]  }
0x102: {  	[tilespmem:s4], [sflag:$0x5] =	stream.strided.gather [hbm4b:s10+s1], $0x800, s9, s1, $0x38;
	[tilespmem:$0xD380] =	vst v63  }
0x103: {  	_ =	swait.ge [sflag:s3], $0x800  }
0x104: {  	[sflag:s3] =	ssyncset.done $0x0  }
0x105: {  	[sflag:s3] =	ssyncadd.s32 $0xFFFFF800  }
0x106: {  	[tilespmem:s6], [sflag:$0x1] =	stream.indirect.gather [hbm4b:s28+s5], $0x8, s4, s5, $0xb8;
	[tilespmem:$0xD380] =	vst v63  }
0x107: {  	_ =	swait.ge [sflag:s7], $0x400  }
0x108: {  	[sflag:s7] =	ssyncset.done $0x0  }
0x109: {  	[sflag:s7] =	ssyncadd.s32 $0xFFFFFC00  }
0x10a: {  	[spmem:s23] =	stream.indirect.scatter.add.f32 [tilespmem:s6], [sflag:$0x3], $0x8, s8, s5, $0xb8;
	[tilespmem:$0xD380] =	vst v63  }
0x10b: {  	_ = 	snop  }
0x10c: {  	[tilespmem:s11], [sflag:$0x2] =	stream.indirect.gather [hbm4b:s28+s5], $0x8, s26, s5, $0xb8;
	[tilespmem:$0xD380] =	vst v63  }
0x10d: {  	_ =	swait.ge [sflag:s12], $0x400  }
0x10e: {  	[sflag:s12] =	ssyncset.done $0x0  }
0x10f: {  	[sflag:s12] =	ssyncadd.s32 $0xFFFFFC00  }
0x110: {  	[spmem:s23] =	stream.indirect.scatter.add.f32 [tilespmem:s11], [sflag:$0x4], $0x8, s13, s5, $0xb8;
	[tilespmem:$0xD380] =	vst v63  }
0x111: {  	_ =	swait.ge [sflag:s14], $0x400  }
0x112: {  	[sflag:s14] =	ssyncset.done $0x0  }
0x113: {  	[sflag:s14] =	ssyncadd.s32 $0xFFFFFC00  }
0x114: {  	[tilespmem:s6], [sflag:$0x1] =	stream.indirect.gather [hbm4b:s28+s5], $0x8, s15, s5, $0xb8;
	[tilespmem:$0xD380] =	vst v63  }
0x115: {  	_ =	swait.ge [sflag:s7], $0x400  }
0x116: {  	[sflag:s7] =	ssyncset.done $0x0  }
0x117: {  	[sflag:s7] =	ssyncadd.s32 $0xFFFFFC00  }
0x118: {  	[spmem:s23] =	stream.indirect.scatter.add.f32 [tilespmem:s6], [sflag:$0x3], $0x8, s16, s5, $0xb8;
	[tilespmem:$0xD380] =	vst v63  }
0x119: {  	_ =	swait.ge [sflag:s17], $0x400  }
0x11a: {  	[sflag:s17] =	ssyncset.done $0x0  }
0x11b: {  	[sflag:s17] =	ssyncadd.s32 $0xFFFFFC00  }
0x11c: {  	[tilespmem:s11], [sflag:$0x2] =	stream.indirect.gather [hbm4b:s28+s5], $0x8, s18, s5, $0xb8;
	[tilespmem:$0xD380] =	vst v63  }
0x11d: {  	_ =	swait.ge [sflag:s12], $0x400  }
0x11e: {  	[sflag:s12] =	ssyncset.done $0x0  }
0x11f: {  	[sflag:s12] =	ssyncadd.s32 $0xFFFFFC00  }
0x120: {  	[spmem:s23] =	stream.indirect.scatter.add.f32 [tilespmem:s11], [sflag:$0x4], $0x8, s19, s5, $0xb8;
	[tilespmem:$0xD380] =	vst v63  }
0x121: {  	_ =	swait.ge [sflag:s14], $0x400  }
0x122: {  	[sflag:s14] =	ssyncset.done $0x0  }
0x123: {  	[sflag:s14] =	ssyncadd.s32 $0xFFFFFC00  }
0x124: {  	[tilespmem:s6], [sflag:$0x1] =	stream.indirect.gather [hbm4b:s28+s5], $0x8, s20, s5, $0xb8;
	[tilespmem:$0xD380] =	vst v63  }
0x125: {  	_ =	swait.ge [sflag:s7], $0x400  }
0x126: {  	[sflag:s7] =	ssyncset.done $0x0  }
0x127: {  	[sflag:s7] =	ssyncadd.s32 $0xFFFFFC00  }
0x128: {  	[spmem:s23] =	stream.indirect.scatter.add.f32 [tilespmem:s6], [sflag:$0x3], $0x8, s21, s5, $0xb8;
	[tilespmem:$0xD380] =	vst v63  }
0x129: {  	_ =	swait.ge [sflag:s17], $0x400  }
0x12a: {  	[sflag:s17] =	ssyncset.done $0x0  }
0x12b: {  	[sflag:s17] =	ssyncadd.s32 $0xFFFFFC00  }
0x12c: {  	[tilespmem:s11], [sflag:$0x2] =	stream.indirect.gather [hbm4b:s28+s5], $0x8, s24, s5, $0xb8;
	[tilespmem:$0xD380] =	vst v63  }
0x12d: {  	_ =	swait.ge [sflag:s12], $0x400  }
0x12e: {  	[sflag:s12] =	ssyncset.done $0x0  }
0x12f: {  	[sflag:s12] =	ssyncadd.s32 $0xFFFFFC00  }
0x130: {  	[spmem:s23] =	stream.indirect.scatter.add.f32 [tilespmem:s11], [sflag:$0x4], $0x8, s25, s5, $0xb8;
	[tilespmem:$0xD380] =	vst v63  }
0x131: {  	_ =	swait.ge [sflag:s14], $0x400  }
0x132: {  	[sflag:s14] =	ssyncset.done $0x0  }
0x133: {  	[sflag:s14] =	ssyncadd.s32 $0xFFFFFC00  }
0x134: {  	[tilespmem:s6], [sflag:$0x1] =	stream.indirect.gather [hbm4b:s28+s5], $0x8, s29, s5, $0xb8;
	[tilespmem:$0xD380] =	vst v63  }
0x135: {  	_ =	swait.ge [sflag:s7], $0x400  }
0x136: {  	[sflag:s7] =	ssyncset.done $0x0  }
0x137: {  	[sflag:s7] =	ssyncadd.s32 $0xFFFFFC00  }
0x138: {  	[spmem:s23] =	stream.indirect.scatter.add.f32 [tilespmem:s6], [sflag:$0x3], $0x8, s30, s5, $0xb8;
	[tilespmem:$0xD380] =	vst v63  }
0x139: {  	_ =	swait.ge [sflag:s17], $0x400  }
0x13a: {  	[sflag:s17] =	ssyncset.done $0x0  }
0x13b: {  	[sflag:s17] =	ssyncadd.s32 $0xFFFFFC00  }
0x13c: {  	[tilespmem:s11], [sflag:$0x2] =	stream.indirect.gather [hbm4b:s28+s5], $0x8, s0, s5, $0xb8;
	[tilespmem:$0xD380] =	vst v63  }
0x13d: {  	_ =	swait.ge [sflag:s12], $0x400  }
0x13e: {  	[sflag:s12] =	ssyncset.done $0x0  }
0x13f: {  	[sflag:s12] =	ssyncadd.s32 $0xFFFFFC00  }
0x140: {  	[spmem:s23] =	stream.indirect.scatter.add.f32 [tilespmem:s11], [sflag:$0x4], $0x8, s2, s5, $0xb8;
	[tilespmem:$0xD380] =	vst v63  }
0x141: {  	_ =	swait.ge [sflag:s14], $0x400  }
0x142: {  	s26 =	sld [smem:$0x7FC];
	_ =	sdelay $0x2  }
0x143: {  	s1 =	sadd.s32 $0x1, s26  }
0x144: {  	p3 =	slt.u32 s1, s31  }
.Ltmp3:
0x145: {  	_ = 	snop;
	(pc) =	sbr.rel @!p3 .LBB2_4-.Ltmp3, $4  }
0x146: {  	[sflag:s14] =	ssyncset.done $0x0  }
0x147: {  	[sflag:s14] =	ssyncadd.s32 $0xFFFFFC00  }
0x148: {  	_ =	swait.ge [sflag:s17], $0x400  }
0x149: {  	s9 =	sadd.s32 $0x80, s10;
	[sflag:s17] =	ssyncset.done $0x0  }
.LBB2_3:
0x14a: {  	s26 =	rddreg [dreg:$0x4]  }
0x14b: {  	[sflag:s17] =	ssyncadd.s32 $0xFFFFFC00;
	s10 =	rddreg [dreg:$0x5]  }
0x14c: {  	[tilespmem:s4], [sflag:$0x5] =	stream.strided.gather [hbm4b:s9+s26], $0x800, s10, s26, $0x38;
	[tilespmem:$0xD380] =	vst v63  }
0x14d: {  	_ =	swait.ge [sflag:s3], $0x800  }
0x14e: {  	[sflag:s3] =	ssyncset.done $0x0  }
0x14f: {  	[sflag:s3] =	ssyncadd.s32 $0xFFFFF800  }
0x150: {  	[tilespmem:s6], [sflag:$0x1] =	stream.indirect.gather [hbm4b:s28+s5], $0x8, s4, s5, $0xb8;
	[tilespmem:$0xD380] =	vst v63  }
0x151: {  	_ =	swait.ge [sflag:s7], $0x400  }
0x152: {  	[sflag:s7] =	ssyncset.done $0x0  }
0x153: {  	[sflag:s7] =	ssyncadd.s32 $0xFFFFFC00  }
0x154: {  	[spmem:s23] =	stream.indirect.scatter.add.f32 [tilespmem:s6], [sflag:$0x3], $0x8, s8, s5, $0xb8;
	[tilespmem:$0xD380] =	vst v63  }
0x155: {  	s26 =	simm.s32 $0xC400  }
0x156: {  	[tilespmem:s11], [sflag:$0x2] =	stream.indirect.gather [hbm4b:s28+s5], $0x8, s26, s5, $0xb8;
	[tilespmem:$0xD380] =	vst v63  }
0x157: {  	_ =	swait.ge [sflag:s12], $0x400  }
0x158: {  	[sflag:s12] =	ssyncset.done $0x0  }
0x159: {  	[sflag:s12] =	ssyncadd.s32 $0xFFFFFC00  }
0x15a: {  	[spmem:s23] =	stream.indirect.scatter.add.f32 [tilespmem:s11], [sflag:$0x4], $0x8, s13, s5, $0xb8;
	[tilespmem:$0xD380] =	vst v63  }
0x15b: {  	_ =	swait.ge [sflag:s14], $0x400  }
0x15c: {  	[sflag:s14] =	ssyncset.done $0x0  }
0x15d: {  	[sflag:s14] =	ssyncadd.s32 $0xFFFFFC00  }
0x15e: {  	[tilespmem:s6], [sflag:$0x1] =	stream.indirect.gather [hbm4b:s28+s5], $0x8, s15, s5, $0xb8;
	[tilespmem:$0xD380] =	vst v63  }
0x15f: {  	_ =	swait.ge [sflag:s7], $0x400  }
0x160: {  	[sflag:s7] =	ssyncset.done $0x0  }
0x161: {  	[sflag:s7] =	ssyncadd.s32 $0xFFFFFC00  }
0x162: {  	[spmem:s23] =	stream.indirect.scatter.add.f32 [tilespmem:s6], [sflag:$0x3], $0x8, s16, s5, $0xb8;
	[tilespmem:$0xD380] =	vst v63  }
0x163: {  	_ =	swait.ge [sflag:s17], $0x400  }
0x164: {  	[sflag:s17] =	ssyncset.done $0x0  }
0x165: {  	[sflag:s17] =	ssyncadd.s32 $0xFFFFFC00  }
0x166: {  	[tilespmem:s11], [sflag:$0x2] =	stream.indirect.gather [hbm4b:s28+s5], $0x8, s18, s5, $0xb8;
	[tilespmem:$0xD380] =	vst v63  }
0x167: {  	_ =	swait.ge [sflag:s12], $0x400  }
0x168: {  	[sflag:s12] =	ssyncset.done $0x0  }
0x169: {  	[sflag:s12] =	ssyncadd.s32 $0xFFFFFC00  }
0x16a: {  	[spmem:s23] =	stream.indirect.scatter.add.f32 [tilespmem:s11], [sflag:$0x4], $0x8, s19, s5, $0xb8;
	[tilespmem:$0xD380] =	vst v63  }
0x16b: {  	_ =	swait.ge [sflag:s14], $0x400  }
0x16c: {  	[sflag:s14] =	ssyncset.done $0x0  }
0x16d: {  	[sflag:s14] =	ssyncadd.s32 $0xFFFFFC00  }
0x16e: {  	[tilespmem:s6], [sflag:$0x1] =	stream.indirect.gather [hbm4b:s28+s5], $0x8, s20, s5, $0xb8;
	[tilespmem:$0xD380] =	vst v63  }
0x16f: {  	_ =	swait.ge [sflag:s7], $0x400  }
0x170: {  	[sflag:s7] =	ssyncset.done $0x0  }
0x171: {  	[sflag:s7] =	ssyncadd.s32 $0xFFFFFC00  }
0x172: {  	[spmem:s23] =	stream.indirect.scatter.add.f32 [tilespmem:s6], [sflag:$0x3], $0x8, s21, s5, $0xb8;
	[tilespmem:$0xD380] =	vst v63  }
0x173: {  	_ =	swait.ge [sflag:s17], $0x400  }
0x174: {  	[sflag:s17] =	ssyncset.done $0x0  }
0x175: {  	[sflag:s17] =	ssyncadd.s32 $0xFFFFFC00  }
0x176: {  	[tilespmem:s11], [sflag:$0x2] =	stream.indirect.gather [hbm4b:s28+s5], $0x8, s24, s5, $0xb8;
	[tilespmem:$0xD380] =	vst v63  }
0x177: {  	_ =	swait.ge [sflag:s12], $0x400  }
0x178: {  	[sflag:s12] =	ssyncset.done $0x0  }
0x179: {  	[sflag:s12] =	ssyncadd.s32 $0xFFFFFC00  }
0x17a: {  	[spmem:s23] =	stream.indirect.scatter.add.f32 [tilespmem:s11], [sflag:$0x4], $0x8, s25, s5, $0xb8;
	[tilespmem:$0xD380] =	vst v63  }
0x17b: {  	_ =	swait.ge [sflag:s14], $0x400  }
0x17c: {  	[sflag:s14] =	ssyncset.done $0x0  }
0x17d: {  	[sflag:s14] =	ssyncadd.s32 $0xFFFFFC00  }
0x17e: {  	[tilespmem:s6], [sflag:$0x1] =	stream.indirect.gather [hbm4b:s28+s5], $0x8, s29, s5, $0xb8;
	[tilespmem:$0xD380] =	vst v63  }
0x17f: {  	_ =	swait.ge [sflag:s7], $0x400  }
0x180: {  	[sflag:s7] =	ssyncset.done $0x0  }
0x181: {  	[sflag:s7] =	ssyncadd.s32 $0xFFFFFC00  }
0x182: {  	[spmem:s23] =	stream.indirect.scatter.add.f32 [tilespmem:s6], [sflag:$0x3], $0x8, s30, s5, $0xb8;
	[tilespmem:$0xD380] =	vst v63  }
0x183: {  	_ =	swait.ge [sflag:s17], $0x400  }
0x184: {  	[sflag:s17] =	ssyncset.done $0x0  }
0x185: {  	[sflag:s17] =	ssyncadd.s32 $0xFFFFFC00  }
0x186: {  	[tilespmem:s11], [sflag:$0x2] =	stream.indirect.gather [hbm4b:s28+s5], $0x8, s0, s5, $0xb8;
	[tilespmem:$0xD380] =	vst v63  }
0x187: {  	_ =	swait.ge [sflag:s12], $0x400  }
0x188: {  	s1 =	sadd.s32 $0x1, s1;
	[sflag:s12] =	ssyncset.done $0x0  }
0x189: {  	p3 =	slt.u32 s1, s31;
	[sflag:s12] =	ssyncadd.s32 $0xFFFFFC00  }
0x18a: {  	[spmem:s23] =	stream.indirect.scatter.add.f32 [tilespmem:s11], [sflag:$0x4], $0x8, s2, s5, $0xb8;
	[tilespmem:$0xD380] =	vst v63  }
.Ltmp4:
0x18b: {  	_ =	swait.ge [sflag:s14], $0x400;
	(pc) =	sbr.rel @p3 .LBB2_3-.Ltmp4, $4  }
0x18c: {  	[sflag:s14] =	ssyncset.done $0x0  }
0x18d: {  	[sflag:s14] =	ssyncadd.s32 $0xFFFFFC00  }
0x18e: {  	_ =	swait.ge [sflag:s17], $0x400  }
0x18f: {  	s9 =	sadd.s32 $0x80, s9;
	[sflag:s17] =	ssyncset.done $0x0  }
.LBB2_4:
0x190: {  	[sflag:s17] =	ssyncadd.s32 $0xFFFFFC00  }
.LBB2_5:
0x191: {  	[bflag:$0x0] =	sbarrier.arrive $0xFFFF  }
0x192: {  	s1 =	rddreg [dreg:$0x6]  }
0x193: {  	[tilespmem:s4], [sflag:$0x5] =	stream.linear.gather [hbm4b:s1+s22], $0x400, $0x38;
	[tilespmem:$0xD380] =	vst v63  }
0x194: {  	_ =	swait.ge [sflag:s3], $0x400  }
0x195: {  	[sflag:s3] =	ssyncset.done $0x0  }
0x196: {  	[sflag:s3] =	ssyncadd.s32 $0xFFFFFC00  }
0x197: {  	[tilespmem:s6], [sflag:$0x1] =	stream.indirect.gather [spmem:s23], $0x8, s4, s5, $0xb8;
	[tilespmem:$0xD380] =	vst v63  }
0x198: {  	_ =	swait.ge [sflag:s7], $0x400  }
0x199: {  	[sflag:s7] =	ssyncset.done $0x0  }
0x19a: {  	s26 =	rddreg [dreg:$0x18];
	[sflag:s7] =	ssyncadd.s32 $0xFFFFFC00  }
0x19b: {  	[hbm4b:s26+s22] =	stream.linear.scatter [tilespmem:s6], [sflag:$0x5], $0x400, $0x38;
	[tilespmem:$0xD380] =	vst v63  }
0x19c: {  	_ =	swait.ge [sflag:s3], $0x400  }
0x19d: {  	s10 =	simm.s32 @!p0 $0x80;
	[sflag:s3] =	ssyncset.done $0x0  }
0x19e: {  	s9 =	simm.s32 @!p0 $0xCF80;
	s1 =	simm.s32 @!p0 $0xC380;
	[sflag:s3] =	ssyncadd.s32 $0xFFFFFC00  }
0x19f: {  	[tilespmem:s9], [sflag:$0x2] =	stream.indirect.gather @!p0 [hbm4b:s28+s10], $0x8, s1, s10, $0xb8;
	[tilespmem:$0xD380] =	vst v63  }
0x1a0: {  	s1 =	simm.s32 @!p0 $0x2  }
0x1a1: {  	_ =	swait.ge @!p0 [sflag:s1], $0x400  }
0x1a2: {  	[sflag:s1] =	ssyncset.done @!p0 $0x0  }
0x1a3: {  	s10 =	simm.s32 @!p0 $0x0;
	[sflag:s1] =	ssyncadd.s32 @!p0 $0xFFFFFC00;
	s1 =	rddreg [dreg:$0x7]  }
0x1a4: {  	[hbm4b:s1+s10] =	stream.linear.scatter @!p0 [tilespmem:s9], [sflag:$0x5], $0x400, $0x38;
	[tilespmem:$0xD380] =	vst v63  }
0x1a5: {  	s1 =	simm.s32 @!p0 $0x5  }
0x1a6: {  	_ =	swait.ge @!p0 [sflag:s1], $0x400  }
0x1a7: {  	[sflag:s1] =	ssyncset.done @!p0 $0x0  }
0x1a8: {  	s9 =	simm.s32 $0xC400;
	[sflag:s1] =	ssyncadd.s32 @!p0 $0xFFFFFC00  }
0x1a9: {  	[tilespmem:s6], [sflag:$0x1] =	stream.indirect.gather [spmem:s23], $0x8, s9, s5, $0xb8;
	[tilespmem:$0xD380] =	vst v63  }
0x1aa: {  	_ =	swait.ge [sflag:s7], $0x400  }
0x1ab: {  	[sflag:s7] =	ssyncset.done $0x0  }
0x1ac: {  	s26 =	rddreg [dreg:$0x19];
	[sflag:s7] =	ssyncadd.s32 $0xFFFFFC00  }
0x1ad: {  	[hbm4b:s26+s22] =	stream.linear.scatter [tilespmem:s6], [sflag:$0x5], $0x400, $0x38;
	[tilespmem:$0xD380] =	vst v63  }
0x1ae: {  	_ =	swait.ge [sflag:s3], $0x400  }
0x1af: {  	s10 =	simm.s32 @!p0 $0xC400;
	[sflag:s3] =	ssyncset.done $0x0  }
0x1b0: {  	s9 =	simm.s32 @!p0 $0x80;
	s26 =	simm.s32 @!p0 $0xCF80;
	[sflag:s3] =	ssyncadd.s32 $0xFFFFFC00  }
0x1b1: {  	[tilespmem:s26], [sflag:$0x2] =	stream.indirect.gather @!p0 [hbm4b:s28+s9], $0x8, s10, s9, $0xb8;
	[tilespmem:$0xD380] =	vst v63  }
0x1b2: {  	s9 =	simm.s32 @!p0 $0x2  }
0x1b3: {  	_ =	swait.ge @!p0 [sflag:s9], $0x400  }
0x1b4: {  	s26 =	simm.s32 @!p0 $0xCF80;
	[sflag:s9] =	ssyncset.done @!p0 $0x0  }
0x1b5: {  	s10 =	rddreg [dreg:$0x8];
	[sflag:s9] =	ssyncadd.s32 @!p0 $0xFFFFFC00;
	s9 =	simm.s32 @!p0 $0x0  }
0x1b6: {  	[hbm4b:s10+s9] =	stream.linear.scatter @!p0 [tilespmem:s26], [sflag:$0x5], $0x400, $0x38;
	[tilespmem:$0xD380] =	vst v63  }
0x1b7: {  	_ =	swait.ge @!p0 [sflag:s1], $0x400  }
0x1b8: {  	[sflag:s1] =	ssyncset.done @!p0 $0x0  }
0x1b9: {  	[sflag:s1] =	ssyncadd.s32 @!p0 $0xFFFFFC00  }
0x1ba: {  	[tilespmem:s6], [sflag:$0x1] =	stream.indirect.gather [spmem:s23], $0x8, s15, s5, $0xb8;
	[tilespmem:$0xD380] =	vst v63  }
0x1bb: {  	_ =	swait.ge [sflag:s7], $0x400  }
0x1bc: {  	[sflag:s7] =	ssyncset.done $0x0  }
0x1bd: {  	s9 =	rddreg [dreg:$0x1a];
	[sflag:s7] =	ssyncadd.s32 $0xFFFFFC00  }
0x1be: {  	[hbm4b:s9+s22] =	stream.linear.scatter [tilespmem:s6], [sflag:$0x5], $0x400, $0x38;
	[tilespmem:$0xD380] =	vst v63  }
0x1bf: {  	_ =	swait.ge [sflag:s3], $0x400  }
0x1c0: {  	s10 =	simm.s32 @!p0 $0xC480;
	[sflag:s3] =	ssyncset.done $0x0  }
0x1c1: {  	s26 =	simm.s32 @!p0 $0xCF80;
	s9 =	simm.s32 @!p0 $0x80;
	[sflag:s3] =	ssyncadd.s32 $0xFFFFFC00  }
0x1c2: {  	[tilespmem:s26], [sflag:$0x2] =	stream.indirect.gather @!p0 [hbm4b:s28+s9], $0x8, s10, s9, $0xb8;
	[tilespmem:$0xD380] =	vst v63  }
0x1c3: {  	s9 =	simm.s32 @!p0 $0x2  }
0x1c4: {  	_ =	swait.ge @!p0 [sflag:s9], $0x400  }
0x1c5: {  	s26 =	simm.s32 @!p0 $0xCF80;
	[sflag:s9] =	ssyncset.done @!p0 $0x0  }
0x1c6: {  	s10 =	rddreg [dreg:$0x9];
	[sflag:s9] =	ssyncadd.s32 @!p0 $0xFFFFFC00;
	s9 =	simm.s32 @!p0 $0x0  }
0x1c7: {  	[hbm4b:s10+s9] =	stream.linear.scatter @!p0 [tilespmem:s26], [sflag:$0x5], $0x400, $0x38;
	[tilespmem:$0xD380] =	vst v63  }
0x1c8: {  	_ =	swait.ge @!p0 [sflag:s1], $0x400  }
0x1c9: {  	[sflag:s1] =	ssyncset.done @!p0 $0x0  }
0x1ca: {  	[sflag:s1] =	ssyncadd.s32 @!p0 $0xFFFFFC00  }
0x1cb: {  	[tilespmem:s6], [sflag:$0x1] =	stream.indirect.gather [spmem:s23], $0x8, s18, s5, $0xb8;
	[tilespmem:$0xD380] =	vst v63  }
0x1cc: {  	_ =	swait.ge [sflag:s7], $0x400  }
0x1cd: {  	[sflag:s7] =	ssyncset.done $0x0  }
0x1ce: {  	s26 =	rddreg [dreg:$0x1b];
	[sflag:s7] =	ssyncadd.s32 $0xFFFFFC00  }
0x1cf: {  	[hbm4b:s26+s22] =	stream.linear.scatter [tilespmem:s6], [sflag:$0x5], $0x400, $0x38;
	[tilespmem:$0xD380] =	vst v63  }
0x1d0: {  	_ =	swait.ge [sflag:s3], $0x400  }
0x1d1: {  	s10 =	simm.s32 @!p0 $0xC500;
	[sflag:s3] =	ssyncset.done $0x0  }
0x1d2: {  	s9 =	simm.s32 @!p0 $0x80;
	s26 =	simm.s32 @!p0 $0xCF80;
	[sflag:s3] =	ssyncadd.s32 $0xFFFFFC00  }
0x1d3: {  	[tilespmem:s26], [sflag:$0x2] =	stream.indirect.gather @!p0 [hbm4b:s28+s9], $0x8, s10, s9, $0xb8;
	[tilespmem:$0xD380] =	vst v63  }
0x1d4: {  	s9 =	simm.s32 @!p0 $0x2  }
0x1d5: {  	_ =	swait.ge @!p0 [sflag:s9], $0x400  }
0x1d6: {  	s26 =	simm.s32 @!p0 $0xCF80;
	[sflag:s9] =	ssyncset.done @!p0 $0x0  }
0x1d7: {  	s10 =	rddreg [dreg:$0xa];
	[sflag:s9] =	ssyncadd.s32 @!p0 $0xFFFFFC00;
	s9 =	simm.s32 @!p0 $0x0  }
0x1d8: {  	[hbm4b:s10+s9] =	stream.linear.scatter @!p0 [tilespmem:s26], [sflag:$0x5], $0x400, $0x38;
	[tilespmem:$0xD380] =	vst v63  }
0x1d9: {  	_ =	swait.ge @!p0 [sflag:s1], $0x400  }
0x1da: {  	[sflag:s1] =	ssyncset.done @!p0 $0x0  }
0x1db: {  	[sflag:s1] =	ssyncadd.s32 @!p0 $0xFFFFFC00  }
0x1dc: {  	[tilespmem:s6], [sflag:$0x1] =	stream.indirect.gather [spmem:s23], $0x8, s20, s5, $0xb8;
	[tilespmem:$0xD380] =	vst v63  }
0x1dd: {  	_ =	swait.ge [sflag:s7], $0x400  }
0x1de: {  	[sflag:s7] =	ssyncset.done $0x0  }
0x1df: {  	s9 =	rddreg [dreg:$0x1c];
	[sflag:s7] =	ssyncadd.s32 $0xFFFFFC00  }
0x1e0: {  	[hbm4b:s9+s22] =	stream.linear.scatter [tilespmem:s6], [sflag:$0x5], $0x400, $0x38;
	[tilespmem:$0xD380] =	vst v63  }
0x1e1: {  	_ =	swait.ge [sflag:s3], $0x400  }
0x1e2: {  	s26 =	simm.s32 @!p0 $0xCF80;
	[sflag:s3] =	ssyncset.done $0x0  }
0x1e3: {  	s10 =	simm.s32 @!p0 $0xC580;
	s9 =	simm.s32 @!p0 $0x80;
	[sflag:s3] =	ssyncadd.s32 $0xFFFFFC00  }
0x1e4: {  	[tilespmem:s26], [sflag:$0x2] =	stream.indirect.gather @!p0 [hbm4b:s28+s9], $0x8, s10, s9, $0xb8;
	[tilespmem:$0xD380] =	vst v63  }
0x1e5: {  	s9 =	simm.s32 @!p0 $0x2  }
0x1e6: {  	_ =	swait.ge @!p0 [sflag:s9], $0x400  }
0x1e7: {  	s26 =	simm.s32 @!p0 $0xCF80;
	[sflag:s9] =	ssyncset.done @!p0 $0x0  }
0x1e8: {  	s10 =	rddreg [dreg:$0xb];
	[sflag:s9] =	ssyncadd.s32 @!p0 $0xFFFFFC00;
	s9 =	simm.s32 @!p0 $0x0  }
0x1e9: {  	[hbm4b:s10+s9] =	stream.linear.scatter @!p0 [tilespmem:s26], [sflag:$0x5], $0x400, $0x38;
	[tilespmem:$0xD380] =	vst v63  }
0x1ea: {  	_ =	swait.ge @!p0 [sflag:s1], $0x400  }
0x1eb: {  	[sflag:s1] =	ssyncset.done @!p0 $0x0  }
0x1ec: {  	[sflag:s1] =	ssyncadd.s32 @!p0 $0xFFFFFC00  }
0x1ed: {  	[tilespmem:s6], [sflag:$0x1] =	stream.indirect.gather [spmem:s23], $0x8, s24, s5, $0xb8;
	[tilespmem:$0xD380] =	vst v63  }
0x1ee: {  	_ =	swait.ge [sflag:s7], $0x400  }
0x1ef: {  	[sflag:s7] =	ssyncset.done $0x0  }
0x1f0: {  	s26 =	rddreg [dreg:$0x1d];
	[sflag:s7] =	ssyncadd.s32 $0xFFFFFC00  }
0x1f1: {  	[hbm4b:s26+s22] =	stream.linear.scatter [tilespmem:s6], [sflag:$0x5], $0x400, $0x38;
	[tilespmem:$0xD380] =	vst v63  }
0x1f2: {  	_ =	swait.ge [sflag:s3], $0x400  }
0x1f3: {  	s10 =	simm.s32 @!p0 $0xC600;
	[sflag:s3] =	ssyncset.done $0x0  }
0x1f4: {  	s9 =	simm.s32 @!p0 $0x80;
	s26 =	simm.s32 @!p0 $0xCF80;
	[sflag:s3] =	ssyncadd.s32 $0xFFFFFC00  }
0x1f5: {  	[tilespmem:s26], [sflag:$0x2] =	stream.indirect.gather @!p0 [hbm4b:s28+s9], $0x8, s10, s9, $0xb8;
	[tilespmem:$0xD380] =	vst v63  }
0x1f6: {  	s9 =	simm.s32 @!p0 $0x2  }
0x1f7: {  	_ =	swait.ge @!p0 [sflag:s9], $0x400  }
0x1f8: {  	s26 =	simm.s32 @!p0 $0x0;
	[sflag:s9] =	ssyncset.done @!p0 $0x0  }
0x1f9: {  	s10 =	rddreg [dreg:$0xc];
	[sflag:s9] =	ssyncadd.s32 @!p0 $0xFFFFFC00;
	s9 =	simm.s32 @!p0 $0xCF80  }
0x1fa: {  	[hbm4b:s10+s26] =	stream.linear.scatter @!p0 [tilespmem:s9], [sflag:$0x5], $0x400, $0x38;
	[tilespmem:$0xD380] =	vst v63  }
0x1fb: {  	_ =	swait.ge @!p0 [sflag:s1], $0x400  }
0x1fc: {  	[sflag:s1] =	ssyncset.done @!p0 $0x0  }
0x1fd: {  	[sflag:s1] =	ssyncadd.s32 @!p0 $0xFFFFFC00  }
0x1fe: {  	[tilespmem:s6], [sflag:$0x1] =	stream.indirect.gather [spmem:s23], $0x8, s29, s5, $0xb8;
	[tilespmem:$0xD380] =	vst v63  }
0x1ff: {  	_ =	swait.ge [sflag:s7], $0x400  }
0x200: {  	[sflag:s7] =	ssyncset.done $0x0  }
0x201: {  	s9 =	rddreg [dreg:$0x1e];
	[sflag:s7] =	ssyncadd.s32 $0xFFFFFC00  }
0x202: {  	[hbm4b:s9+s22] =	stream.linear.scatter [tilespmem:s6], [sflag:$0x5], $0x400, $0x38;
	[tilespmem:$0xD380] =	vst v63  }
0x203: {  	_ =	swait.ge [sflag:s3], $0x400  }
0x204: {  	s26 =	simm.s32 @!p0 $0xCF80;
	[sflag:s3] =	ssyncset.done $0x0  }
0x205: {  	s10 =	simm.s32 @!p0 $0xC680;
	s9 =	simm.s32 @!p0 $0x80;
	[sflag:s3] =	ssyncadd.s32 $0xFFFFFC00  }
0x206: {  	[tilespmem:s26], [sflag:$0x2] =	stream.indirect.gather @!p0 [hbm4b:s28+s9], $0x8, s10, s9, $0xb8;
	[tilespmem:$0xD380] =	vst v63  }
0x207: {  	s9 =	simm.s32 @!p0 $0x2  }
0x208: {  	_ =	swait.ge @!p0 [sflag:s9], $0x400  }
0x209: {  	s26 =	simm.s32 @!p0 $0xCF80;
	[sflag:s9] =	ssyncset.done @!p0 $0x0  }
0x20a: {  	s10 =	rddreg [dreg:$0xd];
	[sflag:s9] =	ssyncadd.s32 @!p0 $0xFFFFFC00;
	s9 =	simm.s32 @!p0 $0x0  }
0x20b: {  	[hbm4b:s10+s9] =	stream.linear.scatter @!p0 [tilespmem:s26], [sflag:$0x5], $0x400, $0x38;
	[tilespmem:$0xD380] =	vst v63  }
0x20c: {  	_ =	swait.ge @!p0 [sflag:s1], $0x400  }
0x20d: {  	[sflag:s1] =	ssyncset.done @!p0 $0x0  }
0x20e: {  	[sflag:s1] =	ssyncadd.s32 @!p0 $0xFFFFFC00  }
0x20f: {  	[tilespmem:s6], [sflag:$0x1] =	stream.indirect.gather [spmem:s23], $0x8, s0, s5, $0xb8;
	[tilespmem:$0xD380] =	vst v63  }
0x210: {  	_ =	swait.ge [sflag:s7], $0x400  }
0x211: {  	[sflag:s7] =	ssyncset.done $0x0  }
0x212: {  	s9 =	rddreg [dreg:$0x1f];
	[sflag:s7] =	ssyncadd.s32 $0xFFFFFC00  }
0x213: {  	[hbm4b:s9+s22] =	stream.linear.scatter [tilespmem:s6], [sflag:$0x5], $0x400, $0x38;
	[tilespmem:$0xD380] =	vst v63  }
0x214: {  	_ =	swait.ge [sflag:s3], $0x400  }
0x215: {  	s26 =	simm.s32 @!p0 $0xCF80;
	[sflag:s3] =	ssyncset.done $0x0  }
0x216: {  	s10 =	simm.s32 @!p0 $0xC700;
	s9 =	simm.s32 @!p0 $0x80;
	[sflag:s3] =	ssyncadd.s32 $0xFFFFFC00  }
0x217: {  	[tilespmem:s26], [sflag:$0x2] =	stream.indirect.gather @!p0 [hbm4b:s28+s9], $0x8, s10, s9, $0xb8;
	[tilespmem:$0xD380] =	vst v63  }
0x218: {  	s10 =	simm.s32 @!p0 $0x2  }
0x219: {  	_ =	swait.ge @!p0 [sflag:s10], $0x400  }
0x21a: {  	s9 =	simm.s32 @!p0 $0xCF80;
	[sflag:s10] =	ssyncset.done @!p0 $0x0  }
0x21b: {  	s26 =	simm.s32 @!p0 $0x0;
	[sflag:s10] =	ssyncadd.s32 @!p0 $0xFFFFFC00;
	s10 =	rddreg [dreg:$0xf]  }
0x21c: {  	[hbm4b:s10+s26] =	stream.linear.scatter @!p0 [tilespmem:s9], [sflag:$0x5], $0x400, $0x38;
	[tilespmem:$0xD380] =	vst v63  }
0x21d: {  	_ =	swait.ge @!p0 [sflag:s1], $0x400  }
0x21e: {  	[sflag:s1] =	ssyncset.done @!p0 $0x0  }
0x21f: {  	s10 =	rddreg [dreg:$0xe];
	[sflag:s1] =	ssyncadd.s32 @!p0 $0xFFFFFC00  }
0x220: {  	[tilespmem:s4], [sflag:$0x5] =	stream.linear.gather [hbm4b:s10+s22], $0x400, $0x38;
	[tilespmem:$0xD380] =	vst v63  }
0x221: {  	_ =	swait.ge [sflag:s3], $0x400  }
0x222: {  	[sflag:s3] =	ssyncset.done $0x0  }
0x223: {  	[sflag:s3] =	ssyncadd.s32 $0xFFFFFC00  }
0x224: {  	[tilespmem:s6], [sflag:$0x1] =	stream.indirect.gather [spmem:s23], $0x8, s4, s5, $0xb8;
	[tilespmem:$0xD380] =	vst v63  }
0x225: {  	_ =	swait.ge [sflag:s7], $0x400  }
0x226: {  	s26 =	sld [smem:$0x7DF]  }
0x227: {  	[sflag:s7] =	ssyncset.done $0x0  }
0x228: {  	[sflag:s7] =	ssyncadd.s32 $0xFFFFFC00  }
0x229: {  	[hbm4b:s26+s22] =	stream.linear.scatter [tilespmem:s6], [sflag:$0x5], $0x400, $0x38;
	[tilespmem:$0xD380] =	vst v63  }
0x22a: {  	_ =	swait.ge [sflag:s3], $0x400  }
0x22b: {  	s9 =	simm.s32 @!p1 $0xCF80;
	[sflag:s3] =	ssyncset.done $0x0  }
0x22c: {  	s1 =	simm.s32 @!p1 $0xC380;
	s10 =	simm.s32 @!p1 $0x80;
	[sflag:s3] =	ssyncadd.s32 $0xFFFFFC00  }
0x22d: {  	[tilespmem:s9], [sflag:$0x2] =	stream.indirect.gather @!p1 [hbm4b:s28+s10], $0x8, s1, s10, $0xb8;
	[tilespmem:$0xD380] =	vst v63  }
0x22e: {  	s1 =	simm.s32 @!p1 $0x2  }
0x22f: {  	_ =	swait.ge @!p1 [sflag:s1], $0x400  }
0x230: {  	[sflag:s1] =	ssyncset.done @!p1 $0x0  }
0x231: {  	s10 =	simm.s32 @!p1 $0x0;
	[sflag:s1] =	ssyncadd.s32 @!p1 $0xFFFFFC00;
	s1 =	rddreg [dreg:$0x10]  }
0x232: {  	[hbm4b:s1+s10] =	stream.linear.scatter @!p1 [tilespmem:s9], [sflag:$0x5], $0x400, $0x38;
	[tilespmem:$0xD380] =	vst v63  }
0x233: {  	s1 =	simm.s32 @!p1 $0x5  }
0x234: {  	_ =	swait.ge @!p1 [sflag:s1], $0x400  }
0x235: {  	[sflag:s1] =	ssyncset.done @!p1 $0x0  }
0x236: {  	s9 =	simm.s32 $0xC400;
	[sflag:s1] =	ssyncadd.s32 @!p1 $0xFFFFFC00  }
0x237: {  	[tilespmem:s6], [sflag:$0x1] =	stream.indirect.gather [spmem:s23], $0x8, s9, s5, $0xb8;
	[tilespmem:$0xD380] =	vst v63  }
0x238: {  	_ =	swait.ge [sflag:s7], $0x400  }
0x239: {  	s26 =	sld [smem:$0x7E0]  }
0x23a: {  	[sflag:s7] =	ssyncset.done $0x0  }
0x23b: {  	[sflag:s7] =	ssyncadd.s32 $0xFFFFFC00  }
0x23c: {  	[hbm4b:s26+s22] =	stream.linear.scatter [tilespmem:s6], [sflag:$0x5], $0x400, $0x38;
	[tilespmem:$0xD380] =	vst v63  }
0x23d: {  	_ =	swait.ge [sflag:s3], $0x400  }
0x23e: {  	s10 =	simm.s32 @!p1 $0xC400;
	[sflag:s3] =	ssyncset.done $0x0  }
0x23f: {  	s9 =	simm.s32 @!p1 $0x80;
	s26 =	simm.s32 @!p1 $0xCF80;
	[sflag:s3] =	ssyncadd.s32 $0xFFFFFC00  }
0x240: {  	[tilespmem:s26], [sflag:$0x2] =	stream.indirect.gather @!p1 [hbm4b:s28+s9], $0x8, s10, s9, $0xb8;
	[tilespmem:$0xD380] =	vst v63  }
0x241: {  	s9 =	simm.s32 @!p1 $0x2  }
0x242: {  	_ =	swait.ge @!p1 [sflag:s9], $0x400  }
0x243: {  	s26 =	simm.s32 @!p1 $0xCF80;
	[sflag:s9] =	ssyncset.done @!p1 $0x0  }
0x244: {  	s10 =	rddreg [dreg:$0x11];
	[sflag:s9] =	ssyncadd.s32 @!p1 $0xFFFFFC00;
	s9 =	simm.s32 @!p1 $0x0  }
0x245: {  	[hbm4b:s10+s9] =	stream.linear.scatter @!p1 [tilespmem:s26], [sflag:$0x5], $0x400, $0x38;
	[tilespmem:$0xD380] =	vst v63  }
0x246: {  	_ =	swait.ge @!p1 [sflag:s1], $0x400  }
0x247: {  	[sflag:s1] =	ssyncset.done @!p1 $0x0  }
0x248: {  	[sflag:s1] =	ssyncadd.s32 @!p1 $0xFFFFFC00  }
0x249: {  	[tilespmem:s6], [sflag:$0x1] =	stream.indirect.gather [spmem:s23], $0x8, s15, s5, $0xb8;
	[tilespmem:$0xD380] =	vst v63  }
0x24a: {  	_ =	swait.ge [sflag:s7], $0x400  }
0x24b: {  	s9 =	sld [smem:$0x7E1]  }
0x24c: {  	[sflag:s7] =	ssyncset.done $0x0  }
0x24d: {  	[sflag:s7] =	ssyncadd.s32 $0xFFFFFC00  }
0x24e: {  	[hbm4b:s9+s22] =	stream.linear.scatter [tilespmem:s6], [sflag:$0x5], $0x400, $0x38;
	[tilespmem:$0xD380] =	vst v63  }
0x24f: {  	_ =	swait.ge [sflag:s3], $0x400  }
0x250: {  	s10 =	simm.s32 @!p1 $0xC480;
	[sflag:s3] =	ssyncset.done $0x0  }
0x251: {  	s26 =	simm.s32 @!p1 $0xCF80;
	s9 =	simm.s32 @!p1 $0x80;
	[sflag:s3] =	ssyncadd.s32 $0xFFFFFC00  }
0x252: {  	[tilespmem:s26], [sflag:$0x2] =	stream.indirect.gather @!p1 [hbm4b:s28+s9], $0x8, s10, s9, $0xb8;
	[tilespmem:$0xD380] =	vst v63  }
0x253: {  	s9 =	simm.s32 @!p1 $0x2  }
0x254: {  	_ =	swait.ge @!p1 [sflag:s9], $0x400  }
0x255: {  	s26 =	simm.s32 @!p1 $0xCF80;
	[sflag:s9] =	ssyncset.done @!p1 $0x0  }
0x256: {  	s10 =	rddreg [dreg:$0x12];
	[sflag:s9] =	ssyncadd.s32 @!p1 $0xFFFFFC00;
	s9 =	simm.s32 @!p1 $0x0  }
0x257: {  	[hbm4b:s10+s9] =	stream.linear.scatter @!p1 [tilespmem:s26], [sflag:$0x5], $0x400, $0x38;
	[tilespmem:$0xD380] =	vst v63  }
0x258: {  	_ =	swait.ge @!p1 [sflag:s1], $0x400  }
0x259: {  	[sflag:s1] =	ssyncset.done @!p1 $0x0  }
0x25a: {  	[sflag:s1] =	ssyncadd.s32 @!p1 $0xFFFFFC00  }
0x25b: {  	[tilespmem:s6], [sflag:$0x1] =	stream.indirect.gather [spmem:s23], $0x8, s18, s5, $0xb8;
	[tilespmem:$0xD380] =	vst v63  }
0x25c: {  	_ =	swait.ge [sflag:s7], $0x400  }
0x25d: {  	s26 =	sld [smem:$0x7E2]  }
0x25e: {  	[sflag:s7] =	ssyncset.done $0x0  }
0x25f: {  	[sflag:s7] =	ssyncadd.s32 $0xFFFFFC00  }
0x260: {  	[hbm4b:s26+s22] =	stream.linear.scatter [tilespmem:s6], [sflag:$0x5], $0x400, $0x38;
	[tilespmem:$0xD380] =	vst v63  }
0x261: {  	_ =	swait.ge [sflag:s3], $0x400  }
0x262: {  	s10 =	simm.s32 @!p1 $0xC500;
	[sflag:s3] =	ssyncset.done $0x0  }
0x263: {  	s9 =	simm.s32 @!p1 $0x80;
	s26 =	simm.s32 @!p1 $0xCF80;
	[sflag:s3] =	ssyncadd.s32 $0xFFFFFC00  }
0x264: {  	[tilespmem:s26], [sflag:$0x2] =	stream.indirect.gather @!p1 [hbm4b:s28+s9], $0x8, s10, s9, $0xb8;
	[tilespmem:$0xD380] =	vst v63  }
0x265: {  	s9 =	simm.s32 @!p1 $0x2  }
0x266: {  	_ =	swait.ge @!p1 [sflag:s9], $0x400  }
0x267: {  	s26 =	simm.s32 @!p1 $0xCF80;
	[sflag:s9] =	ssyncset.done @!p1 $0x0  }
0x268: {  	s10 =	rddreg [dreg:$0x13];
	[sflag:s9] =	ssyncadd.s32 @!p1 $0xFFFFFC00;
	s9 =	simm.s32 @!p1 $0x0  }
0x269: {  	[hbm4b:s10+s9] =	stream.linear.scatter @!p1 [tilespmem:s26], [sflag:$0x5], $0x400, $0x38;
	[tilespmem:$0xD380] =	vst v63  }
0x26a: {  	_ =	swait.ge @!p1 [sflag:s1], $0x400  }
0x26b: {  	[sflag:s1] =	ssyncset.done @!p1 $0x0  }
0x26c: {  	[sflag:s1] =	ssyncadd.s32 @!p1 $0xFFFFFC00  }
0x26d: {  	[tilespmem:s6], [sflag:$0x1] =	stream.indirect.gather [spmem:s23], $0x8, s20, s5, $0xb8;
	[tilespmem:$0xD380] =	vst v63  }
0x26e: {  	_ =	swait.ge [sflag:s7], $0x400  }
0x26f: {  	s9 =	sld [smem:$0x7E3]  }
0x270: {  	[sflag:s7] =	ssyncset.done $0x0  }
0x271: {  	[sflag:s7] =	ssyncadd.s32 $0xFFFFFC00  }
0x272: {  	[hbm4b:s9+s22] =	stream.linear.scatter [tilespmem:s6], [sflag:$0x5], $0x400, $0x38;
	[tilespmem:$0xD380] =	vst v63  }
0x273: {  	_ =	swait.ge [sflag:s3], $0x400  }
0x274: {  	s26 =	simm.s32 @!p1 $0xCF80;
	[sflag:s3] =	ssyncset.done $0x0  }
0x275: {  	s10 =	simm.s32 @!p1 $0xC580;
	s9 =	simm.s32 @!p1 $0x80;
	[sflag:s3] =	ssyncadd.s32 $0xFFFFFC00  }
0x276: {  	[tilespmem:s26], [sflag:$0x2] =	stream.indirect.gather @!p1 [hbm4b:s28+s9], $0x8, s10, s9, $0xb8;
	[tilespmem:$0xD380] =	vst v63  }
0x277: {  	s9 =	simm.s32 @!p1 $0x2  }
0x278: {  	_ =	swait.ge @!p1 [sflag:s9], $0x400  }
0x279: {  	s26 =	simm.s32 @!p1 $0xCF80;
	[sflag:s9] =	ssyncset.done @!p1 $0x0  }
0x27a: {  	s10 =	rddreg [dreg:$0x14];
	[sflag:s9] =	ssyncadd.s32 @!p1 $0xFFFFFC00;
	s9 =	simm.s32 @!p1 $0x0  }
0x27b: {  	[hbm4b:s10+s9] =	stream.linear.scatter @!p1 [tilespmem:s26], [sflag:$0x5], $0x400, $0x38;
	[tilespmem:$0xD380] =	vst v63  }
0x27c: {  	_ =	swait.ge @!p1 [sflag:s1], $0x400  }
0x27d: {  	[sflag:s1] =	ssyncset.done @!p1 $0x0  }
0x27e: {  	[sflag:s1] =	ssyncadd.s32 @!p1 $0xFFFFFC00  }
0x27f: {  	[tilespmem:s6], [sflag:$0x1] =	stream.indirect.gather [spmem:s23], $0x8, s24, s5, $0xb8;
	[tilespmem:$0xD380] =	vst v63  }
0x280: {  	_ =	swait.ge [sflag:s7], $0x400  }
0x281: {  	s26 =	sld [smem:$0x7E4]  }
0x282: {  	[sflag:s7] =	ssyncset.done $0x0  }
0x283: {  	[sflag:s7] =	ssyncadd.s32 $0xFFFFFC00  }
0x284: {  	[hbm4b:s26+s22] =	stream.linear.scatter [tilespmem:s6], [sflag:$0x5], $0x400, $0x38;
	[tilespmem:$0xD380] =	vst v63  }
0x285: {  	_ =	swait.ge [sflag:s3], $0x400  }
0x286: {  	s10 =	simm.s32 @!p1 $0xC600;
	[sflag:s3] =	ssyncset.done $0x0  }
0x287: {  	s9 =	simm.s32 @!p1 $0x80;
	s26 =	simm.s32 @!p1 $0xCF80;
	[sflag:s3] =	ssyncadd.s32 $0xFFFFFC00  }
0x288: {  	[tilespmem:s26], [sflag:$0x2] =	stream.indirect.gather @!p1 [hbm4b:s28+s9], $0x8, s10, s9, $0xb8;
	[tilespmem:$0xD380] =	vst v63  }
0x289: {  	s9 =	simm.s32 @!p1 $0x2  }
0x28a: {  	_ =	swait.ge @!p1 [sflag:s9], $0x400  }
0x28b: {  	s26 =	simm.s32 @!p1 $0x0;
	[sflag:s9] =	ssyncset.done @!p1 $0x0  }
0x28c: {  	s10 =	rddreg [dreg:$0x15];
	[sflag:s9] =	ssyncadd.s32 @!p1 $0xFFFFFC00;
	s9 =	simm.s32 @!p1 $0xCF80  }
0x28d: {  	[hbm4b:s10+s26] =	stream.linear.scatter @!p1 [tilespmem:s9], [sflag:$0x5], $0x400, $0x38;
	[tilespmem:$0xD380] =	vst v63  }
0x28e: {  	_ =	swait.ge @!p1 [sflag:s1], $0x400  }
0x28f: {  	[sflag:s1] =	ssyncset.done @!p1 $0x0  }
0x290: {  	[sflag:s1] =	ssyncadd.s32 @!p1 $0xFFFFFC00  }
0x291: {  	[tilespmem:s6], [sflag:$0x1] =	stream.indirect.gather [spmem:s23], $0x8, s29, s5, $0xb8;
	[tilespmem:$0xD380] =	vst v63  }
0x292: {  	_ =	swait.ge [sflag:s7], $0x400  }
0x293: {  	s9 =	sld [smem:$0x7E5]  }
0x294: {  	[sflag:s7] =	ssyncset.done $0x0  }
0x295: {  	[sflag:s7] =	ssyncadd.s32 $0xFFFFFC00  }
0x296: {  	[hbm4b:s9+s22] =	stream.linear.scatter [tilespmem:s6], [sflag:$0x5], $0x400, $0x38;
	[tilespmem:$0xD380] =	vst v63  }
0x297: {  	_ =	swait.ge [sflag:s3], $0x400  }
0x298: {  	s26 =	simm.s32 @!p1 $0xCF80;
	[sflag:s3] =	ssyncset.done $0x0  }
0x299: {  	s10 =	simm.s32 @!p1 $0xC680;
	s9 =	simm.s32 @!p1 $0x80;
	[sflag:s3] =	ssyncadd.s32 $0xFFFFFC00  }
0x29a: {  	[tilespmem:s26], [sflag:$0x2] =	stream.indirect.gather @!p1 [hbm4b:s28+s9], $0x8, s10, s9, $0xb8;
	[tilespmem:$0xD380] =	vst v63  }
0x29b: {  	s9 =	simm.s32 @!p1 $0x2  }
0x29c: {  	_ =	swait.ge @!p1 [sflag:s9], $0x400  }
0x29d: {  	s26 =	simm.s32 @!p1 $0xCF80;
	[sflag:s9] =	ssyncset.done @!p1 $0x0  }
0x29e: {  	s10 =	rddreg [dreg:$0x16];
	[sflag:s9] =	ssyncadd.s32 @!p1 $0xFFFFFC00;
	s9 =	simm.s32 @!p1 $0x0  }
0x29f: {  	[hbm4b:s10+s9] =	stream.linear.scatter @!p1 [tilespmem:s26], [sflag:$0x5], $0x400, $0x38;
	[tilespmem:$0xD380] =	vst v63  }
0x2a0: {  	_ =	swait.ge @!p1 [sflag:s1], $0x400  }
0x2a1: {  	[sflag:s1] =	ssyncset.done @!p1 $0x0  }
0x2a2: {  	[sflag:s1] =	ssyncadd.s32 @!p1 $0xFFFFFC00  }
0x2a3: {  	[tilespmem:s6], [sflag:$0x1] =	stream.indirect.gather [spmem:s23], $0x8, s0, s5, $0xb8;
	[tilespmem:$0xD380] =	vst v63  }
0x2a4: {  	_ =	swait.ge [sflag:s7], $0x400  }
0x2a5: {  	s9 =	sld [smem:$0x7E6]  }
0x2a6: {  	[sflag:s7] =	ssyncset.done $0x0  }
0x2a7: {  	[sflag:s7] =	ssyncadd.s32 $0xFFFFFC00  }
0x2a8: {  	[hbm4b:s9+s22] =	stream.linear.scatter [tilespmem:s6], [sflag:$0x5], $0x400, $0x38;
	[tilespmem:$0xD380] =	vst v63  }
0x2a9: {  	_ =	swait.ge [sflag:s3], $0x400  }
0x2aa: {  	s26 =	simm.s32 @!p1 $0xCF80;
	[sflag:s3] =	ssyncset.done $0x0  }
0x2ab: {  	s10 =	simm.s32 @!p1 $0xC700;
	s9 =	simm.s32 @!p1 $0x80;
	[sflag:s3] =	ssyncadd.s32 $0xFFFFFC00  }
0x2ac: {  	[tilespmem:s26], [sflag:$0x2] =	stream.indirect.gather @!p1 [hbm4b:s28+s9], $0x8, s10, s9, $0xb8;
	[tilespmem:$0xD380] =	vst v63  }
0x2ad: {  	s10 =	simm.s32 @!p1 $0x2  }
0x2ae: {  	_ =	swait.ge @!p1 [sflag:s10], $0x400  }
0x2af: {  	s9 =	simm.s32 @!p1 $0xCF80;
	[sflag:s10] =	ssyncset.done @!p1 $0x0  }
0x2b0: {  	s26 =	simm.s32 @!p1 $0x0;
	[sflag:s10] =	ssyncadd.s32 @!p1 $0xFFFFFC00;
	s10 =	rddreg [dreg:$0x17]  }
0x2b1: {  	[hbm4b:s10+s26] =	stream.linear.scatter @!p1 [tilespmem:s9], [sflag:$0x5], $0x400, $0x38;
	[tilespmem:$0xD380] =	vst v63  }
0x2b2: {  	_ =	swait.ge @!p1 [sflag:s1], $0x400  }
0x2b3: {  	[sflag:s1] =	ssyncset.done @!p1 $0x0  }
0x2b4: {  	[sflag:s1] =	ssyncadd.s32 @!p1 $0xFFFFFC00  }
0x2b5: {  	[bflag:$0x0] =	sbarrier.arrive $0xFFFF  }
0x2b6: {  	s26 =	sld [smem:$0x7F9];
	_ =	sdelay $0x1  }
.Ltmp5:
0x2b7: {  	_ = 	snop;
	(pc) =	sbr.rel @p2 .LBB2_9-.Ltmp5, $4  }
0x2b8: {  	[tilespmem:s6], [sflag:$0x5] =	stream.linear.gather [hbm4b:s26+s22], $0x400, $0x38;
	[tilespmem:$0xD380] =	vst v63  }
0x2b9: {  	_ =	swait.ge [sflag:s3], $0x400  }
0x2ba: {  	[sflag:s3] =	ssyncset.done $0x0  }
0x2bb: {  	s9 =	sld [smem:$0x7DE];
	[sflag:s3] =	ssyncadd.s32 $0xFFFFFC00  }
0x2bc: {  	s9 =	sld [smem:$0x7F8];
	_ =	sdelay $0x2  }
0x2bd: {  	[tilespmem:s8], [sflag:$0x5] =	stream.linear.gather [hbm4b:s9+s22], $0x400, $0x38;
	[tilespmem:$0xD380] =	vst v63  }
0x2be: {  	_ =	swait.ge [sflag:s3], $0x400  }
0x2bf: {  	[sflag:s3] =	ssyncset.done $0x0  }
0x2c0: {  	[sflag:s3] =	ssyncadd.s32 $0xFFFFFC00  }
0x2c1: {  	[spmem:s23] =	stream.indirect.scatter.add.f32 [tilespmem:s6], [sflag:$0x3], $0x8, s8, s5, $0xb8;
	[tilespmem:$0xD380] =	vst v63  }
0x2c2: {  	_ = 	snop  }
0x2c3: {  	[spmem:s23] =	stream.indirect.scatter.add.f32 [tilespmem:s6], [sflag:$0x4], $0x8, s13, s5, $0xb8;
	[tilespmem:$0xD380] =	vst v63  }
0x2c4: {  	_ = 	snop  }
0x2c5: {  	[spmem:s23] =	stream.indirect.scatter.add.f32 [tilespmem:s6], [sflag:$0x3], $0x8, s16, s5, $0xb8;
	[tilespmem:$0xD380] =	vst v63  }
0x2c6: {  	_ = 	snop  }
0x2c7: {  	[spmem:s23] =	stream.indirect.scatter.add.f32 [tilespmem:s6], [sflag:$0x4], $0x8, s19, s5, $0xb8;
	[tilespmem:$0xD380] =	vst v63  }
0x2c8: {  	_ = 	snop  }
0x2c9: {  	[spmem:s23] =	stream.indirect.scatter.add.f32 [tilespmem:s6], [sflag:$0x3], $0x8, s21, s5, $0xb8;
	[tilespmem:$0xD380] =	vst v63  }
0x2ca: {  	_ = 	snop  }
0x2cb: {  	[spmem:s23] =	stream.indirect.scatter.add.f32 [tilespmem:s6], [sflag:$0x4], $0x8, s25, s5, $0xb8;
	[tilespmem:$0xD380] =	vst v63  }
0x2cc: {  	_ = 	snop  }
0x2cd: {  	[spmem:s23] =	stream.indirect.scatter.add.f32 [tilespmem:s6], [sflag:$0x3], $0x8, s30, s5, $0xb8;
	[tilespmem:$0xD380] =	vst v63  }
0x2ce: {  	_ = 	snop  }
0x2cf: {  	[spmem:s23] =	stream.indirect.scatter.add.f32 [tilespmem:s6], [sflag:$0x4], $0x8, s2, s5, $0xb8;
	[tilespmem:$0xD380] =	vst v63  }
0x2d0: {  	_ =	swait.ge [sflag:s14], $0x400  }
0x2d1: {  	[sflag:s14] =	ssyncset.done $0x0  }
0x2d2: {  	[sflag:s14] =	ssyncadd.s32 $0xFFFFFC00  }
0x2d3: {  	_ =	swait.ge [sflag:s17], $0x400  }
0x2d4: {  	[sflag:s17] =	ssyncset.done $0x0  }
0x2d5: {  	[sflag:s17] =	ssyncadd.s32 $0xFFFFFC00  }
0x2d6: {  	_ =	swait.ge [sflag:s14], $0x400  }
0x2d7: {  	[sflag:s14] =	ssyncset.done $0x0  }
0x2d8: {  	[sflag:s14] =	ssyncadd.s32 $0xFFFFFC00  }
0x2d9: {  	_ =	swait.ge [sflag:s17], $0x400  }
0x2da: {  	[sflag:s17] =	ssyncset.done $0x0  }
0x2db: {  	[sflag:s17] =	ssyncadd.s32 $0xFFFFFC00  }
0x2dc: {  	_ =	swait.ge [sflag:s14], $0x400  }
0x2dd: {  	[sflag:s14] =	ssyncset.done $0x0  }
0x2de: {  	[sflag:s14] =	ssyncadd.s32 $0xFFFFFC00  }
0x2df: {  	_ =	swait.ge [sflag:s17], $0x400  }
0x2e0: {  	[sflag:s17] =	ssyncset.done $0x0  }
0x2e1: {  	[sflag:s17] =	ssyncadd.s32 $0xFFFFFC00  }
0x2e2: {  	_ =	swait.ge [sflag:s14], $0x400  }
0x2e3: {  	s1 =	sld [smem:$0x7FC];
	_ =	sdelay $0x2  }
0x2e4: {  	s1 =	sadd.s32 $0x1, s1  }
0x2e5: {  	p3 =	slt.u32 s1, s31  }
.Ltmp6:
0x2e6: {  	_ = 	snop;
	(pc) =	sbr.rel @!p3 .LBB2_8-.Ltmp6, $4  }
0x2e7: {  	[sflag:s14] =	ssyncset.done $0x0  }
0x2e8: {  	[sflag:s14] =	ssyncadd.s32 $0xFFFFFC00  }
0x2e9: {  	_ =	swait.ge [sflag:s17], $0x400  }
0x2ea: {  	[sflag:s17] =	ssyncset.done $0x0  }
.LBB2_7:
0x2eb: {  	s1 =	sadd.s32 $0x1, s1;
	[sflag:s17] =	ssyncadd.s32 $0xFFFFFC00;
	s9 =	sadd.s32 $0x80, s9  }
0x2ec: {  	[tilespmem:s8], [sflag:$0x5] =	stream.linear.gather [hbm4b:s9+s22], $0x400, $0x38;
	[tilespmem:$0xD380] =	vst v63  }
0x2ed: {  	p3 =	slt.u32 s1, s31;
	_ =	swait.ge [sflag:s3], $0x400  }
0x2ee: {  	[sflag:s3] =	ssyncset.done $0x0  }
0x2ef: {  	[sflag:s3] =	ssyncadd.s32 $0xFFFFFC00  }
0x2f0: {  	[spmem:s23] =	stream.indirect.scatter.add.f32 [tilespmem:s6], [sflag:$0x3], $0x8, s8, s5, $0xb8;
	[tilespmem:$0xD380] =	vst v63  }
0x2f1: {  	_ = 	snop  }
0x2f2: {  	[spmem:s23] =	stream.indirect.scatter.add.f32 [tilespmem:s6], [sflag:$0x4], $0x8, s13, s5, $0xb8;
	[tilespmem:$0xD380] =	vst v63  }
0x2f3: {  	_ = 	snop  }
0x2f4: {  	[spmem:s23] =	stream.indirect.scatter.add.f32 [tilespmem:s6], [sflag:$0x3], $0x8, s16, s5, $0xb8;
	[tilespmem:$0xD380] =	vst v63  }
0x2f5: {  	_ = 	snop  }
0x2f6: {  	[spmem:s23] =	stream.indirect.scatter.add.f32 [tilespmem:s6], [sflag:$0x4], $0x8, s19, s5, $0xb8;
	[tilespmem:$0xD380] =	vst v63  }
0x2f7: {  	_ = 	snop  }
0x2f8: {  	[spmem:s23] =	stream.indirect.scatter.add.f32 [tilespmem:s6], [sflag:$0x3], $0x8, s21, s5, $0xb8;
	[tilespmem:$0xD380] =	vst v63  }
0x2f9: {  	_ = 	snop  }
0x2fa: {  	[spmem:s23] =	stream.indirect.scatter.add.f32 [tilespmem:s6], [sflag:$0x4], $0x8, s25, s5, $0xb8;
	[tilespmem:$0xD380] =	vst v63  }
0x2fb: {  	_ = 	snop  }
0x2fc: {  	[spmem:s23] =	stream.indirect.scatter.add.f32 [tilespmem:s6], [sflag:$0x3], $0x8, s30, s5, $0xb8;
	[tilespmem:$0xD380] =	vst v63  }
0x2fd: {  	_ = 	snop  }
0x2fe: {  	[spmem:s23] =	stream.indirect.scatter.add.f32 [tilespmem:s6], [sflag:$0x4], $0x8, s2, s5, $0xb8;
	[tilespmem:$0xD380] =	vst v63  }
0x2ff: {  	_ =	swait.ge [sflag:s14], $0x400  }
0x300: {  	[sflag:s14] =	ssyncset.done $0x0  }
0x301: {  	[sflag:s14] =	ssyncadd.s32 $0xFFFFFC00  }
0x302: {  	_ =	swait.ge [sflag:s17], $0x400  }
0x303: {  	[sflag:s17] =	ssyncset.done $0x0  }
0x304: {  	[sflag:s17] =	ssyncadd.s32 $0xFFFFFC00  }
0x305: {  	_ =	swait.ge [sflag:s14], $0x400  }
0x306: {  	[sflag:s14] =	ssyncset.done $0x0  }
0x307: {  	[sflag:s14] =	ssyncadd.s32 $0xFFFFFC00  }
0x308: {  	_ =	swait.ge [sflag:s17], $0x400  }
0x309: {  	[sflag:s17] =	ssyncset.done $0x0  }
0x30a: {  	[sflag:s17] =	ssyncadd.s32 $0xFFFFFC00  }
0x30b: {  	_ =	swait.ge [sflag:s14], $0x400  }
0x30c: {  	[sflag:s14] =	ssyncset.done $0x0  }
0x30d: {  	[sflag:s14] =	ssyncadd.s32 $0xFFFFFC00  }
0x30e: {  	_ =	swait.ge [sflag:s17], $0x400  }
0x30f: {  	[sflag:s17] =	ssyncset.done $0x0  }
0x310: {  	[sflag:s17] =	ssyncadd.s32 $0xFFFFFC00  }
.Ltmp7:
0x311: {  	_ =	swait.ge [sflag:s14], $0x400;
	(pc) =	sbr.rel @p3 .LBB2_7-.Ltmp7, $4  }
0x312: {  	[sflag:s14] =	ssyncset.done $0x0  }
0x313: {  	[sflag:s14] =	ssyncadd.s32 $0xFFFFFC00  }
0x314: {  	_ =	swait.ge [sflag:s17], $0x400  }
0x315: {  	[sflag:s17] =	ssyncset.done $0x0  }
.Ltmp8:
0x316: {  	_ = 	snop;
	(pc) =	sbr.rel .LBB2_8-.Ltmp8, $1  }
0x317: {  	_ =	sdelay $0x3  }
.LBB2_10:
0x318: {  	_ =	sfence.sel $0x180000  }
0x319: {  	[bflag:$0x0] =	sbarrier.arrive $0xFFFF  }
0x31a: {  	_ =	strace $0x9000004A  }
0x31b: {  	s0 =	stileid.u32;
	[bflag:$0x2] =	sbarrier.arrive $0xFFFF  }
0x31c: {  	p0 =	sne.s32 s0, $0x0;
	s0 =	rddreg [dreg:$0x3]  }
0x31d: {  	s0 =	sadd.s32 @!p0 $0x100000, s0  }
0x31e: {  	[sflag:s0] =	ssyncadd.tile.s32 @!p0 $0x1;
	_ =	shalt  }
.Lfunc_end2:
_tile_overlayer_lowered:
.L_overlay_start_2:
0x31f: {  	(tag) =	ssettag $0x2  }
0x320: {  	s0 =	rddreg [dreg:$0x0];
	s2 =	stileid.u32  }
0x321: {  	s1 =	rddreg [dreg:$0x1];
	p0 =	sne.s32 s2, $0x0  }
0x322: {  	s3 =	rddreg [dreg:$0x2];
	[bflag:$0x3] =	sbarrier.arrive $0xFFFF;
	s2 =	simm.s32 @!p0 $0x1C05  }
0x323: {  	[timem:s3], [sflag:s2] =	dma.local @!p0 [hbm:s0], s1  }
0x324: {  	s0 =	simm.s32 @!p0 $0x5  }
0x325: {  	_ =	swait.ge @!p0 [sflag:s0], s1  }
0x326: {  	s1 =	ssub.s32 @!p0 $0x0, s1;
	[sflag:s0] =	ssyncset.done @!p0 $0x0  }
0x327: {  	[sflag:s0] =	ssyncadd.s32 @!p0 s1  }
0x328: {  	[bflag:$0x3] =	sbarrier.arrive $0xFFFF  }
0x329: {  	_ =	shalt  }

// kernel: sparse-core-data-format-call.cloned.1.call-start
scs
called_computation_lowered:
.L_overlay_start_0:
0x0: {  	s2 =	sld [smem:$0x3FD9]  }
0x1: {  	s3 =	sld [smem:$0x3FFE];
	_ =	sdelay $0x1  }
0x2: {  	s1 =	srdreg.scid  }
0x3: {  	s0 =	sand.u32 $0x1, s1  }
0x4: {  	s18 =	sshll.u32 s0, $0xA;
	s2 =	sadd.s32 s3, s2  }
0x5: {  	s2 =	sadd.s32 s2, s18  }
0x6: {  	[smem:$0x3FBB] =	sst s2  }
0x7: {  	_ = 	snop  }
0x8: {  	s2 =	sld [smem:$0x3FC6];
	(tm) =	ssettm $0x1  }
0x9: {  	s19 =	sld [smem:$0x3FFB];
	_ =	sdelay $0x3  }
0xa: {  	_ =	strace s19  }
0xb: {  	s3 =	sld [smem:$0x3FFC];
	_ =	sdelay $0x3  }
0xc: {  	_ =	strace s3  }
0xd: {  	s3 =	sld [smem:$0x3FFD];
	_ =	sdelay $0x3  }
0xe: {  	_ =	strace s3  }
0xf: {  	_ =	strace $0x8FFFFFFF  }
0x10: {  	s20 =	sld [smem:$0x3FDB];
	_ =	sdelay $0x1  }
0x11: {  	s4 =	simm.s32 $_scs_section_size  }
0x12: {  	s5 =	simm.s32 $_size__tile_overlayer_lowered;
	s6 =	simm.s32 $_tile_overlayer_lowered  }
0x13: {  	s23 =	simm.s32 $0x1BFF;
	s22 =	sshll.u32 s6, $0x1;
	s3 =	sadd.s32 s4, s20  }
0x14: {  	s7 =	simm.s32 $0x0;
	s21 =	sshll.u32 s5, $0x1;
	s5 =	sadd.s32 s22, s3  }
0x15: {  	[timem:s7], [sflag:s23] =	dma.local [hbm:s5], s21  }
0x16: {  	_ =	swait.ge [sflag:s23], s21  }
0x17: {  	s4 =	ssub.s32 $0x0, s21;
	[sflag:s23] =	ssyncset.done $0x0  }
0x18: {  	[sflag:s23] =	ssyncadd.s32 s4;
	_ =	sdelay $0x1  }
0x19: {  	s24 =	simm.s32 $0x1B8B  }
0x1a: {  	_ =	swait.ge [sflag:s24], $0x1  }
0x1b: {  	[sflag:s24] =	ssyncset.done $0x0  }
0x1c: {  	s26 =	simm.s32 $0x1B8E;
	s25 =	sld [smem:$0x3FFE];
	[sflag:s24] =	ssyncadd.s32 $0xFFFFFFFF  }
0x1d: {  	s27 =	simm.s32 $execute0_lowered;
	[smem:$0x3FD2] =	sst s26  }
0x1e: {  	s5 =	sshll.u32 s27, $0x1;
	_ =	strace $0x80000046;
	[dreg:$0x1] =	wrdreg $0xFFFFFFFF  }
0x1f: {  	s28 =	simm.s32 $_size_execute0_lowered;
	s3 =	sadd.s32 s3, s5;
	[dreg:$0x0] =	wrdreg $0x0  }
0x20: {  	s5 =	sshll.u32 s28, $0x1;
	[dreg:$0x2] =	wrdreg s3  }
0x21: {  	[dreg:$0x3] =	wrdreg s5  }
0x22: {  	[dreg:$0x4] =	wrdreg $0xC0  }
0x23: {  	_ =	task [dreg:s7], $0x5FFFF  }
0x24: {  	[dreg:$0x1] =	wrdreg $0xFFFFFFFF  }
0x25: {  	[dreg:$0x0] =	wrdreg $0x60  }
0x26: {  	[dreg:$0x2] =	wrdreg s2  }
0x27: {  	[dreg:$0x3] =	wrdreg s25  }
0x28: {  	[dreg:$0x4] =	wrdreg $0x9  }
0x29: {  	_ =	task.clear_ibuf [dreg:s7], $0x5FFFF;
	_ =	strace $0x90000046  }
0x2a: {  	s29 =	simm.s32 $0x9;
	_ =	strace $0x80000048  }
0x2b: {  	_ =	swait.ge [sflag:s29], $0x1  }
0x2c: {  	[sflag:s29] =	ssyncadd.s32 $0xFFFFFFFF  }
0x2d: {  	_ =	strace $0x90000048  }
0x2e: {  	_ =	sfence  }
0x2f: {  	s30 =	sld [smem:$0x0];
	_ =	sdelay $0x2  }
0x30: {  	s31 =	sshll.u32 s1, $0xD;
	s1 =	sshrl.u32 s1, $0x2  }
0x31: {  	s3 =	sand.u32 $0x4000, s31;
	s1 =	sadd.s32 s1, s30  }
0x32: {  	s0 =	sor.u32 s3, s0;
	s1 =	sshll.u32 s1, $0x11  }
0x33: {  	s0 =	sor.u32 s1, s0  }
0x34: {  	s0 =	sadd.s32 $0x8F2B, s0  }
0x35: {  	[sflag:s0] =	ssyncadd.remote.s32 $0x1  }
0x36: {  	_ =	sfence.sel $0xFFFF  }
0x37: {  	[dreg:$0x0] =	wrdreg $0xFFFFFFFF;
	(pc) =	sbr.abs _section_cstart, $3  }
0x38: {  	[dreg:$0x1] =	wrdreg $0xFFFFFFFF  }
0x39: {  	_ =	task.clear_ibuf [dreg:s7], $0x2FFFF;
	_ =	strace $0x9FFFFFFF  }
0x3a: {  	(tm) =	ssettm $0x7FFFFFFF  }
0x3b: {  	_ =	shalt  }
tec
execute0_lowered:
.L_overlay_start_1:
0x0: {  	(tag) =	ssettag $0x1  }
0x1: {  	s0 =	stileid.u32;
	s7 =	rddreg [dreg:$0x0]  }
0x2: {  	s1 =	srdreg.scid;
	s4 =	rddreg [dreg:$0x1]  }
0x3: {  	s30 =	simm.s32 $0x2;
	s10 =	simm.s32 $0x0;
	s14 =	simm.s32 $0x0  }
0x4: {  	s15 =	simm.s32 $0x0;
	s11 =	simm.s32 $0x0;
	s13 =	simm.s32 $0x0  }
0x5: {  	s2 =	sand.u32 $0x1, s1;
	s3 =	sshll.u32 s0, $0x7;
	s1 =	rddreg [dreg:$0x2]  }
0x6: {  	_ =	strace $0x80000047;
	s5 =	ssub.s32 $0xC300, s3;
	s6 =	ssub.s32 $0x2, s2  }
.Ltmp0:
0x7: {  	s5 =	sshrl.u32 s5, $0xB;
	s8 =	sshrl.u32 s6, $0x1;
	(pc) =	sbr.rel .LBB1_1-.Ltmp0, $4  }
0x8: {  	s4 =	sadd.s32 $0x2C00, s4;
	s9 =	sadd.s32 $0x1, s5;
	s6 =	ssub.s32 s6, s8  }
0x9: {  	s31 =	sshll.u32 s2, $0x4;
	s5 =	simm.s32 $0x1;
	s6 =	smul.u32 s9, s6  }
0xa: {  	s12 =	smov.u32 s3;
	s7 =	sadd.s32 s7, s31;
	[sflag:s5] =	ssyncpa.u1 $0x0  }
0xb: {  	s9 =	simm.s32 $0x0;
	[sflag:s30] =	ssyncpa.u1 $0x0;
	s8 =	sadd.s32 $0x1, s6  }
.LBB1_4:
0xc: {  	s21 =	simm.s32 $0x0  }
.LBB1_8:
0xd: {  	_ =	sdelay $0x3  }
0xe: {  	v6 =	vld [tilespmem:s18+$0xFFFFFFC0];
	[tilespmem:v0+s20+$0x30 ss:$0x1] =	vst.idx.msk @p0 $0xffff, v2  }
0xf: {  	v58 =	vld [tilespmem:s18+$0xFFFFFFD0];
	[tilespmem:v0+s20+$0x40 ss:$0x1] =	vst.idx.msk @p0 $0xffff, v3;
	s21 =	sadd.s32 @p0 $0x80, s21  }
0x10: {  	v59 =	vld [tilespmem:s18+$0xFFFFFFE0];
	[tilespmem:v0+s20+$0x50 ss:$0x1] =	vst.idx.msk @p0 $0xffff, v5;
	s19 =	smov.u32 @p0 s21  }
0x11: {  	v60 =	vld [tilespmem:s18+$0xFFFFFFF0];
	[tilespmem:v0+s20+$0x60 ss:$0x1] =	vst.idx.msk @p0 $0xffff, v4;
	s19 =	sand.u32 $0x3F80, s19  }
0x12: {  	v61 =	vld [tilespmem:s18+$0x0];
	[tilespmem:v0+s19+$0x70 ss:$0x1] =	vst.idx.msk $0xffff, v1  }
0x13: {  	v62 =	vld [tilespmem:s18+$0x10];
	[tilespmem:v0+s19+$0x0 ss:$0x1] =	vst.idx.msk $0xffff, v6  }
0x14: {  	v63 =	vld [tilespmem:s18+$0x20];
	[tilespmem:v0+s19+$0x10 ss:$0x1] =	vst.idx.msk $0xffff, v58  }
0x15: {  	[tilespmem:v0+s19+$0x20 ss:$0x1] =	vst.idx.msk $0xffff, v59  }
0x16: {  	[tilespmem:v0+s19+$0x30 ss:$0x1] =	vst.idx.msk $0xffff, v60  }
0x17: {  	[tilespmem:v0+s19+$0x40 ss:$0x1] =	vst.idx.msk $0xffff, v61  }
0x18: {  	[tilespmem:v0+s19+$0x50 ss:$0x1] =	vst.idx.msk $0xffff, v62  }
0x19: {  	[tilespmem:v0+s19+$0x60 ss:$0x1] =	vst.idx.msk $0xffff, v63  }
.LBB1_9:
0x1a: {  	s18 =	sand.u32 $0x1FFFFFF, s11  }
0x1b: {  	s19 =	smulhi.u32 $0x14F8B59, s18;
	_ =	sdelay $0x1  }
0x1c: {  	s19 =	sshrl.u32 s19, $0x8  }
0x1d: {  	s19 =	smul.u32 $0xC350, s19  }
0x1e: {  	s15 =	smul.u32 $0xC3500, s15  }
0x1f: {  	s18 =	ssub.s32 s18, s19  }
0x20: {  	s15 =	sadd.s32 s4, s15;
	s18 =	sshll.u32 s18, $0x4  }
0x21: {  	s15 =	sadd.s32 s18, s15  }
0x22: {  	[hbm4b:s15+s9] =	stream.linear.scatter [tilespmem:s17], [sflag:$0x2], s16, $0x38;
	[tilespmem:$0x10000] =	vst v63  }
.LBB1_10:
0x23: {  	p0 =	slt.u32 s13, $0x2  }
0x24: {  	p1 =	sgt.s32 @!p0 s14, $0xC2D0  }
0x25: {  	s15 =	smov.u32 s14;
	s16 =	sshra.s32 @!p0 s14, $0x1F;
	p1 =	por !p1, p0  }
0x26: {  	s14 =	sand.u32 @!p0 s16, s14;
	s15 =	simm.s32 @p1 $0xC2D0  }
0x27: {  	s14 =	ssub.s32 @!p0 s15, s14  }
0x28: {  	s14 =	sadd.s32 @!p0 $0xFFFF3D30, s14  }
0x29: {  	s15 =	sshll.u32 @!p0 s14, $0x7  }
0x2a: {  	p1 =	sgt.s32 @!p0 s14, $0x7F;
	s14 =	ssub.s32 @!p0 $0x4000, s15  }
0x2b: {  	s16 =	sadd.s32 $0x800, s12;
	p1 =	por !p1, p0;
	s14 =	sand.u32 @!p0 $0x3FFFFF80, s14  }
0x2c: {  	s14 =	simm.s32 @!p1 $0x0;
	p1 =	sgt.s32 s16, $0xC34F  }
0x2d: {  	s16 =	smov.u32 @p1 s3;
	p1 =	sne.s32 s13, s8  }
.Ltmp1:
0x2e: {  	_ = 	snop;
	(pc) =	sbr.rel @!p1 .LBB1_11-.Ltmp1, $4  }
0x2f: {  	s10 =	sadd.s32 $0x4000, s10;
	s15 =	simm.s32 @!p0 $0x2  }
0x30: {  	_ =	swait.ge @!p0 [sflag:s15], s14;
	s17 =	ssub.s32 @!p0 $0x0, s14;
	s14 =	smov.u32 s11  }
0x31: {  	s13 =	sadd.s32 $0x1, s13;
	s11 =	smov.u32 s12;
	[sflag:s15] =	ssyncset.done @!p0 $0x0  }
0x32: {  	s12 =	smov.u32 s16;
	[sflag:s15] =	ssyncadd.s32 @!p0 s17;
	s15 =	smov.u32 s2  }
.LBB1_1:
0x33: {  	p0 =	sge.u32 s13, s6  }
0x34: {  	p1 =	sgt.s32 @!p0 s12, $0xC2D0  }
0x35: {  	s16 =	smov.u32 s12;
	s17 =	sshra.s32 @!p0 s12, $0x1F;
	p1 =	por !p1, p0  }
0x36: {  	s17 =	sand.u32 @!p0 s17, s12;
	s16 =	simm.s32 @p1 $0xC2D0  }
0x37: {  	s16 =	ssub.s32 @!p0 s16, s17  }
0x38: {  	s31 =	sadd.s32 $0xFFFFFFFF, s13;
	s18 =	sxor.u32 @!p0 $0xFFFFFFFF, s13;
	s16 =	sadd.s32 @!p0 $0xFFFF3D30, s16  }
0x39: {  	s19 =	simm.s32 @!p0 $0x80;
	s20 =	simm.s32 @!p0 $0x100;
	s17 =	sshll.u32 @!p0 s16, $0x7  }
0x3a: {  	p1 =	sgt.s32 @!p0 s16, $0x7F;
	s16 =	ssub.s32 @!p0 $0x4000, s17;
	s17 =	sshll.u32 @!p0 s18, $0xE  }
0x3b: {  	p1 =	por !p1, p0;
	s18 =	sshll.u32 @!p0 s12, $0x5;
	s16 =	sand.u32 @!p0 $0x3FFFFF80, s16  }
0x3c: {  	s17 =	sand.u32 @!p0 $0x4000, s17;
	s18 =	sadd.s32 @!p0 s18, s7;
	s16 =	simm.s32 @!p1 $0x0  }
0x3d: {  	[tilespmem:s17], [sflag:$0x1] =	stream.strided.gather @!p0 [hbm4b:s18+s19], s16, s20, s19, $0x38;
	[tilespmem:$0x10000] =	vst v63  }
0x3e: {  	p0 =	sge.u32 s31, s6  }
.Ltmp2:
0x3f: {  	_ = 	snop;
	(pc) =	sbr.rel @p0 .LBB1_10-.Ltmp2, $1  }
0x40: {  	_ =	sdelay $0x3  }
0x41: {  	p0 =	sgt.s32 s11, $0xC2D0;
	s16 =	smov.u32 s11;
	s17 =	sshra.s32 s11, $0x1F  }
0x42: {  	s16 =	simm.s32 @!p0 $0xC2D0;
	s17 =	sand.u32 s17, s11  }
0x43: {  	s16 =	ssub.s32 s16, s17  }
0x44: {  	s16 =	sadd.s32 $0xFFFF3D30, s16  }
0x45: {  	s30 =	sshll.u32 s16, $0x7  }
0x46: {  	s17 =	ssub.s32 $0x4000, s30  }
0x47: {  	p0 =	sgt.s32 s16, $0x7F;
	s16 =	sand.u32 $0x3FFFFF80, s17;
	s17 =	sadd.s32 $0x80, s11  }
0x48: {  	s16 =	simm.s32 @p0 $0x0;
	p0 =	slt.s32 s17, $0xC350  }
0x49: {  	s17 =	simm.s32 @!p0 $0xC350  }
0x4a: {  	s20 =	ssub.s32 s17, s11  }
0x4b: {  	p0 =	slt.s32 s20, $0x1  }
.Ltmp3:
0x4c: {  	_ = 	snop;
	(pc) =	sbr.rel @p0 .LBB1_9-.Ltmp3, $4  }
0x4d: {  	_ = 	snop  }
0x4e: {  	s19 =	sshll.u32 s13, $0xE;
	_ =	swait.ge [sflag:s5], s16  }
0x4f: {  	s31 =	sand.u32 $0x4000, s19;
	s18 =	ssub.s32 $0x0, s16;
	[sflag:s5] =	ssyncset.done $0x0  }
0x50: {  	s17 =	sor.u32 $0x8000, s31;
	[sflag:s5] =	ssyncadd.s32 s18  }
0x51: {  	p1 =	sne.s32 s20, $0x1  }
.Ltmp4:
0x52: {  	v0 =	vmov s17;
	(pc) =	sbr.rel @!p1 .LBB1_4-.Ltmp4, $4  }
0x53: {  	_ = 	snop  }
0x54: {  	s18 =	sand.u32 $0x4000, s10  }
0x55: {  	s18 =	sor.u32 $0x40, s18  }
0x56: {  	s19 =	simm.s32 $0x0;
	s21 =	sadd.s32 $0xFFFFFFFF, s20;
	p0 =	por $0x0, $0x0;
	v1 =	vld [tilespmem:s18+$0x30]  }
0x57: {  	v4 =	vld [tilespmem:s18+$0xFFFFFFC0]  }
0x58: {  	v6 =	vld [tilespmem:s18+$0xFFFFFFD0]  }
0x59: {  	v7 =	vld [tilespmem:s18+$0xFFFFFFE0];
	p1 =	sne.s32 s21, $0x1  }
.Ltmp5:
0x5a: {  	v2 =	vld [tilespmem:s18+$0xFFFFFFF0];
	s20 =	sand.u32 $0x3F80, s19;
	(pc) =	sbr.rel @!p1 .LBB1_6-.Ltmp5, $4  }
0x5b: {  	v3 =	vld [tilespmem:s18+$0x0];
	[tilespmem:v0+s20+$0x70 ss:$0x1] =	vst.idx.msk $0xffff, v1  }
0x5c: {  	v5 =	vld [tilespmem:s18+$0x10];
	[tilespmem:v0+s20+$0x0 ss:$0x1] =	vst.idx.msk $0xffff, v4  }
0x5d: {  	v4 =	vld [tilespmem:s18+$0x20];
	[tilespmem:v0+s20+$0x10 ss:$0x1] =	vst.idx.msk $0xffff, v6;
	s18 =	sadd.s32 $0x80, s18  }
0x5e: {  	s22 =	sadd.s32 $0xFFFFFFFF, s21;
	p0 =	por $0x1, $0x1;
	s21 =	simm.s32 $0x0;
	[tilespmem:v0+s20+$0x20 ss:$0x1] =	vst.idx.msk $0xffff, v7;
	v1 =	vld [tilespmem:s18+$0x30]  }
.LBB1_7:
0x5f: {  	p1 =	sne.s32 s22, $0x1;
	v6 =	vld [tilespmem:s18+$0xFFFFFFC0];
	[tilespmem:v0+s20+$0x30 ss:$0x1] =	vst.idx.msk $0xffff, v2  }
0x60: {  	v7 =	vld [tilespmem:s18+$0xFFFFFFD0];
	[tilespmem:v0+s20+$0x40 ss:$0x1] =	vst.idx.msk $0xffff, v3  }
0x61: {  	s21 =	sadd.s32 $0x80, s21;
	v8 =	vld [tilespmem:s18+$0xFFFFFFE0];
	[tilespmem:v0+s20+$0x50 ss:$0x1] =	vst.idx.msk $0xffff, v5  }
.Ltmp6:
0x62: {  	v2 =	vld [tilespmem:s18+$0xFFFFFFF0];
	[tilespmem:v0+s20+$0x60 ss:$0x1] =	vst.idx.msk $0xffff, v4;
	s20 =	sand.u32 $0x3F80, s21;
	(pc) =	sbr.rel @p1 .LBB1_7-.Ltmp6, $4  }
0x63: {  	v3 =	vld [tilespmem:s18+$0x0];
	[tilespmem:v0+s20+$0x70 ss:$0x1] =	vst.idx.msk $0xffff, v1  }
0x64: {  	[tilespmem:v0+s20+$0x0 ss:$0x1] =	vst.idx.msk $0xffff, v6;
	v5 =	vld [tilespmem:s18+$0x10]  }
0x65: {  	[tilespmem:v0+s20+$0x10 ss:$0x1] =	vst.idx.msk $0xffff, v7;
	v4 =	vld [tilespmem:s18+$0x20];
	s18 =	sadd.s32 $0x80, s18  }
0x66: {  	s22 =	sadd.s32 $0xFFFFFFFF, s22;
	v1 =	vld [tilespmem:s18+$0x30];
	[tilespmem:v0+s20+$0x20 ss:$0x1] =	vst.idx.msk $0xffff, v8  }
.Ltmp7:
0x67: {  	_ = 	snop;
	(pc) =	sbr.rel .LBB1_8-.Ltmp7, $1  }
0x68: {  	_ =	sdelay $0x3  }
.LBB1_6:
.Ltmp8:
0x69: {  	(pc) =	sbr.rel .LBB1_8-.Ltmp8, $2  }
0x6a: {  	_ =	sdelay $0x2  }
0x6b: {  	s21 =	simm.s32 $0x0  }
.LBB1_11:
0x6c: {  	_ =	sfence.sel $0x180000  }
0x6d: {  	s2 =	simm.s32 $0x1;
	[bflag:$0x0] =	sbarrier.arrive $0xFFFF  }
0x6e: {  	s31 =	simm.s32 $0x2;
	[sflag:s2] =	ssyncpa.u1 $0x1  }
0x6f: {  	[sflag:s31] =	ssyncpa.u1 $0x1  }
0x70: {  	p0 =	sne.s32 s0, $0x0;
	_ =	strace $0x90000047  }
0x71: {  	s0 =	sadd.s32 @!p0 $0x100000, s1;
	[bflag:$0x2] =	sbarrier.arrive $0xFFFF  }
0x72: {  	[sflag:s0] =	ssyncadd.tile.s32 @!p0 $0x1;
	_ =	shalt  }
.Lfunc_end1:
_tile_overlayer_lowered:
.L_overlay_start_2:
0x73: {  	(tag) =	ssettag $0x2  }
0x74: {  	s0 =	rddreg [dreg:$0x0];
	s2 =	stileid.u32  }
0x75: {  	s1 =	rddreg [dreg:$0x1];
	p0 =	sne.s32 s2, $0x0  }
0x76: {  	s3 =	rddreg [dreg:$0x2];
	[bflag:$0x3] =	sbarrier.arrive $0xFFFF;
	s2 =	simm.s32 @!p0 $0x1C01  }
0x77: {  	[timem:s3], [sflag:s2] =	dma.local @!p0 [hbm:s0], s1  }
0x78: {  	s0 =	simm.s32 @!p0 $0x1  }
0x79: {  	_ =	swait.ge @!p0 [sflag:s0], s1  }
0x7a: {  	s1 =	ssub.s32 @!p0 $0x0, s1;
	[sflag:s0] =	ssyncset.done @!p0 $0x0  }
0x7b: {  	[sflag:s0] =	ssyncadd.s32 @!p0 s1  }
0x7c: {  	[bflag:$0x3] =	sbarrier.arrive $0xFFFF  }
0x7d: {  	_ =	shalt  }

</sc_bundles>
